<compile_context>
chip_gen: v7x
topology: tpu7x:2x2x1
jax: 0.10.2.dev20260603
libtpu: 0.0.44.dev20260713+nightly
codegen_flags: <defaults>
</compile_context>

<pallas_src>
import functools

import jax
import jax.numpy as jnp
from jax import lax
from jax.experimental import pallas as pl
from jax.experimental.pallas import tpu as pltpu
from jax.experimental.pallas import tpu_sc as plsc

N_NODES = 10000
N_EDGES = 320000
D_EDGE = 16
D_HID = 128
D_NODE = 128

NC = 2
NS = 16
NW = NC * NS
ROWS_T = N_EDGES // 128
HROWS = ROWS_T // NC
CP1 = 25
NCH1 = HROWS // CP1
CP2 = 50
NCH2 = HROWS // CP2
DBLK = 1000


def _sc_body(ei_hbm, lg_hbm, feats_hbm, outT, outD,
             dst1_v, lg_v, exb_v, dst2_v, ff_v, exv_v, den_v, Tf_v,
             EX_sh, DST_sh):
    c = lax.axis_index("c")
    s = lax.axis_index("s")
    wid = c * NS + s
    z16 = jnp.zeros((16,), jnp.float32)

    @plsc.parallel_loop(0, N_NODES // 16, 1, unroll=8)
    def zero(i):
        den_v[pl.ds(i * 16, 16)] = z16
        Tf_v[pl.ds(i * 16, 16)] = z16

    nch1 = (NCH1 - 1 - s) // NS + 1

    def p1(kk, carry):
        ch = s + kk * NS
        g0 = c * HROWS + ch * CP1
        pltpu.sync_copy(ei_hbm.at[pl.ds(g0, CP1)], dst1_v)
        pltpu.sync_copy(lg_hbm.at[pl.ds(g0, CP1)], lg_v)

        @plsc.parallel_loop(0, CP1, 1, unroll=8)
        def rows(rl):
            for cc in range(8):
                dv = dst1_v[rl, 1, pl.ds(cc * 16, 16)]
                ev = jnp.exp(lg_v[rl, pl.ds(cc * 16, 16)])
                exb_v[pl.ds(rl * 128 + cc * 16, 16)] = ev
                plsc.addupdate_scatter(den_v, [dv], ev)
        pltpu.sync_copy(exb_v, EX_sh.at[pl.ds(ch * CP1 * 128, CP1 * 128)])
        pltpu.sync_copy(dst1_v.at[:, pl.ds(1, 1)], DST_sh.at[pl.ds(ch * CP1, CP1)])
        return carry
    lax.fori_loop(0, nch1, p1, 0)
    plsc.subcore_barrier()

    jb = s // 8
    jr = s - jb * 8

    def p2(k, carry):
        ib0 = c * HROWS + k * CP2
        e0 = k * CP2 * 128
        pltpu.sync_copy(
            feats_hbm.at[pl.ds(jb, 1), pl.ds(ib0, CP2), pl.ds(jr, 1)], ff_v)
        pltpu.sync_copy(EX_sh.at[pl.ds(e0, CP2 * 128)], exv_v)
        pltpu.sync_copy(DST_sh.at[pl.ds(k * CP2, CP2)], dst2_v)

        @plsc.parallel_loop(0, CP2, 1, unroll=8)
        def rows2(rw):
            for cc in range(8):
                dv = dst2_v[rw, 0, pl.ds(cc * 16, 16)]
                ex16 = exv_v[pl.ds(rw * 128 + cc * 16, 16)]
                w = ff_v[0, rw, 0, pl.ds(cc * 16, 16)] * ex16
                plsc.addupdate_scatter(Tf_v, [dv], w)
        return carry
    lax.fori_loop(0, NCH2, p2, 0)

    for j in range(N_NODES // DBLK):
        pltpu.sync_copy(den_v.at[pl.ds(j * DBLK, DBLK)], outD.at[j].at[wid])
        pltpu.sync_copy(Tf_v.at[pl.ds(j * DBLK, DBLK)],
                        outT.at[j].at[c].at[s])


_sc_agg = functools.partial(
    pl.kernel,
    out_type=[
        jax.ShapeDtypeStruct((N_NODES // DBLK, NC, NS, DBLK), jnp.float32),
        jax.ShapeDtypeStruct((N_NODES // DBLK, NW, DBLK), jnp.float32),
    ],
    mesh=plsc.VectorSubcoreMesh(core_axis_name="c", subcore_axis_name="s"),
    compiler_params=pltpu.CompilerParams(needs_layout_passes=False,
                                         use_tc_tiling_on_sc=False),
    scratch_types=[
        pltpu.VMEM((CP1, 2, 128), jnp.int32),
        pltpu.VMEM((CP1, 128), jnp.float32),
        pltpu.VMEM((CP1 * 128,), jnp.float32),
        pltpu.VMEM((CP2, 1, 128), jnp.int32),
        pltpu.VMEM((1, CP2, 1, 128), jnp.float32),
        pltpu.VMEM((CP2 * 128,), jnp.float32),
        pltpu.VMEM((N_NODES,), jnp.float32),
        pltpu.VMEM((N_NODES,), jnp.float32),
        pltpu.VMEM_SHARED((HROWS * 128,), jnp.float32),
        pltpu.VMEM_SHARED((HROWS, 1, 128), jnp.int32),
    ],
)(_sc_body)


BLK = 1000


def _tc_body(T_ref, d_ref, nf_ref, wet_ref, be_ref, wiht_ref, whht_ref,
             bih_ref, bhh_ref, o_ref):
    Tt = T_ref[0, 0] + T_ref[0, 1]
    ones = jnp.ones((NW, 1), jnp.float32)
    den = lax.dot_general(d_ref[0], ones, (((0,), (0,)), ((), ())),
                          preferred_element_type=jnp.float32)
    has = den > 0.0
    dsafe = jnp.where(has, den, 1.0)
    cpre = lax.dot_general(Tt, wet_ref[...], (((0,), (0,)), ((), ())),
                           preferred_element_type=jnp.float32)
    cpre = cpre / dsafe
    cpre = cpre + jnp.where(has, 1.0, 0.0) * be_ref[...]
    ctx = jnp.where(cpre > 0.0, cpre, jnp.exp(jnp.minimum(cpre, 0.0)) - 1.0)
    gi = jnp.dot(ctx, wiht_ref[...], preferred_element_type=jnp.float32) + bih_ref[...]
    nf = nf_ref[...]
    gh = jnp.dot(nf, whht_ref[...], preferred_element_type=jnp.float32) + bhh_ref[...]
    r = jax.nn.sigmoid(gi[:, 0:D_NODE] + gh[:, 0:D_NODE])
    zg = jax.nn.sigmoid(gi[:, D_NODE:2 * D_NODE] + gh[:, D_NODE:2 * D_NODE])
    n = jnp.tanh(gi[:, 2 * D_NODE:] + r * gh[:, 2 * D_NODE:])
    h = (1.0 - zg) * n + zg * nf
    o_ref[...] = jnp.maximum(h, 0.0)


_tc_gru = pl.pallas_call(
    _tc_body,
    out_shape=jax.ShapeDtypeStruct((N_NODES, D_NODE), jnp.float32),
    grid=(N_NODES // BLK,),
    in_specs=[
        pl.BlockSpec((1, NC, NS, BLK), lambda i: (i, 0, 0, 0)),
        pl.BlockSpec((1, NW, DBLK), lambda i: (i, 0, 0)),
        pl.BlockSpec((BLK, D_NODE), lambda i: (i, 0)),
        pl.BlockSpec((D_EDGE, D_HID), lambda i: (0, 0)),
        pl.BlockSpec((1, D_HID), lambda i: (0, 0)),
        pl.BlockSpec((D_HID, 3 * D_NODE), lambda i: (0, 0)),
        pl.BlockSpec((D_NODE, 3 * D_NODE), lambda i: (0, 0)),
        pl.BlockSpec((1, 3 * D_NODE), lambda i: (0, 0)),
        pl.BlockSpec((1, 3 * D_NODE), lambda i: (0, 0)),
    ],
    out_specs=pl.BlockSpec((BLK, D_NODE), lambda i: (i, 0)),
)


def kernel(edge_logits, edge_feats, node_feats, edge_index, W_e, b_e,
           w_ih, w_hh, b_ih, b_hh):
    ei3 = edge_index.reshape(2, ROWS_T, 128).transpose(1, 0, 2)
    feats4 = edge_feats.T.reshape(2, 8, ROWS_T, 128).transpose(0, 2, 1, 3)
    T, D = _sc_agg(ei3, edge_logits.reshape(ROWS_T, 128), feats4)
    return _tc_gru(T, D, node_feats, W_e.T, b_e.reshape(1, -1),
                   w_ih.T, w_hh.T, b_ih.reshape(1, -1), b_hh.reshape(1, -1))

# --- scband reference (transcript-rebuilt; emitter-appended) ---
"""Pipeline reference for scband-attentive-gru1-11287174053941 (READ-ONLY COPY).

The authoritative reference and input builder live on the scoring server;
editing this copy changes nothing except your own understanding.
"""

import jax, jax.numpy as jnp
import numpy as np

N_NODES = 10000
N_EDGES = 320000
D_NODE = 128
D_EDGE = 16
D_HID = 128


def setup_inputs(seed: int = 0) -> dict:
    key = jax.random.key(seed)
    ks = jax.random.split(key, 12)
    edge_index = jax.random.randint(ks[0], (2, N_EDGES), 0, N_NODES, dtype=jnp.int32)
    edge_logits = jax.random.normal(ks[1], (N_EDGES, 1), dtype=jnp.float32)
    edge_feats = jax.random.normal(ks[2], (N_EDGES, D_EDGE), dtype=jnp.float32)
    node_feats = jax.random.normal(ks[3], (N_NODES, D_NODE), dtype=jnp.float32)
    # edge_transform Linear(edge_feat_size -> edge_hidden_size); dropout p=0.0 (identity)
    W_e = jax.random.normal(ks[4], (D_HID, D_EDGE), dtype=jnp.float32) / np.sqrt(D_EDGE)
    b_e = jnp.zeros((D_HID,), dtype=jnp.float32)
    # GRUCell(input=edge_hidden_size, hidden=node_feat_size)
    s = 1.0 / np.sqrt(D_NODE)
    w_ih = jax.random.uniform(ks[5], (3 * D_NODE, D_HID), minval=-s, maxval=s, dtype=jnp.float32)
    w_hh = jax.random.uniform(ks[6], (3 * D_NODE, D_NODE), minval=-s, maxval=s, dtype=jnp.float32)
    b_ih = jax.random.uniform(ks[7], (3 * D_NODE,), minval=-s, maxval=s, dtype=jnp.float32)
    b_hh = jax.random.uniform(ks[8], (3 * D_NODE,), minval=-s, maxval=s, dtype=jnp.float32)
    return {"edge_logits": edge_logits, "edge_feats": edge_feats, "node_feats": node_feats,
            "edge_index": edge_index, "W_e": W_e, "b_e": b_e,
            "w_ih": w_ih, "w_hh": w_hh, "b_ih": b_ih, "b_hh": b_hh}


def reference(edge_logits, edge_feats, node_feats, edge_index, W_e, b_e, w_ih, w_hh, b_ih, b_hh):
    dst = edge_index[1]
    # edge_softmax over incoming edges of each destination node
    m = jax.ops.segment_max(edge_logits, dst, num_segments=N_NODES)  # [N, 1]
    ex = jnp.exp(edge_logits - m[dst])
    denom = jax.ops.segment_sum(ex, dst, num_segments=N_NODES)  # [N, 1]
    alpha = ex / denom[dst]  # [E, 1]
    # edge transform (dropout p=0.0 -> identity) then weight
    e = alpha * (edge_feats @ W_e.T + b_e)  # [E, D_HID]
    # message passing: copy_e + sum by destination node
    c = jax.ops.segment_sum(e, dst, num_segments=N_NODES)  # [N, D_HID]
    context = jax.nn.elu(c)
    # GRUCell(context, node_feats)
    gi = context @ w_ih.T + b_ih
    gh = node_feats @ w_hh.T + b_hh
    i_r, i_z, i_n = jnp.split(gi, 3, axis=1)
    h_r, h_z, h_n = jnp.split(gh, 3, axis=1)
    r = jax.nn.sigmoid(i_r + h_r)
    z = jax.nn.sigmoid(i_z + h_z)
    n = jnp.tanh(i_n + r * h_n)
    h_new = (1.0 - z) * n + z * node_feats
    return jax.nn.relu(h_new)

if __name__ == "__main__":
    import jax
    _d = setup_inputs()
    print(jax.jit(kernel)(*tuple(_d.values())))

</pallas_src>

<mosaic_0001>
#map = affine_map<(d0, d1) -> (0, 0, 0)>
#map1 = affine_map<(d0, d1) -> (0, 0)>
#map2 = affine_map<(d0, d1) -> (0, 0, 0, 0)>
module attributes {stable_mosaic.version = 14 : i64} {
  func.func @_sc_body(%arg0: i32, %arg1: i32, %arg2: memref<2500x2x128xi32, #tpu.memory_space<hbm>>, %arg3: memref<2500x128xf32, #tpu.memory_space<hbm>>, %arg4: memref<2x2500x8x128xf32, #tpu.memory_space<hbm>>, %arg5: memref<10x2x16x1000xf32, #tpu.memory_space<hbm>>, %arg6: memref<10x32x1000xf32, #tpu.memory_space<hbm>>, %arg7: memref<25x2x128xi32, #tpu.memory_space<vmem>>, %arg8: memref<25x128xf32, #tpu.memory_space<vmem>>, %arg9: memref<3200xf32, #tpu.memory_space<vmem>>, %arg10: memref<50x1x128xi32, #tpu.memory_space<vmem>>, %arg11: memref<1x50x1x128xf32, #tpu.memory_space<vmem>>, %arg12: memref<6400xf32, #tpu.memory_space<vmem>>, %arg13: memref<10000xf32, #tpu.memory_space<vmem>>, %arg14: memref<10000xf32, #tpu.memory_space<vmem>>, %arg15: memref<160000xf32, #tpu.memory_space<vmem_shared>>, %arg16: memref<1250x1x128xi32, #tpu.memory_space<vmem_shared>>) attributes {dimension_semantics = [#tpu.dimension_semantics<core_parallel>, #tpu.dimension_semantics<subcore_parallel>], iteration_bounds = array<i64: 2, 16>, scalar_prefetch = 0 : i64, scratch_operands = 10 : i64, tpu.core_type = #tpu.core_type<sc_vector_subcore>, window_params = [{transform_indices = #map}, {transform_indices = #map1}, {transform_indices = #map2}, {transform_indices = #map2}, {transform_indices = #map}]} {
    %mul3A = arith.constant 16 : i32
    %mul3A_0 = arith.muli %arg0, %mul3A : i32
    %add3A = arith.addi %mul3A_0, %arg1 : i32
    %broadcast_in_dim3A = arith.constant 0.000000e+00 : f32
    %broadcast_in_dim3A_1 = vector.broadcast %broadcast_in_dim3A : f32 to vector<16xf32>
    %parallel_loop3A = arith.constant 0 : i32
    %parallel_loop3A_2 = arith.constant 625 : i32
    %parallel_loop3A_3 = arith.constant 1 : i32
    scf.for %parallel_loop3A_84 = %parallel_loop3A to %parallel_loop3A_2 step %parallel_loop3A_3  : i32 {
      %parallel_loop3A_85 = arith.constant 16 : i32
      %parallel_loop3A_86 = arith.muli %parallel_loop3A_84, %parallel_loop3A_85 : i32
      %parallel_loop3A_87 = arith.index_cast %parallel_loop3A_86 : i32 to index
      %parallel_loop3A_88 = tpu.vector_load %arg13[%parallel_loop3A_87] {strides = array<i32>} : memref<10000xf32, #tpu.memory_space<vmem>>, vector<16xf32>,
      tpu.vector_store %arg13[%parallel_loop3A_87], %broadcast_in_dim3A_1 {strides = array<i32>} : memref<10000xf32, #tpu.memory_space<vmem>>, vector<16xf32>,
      %parallel_loop3A_89 = arith.constant 16 : i32
      %parallel_loop3A_90 = arith.muli %parallel_loop3A_84, %parallel_loop3A_89 : i32
      %parallel_loop3A_91 = arith.index_cast %parallel_loop3A_90 : i32 to index
      %parallel_loop3A_92 = tpu.vector_load %arg14[%parallel_loop3A_91] {strides = array<i32>} : memref<10000xf32, #tpu.memory_space<vmem>>, vector<16xf32>,
      tpu.vector_store %arg14[%parallel_loop3A_91], %broadcast_in_dim3A_1 {strides = array<i32>} : memref<10000xf32, #tpu.memory_space<vmem>>, vector<16xf32>,
    } {sc.loop_unroll_factor = 8 : i64, sc.parallel_access}
    %sub3A = arith.constant 49 : i32
    %sub3A_4 = arith.subi %sub3A, %arg1 : i32
    %jit3A = arith.constant 16 : i32
    %div3A = arith.divsi %sub3A_4, %jit3A : i32
    %sign3A = arith.constant 0 : i32
    %sign3A_5 = arith.cmpi sgt, %sub3A_4, %sign3A : i32
    %sign3A_6 = arith.extui %sign3A_5 : i1 to i32
    %sign3A_7 = arith.constant 0 : i32
    %sign3A_8 = arith.cmpi slt, %sub3A_4, %sign3A_7 : i32
    %sign3A_9 = arith.extui %sign3A_8 : i1 to i32
    %sign3A_10 = arith.subi %sign3A_6, %sign3A_9 : i32
    %sign3A_11 = arith.constant 0 : i32
    %sign3A_12 = arith.cmpi sgt, %jit3A, %sign3A_11 : i32
    %sign3A_13 = arith.extui %sign3A_12 : i1 to i32
    %sign3A_14 = arith.constant 0 : i32
    %sign3A_15 = arith.cmpi slt, %jit3A, %sign3A_14 : i32
    %sign3A_16 = arith.extui %sign3A_15 : i1 to i32
    %sign3A_17 = arith.subi %sign3A_13, %sign3A_16 : i32
    %ne3A = arith.cmpi ne, %sign3A_10, %sign3A_17 : i32
    %rem3A = arith.remsi %sub3A_4, %jit3A : i32
    %ne3A_18 = arith.constant 0 : i32
    %ne3A_19 = arith.cmpi ne, %rem3A, %ne3A_18 : i32
    %and3A = arith.andi %ne3A, %ne3A_19 : i1
    %sub3A_20 = arith.constant 1 : i32
    %sub3A_21 = arith.subi %div3A, %sub3A_20 : i32
    %select_n3A = arith.select %and3A, %sub3A_21, %div3A : i32
    %add3A_22 = arith.constant 1 : i32
    %add3A_23 = arith.addi %select_n3A, %add3A_22 : i32
    %while3A = arith.constant 0 : i32
    %while3A_24 = arith.constant 0 : i32
    %while3A_25 = arith.subi %add3A_23, %while3A_24 : i32
    %while3A_26 = arith.addi %while3A_24, %while3A_25 : i32
    %while3A_27 = arith.constant 1 : i32
    %while3A_28 = arith.divsi %while3A_25, %while3A_27 : i32
    %while3A_29 = arith.muli %while3A_28, %while3A_27 : i32
    %while3A_30 = arith.addi %while3A_24, %while3A_29 : i32
    %while3A_31 = arith.constant 1 : i32
    scf.for %while3A_84 = %while3A_24 to %while3A_30 step %while3A_31  : i32 {
      %mul3A_85 = arith.constant 16 : i32
      %mul3A_86 = arith.muli %while3A_84, %mul3A_85 : i32
      %add3A_87 = arith.addi %arg1, %mul3A_86 : i32
      %mul3A_88 = arith.constant 1250 : i32
      %mul3A_89 = arith.muli %arg0, %mul3A_88 : i32
      %mul3A_90 = arith.constant 25 : i32
      %mul3A_91 = arith.muli %add3A_87, %mul3A_90 : i32
      %add3A_92 = arith.addi %mul3A_89, %mul3A_91 : i32
      "tpu.region"() ({
        %run_scoped3A_102 = tpu.sem_alloc : memref<!tpu.dma_semaphore, #tpu.memory_space<semaphore_mem>>
        %dma_start3A = arith.constant 0 : i32
        %dma_start3A_103 = arith.constant 0 : i32
        %dma_start3A_104 = tpu.memref_slice %arg2[%add3A_92, %dma_start3A, %dma_start3A_103] : memref<2500x2x128xi32, #tpu.memory_space<hbm>> -> memref<25x2x128xi32, #tpu.memory_space<hbm>>
        %dma_start3A_105 = arith.constant 0 : i32
        %dma_start3A_106 = arith.constant 0 : i32
        %dma_start3A_107 = tpu.memref_slice %arg2[%add3A_92, %dma_start3A_105, %dma_start3A_106] : memref<2500x2x128xi32, #tpu.memory_space<hbm>> -> memref<25x2x128xi32, #tpu.memory_space<hbm>>
        tpu.enqueue_dma source(%dma_start3A_107 : memref<25x2x128xi32, #tpu.memory_space<hbm>>) target(%arg7 : memref<25x2x128xi32, #tpu.memory_space<vmem>>) target_semaphore(%run_scoped3A_102 : memref<!tpu.dma_semaphore, #tpu.memory_space<semaphore_mem>>)
        %dma_wait3A = arith.constant 0 : i32
        %dma_wait3A_108 = arith.constant 0 : i32
        %dma_wait3A_109 = tpu.memref_slice %arg2[%add3A_92, %dma_wait3A, %dma_wait3A_108] : memref<2500x2x128xi32, #tpu.memory_space<hbm>> -> memref<25x2x128xi32, #tpu.memory_space<hbm>>
        %dma_wait3A_110 = arith.constant 0 : i32
        %dma_wait3A_111 = arith.constant 0 : i32
        %dma_wait3A_112 = tpu.memref_slice %arg2[%add3A_92, %dma_wait3A_110, %dma_wait3A_111] : memref<2500x2x128xi32, #tpu.memory_space<hbm>> -> memref<25x2x128xi32, #tpu.memory_space<hbm>>
        tpu.wait_dma2 semaphore(%run_scoped3A_102 : memref<!tpu.dma_semaphore, #tpu.memory_space<semaphore_mem>>) src(%dma_wait3A_112 : memref<25x2x128xi32, #tpu.memory_space<hbm>>) dst(%arg7 : memref<25x2x128xi32, #tpu.memory_space<vmem>>)
        tpu.yield
      }) : () -> ()
      "tpu.region"() ({
        %run_scoped3A_102 = tpu.sem_alloc : memref<!tpu.dma_semaphore, #tpu.memory_space<semaphore_mem>>
        %dma_start3A = arith.constant 0 : i32
        %dma_start3A_103 = tpu.memref_slice %arg3[%add3A_92, %dma_start3A] : memref<2500x128xf32, #tpu.memory_space<hbm>> -> memref<25x128xf32, #tpu.memory_space<hbm>>
        %dma_start3A_104 = arith.constant 0 : i32
        %dma_start3A_105 = tpu.memref_slice %arg3[%add3A_92, %dma_start3A_104] : memref<2500x128xf32, #tpu.memory_space<hbm>> -> memref<25x128xf32, #tpu.memory_space<hbm>>
        tpu.enqueue_dma source(%dma_start3A_105 : memref<25x128xf32, #tpu.memory_space<hbm>>) target(%arg8 : memref<25x128xf32, #tpu.memory_space<vmem>>) target_semaphore(%run_scoped3A_102 : memref<!tpu.dma_semaphore, #tpu.memory_space<semaphore_mem>>)
        %dma_wait3A = arith.constant 0 : i32
        %dma_wait3A_106 = tpu.memref_slice %arg3[%add3A_92, %dma_wait3A] : memref<2500x128xf32, #tpu.memory_space<hbm>> -> memref<25x128xf32, #tpu.memory_space<hbm>>
        %dma_wait3A_107 = arith.constant 0 : i32
        %dma_wait3A_108 = tpu.memref_slice %arg3[%add3A_92, %dma_wait3A_107] : memref<2500x128xf32, #tpu.memory_space<hbm>> -> memref<25x128xf32, #tpu.memory_space<hbm>>
        tpu.wait_dma2 semaphore(%run_scoped3A_102 : memref<!tpu.dma_semaphore, #tpu.memory_space<semaphore_mem>>) src(%dma_wait3A_108 : memref<25x128xf32, #tpu.memory_space<hbm>>) dst(%arg8 : memref<25x128xf32, #tpu.memory_space<vmem>>)
        tpu.yield
      }) : () -> ()
      %parallel_loop3A_93 = arith.constant 0 : i32
      %parallel_loop3A_94 = arith.constant 25 : i32
      %parallel_loop3A_95 = arith.constant 1 : i32
      scf.for %parallel_loop3A_102 = %parallel_loop3A_93 to %parallel_loop3A_94 step %parallel_loop3A_95  : i32 {
        %parallel_loop3A_103 = arith.constant 1 : i32
        %parallel_loop3A_104 = arith.index_cast %parallel_loop3A_102 : i32 to index
        %parallel_loop3A_105 = arith.index_cast %parallel_loop3A_103 : i32 to index
        %parallel_loop3A_106 = arith.constant 0 : index
        %parallel_loop3A_107 = tpu.vector_load %arg7[%parallel_loop3A_104, %parallel_loop3A_105, %parallel_loop3A_106] {strides = array<i32>} : memref<25x2x128xi32, #tpu.memory_space<vmem>>, vector<16xi32>,
        %parallel_loop3A_108 = arith.index_cast %parallel_loop3A_102 : i32 to index
        %parallel_loop3A_109 = arith.constant 0 : index
        %parallel_loop3A_110 = tpu.vector_load %arg8[%parallel_loop3A_108, %parallel_loop3A_109] {strides = array<i32>} : memref<25x128xf32, #tpu.memory_space<vmem>>, vector<16xf32>,
        %parallel_loop3A_111 = math.exp %parallel_loop3A_110 : vector<16xf32>
        %parallel_loop3A_112 = arith.constant 128 : i32
        %parallel_loop3A_113 = arith.muli %parallel_loop3A_102, %parallel_loop3A_112 : i32
        %parallel_loop3A_114 = arith.constant 0 : i32
        %parallel_loop3A_115 = arith.addi %parallel_loop3A_113, %parallel_loop3A_114 : i32
        %parallel_loop3A_116 = arith.index_cast %parallel_loop3A_115 : i32 to index
        %parallel_loop3A_117 = tpu.vector_load %arg9[%parallel_loop3A_116] {strides = array<i32>} : memref<3200xf32, #tpu.memory_space<vmem>>, vector<16xf32>,
        tpu.vector_store %arg9[%parallel_loop3A_116], %parallel_loop3A_111 {strides = array<i32>} : memref<3200xf32, #tpu.memory_space<vmem>>, vector<16xf32>,
        tpu.vector_store_idx %arg13[%parallel_loop3A_107], %parallel_loop3A_111 {add = true} : memref<10000xf32, #tpu.memory_space<vmem>>[vector<16xi32>], vector<16xf32>,
        %parallel_loop3A_118 = arith.constant 1 : i32
        %parallel_loop3A_119 = arith.index_cast %parallel_loop3A_102 : i32 to index
        %parallel_loop3A_120 = arith.index_cast %parallel_loop3A_118 : i32 to index
        %parallel_loop3A_121 = arith.constant 16 : index
        %parallel_loop3A_122 = tpu.vector_load %arg7[%parallel_loop3A_119, %parallel_loop3A_120, %parallel_loop3A_121] {strides = array<i32>} : memref<25x2x128xi32, #tpu.memory_space<vmem>>, vector<16xi32>,
        %parallel_loop3A_123 = arith.index_cast %parallel_loop3A_102 : i32 to index
        %parallel_loop3A_124 = arith.constant 16 : index
        %parallel_loop3A_125 = tpu.vector_load %arg8[%parallel_loop3A_123, %parallel_loop3A_124] {strides = array<i32>} : memref<25x128xf32, #tpu.memory_space<vmem>>, vector<16xf32>,
        %parallel_loop3A_126 = math.exp %parallel_loop3A_125 : vector<16xf32>
        %parallel_loop3A_127 = arith.constant 128 : i32
        %parallel_loop3A_128 = arith.muli %parallel_loop3A_102, %parallel_loop3A_127 : i32
        %parallel_loop3A_129 = arith.constant 16 : i32
        %parallel_loop3A_130 = arith.addi %parallel_loop3A_128, %parallel_loop3A_129 : i32
        %parallel_loop3A_131 = arith.index_cast %parallel_loop3A_130 : i32 to index
        %parallel_loop3A_132 = tpu.vector_load %arg9[%parallel_loop3A_131] {strides = array<i32>} : memref<3200xf32, #tpu.memory_space<vmem>>, vector<16xf32>,
        tpu.vector_store %arg9[%parallel_loop3A_131], %parallel_loop3A_126 {strides = array<i32>} : memref<3200xf32, #tpu.memory_space<vmem>>, vector<16xf32>,
        tpu.vector_store_idx %arg13[%parallel_loop3A_122], %parallel_loop3A_126 {add = true} : memref<10000xf32, #tpu.memory_space<vmem>>[vector<16xi32>], vector<16xf32>,
        %parallel_loop3A_133 = arith.constant 1 : i32
        %parallel_loop3A_134 = arith.index_cast %parallel_loop3A_102 : i32 to index
        %parallel_loop3A_135 = arith.index_cast %parallel_loop3A_133 : i32 to index
        %parallel_loop3A_136 = arith.constant 32 : index
        %parallel_loop3A_137 = tpu.vector_load %arg7[%parallel_loop3A_134, %parallel_loop3A_135, %parallel_loop3A_136] {strides = array<i32>} : memref<25x2x128xi32, #tpu.memory_space<vmem>>, vector<16xi32>,
        %parallel_loop3A_138 = arith.index_cast %parallel_loop3A_102 : i32 to index
        %parallel_loop3A_139 = arith.constant 32 : index
        %parallel_loop3A_140 = tpu.vector_load %arg8[%parallel_loop3A_138, %parallel_loop3A_139] {strides = array<i32>} : memref<25x128xf32, #tpu.memory_space<vmem>>, vector<16xf32>,
        %parallel_loop3A_141 = math.exp %parallel_loop3A_140 : vector<16xf32>
        %parallel_loop3A_142 = arith.constant 128 : i32
        %parallel_loop3A_143 = arith.muli %parallel_loop3A_102, %parallel_loop3A_142 : i32
        %parallel_loop3A_144 = arith.constant 32 : i32
        %parallel_loop3A_145 = arith.addi %parallel_loop3A_143, %parallel_loop3A_144 : i32
        %parallel_loop3A_146 = arith.index_cast %parallel_loop3A_145 : i32 to index
        %parallel_loop3A_147 = tpu.vector_load %arg9[%parallel_loop3A_146] {strides = array<i32>} : memref<3200xf32, #tpu.memory_space<vmem>>, vector<16xf32>,
        tpu.vector_store %arg9[%parallel_loop3A_146], %parallel_loop3A_141 {strides = array<i32>} : memref<3200xf32, #tpu.memory_space<vmem>>, vector<16xf32>,
        tpu.vector_store_idx %arg13[%parallel_loop3A_137], %parallel_loop3A_141 {add = true} : memref<10000xf32, #tpu.memory_space<vmem>>[vector<16xi32>], vector<16xf32>,
        %parallel_loop3A_148 = arith.constant 1 : i32
        %parallel_loop3A_149 = arith.index_cast %parallel_loop3A_102 : i32 to index
        %parallel_loop3A_150 = arith.index_cast %parallel_loop3A_148 : i32 to index
        %parallel_loop3A_151 = arith.constant 48 : index
        %parallel_loop3A_152 = tpu.vector_load %arg7[%parallel_loop3A_149, %parallel_loop3A_150, %parallel_loop3A_151] {strides = array<i32>} : memref<25x2x128xi32, #tpu.memory_space<vmem>>, vector<16xi32>,
        %parallel_loop3A_153 = arith.index_cast %parallel_loop3A_102 : i32 to index
        %parallel_loop3A_154 = arith.constant 48 : index
        %parallel_loop3A_155 = tpu.vector_load %arg8[%parallel_loop3A_153, %parallel_loop3A_154] {strides = array<i32>} : memref<25x128xf32, #tpu.memory_space<vmem>>, vector<16xf32>,
        %parallel_loop3A_156 = math.exp %parallel_loop3A_155 : vector<16xf32>
        %parallel_loop3A_157 = arith.constant 128 : i32
        %parallel_loop3A_158 = arith.muli %parallel_loop3A_102, %parallel_loop3A_157 : i32
        %parallel_loop3A_159 = arith.constant 48 : i32
        %parallel_loop3A_160 = arith.addi %parallel_loop3A_158, %parallel_loop3A_159 : i32
        %parallel_loop3A_161 = arith.index_cast %parallel_loop3A_160 : i32 to index
        %parallel_loop3A_162 = tpu.vector_load %arg9[%parallel_loop3A_161] {strides = array<i32>} : memref<3200xf32, #tpu.memory_space<vmem>>, vector<16xf32>,
        tpu.vector_store %arg9[%parallel_loop3A_161], %parallel_loop3A_156 {strides = array<i32>} : memref<3200xf32, #tpu.memory_space<vmem>>, vector<16xf32>,
        tpu.vector_store_idx %arg13[%parallel_loop3A_152], %parallel_loop3A_156 {add = true} : memref<10000xf32, #tpu.memory_space<vmem>>[vector<16xi32>], vector<16xf32>,
        %parallel_loop3A_163 = arith.constant 1 : i32
        %parallel_loop3A_164 = arith.index_cast %parallel_loop3A_102 : i32 to index
        %parallel_loop3A_165 = arith.index_cast %parallel_loop3A_163 : i32 to index
        %parallel_loop3A_166 = arith.constant 64 : index
        %parallel_loop3A_167 = tpu.vector_load %arg7[%parallel_loop3A_164, %parallel_loop3A_165, %parallel_loop3A_166] {strides = array<i32>} : memref<25x2x128xi32, #tpu.memory_space<vmem>>, vector<16xi32>,
        %parallel_loop3A_168 = arith.index_cast %parallel_loop3A_102 : i32 to index
        %parallel_loop3A_169 = arith.constant 64 : index
        %parallel_loop3A_170 = tpu.vector_load %arg8[%parallel_loop3A_168, %parallel_loop3A_169] {strides = array<i32>} : memref<25x128xf32, #tpu.memory_space<vmem>>, vector<16xf32>,
        %parallel_loop3A_171 = math.exp %parallel_loop3A_170 : vector<16xf32>
        %parallel_loop3A_172 = arith.constant 128 : i32
        %parallel_loop3A_173 = arith.muli %parallel_loop3A_102, %parallel_loop3A_172 : i32
        %parallel_loop3A_174 = arith.constant 64 : i32
        %parallel_loop3A_175 = arith.addi %parallel_loop3A_173, %parallel_loop3A_174 : i32
        %parallel_loop3A_176 = arith.index_cast %parallel_loop3A_175 : i32 to index
        %parallel_loop3A_177 = tpu.vector_load %arg9[%parallel_loop3A_176] {strides = array<i32>} : memref<3200xf32, #tpu.memory_space<vmem>>, vector<16xf32>,
        tpu.vector_store %arg9[%parallel_loop3A_176], %parallel_loop3A_171 {strides = array<i32>} : memref<3200xf32, #tpu.memory_space<vmem>>, vector<16xf32>,
        tpu.vector_store_idx %arg13[%parallel_loop3A_167], %parallel_loop3A_171 {add = true} : memref<10000xf32, #tpu.memory_space<vmem>>[vector<16xi32>], vector<16xf32>,
        %parallel_loop3A_178 = arith.constant 1 : i32
        %parallel_loop3A_179 = arith.index_cast %parallel_loop3A_102 : i32 to index
        %parallel_loop3A_180 = arith.index_cast %parallel_loop3A_178 : i32 to index
        %parallel_loop3A_181 = arith.constant 80 : index
        %parallel_loop3A_182 = tpu.vector_load %arg7[%parallel_loop3A_179, %parallel_loop3A_180, %parallel_loop3A_181] {strides = array<i32>} : memref<25x2x128xi32, #tpu.memory_space<vmem>>, vector<16xi32>,
        %parallel_loop3A_183 = arith.index_cast %parallel_loop3A_102 : i32 to index
        %parallel_loop3A_184 = arith.constant 80 : index
        %parallel_loop3A_185 = tpu.vector_load %arg8[%parallel_loop3A_183, %parallel_loop3A_184] {strides = array<i32>} : memref<25x128xf32, #tpu.memory_space<vmem>>, vector<16xf32>,
        %parallel_loop3A_186 = math.exp %parallel_loop3A_185 : vector<16xf32>
        %parallel_loop3A_187 = arith.constant 128 : i32
        %parallel_loop3A_188 = arith.muli %parallel_loop3A_102, %parallel_loop3A_187 : i32
        %parallel_loop3A_189 = arith.constant 80 : i32
        %parallel_loop3A_190 = arith.addi %parallel_loop3A_188, %parallel_loop3A_189 : i32
        %parallel_loop3A_191 = arith.index_cast %parallel_loop3A_190 : i32 to index
        %parallel_loop3A_192 = tpu.vector_load %arg9[%parallel_loop3A_191] {strides = array<i32>} : memref<3200xf32, #tpu.memory_space<vmem>>, vector<16xf32>,
        tpu.vector_store %arg9[%parallel_loop3A_191], %parallel_loop3A_186 {strides = array<i32>} : memref<3200xf32, #tpu.memory_space<vmem>>, vector<16xf32>,
        tpu.vector_store_idx %arg13[%parallel_loop3A_182], %parallel_loop3A_186 {add = true} : memref<10000xf32, #tpu.memory_space<vmem>>[vector<16xi32>], vector<16xf32>,
        %parallel_loop3A_193 = arith.constant 1 : i32
        %parallel_loop3A_194 = arith.index_cast %parallel_loop3A_102 : i32 to index
        %parallel_loop3A_195 = arith.index_cast %parallel_loop3A_193 : i32 to index
        %parallel_loop3A_196 = arith.constant 96 : index
        %parallel_loop3A_197 = tpu.vector_load %arg7[%parallel_loop3A_194, %parallel_loop3A_195, %parallel_loop3A_196] {strides = array<i32>} : memref<25x2x128xi32, #tpu.memory_space<vmem>>, vector<16xi32>,
        %parallel_loop3A_198 = arith.index_cast %parallel_loop3A_102 : i32 to index
        %parallel_loop3A_199 = arith.constant 96 : index
        %parallel_loop3A_200 = tpu.vector_load %arg8[%parallel_loop3A_198, %parallel_loop3A_199] {strides = array<i32>} : memref<25x128xf32, #tpu.memory_space<vmem>>, vector<16xf32>,
        %parallel_loop3A_201 = math.exp %parallel_loop3A_200 : vector<16xf32>
        %parallel_loop3A_202 = arith.constant 128 : i32
        %parallel_loop3A_203 = arith.muli %parallel_loop3A_102, %parallel_loop3A_202 : i32
        %parallel_loop3A_204 = arith.constant 96 : i32
        %parallel_loop3A_205 = arith.addi %parallel_loop3A_203, %parallel_loop3A_204 : i32
        %parallel_loop3A_206 = arith.index_cast %parallel_loop3A_205 : i32 to index
        %parallel_loop3A_207 = tpu.vector_load %arg9[%parallel_loop3A_206] {strides = array<i32>} : memref<3200xf32, #tpu.memory_space<vmem>>, vector<16xf32>,
        tpu.vector_store %arg9[%parallel_loop3A_206], %parallel_loop3A_201 {strides = array<i32>} : memref<3200xf32, #tpu.memory_space<vmem>>, vector<16xf32>,
        tpu.vector_store_idx %arg13[%parallel_loop3A_197], %parallel_loop3A_201 {add = true} : memref<10000xf32, #tpu.memory_space<vmem>>[vector<16xi32>], vector<16xf32>,
        %parallel_loop3A_208 = arith.constant 1 : i32
        %parallel_loop3A_209 = arith.index_cast %parallel_loop3A_102 : i32 to index
        %parallel_loop3A_210 = arith.index_cast %parallel_loop3A_208 : i32 to index
        %parallel_loop3A_211 = arith.constant 112 : index
        %parallel_loop3A_212 = tpu.vector_load %arg7[%parallel_loop3A_209, %parallel_loop3A_210, %parallel_loop3A_211] {strides = array<i32>} : memref<25x2x128xi32, #tpu.memory_space<vmem>>, vector<16xi32>,
        %parallel_loop3A_213 = arith.index_cast %parallel_loop3A_102 : i32 to index
        %parallel_loop3A_214 = arith.constant 112 : index
        %parallel_loop3A_215 = tpu.vector_load %arg8[%parallel_loop3A_213, %parallel_loop3A_214] {strides = array<i32>} : memref<25x128xf32, #tpu.memory_space<vmem>>, vector<16xf32>,
        %parallel_loop3A_216 = math.exp %parallel_loop3A_215 : vector<16xf32>
        %parallel_loop3A_217 = arith.constant 128 : i32
        %parallel_loop3A_218 = arith.muli %parallel_loop3A_102, %parallel_loop3A_217 : i32
        %parallel_loop3A_219 = arith.constant 112 : i32
        %parallel_loop3A_220 = arith.addi %parallel_loop3A_218, %parallel_loop3A_219 : i32
        %parallel_loop3A_221 = arith.index_cast %parallel_loop3A_220 : i32 to index
        %parallel_loop3A_222 = tpu.vector_load %arg9[%parallel_loop3A_221] {strides = array<i32>} : memref<3200xf32, #tpu.memory_space<vmem>>, vector<16xf32>,
        tpu.vector_store %arg9[%parallel_loop3A_221], %parallel_loop3A_216 {strides = array<i32>} : memref<3200xf32, #tpu.memory_space<vmem>>, vector<16xf32>,
        tpu.vector_store_idx %arg13[%parallel_loop3A_212], %parallel_loop3A_216 {add = true} : memref<10000xf32, #tpu.memory_space<vmem>>[vector<16xi32>], vector<16xf32>,
      } {sc.loop_unroll_factor = 8 : i64, sc.parallel_access}
      %mul3A_96 = arith.constant 25 : i32
      %mul3A_97 = arith.muli %add3A_87, %mul3A_96 : i32
      %mul3A_98 = arith.constant 128 : i32
      %mul3A_99 = arith.muli %mul3A_97, %mul3A_98 : i32
      "tpu.region"() ({
        %run_scoped3A_102 = tpu.sem_alloc : memref<!tpu.dma_semaphore, #tpu.memory_space<semaphore_mem>>
        %dma_start3A = tpu.memref_slice %arg15[%mul3A_99] : memref<160000xf32, #tpu.memory_space<vmem_shared>> -> memref<3200xf32, #tpu.memory_space<vmem_shared>>
        %dma_start3A_103 = tpu.memref_slice %arg15[%mul3A_99] : memref<160000xf32, #tpu.memory_space<vmem_shared>> -> memref<3200xf32, #tpu.memory_space<vmem_shared>>
        tpu.enqueue_dma source(%arg9 : memref<3200xf32, #tpu.memory_space<vmem>>) target(%dma_start3A_103 : memref<3200xf32, #tpu.memory_space<vmem_shared>>) target_semaphore(%run_scoped3A_102 : memref<!tpu.dma_semaphore, #tpu.memory_space<semaphore_mem>>)
        %dma_wait3A = tpu.memref_slice %arg15[%mul3A_99] : memref<160000xf32, #tpu.memory_space<vmem_shared>> -> memref<3200xf32, #tpu.memory_space<vmem_shared>>
        %dma_wait3A_104 = tpu.memref_slice %arg15[%mul3A_99] : memref<160000xf32, #tpu.memory_space<vmem_shared>> -> memref<3200xf32, #tpu.memory_space<vmem_shared>>
        tpu.wait_dma2 semaphore(%run_scoped3A_102 : memref<!tpu.dma_semaphore, #tpu.memory_space<semaphore_mem>>) src(%arg9 : memref<3200xf32, #tpu.memory_space<vmem>>) dst(%dma_wait3A_104 : memref<3200xf32, #tpu.memory_space<vmem_shared>>)
        tpu.yield
      }) : () -> ()
      %mul3A_100 = arith.constant 25 : i32
      %mul3A_101 = arith.muli %add3A_87, %mul3A_100 : i32
      "tpu.region"() ({
        %run_scoped3A_102 = tpu.sem_alloc : memref<!tpu.dma_semaphore, #tpu.memory_space<semaphore_mem>>
        %dma_start3A = arith.constant 0 : i32
        %dma_start3A_103 = arith.constant 1 : i32
        %dma_start3A_104 = arith.constant 0 : i32
        %dma_start3A_105 = tpu.memref_slice %arg7[%dma_start3A, %dma_start3A_103, %dma_start3A_104] : memref<25x2x128xi32, #tpu.memory_space<vmem>> -> memref<25x1x128xi32, #tpu.memory_space<vmem>>
        %dma_start3A_106 = arith.constant 0 : i32
        %dma_start3A_107 = arith.constant 0 : i32
        %dma_start3A_108 = tpu.memref_slice %arg16[%mul3A_101, %dma_start3A_106, %dma_start3A_107] : memref<1250x1x128xi32, #tpu.memory_space<vmem_shared>> -> memref<25x1x128xi32, #tpu.memory_space<vmem_shared>>
        %dma_start3A_109 = arith.constant 0 : i32
        %dma_start3A_110 = arith.constant 0 : i32
        %dma_start3A_111 = tpu.memref_slice %arg16[%mul3A_101, %dma_start3A_109, %dma_start3A_110] : memref<1250x1x128xi32, #tpu.memory_space<vmem_shared>> -> memref<25x1x128xi32, #tpu.memory_space<vmem_shared>>
        %dma_start3A_112 = arith.constant 0 : i32
        %dma_start3A_113 = arith.constant 1 : i32
        %dma_start3A_114 = arith.constant 0 : i32
        %dma_start3A_115 = tpu.memref_slice %arg7[%dma_start3A_112, %dma_start3A_113, %dma_start3A_114] : memref<25x2x128xi32, #tpu.memory_space<vmem>> -> memref<25x1x128xi32, #tpu.memory_space<vmem>>
        tpu.enqueue_dma source(%dma_start3A_115 : memref<25x1x128xi32, #tpu.memory_space<vmem>>) target(%dma_start3A_111 : memref<25x1x128xi32, #tpu.memory_space<vmem_shared>>) target_semaphore(%run_scoped3A_102 : memref<!tpu.dma_semaphore, #tpu.memory_space<semaphore_mem>>)
        %dma_wait3A = arith.constant 0 : i32
        %dma_wait3A_116 = arith.constant 1 : i32
        %dma_wait3A_117 = arith.constant 0 : i32
        %dma_wait3A_118 = tpu.memref_slice %arg7[%dma_wait3A, %dma_wait3A_116, %dma_wait3A_117] : memref<25x2x128xi32, #tpu.memory_space<vmem>> -> memref<25x1x128xi32, #tpu.memory_space<vmem>>
        %dma_wait3A_119 = arith.constant 0 : i32
        %dma_wait3A_120 = arith.constant 0 : i32
        %dma_wait3A_121 = tpu.memref_slice %arg16[%mul3A_101, %dma_wait3A_119, %dma_wait3A_120] : memref<1250x1x128xi32, #tpu.memory_space<vmem_shared>> -> memref<25x1x128xi32, #tpu.memory_space<vmem_shared>>
        %dma_wait3A_122 = arith.constant 0 : i32
        %dma_wait3A_123 = arith.constant 0 : i32
        %dma_wait3A_124 = tpu.memref_slice %arg16[%mul3A_101, %dma_wait3A_122, %dma_wait3A_123] : memref<1250x1x128xi32, #tpu.memory_space<vmem_shared>> -> memref<25x1x128xi32, #tpu.memory_space<vmem_shared>>
        %dma_wait3A_125 = arith.constant 0 : i32
        %dma_wait3A_126 = arith.constant 1 : i32
        %dma_wait3A_127 = arith.constant 0 : i32
        %dma_wait3A_128 = tpu.memref_slice %arg7[%dma_wait3A_125, %dma_wait3A_126, %dma_wait3A_127] : memref<25x2x128xi32, #tpu.memory_space<vmem>> -> memref<25x1x128xi32, #tpu.memory_space<vmem>>
        tpu.wait_dma2 semaphore(%run_scoped3A_102 : memref<!tpu.dma_semaphore, #tpu.memory_space<semaphore_mem>>) src(%dma_wait3A_128 : memref<25x1x128xi32, #tpu.memory_space<vmem>>) dst(%dma_wait3A_124 : memref<25x1x128xi32, #tpu.memory_space<vmem_shared>>)
        tpu.yield
      }) : () -> ()
    }
    %while3A_32 = arith.constant 1 : i32
    scf.for %while3A_84 = %while3A_30 to %while3A_26 step %while3A_32  : i32 {
      %mul3A_85 = arith.constant 16 : i32
      %mul3A_86 = arith.muli %while3A_84, %mul3A_85 : i32
      %add3A_87 = arith.addi %arg1, %mul3A_86 : i32
      %mul3A_88 = arith.constant 1250 : i32
      %mul3A_89 = arith.muli %arg0, %mul3A_88 : i32
      %mul3A_90 = arith.constant 25 : i32
      %mul3A_91 = arith.muli %add3A_87, %mul3A_90 : i32
      %add3A_92 = arith.addi %mul3A_89, %mul3A_91 : i32
      "tpu.region"() ({
        %run_scoped3A_102 = tpu.sem_alloc : memref<!tpu.dma_semaphore, #tpu.memory_space<semaphore_mem>>
        %dma_start3A = arith.constant 0 : i32
        %dma_start3A_103 = arith.constant 0 : i32
        %dma_start3A_104 = tpu.memref_slice %arg2[%add3A_92, %dma_start3A, %dma_start3A_103] : memref<2500x2x128xi32, #tpu.memory_space<hbm>> -> memref<25x2x128xi32, #tpu.memory_space<hbm>>
        %dma_start3A_105 = arith.constant 0 : i32
        %dma_start3A_106 = arith.constant 0 : i32
        %dma_start3A_107 = tpu.memref_slice %arg2[%add3A_92, %dma_start3A_105, %dma_start3A_106] : memref<2500x2x128xi32, #tpu.memory_space<hbm>> -> memref<25x2x128xi32, #tpu.memory_space<hbm>>
        tpu.enqueue_dma source(%dma_start3A_107 : memref<25x2x128xi32, #tpu.memory_space<hbm>>) target(%arg7 : memref<25x2x128xi32, #tpu.memory_space<vmem>>) target_semaphore(%run_scoped3A_102 : memref<!tpu.dma_semaphore, #tpu.memory_space<semaphore_mem>>)
        %dma_wait3A = arith.constant 0 : i32
        %dma_wait3A_108 = arith.constant 0 : i32
        %dma_wait3A_109 = tpu.memref_slice %arg2[%add3A_92, %dma_wait3A, %dma_wait3A_108] : memref<2500x2x128xi32, #tpu.memory_space<hbm>> -> memref<25x2x128xi32, #tpu.memory_space<hbm>>
        %dma_wait3A_110 = arith.constant 0 : i32
        %dma_wait3A_111 = arith.constant 0 : i32
        %dma_wait3A_112 = tpu.memref_slice %arg2[%add3A_92, %dma_wait3A_110, %dma_wait3A_111] : memref<2500x2x128xi32, #tpu.memory_space<hbm>> -> memref<25x2x128xi32, #tpu.memory_space<hbm>>
        tpu.wait_dma2 semaphore(%run_scoped3A_102 : memref<!tpu.dma_semaphore, #tpu.memory_space<semaphore_mem>>) src(%dma_wait3A_112 : memref<25x2x128xi32, #tpu.memory_space<hbm>>) dst(%arg7 : memref<25x2x128xi32, #tpu.memory_space<vmem>>)
        tpu.yield
      }) : () -> ()
      "tpu.region"() ({
        %run_scoped3A_102 = tpu.sem_alloc : memref<!tpu.dma_semaphore, #tpu.memory_space<semaphore_mem>>
        %dma_start3A = arith.constant 0 : i32
        %dma_start3A_103 = tpu.memref_slice %arg3[%add3A_92, %dma_start3A] : memref<2500x128xf32, #tpu.memory_space<hbm>> -> memref<25x128xf32, #tpu.memory_space<hbm>>
        %dma_start3A_104 = arith.constant 0 : i32
        %dma_start3A_105 = tpu.memref_slice %arg3[%add3A_92, %dma_start3A_104] : memref<2500x128xf32, #tpu.memory_space<hbm>> -> memref<25x128xf32, #tpu.memory_space<hbm>>
        tpu.enqueue_dma source(%dma_start3A_105 : memref<25x128xf32, #tpu.memory_space<hbm>>) target(%arg8 : memref<25x128xf32, #tpu.memory_space<vmem>>) target_semaphore(%run_scoped3A_102 : memref<!tpu.dma_semaphore, #tpu.memory_space<semaphore_mem>>)
        %dma_wait3A = arith.constant 0 : i32
        %dma_wait3A_106 = tpu.memref_slice %arg3[%add3A_92, %dma_wait3A] : memref<2500x128xf32, #tpu.memory_space<hbm>> -> memref<25x128xf32, #tpu.memory_space<hbm>>
        %dma_wait3A_107 = arith.constant 0 : i32
        %dma_wait3A_108 = tpu.memref_slice %arg3[%add3A_92, %dma_wait3A_107] : memref<2500x128xf32, #tpu.memory_space<hbm>> -> memref<25x128xf32, #tpu.memory_space<hbm>>
        tpu.wait_dma2 semaphore(%run_scoped3A_102 : memref<!tpu.dma_semaphore, #tpu.memory_space<semaphore_mem>>) src(%dma_wait3A_108 : memref<25x128xf32, #tpu.memory_space<hbm>>) dst(%arg8 : memref<25x128xf32, #tpu.memory_space<vmem>>)
        tpu.yield
      }) : () -> ()
      %parallel_loop3A_93 = arith.constant 0 : i32
      %parallel_loop3A_94 = arith.constant 25 : i32
      %parallel_loop3A_95 = arith.constant 1 : i32
      scf.for %parallel_loop3A_102 = %parallel_loop3A_93 to %parallel_loop3A_94 step %parallel_loop3A_95  : i32 {
        %parallel_loop3A_103 = arith.constant 1 : i32
        %parallel_loop3A_104 = arith.index_cast %parallel_loop3A_102 : i32 to index
        %parallel_loop3A_105 = arith.index_cast %parallel_loop3A_103 : i32 to index
        %parallel_loop3A_106 = arith.constant 0 : index
        %parallel_loop3A_107 = tpu.vector_load %arg7[%parallel_loop3A_104, %parallel_loop3A_105, %parallel_loop3A_106] {strides = array<i32>} : memref<25x2x128xi32, #tpu.memory_space<vmem>>, vector<16xi32>,
        %parallel_loop3A_108 = arith.index_cast %parallel_loop3A_102 : i32 to index
        %parallel_loop3A_109 = arith.constant 0 : index
        %parallel_loop3A_110 = tpu.vector_load %arg8[%parallel_loop3A_108, %parallel_loop3A_109] {strides = array<i32>} : memref<25x128xf32, #tpu.memory_space<vmem>>, vector<16xf32>,
        %parallel_loop3A_111 = math.exp %parallel_loop3A_110 : vector<16xf32>
        %parallel_loop3A_112 = arith.constant 128 : i32
        %parallel_loop3A_113 = arith.muli %parallel_loop3A_102, %parallel_loop3A_112 : i32
        %parallel_loop3A_114 = arith.constant 0 : i32
        %parallel_loop3A_115 = arith.addi %parallel_loop3A_113, %parallel_loop3A_114 : i32
        %parallel_loop3A_116 = arith.index_cast %parallel_loop3A_115 : i32 to index
        %parallel_loop3A_117 = tpu.vector_load %arg9[%parallel_loop3A_116] {strides = array<i32>} : memref<3200xf32, #tpu.memory_space<vmem>>, vector<16xf32>,
        tpu.vector_store %arg9[%parallel_loop3A_116], %parallel_loop3A_111 {strides = array<i32>} : memref<3200xf32, #tpu.memory_space<vmem>>, vector<16xf32>,
        tpu.vector_store_idx %arg13[%parallel_loop3A_107], %parallel_loop3A_111 {add = true} : memref<10000xf32, #tpu.memory_space<vmem>>[vector<16xi32>], vector<16xf32>,
        %parallel_loop3A_118 = arith.constant 1 : i32
        %parallel_loop3A_119 = arith.index_cast %parallel_loop3A_102 : i32 to index
        %parallel_loop3A_120 = arith.index_cast %parallel_loop3A_118 : i32 to index
        %parallel_loop3A_121 = arith.constant 16 : index
        %parallel_loop3A_122 = tpu.vector_load %arg7[%parallel_loop3A_119, %parallel_loop3A_120, %parallel_loop3A_121] {strides = array<i32>} : memref<25x2x128xi32, #tpu.memory_space<vmem>>, vector<16xi32>,
        %parallel_loop3A_123 = arith.index_cast %parallel_loop3A_102 : i32 to index
        %parallel_loop3A_124 = arith.constant 16 : index
        %parallel_loop3A_125 = tpu.vector_load %arg8[%parallel_loop3A_123, %parallel_loop3A_124] {strides = array<i32>} : memref<25x128xf32, #tpu.memory_space<vmem>>, vector<16xf32>,
        %parallel_loop3A_126 = math.exp %parallel_loop3A_125 : vector<16xf32>
        %parallel_loop3A_127 = arith.constant 128 : i32
        %parallel_loop3A_128 = arith.muli %parallel_loop3A_102, %parallel_loop3A_127 : i32
        %parallel_loop3A_129 = arith.constant 16 : i32
        %parallel_loop3A_130 = arith.addi %parallel_loop3A_128, %parallel_loop3A_129 : i32
        %parallel_loop3A_131 = arith.index_cast %parallel_loop3A_130 : i32 to index
        %parallel_loop3A_132 = tpu.vector_load %arg9[%parallel_loop3A_131] {strides = array<i32>} : memref<3200xf32, #tpu.memory_space<vmem>>, vector<16xf32>,
        tpu.vector_store %arg9[%parallel_loop3A_131], %parallel_loop3A_126 {strides = array<i32>} : memref<3200xf32, #tpu.memory_space<vmem>>, vector<16xf32>,
        tpu.vector_store_idx %arg13[%parallel_loop3A_122], %parallel_loop3A_126 {add = true} : memref<10000xf32, #tpu.memory_space<vmem>>[vector<16xi32>], vector<16xf32>,
        %parallel_loop3A_133 = arith.constant 1 : i32
        %parallel_loop3A_134 = arith.index_cast %parallel_loop3A_102 : i32 to index
        %parallel_loop3A_135 = arith.index_cast %parallel_loop3A_133 : i32 to index
        %parallel_loop3A_136 = arith.constant 32 : index
        %parallel_loop3A_137 = tpu.vector_load %arg7[%parallel_loop3A_134, %parallel_loop3A_135, %parallel_loop3A_136] {strides = array<i32>} : memref<25x2x128xi32, #tpu.memory_space<vmem>>, vector<16xi32>,
        %parallel_loop3A_138 = arith.index_cast %parallel_loop3A_102 : i32 to index
        %parallel_loop3A_139 = arith.constant 32 : index
        %parallel_loop3A_140 = tpu.vector_load %arg8[%parallel_loop3A_138, %parallel_loop3A_139] {strides = array<i32>} : memref<25x128xf32, #tpu.memory_space<vmem>>, vector<16xf32>,
        %parallel_loop3A_141 = math.exp %parallel_loop3A_140 : vector<16xf32>
        %parallel_loop3A_142 = arith.constant 128 : i32
        %parallel_loop3A_143 = arith.muli %parallel_loop3A_102, %parallel_loop3A_142 : i32
        %parallel_loop3A_144 = arith.constant 32 : i32
        %parallel_loop3A_145 = arith.addi %parallel_loop3A_143, %parallel_loop3A_144 : i32
        %parallel_loop3A_146 = arith.index_cast %parallel_loop3A_145 : i32 to index
        %parallel_loop3A_147 = tpu.vector_load %arg9[%parallel_loop3A_146] {strides = array<i32>} : memref<3200xf32, #tpu.memory_space<vmem>>, vector<16xf32>,
        tpu.vector_store %arg9[%parallel_loop3A_146], %parallel_loop3A_141 {strides = array<i32>} : memref<3200xf32, #tpu.memory_space<vmem>>, vector<16xf32>,
        tpu.vector_store_idx %arg13[%parallel_loop3A_137], %parallel_loop3A_141 {add = true} : memref<10000xf32, #tpu.memory_space<vmem>>[vector<16xi32>], vector<16xf32>,
        %parallel_loop3A_148 = arith.constant 1 : i32
        %parallel_loop3A_149 = arith.index_cast %parallel_loop3A_102 : i32 to index
        %parallel_loop3A_150 = arith.index_cast %parallel_loop3A_148 : i32 to index
        %parallel_loop3A_151 = arith.constant 48 : index
        %parallel_loop3A_152 = tpu.vector_load %arg7[%parallel_loop3A_149, %parallel_loop3A_150, %parallel_loop3A_151] {strides = array<i32>} : memref<25x2x128xi32, #tpu.memory_space<vmem>>, vector<16xi32>,
        %parallel_loop3A_153 = arith.index_cast %parallel_loop3A_102 : i32 to index
        %parallel_loop3A_154 = arith.constant 48 : index
        %parallel_loop3A_155 = tpu.vector_load %arg8[%parallel_loop3A_153, %parallel_loop3A_154] {strides = array<i32>} : memref<25x128xf32, #tpu.memory_space<vmem>>, vector<16xf32>,
        %parallel_loop3A_156 = math.exp %parallel_loop3A_155 : vector<16xf32>
        %parallel_loop3A_157 = arith.constant 128 : i32
        %parallel_loop3A_158 = arith.muli %parallel_loop3A_102, %parallel_loop3A_157 : i32
        %parallel_loop3A_159 = arith.constant 48 : i32
        %parallel_loop3A_160 = arith.addi %parallel_loop3A_158, %parallel_loop3A_159 : i32
        %parallel_loop3A_161 = arith.index_cast %parallel_loop3A_160 : i32 to index
        %parallel_loop3A_162 = tpu.vector_load %arg9[%parallel_loop3A_161] {strides = array<i32>} : memref<3200xf32, #tpu.memory_space<vmem>>, vector<16xf32>,
        tpu.vector_store %arg9[%parallel_loop3A_161], %parallel_loop3A_156 {strides = array<i32>} : memref<3200xf32, #tpu.memory_space<vmem>>, vector<16xf32>,
        tpu.vector_store_idx %arg13[%parallel_loop3A_152], %parallel_loop3A_156 {add = true} : memref<10000xf32, #tpu.memory_space<vmem>>[vector<16xi32>], vector<16xf32>,
        %parallel_loop3A_163 = arith.constant 1 : i32
        %parallel_loop3A_164 = arith.index_cast %parallel_loop3A_102 : i32 to index
        %parallel_loop3A_165 = arith.index_cast %parallel_loop3A_163 : i32 to index
        %parallel_loop3A_166 = arith.constant 64 : index
        %parallel_loop3A_167 = tpu.vector_load %arg7[%parallel_loop3A_164, %parallel_loop3A_165, %parallel_loop3A_166] {strides = array<i32>} : memref<25x2x128xi32, #tpu.memory_space<vmem>>, vector<16xi32>,
        %parallel_loop3A_168 = arith.index_cast %parallel_loop3A_102 : i32 to index
        %parallel_loop3A_169 = arith.constant 64 : index
        %parallel_loop3A_170 = tpu.vector_load %arg8[%parallel_loop3A_168, %parallel_loop3A_169] {strides = array<i32>} : memref<25x128xf32, #tpu.memory_space<vmem>>, vector<16xf32>,
        %parallel_loop3A_171 = math.exp %parallel_loop3A_170 : vector<16xf32>
        %parallel_loop3A_172 = arith.constant 128 : i32
        %parallel_loop3A_173 = arith.muli %parallel_loop3A_102, %parallel_loop3A_172 : i32
        %parallel_loop3A_174 = arith.constant 64 : i32
        %parallel_loop3A_175 = arith.addi %parallel_loop3A_173, %parallel_loop3A_174 : i32
        %parallel_loop3A_176 = arith.index_cast %parallel_loop3A_175 : i32 to index
        %parallel_loop3A_177 = tpu.vector_load %arg9[%parallel_loop3A_176] {strides = array<i32>} : memref<3200xf32, #tpu.memory_space<vmem>>, vector<16xf32>,
        tpu.vector_store %arg9[%parallel_loop3A_176], %parallel_loop3A_171 {strides = array<i32>} : memref<3200xf32, #tpu.memory_space<vmem>>, vector<16xf32>,
        tpu.vector_store_idx %arg13[%parallel_loop3A_167], %parallel_loop3A_171 {add = true} : memref<10000xf32, #tpu.memory_space<vmem>>[vector<16xi32>], vector<16xf32>,
        %parallel_loop3A_178 = arith.constant 1 : i32
        %parallel_loop3A_179 = arith.index_cast %parallel_loop3A_102 : i32 to index
        %parallel_loop3A_180 = arith.index_cast %parallel_loop3A_178 : i32 to index
        %parallel_loop3A_181 = arith.constant 80 : index
        %parallel_loop3A_182 = tpu.vector_load %arg7[%parallel_loop3A_179, %parallel_loop3A_180, %parallel_loop3A_181] {strides = array<i32>} : memref<25x2x128xi32, #tpu.memory_space<vmem>>, vector<16xi32>,
        %parallel_loop3A_183 = arith.index_cast %parallel_loop3A_102 : i32 to index
        %parallel_loop3A_184 = arith.constant 80 : index
        %parallel_loop3A_185 = tpu.vector_load %arg8[%parallel_loop3A_183, %parallel_loop3A_184] {strides = array<i32>} : memref<25x128xf32, #tpu.memory_space<vmem>>, vector<16xf32>,
        %parallel_loop3A_186 = math.exp %parallel_loop3A_185 : vector<16xf32>
        %parallel_loop3A_187 = arith.constant 128 : i32
        %parallel_loop3A_188 = arith.muli %parallel_loop3A_102, %parallel_loop3A_187 : i32
        %parallel_loop3A_189 = arith.constant 80 : i32
        %parallel_loop3A_190 = arith.addi %parallel_loop3A_188, %parallel_loop3A_189 : i32
        %parallel_loop3A_191 = arith.index_cast %parallel_loop3A_190 : i32 to index
        %parallel_loop3A_192 = tpu.vector_load %arg9[%parallel_loop3A_191] {strides = array<i32>} : memref<3200xf32, #tpu.memory_space<vmem>>, vector<16xf32>,
        tpu.vector_store %arg9[%parallel_loop3A_191], %parallel_loop3A_186 {strides = array<i32>} : memref<3200xf32, #tpu.memory_space<vmem>>, vector<16xf32>,
        tpu.vector_store_idx %arg13[%parallel_loop3A_182], %parallel_loop3A_186 {add = true} : memref<10000xf32, #tpu.memory_space<vmem>>[vector<16xi32>], vector<16xf32>,
        %parallel_loop3A_193 = arith.constant 1 : i32
        %parallel_loop3A_194 = arith.index_cast %parallel_loop3A_102 : i32 to index
        %parallel_loop3A_195 = arith.index_cast %parallel_loop3A_193 : i32 to index
        %parallel_loop3A_196 = arith.constant 96 : index
        %parallel_loop3A_197 = tpu.vector_load %arg7[%parallel_loop3A_194, %parallel_loop3A_195, %parallel_loop3A_196] {strides = array<i32>} : memref<25x2x128xi32, #tpu.memory_space<vmem>>, vector<16xi32>,
        %parallel_loop3A_198 = arith.index_cast %parallel_loop3A_102 : i32 to index
        %parallel_loop3A_199 = arith.constant 96 : index
        %parallel_loop3A_200 = tpu.vector_load %arg8[%parallel_loop3A_198, %parallel_loop3A_199] {strides = array<i32>} : memref<25x128xf32, #tpu.memory_space<vmem>>, vector<16xf32>,
        %parallel_loop3A_201 = math.exp %parallel_loop3A_200 : vector<16xf32>
        %parallel_loop3A_202 = arith.constant 128 : i32
        %parallel_loop3A_203 = arith.muli %parallel_loop3A_102, %parallel_loop3A_202 : i32
        %parallel_loop3A_204 = arith.constant 96 : i32
        %parallel_loop3A_205 = arith.addi %parallel_loop3A_203, %parallel_loop3A_204 : i32
        %parallel_loop3A_206 = arith.index_cast %parallel_loop3A_205 : i32 to index
        %parallel_loop3A_207 = tpu.vector_load %arg9[%parallel_loop3A_206] {strides = array<i32>} : memref<3200xf32, #tpu.memory_space<vmem>>, vector<16xf32>,
        tpu.vector_store %arg9[%parallel_loop3A_206], %parallel_loop3A_201 {strides = array<i32>} : memref<3200xf32, #tpu.memory_space<vmem>>, vector<16xf32>,
        tpu.vector_store_idx %arg13[%parallel_loop3A_197], %parallel_loop3A_201 {add = true} : memref<10000xf32, #tpu.memory_space<vmem>>[vector<16xi32>], vector<16xf32>,
        %parallel_loop3A_208 = arith.constant 1 : i32
        %parallel_loop3A_209 = arith.index_cast %parallel_loop3A_102 : i32 to index
        %parallel_loop3A_210 = arith.index_cast %parallel_loop3A_208 : i32 to index
        %parallel_loop3A_211 = arith.constant 112 : index
        %parallel_loop3A_212 = tpu.vector_load %arg7[%parallel_loop3A_209, %parallel_loop3A_210, %parallel_loop3A_211] {strides = array<i32>} : memref<25x2x128xi32, #tpu.memory_space<vmem>>, vector<16xi32>,
        %parallel_loop3A_213 = arith.index_cast %parallel_loop3A_102 : i32 to index
        %parallel_loop3A_214 = arith.constant 112 : index
        %parallel_loop3A_215 = tpu.vector_load %arg8[%parallel_loop3A_213, %parallel_loop3A_214] {strides = array<i32>} : memref<25x128xf32, #tpu.memory_space<vmem>>, vector<16xf32>,
        %parallel_loop3A_216 = math.exp %parallel_loop3A_215 : vector<16xf32>
        %parallel_loop3A_217 = arith.constant 128 : i32
        %parallel_loop3A_218 = arith.muli %parallel_loop3A_102, %parallel_loop3A_217 : i32
        %parallel_loop3A_219 = arith.constant 112 : i32
        %parallel_loop3A_220 = arith.addi %parallel_loop3A_218, %parallel_loop3A_219 : i32
        %parallel_loop3A_221 = arith.index_cast %parallel_loop3A_220 : i32 to index
        %parallel_loop3A_222 = tpu.vector_load %arg9[%parallel_loop3A_221] {strides = array<i32>} : memref<3200xf32, #tpu.memory_space<vmem>>, vector<16xf32>,
        tpu.vector_store %arg9[%parallel_loop3A_221], %parallel_loop3A_216 {strides = array<i32>} : memref<3200xf32, #tpu.memory_space<vmem>>, vector<16xf32>,
        tpu.vector_store_idx %arg13[%parallel_loop3A_212], %parallel_loop3A_216 {add = true} : memref<10000xf32, #tpu.memory_space<vmem>>[vector<16xi32>], vector<16xf32>,
      } {sc.loop_unroll_factor = 8 : i64, sc.parallel_access}
      %mul3A_96 = arith.constant 25 : i32
      %mul3A_97 = arith.muli %add3A_87, %mul3A_96 : i32
      %mul3A_98 = arith.constant 128 : i32
      %mul3A_99 = arith.muli %mul3A_97, %mul3A_98 : i32
      "tpu.region"() ({
        %run_scoped3A_102 = tpu.sem_alloc : memref<!tpu.dma_semaphore, #tpu.memory_space<semaphore_mem>>
        %dma_start3A = tpu.memref_slice %arg15[%mul3A_99] : memref<160000xf32, #tpu.memory_space<vmem_shared>> -> memref<3200xf32, #tpu.memory_space<vmem_shared>>
        %dma_start3A_103 = tpu.memref_slice %arg15[%mul3A_99] : memref<160000xf32, #tpu.memory_space<vmem_shared>> -> memref<3200xf32, #tpu.memory_space<vmem_shared>>
        tpu.enqueue_dma source(%arg9 : memref<3200xf32, #tpu.memory_space<vmem>>) target(%dma_start3A_103 : memref<3200xf32, #tpu.memory_space<vmem_shared>>) target_semaphore(%run_scoped3A_102 : memref<!tpu.dma_semaphore, #tpu.memory_space<semaphore_mem>>)
        %dma_wait3A = tpu.memref_slice %arg15[%mul3A_99] : memref<160000xf32, #tpu.memory_space<vmem_shared>> -> memref<3200xf32, #tpu.memory_space<vmem_shared>>
        %dma_wait3A_104 = tpu.memref_slice %arg15[%mul3A_99] : memref<160000xf32, #tpu.memory_space<vmem_shared>> -> memref<3200xf32, #tpu.memory_space<vmem_shared>>
        tpu.wait_dma2 semaphore(%run_scoped3A_102 : memref<!tpu.dma_semaphore, #tpu.memory_space<semaphore_mem>>) src(%arg9 : memref<3200xf32, #tpu.memory_space<vmem>>) dst(%dma_wait3A_104 : memref<3200xf32, #tpu.memory_space<vmem_shared>>)
        tpu.yield
      }) : () -> ()
      %mul3A_100 = arith.constant 25 : i32
      %mul3A_101 = arith.muli %add3A_87, %mul3A_100 : i32
      "tpu.region"() ({
        %run_scoped3A_102 = tpu.sem_alloc : memref<!tpu.dma_semaphore, #tpu.memory_space<semaphore_mem>>
        %dma_start3A = arith.constant 0 : i32
        %dma_start3A_103 = arith.constant 1 : i32
        %dma_start3A_104 = arith.constant 0 : i32
        %dma_start3A_105 = tpu.memref_slice %arg7[%dma_start3A, %dma_start3A_103, %dma_start3A_104] : memref<25x2x128xi32, #tpu.memory_space<vmem>> -> memref<25x1x128xi32, #tpu.memory_space<vmem>>
        %dma_start3A_106 = arith.constant 0 : i32
        %dma_start3A_107 = arith.constant 0 : i32
        %dma_start3A_108 = tpu.memref_slice %arg16[%mul3A_101, %dma_start3A_106, %dma_start3A_107] : memref<1250x1x128xi32, #tpu.memory_space<vmem_shared>> -> memref<25x1x128xi32, #tpu.memory_space<vmem_shared>>
        %dma_start3A_109 = arith.constant 0 : i32
        %dma_start3A_110 = arith.constant 0 : i32
        %dma_start3A_111 = tpu.memref_slice %arg16[%mul3A_101, %dma_start3A_109, %dma_start3A_110] : memref<1250x1x128xi32, #tpu.memory_space<vmem_shared>> -> memref<25x1x128xi32, #tpu.memory_space<vmem_shared>>
        %dma_start3A_112 = arith.constant 0 : i32
        %dma_start3A_113 = arith.constant 1 : i32
        %dma_start3A_114 = arith.constant 0 : i32
        %dma_start3A_115 = tpu.memref_slice %arg7[%dma_start3A_112, %dma_start3A_113, %dma_start3A_114] : memref<25x2x128xi32, #tpu.memory_space<vmem>> -> memref<25x1x128xi32, #tpu.memory_space<vmem>>
        tpu.enqueue_dma source(%dma_start3A_115 : memref<25x1x128xi32, #tpu.memory_space<vmem>>) target(%dma_start3A_111 : memref<25x1x128xi32, #tpu.memory_space<vmem_shared>>) target_semaphore(%run_scoped3A_102 : memref<!tpu.dma_semaphore, #tpu.memory_space<semaphore_mem>>)
        %dma_wait3A = arith.constant 0 : i32
        %dma_wait3A_116 = arith.constant 1 : i32
        %dma_wait3A_117 = arith.constant 0 : i32
        %dma_wait3A_118 = tpu.memref_slice %arg7[%dma_wait3A, %dma_wait3A_116, %dma_wait3A_117] : memref<25x2x128xi32, #tpu.memory_space<vmem>> -> memref<25x1x128xi32, #tpu.memory_space<vmem>>
        %dma_wait3A_119 = arith.constant 0 : i32
        %dma_wait3A_120 = arith.constant 0 : i32
        %dma_wait3A_121 = tpu.memref_slice %arg16[%mul3A_101, %dma_wait3A_119, %dma_wait3A_120] : memref<1250x1x128xi32, #tpu.memory_space<vmem_shared>> -> memref<25x1x128xi32, #tpu.memory_space<vmem_shared>>
        %dma_wait3A_122 = arith.constant 0 : i32
        %dma_wait3A_123 = arith.constant 0 : i32
        %dma_wait3A_124 = tpu.memref_slice %arg16[%mul3A_101, %dma_wait3A_122, %dma_wait3A_123] : memref<1250x1x128xi32, #tpu.memory_space<vmem_shared>> -> memref<25x1x128xi32, #tpu.memory_space<vmem_shared>>
        %dma_wait3A_125 = arith.constant 0 : i32
        %dma_wait3A_126 = arith.constant 1 : i32
        %dma_wait3A_127 = arith.constant 0 : i32
        %dma_wait3A_128 = tpu.memref_slice %arg7[%dma_wait3A_125, %dma_wait3A_126, %dma_wait3A_127] : memref<25x2x128xi32, #tpu.memory_space<vmem>> -> memref<25x1x128xi32, #tpu.memory_space<vmem>>
        tpu.wait_dma2 semaphore(%run_scoped3A_102 : memref<!tpu.dma_semaphore, #tpu.memory_space<semaphore_mem>>) src(%dma_wait3A_128 : memref<25x1x128xi32, #tpu.memory_space<vmem>>) dst(%dma_wait3A_124 : memref<25x1x128xi32, #tpu.memory_space<vmem_shared>>)
        tpu.yield
      }) : () -> ()
    }
    %barrier3A = arith.constant 0 : index
    tpu.barrier barrier_id(%barrier3A)
    %jit3A_33 = arith.constant 8 : i32
    %div3A_34 = arith.divsi %arg1, %jit3A_33 : i32
    %sign3A_35 = arith.constant 0 : i32
    %sign3A_36 = arith.cmpi sgt, %arg1, %sign3A_35 : i32
    %sign3A_37 = arith.extui %sign3A_36 : i1 to i32
    %sign3A_38 = arith.constant 0 : i32
    %sign3A_39 = arith.cmpi slt, %arg1, %sign3A_38 : i32
    %sign3A_40 = arith.extui %sign3A_39 : i1 to i32
    %sign3A_41 = arith.subi %sign3A_37, %sign3A_40 : i32
    %sign3A_42 = arith.constant 0 : i32
    %sign3A_43 = arith.cmpi sgt, %jit3A_33, %sign3A_42 : i32
    %sign3A_44 = arith.extui %sign3A_43 : i1 to i32
    %sign3A_45 = arith.constant 0 : i32
    %sign3A_46 = arith.cmpi slt, %jit3A_33, %sign3A_45 : i32
    %sign3A_47 = arith.extui %sign3A_46 : i1 to i32
    %sign3A_48 = arith.subi %sign3A_44, %sign3A_47 : i32
    %ne3A_49 = arith.cmpi ne, %sign3A_41, %sign3A_48 : i32
    %rem3A_50 = arith.remsi %arg1, %jit3A_33 : i32
    %ne3A_51 = arith.constant 0 : i32
    %ne3A_52 = arith.cmpi ne, %rem3A_50, %ne3A_51 : i32
    %and3A_53 = arith.andi %ne3A_49, %ne3A_52 : i1
    %sub3A_54 = arith.constant 1 : i32
    %sub3A_55 = arith.subi %div3A_34, %sub3A_54 : i32
    %select_n3A_56 = arith.select %and3A_53, %sub3A_55, %div3A_34 : i32
    %mul3A_57 = arith.constant 8 : i32
    %mul3A_58 = arith.muli %select_n3A_56, %mul3A_57 : i32
    %sub3A_59 = arith.subi %arg1, %mul3A_58 : i32
    %scan3A = arith.constant 0 : i32
    %scan3A_60 = arith.constant 0 : i32
    %scan3A_61 = arith.constant 25 : i32
    %scan3A_62 = arith.addi %scan3A_60, %scan3A_61 : i32
    %scan3A_63 = arith.constant 1 : i32
    scf.for %scan3A_84 = %scan3A_60 to %scan3A_62 step %scan3A_63  : i32 {
      %mul3A_85 = arith.constant 1250 : i32
      %mul3A_86 = arith.muli %arg0, %mul3A_85 : i32
      %mul3A_87 = arith.constant 50 : i32
      %mul3A_88 = arith.muli %scan3A_84, %mul3A_87 : i32
      %add3A_89 = arith.addi %mul3A_86, %mul3A_88 : i32
      %mul3A_90 = arith.constant 50 : i32
      %mul3A_91 = arith.muli %scan3A_84, %mul3A_90 : i32
      %mul3A_92 = arith.constant 128 : i32
      %mul3A_93 = arith.muli %mul3A_91, %mul3A_92 : i32
      "tpu.region"() ({
        %run_scoped3A_99 = tpu.sem_alloc : memref<!tpu.dma_semaphore, #tpu.memory_space<semaphore_mem>>
        %dma_start3A = arith.constant 0 : i32
        %dma_start3A_100 = tpu.memref_slice %arg4[%select_n3A_56, %add3A_89, %sub3A_59, %dma_start3A] : memref<2x2500x8x128xf32, #tpu.memory_space<hbm>> -> memref<1x50x1x128xf32, #tpu.memory_space<hbm>>
        %dma_start3A_101 = arith.constant 0 : i32
        %dma_start3A_102 = tpu.memref_slice %arg4[%select_n3A_56, %add3A_89, %sub3A_59, %dma_start3A_101] : memref<2x2500x8x128xf32, #tpu.memory_space<hbm>> -> memref<1x50x1x128xf32, #tpu.memory_space<hbm>>
        tpu.enqueue_dma source(%dma_start3A_102 : memref<1x50x1x128xf32, #tpu.memory_space<hbm>>) target(%arg11 : memref<1x50x1x128xf32, #tpu.memory_space<vmem>>) target_semaphore(%run_scoped3A_99 : memref<!tpu.dma_semaphore, #tpu.memory_space<semaphore_mem>>)
        %dma_wait3A = arith.constant 0 : i32
        %dma_wait3A_103 = tpu.memref_slice %arg4[%select_n3A_56, %add3A_89, %sub3A_59, %dma_wait3A] : memref<2x2500x8x128xf32, #tpu.memory_space<hbm>> -> memref<1x50x1x128xf32, #tpu.memory_space<hbm>>
        %dma_wait3A_104 = arith.constant 0 : i32
        %dma_wait3A_105 = tpu.memref_slice %arg4[%select_n3A_56, %add3A_89, %sub3A_59, %dma_wait3A_104] : memref<2x2500x8x128xf32, #tpu.memory_space<hbm>> -> memref<1x50x1x128xf32, #tpu.memory_space<hbm>>
        tpu.wait_dma2 semaphore(%run_scoped3A_99 : memref<!tpu.dma_semaphore, #tpu.memory_space<semaphore_mem>>) src(%dma_wait3A_105 : memref<1x50x1x128xf32, #tpu.memory_space<hbm>>) dst(%arg11 : memref<1x50x1x128xf32, #tpu.memory_space<vmem>>)
        tpu.yield
      }) : () -> ()
      "tpu.region"() ({
        %run_scoped3A_99 = tpu.sem_alloc : memref<!tpu.dma_semaphore, #tpu.memory_space<semaphore_mem>>
        %dma_start3A = tpu.memref_slice %arg15[%mul3A_93] : memref<160000xf32, #tpu.memory_space<vmem_shared>> -> memref<6400xf32, #tpu.memory_space<vmem_shared>>
        %dma_start3A_100 = tpu.memref_slice %arg15[%mul3A_93] : memref<160000xf32, #tpu.memory_space<vmem_shared>> -> memref<6400xf32, #tpu.memory_space<vmem_shared>>
        tpu.enqueue_dma source(%dma_start3A_100 : memref<6400xf32, #tpu.memory_space<vmem_shared>>) target(%arg12 : memref<6400xf32, #tpu.memory_space<vmem>>) target_semaphore(%run_scoped3A_99 : memref<!tpu.dma_semaphore, #tpu.memory_space<semaphore_mem>>)
        %dma_wait3A = tpu.memref_slice %arg15[%mul3A_93] : memref<160000xf32, #tpu.memory_space<vmem_shared>> -> memref<6400xf32, #tpu.memory_space<vmem_shared>>
        %dma_wait3A_101 = tpu.memref_slice %arg15[%mul3A_93] : memref<160000xf32, #tpu.memory_space<vmem_shared>> -> memref<6400xf32, #tpu.memory_space<vmem_shared>>
        tpu.wait_dma2 semaphore(%run_scoped3A_99 : memref<!tpu.dma_semaphore, #tpu.memory_space<semaphore_mem>>) src(%dma_wait3A_101 : memref<6400xf32, #tpu.memory_space<vmem_shared>>) dst(%arg12 : memref<6400xf32, #tpu.memory_space<vmem>>)
        tpu.yield
      }) : () -> ()
      %mul3A_94 = arith.constant 50 : i32
      %mul3A_95 = arith.muli %scan3A_84, %mul3A_94 : i32
      "tpu.region"() ({
        %run_scoped3A_99 = tpu.sem_alloc : memref<!tpu.dma_semaphore, #tpu.memory_space<semaphore_mem>>
        %dma_start3A = arith.constant 0 : i32
        %dma_start3A_100 = arith.constant 0 : i32
        %dma_start3A_101 = tpu.memref_slice %arg16[%mul3A_95, %dma_start3A, %dma_start3A_100] : memref<1250x1x128xi32, #tpu.memory_space<vmem_shared>> -> memref<50x1x128xi32, #tpu.memory_space<vmem_shared>>
        %dma_start3A_102 = arith.constant 0 : i32
        %dma_start3A_103 = arith.constant 0 : i32
        %dma_start3A_104 = tpu.memref_slice %arg16[%mul3A_95, %dma_start3A_102, %dma_start3A_103] : memref<1250x1x128xi32, #tpu.memory_space<vmem_shared>> -> memref<50x1x128xi32, #tpu.memory_space<vmem_shared>>
        tpu.enqueue_dma source(%dma_start3A_104 : memref<50x1x128xi32, #tpu.memory_space<vmem_shared>>) target(%arg10 : memref<50x1x128xi32, #tpu.memory_space<vmem>>) target_semaphore(%run_scoped3A_99 : memref<!tpu.dma_semaphore, #tpu.memory_space<semaphore_mem>>)
        %dma_wait3A = arith.constant 0 : i32
        %dma_wait3A_105 = arith.constant 0 : i32
        %dma_wait3A_106 = tpu.memref_slice %arg16[%mul3A_95, %dma_wait3A, %dma_wait3A_105] : memref<1250x1x128xi32, #tpu.memory_space<vmem_shared>> -> memref<50x1x128xi32, #tpu.memory_space<vmem_shared>>
        %dma_wait3A_107 = arith.constant 0 : i32
        %dma_wait3A_108 = arith.constant 0 : i32
        %dma_wait3A_109 = tpu.memref_slice %arg16[%mul3A_95, %dma_wait3A_107, %dma_wait3A_108] : memref<1250x1x128xi32, #tpu.memory_space<vmem_shared>> -> memref<50x1x128xi32, #tpu.memory_space<vmem_shared>>
        tpu.wait_dma2 semaphore(%run_scoped3A_99 : memref<!tpu.dma_semaphore, #tpu.memory_space<semaphore_mem>>) src(%dma_wait3A_109 : memref<50x1x128xi32, #tpu.memory_space<vmem_shared>>) dst(%arg10 : memref<50x1x128xi32, #tpu.memory_space<vmem>>)
        tpu.yield
      }) : () -> ()
      %parallel_loop3A_96 = arith.constant 0 : i32
      %parallel_loop3A_97 = arith.constant 50 : i32
      %parallel_loop3A_98 = arith.constant 1 : i32
      scf.for %parallel_loop3A_99 = %parallel_loop3A_96 to %parallel_loop3A_97 step %parallel_loop3A_98  : i32 {
        %parallel_loop3A_100 = arith.constant 0 : i32
        %parallel_loop3A_101 = arith.index_cast %parallel_loop3A_99 : i32 to index
        %parallel_loop3A_102 = arith.index_cast %parallel_loop3A_100 : i32 to index
        %parallel_loop3A_103 = arith.constant 0 : index
        %parallel_loop3A_104 = tpu.vector_load %arg10[%parallel_loop3A_101, %parallel_loop3A_102, %parallel_loop3A_103] {strides = array<i32>} : memref<50x1x128xi32, #tpu.memory_space<vmem>>, vector<16xi32>,
        %parallel_loop3A_105 = arith.constant 128 : i32
        %parallel_loop3A_106 = arith.muli %parallel_loop3A_99, %parallel_loop3A_105 : i32
        %parallel_loop3A_107 = arith.constant 0 : i32
        %parallel_loop3A_108 = arith.addi %parallel_loop3A_106, %parallel_loop3A_107 : i32
        %parallel_loop3A_109 = arith.index_cast %parallel_loop3A_108 : i32 to index
        %parallel_loop3A_110 = tpu.vector_load %arg12[%parallel_loop3A_109] {strides = array<i32>} : memref<6400xf32, #tpu.memory_space<vmem>>, vector<16xf32>,
        %parallel_loop3A_111 = arith.constant 0 : i32
        %parallel_loop3A_112 = arith.constant 0 : i32
        %parallel_loop3A_113 = arith.index_cast %parallel_loop3A_111 : i32 to index
        %parallel_loop3A_114 = arith.index_cast %parallel_loop3A_99 : i32 to index
        %parallel_loop3A_115 = arith.index_cast %parallel_loop3A_112 : i32 to index
        %parallel_loop3A_116 = arith.constant 0 : index
        %parallel_loop3A_117 = tpu.vector_load %arg11[%parallel_loop3A_113, %parallel_loop3A_114, %parallel_loop3A_115, %parallel_loop3A_116] {strides = array<i32>} : memref<1x50x1x128xf32, #tpu.memory_space<vmem>>, vector<16xf32>,
        %parallel_loop3A_118 = arith.mulf %parallel_loop3A_117, %parallel_loop3A_110 : vector<16xf32>
        tpu.vector_store_idx %arg14[%parallel_loop3A_104], %parallel_loop3A_118 {add = true} : memref<10000xf32, #tpu.memory_space<vmem>>[vector<16xi32>], vector<16xf32>,
        %parallel_loop3A_119 = arith.constant 0 : i32
        %parallel_loop3A_120 = arith.index_cast %parallel_loop3A_99 : i32 to index
        %parallel_loop3A_121 = arith.index_cast %parallel_loop3A_119 : i32 to index
        %parallel_loop3A_122 = arith.constant 16 : index
        %parallel_loop3A_123 = tpu.vector_load %arg10[%parallel_loop3A_120, %parallel_loop3A_121, %parallel_loop3A_122] {strides = array<i32>} : memref<50x1x128xi32, #tpu.memory_space<vmem>>, vector<16xi32>,
        %parallel_loop3A_124 = arith.constant 128 : i32
        %parallel_loop3A_125 = arith.muli %parallel_loop3A_99, %parallel_loop3A_124 : i32
        %parallel_loop3A_126 = arith.constant 16 : i32
        %parallel_loop3A_127 = arith.addi %parallel_loop3A_125, %parallel_loop3A_126 : i32
        %parallel_loop3A_128 = arith.index_cast %parallel_loop3A_127 : i32 to index
        %parallel_loop3A_129 = tpu.vector_load %arg12[%parallel_loop3A_128] {strides = array<i32>} : memref<6400xf32, #tpu.memory_space<vmem>>, vector<16xf32>,
        %parallel_loop3A_130 = arith.constant 0 : i32
        %parallel_loop3A_131 = arith.constant 0 : i32
        %parallel_loop3A_132 = arith.index_cast %parallel_loop3A_130 : i32 to index
        %parallel_loop3A_133 = arith.index_cast %parallel_loop3A_99 : i32 to index
        %parallel_loop3A_134 = arith.index_cast %parallel_loop3A_131 : i32 to index
        %parallel_loop3A_135 = arith.constant 16 : index
        %parallel_loop3A_136 = tpu.vector_load %arg11[%parallel_loop3A_132, %parallel_loop3A_133, %parallel_loop3A_134, %parallel_loop3A_135] {strides = array<i32>} : memref<1x50x1x128xf32, #tpu.memory_space<vmem>>, vector<16xf32>,
        %parallel_loop3A_137 = arith.mulf %parallel_loop3A_136, %parallel_loop3A_129 : vector<16xf32>
        tpu.vector_store_idx %arg14[%parallel_loop3A_123], %parallel_loop3A_137 {add = true} : memref<10000xf32, #tpu.memory_space<vmem>>[vector<16xi32>], vector<16xf32>,
        %parallel_loop3A_138 = arith.constant 0 : i32
        %parallel_loop3A_139 = arith.index_cast %parallel_loop3A_99 : i32 to index
        %parallel_loop3A_140 = arith.index_cast %parallel_loop3A_138 : i32 to index
        %parallel_loop3A_141 = arith.constant 32 : index
        %parallel_loop3A_142 = tpu.vector_load %arg10[%parallel_loop3A_139, %parallel_loop3A_140, %parallel_loop3A_141] {strides = array<i32>} : memref<50x1x128xi32, #tpu.memory_space<vmem>>, vector<16xi32>,
        %parallel_loop3A_143 = arith.constant 128 : i32
        %parallel_loop3A_144 = arith.muli %parallel_loop3A_99, %parallel_loop3A_143 : i32
        %parallel_loop3A_145 = arith.constant 32 : i32
        %parallel_loop3A_146 = arith.addi %parallel_loop3A_144, %parallel_loop3A_145 : i32
        %parallel_loop3A_147 = arith.index_cast %parallel_loop3A_146 : i32 to index
        %parallel_loop3A_148 = tpu.vector_load %arg12[%parallel_loop3A_147] {strides = array<i32>} : memref<6400xf32, #tpu.memory_space<vmem>>, vector<16xf32>,
        %parallel_loop3A_149 = arith.constant 0 : i32
        %parallel_loop3A_150 = arith.constant 0 : i32
        %parallel_loop3A_151 = arith.index_cast %parallel_loop3A_149 : i32 to index
        %parallel_loop3A_152 = arith.index_cast %parallel_loop3A_99 : i32 to index
        %parallel_loop3A_153 = arith.index_cast %parallel_loop3A_150 : i32 to index
        %parallel_loop3A_154 = arith.constant 32 : index
        %parallel_loop3A_155 = tpu.vector_load %arg11[%parallel_loop3A_151, %parallel_loop3A_152, %parallel_loop3A_153, %parallel_loop3A_154] {strides = array<i32>} : memref<1x50x1x128xf32, #tpu.memory_space<vmem>>, vector<16xf32>,
        %parallel_loop3A_156 = arith.mulf %parallel_loop3A_155, %parallel_loop3A_148 : vector<16xf32>
        tpu.vector_store_idx %arg14[%parallel_loop3A_142], %parallel_loop3A_156 {add = true} : memref<10000xf32, #tpu.memory_space<vmem>>[vector<16xi32>], vector<16xf32>,
        %parallel_loop3A_157 = arith.constant 0 : i32
        %parallel_loop3A_158 = arith.index_cast %parallel_loop3A_99 : i32 to index
        %parallel_loop3A_159 = arith.index_cast %parallel_loop3A_157 : i32 to index
        %parallel_loop3A_160 = arith.constant 48 : index
        %parallel_loop3A_161 = tpu.vector_load %arg10[%parallel_loop3A_158, %parallel_loop3A_159, %parallel_loop3A_160] {strides = array<i32>} : memref<50x1x128xi32, #tpu.memory_space<vmem>>, vector<16xi32>,
        %parallel_loop3A_162 = arith.constant 128 : i32
        %parallel_loop3A_163 = arith.muli %parallel_loop3A_99, %parallel_loop3A_162 : i32
        %parallel_loop3A_164 = arith.constant 48 : i32
        %parallel_loop3A_165 = arith.addi %parallel_loop3A_163, %parallel_loop3A_164 : i32
        %parallel_loop3A_166 = arith.index_cast %parallel_loop3A_165 : i32 to index
        %parallel_loop3A_167 = tpu.vector_load %arg12[%parallel_loop3A_166] {strides = array<i32>} : memref<6400xf32, #tpu.memory_space<vmem>>, vector<16xf32>,
        %parallel_loop3A_168 = arith.constant 0 : i32
        %parallel_loop3A_169 = arith.constant 0 : i32
        %parallel_loop3A_170 = arith.index_cast %parallel_loop3A_168 : i32 to index
        %parallel_loop3A_171 = arith.index_cast %parallel_loop3A_99 : i32 to index
        %parallel_loop3A_172 = arith.index_cast %parallel_loop3A_169 : i32 to index
        %parallel_loop3A_173 = arith.constant 48 : index
        %parallel_loop3A_174 = tpu.vector_load %arg11[%parallel_loop3A_170, %parallel_loop3A_171, %parallel_loop3A_172, %parallel_loop3A_173] {strides = array<i32>} : memref<1x50x1x128xf32, #tpu.memory_space<vmem>>, vector<16xf32>,
        %parallel_loop3A_175 = arith.mulf %parallel_loop3A_174, %parallel_loop3A_167 : vector<16xf32>
        tpu.vector_store_idx %arg14[%parallel_loop3A_161], %parallel_loop3A_175 {add = true} : memref<10000xf32, #tpu.memory_space<vmem>>[vector<16xi32>], vector<16xf32>,
        %parallel_loop3A_176 = arith.constant 0 : i32
        %parallel_loop3A_177 = arith.index_cast %parallel_loop3A_99 : i32 to index
        %parallel_loop3A_178 = arith.index_cast %parallel_loop3A_176 : i32 to index
        %parallel_loop3A_179 = arith.constant 64 : index
        %parallel_loop3A_180 = tpu.vector_load %arg10[%parallel_loop3A_177, %parallel_loop3A_178, %parallel_loop3A_179] {strides = array<i32>} : memref<50x1x128xi32, #tpu.memory_space<vmem>>, vector<16xi32>,
        %parallel_loop3A_181 = arith.constant 128 : i32
        %parallel_loop3A_182 = arith.muli %parallel_loop3A_99, %parallel_loop3A_181 : i32
        %parallel_loop3A_183 = arith.constant 64 : i32
        %parallel_loop3A_184 = arith.addi %parallel_loop3A_182, %parallel_loop3A_183 : i32
        %parallel_loop3A_185 = arith.index_cast %parallel_loop3A_184 : i32 to index
        %parallel_loop3A_186 = tpu.vector_load %arg12[%parallel_loop3A_185] {strides = array<i32>} : memref<6400xf32, #tpu.memory_space<vmem>>, vector<16xf32>,
        %parallel_loop3A_187 = arith.constant 0 : i32
        %parallel_loop3A_188 = arith.constant 0 : i32
        %parallel_loop3A_189 = arith.index_cast %parallel_loop3A_187 : i32 to index
        %parallel_loop3A_190 = arith.index_cast %parallel_loop3A_99 : i32 to index
        %parallel_loop3A_191 = arith.index_cast %parallel_loop3A_188 : i32 to index
        %parallel_loop3A_192 = arith.constant 64 : index
        %parallel_loop3A_193 = tpu.vector_load %arg11[%parallel_loop3A_189, %parallel_loop3A_190, %parallel_loop3A_191, %parallel_loop3A_192] {strides = array<i32>} : memref<1x50x1x128xf32, #tpu.memory_space<vmem>>, vector<16xf32>,
        %parallel_loop3A_194 = arith.mulf %parallel_loop3A_193, %parallel_loop3A_186 : vector<16xf32>
        tpu.vector_store_idx %arg14[%parallel_loop3A_180], %parallel_loop3A_194 {add = true} : memref<10000xf32, #tpu.memory_space<vmem>>[vector<16xi32>], vector<16xf32>,
        %parallel_loop3A_195 = arith.constant 0 : i32
        %parallel_loop3A_196 = arith.index_cast %parallel_loop3A_99 : i32 to index
        %parallel_loop3A_197 = arith.index_cast %parallel_loop3A_195 : i32 to index
        %parallel_loop3A_198 = arith.constant 80 : index
        %parallel_loop3A_199 = tpu.vector_load %arg10[%parallel_loop3A_196, %parallel_loop3A_197, %parallel_loop3A_198] {strides = array<i32>} : memref<50x1x128xi32, #tpu.memory_space<vmem>>, vector<16xi32>,
        %parallel_loop3A_200 = arith.constant 128 : i32
        %parallel_loop3A_201 = arith.muli %parallel_loop3A_99, %parallel_loop3A_200 : i32
        %parallel_loop3A_202 = arith.constant 80 : i32
        %parallel_loop3A_203 = arith.addi %parallel_loop3A_201, %parallel_loop3A_202 : i32
        %parallel_loop3A_204 = arith.index_cast %parallel_loop3A_203 : i32 to index
        %parallel_loop3A_205 = tpu.vector_load %arg12[%parallel_loop3A_204] {strides = array<i32>} : memref<6400xf32, #tpu.memory_space<vmem>>, vector<16xf32>,
        %parallel_loop3A_206 = arith.constant 0 : i32
        %parallel_loop3A_207 = arith.constant 0 : i32
        %parallel_loop3A_208 = arith.index_cast %parallel_loop3A_206 : i32 to index
        %parallel_loop3A_209 = arith.index_cast %parallel_loop3A_99 : i32 to index
        %parallel_loop3A_210 = arith.index_cast %parallel_loop3A_207 : i32 to index
        %parallel_loop3A_211 = arith.constant 80 : index
        %parallel_loop3A_212 = tpu.vector_load %arg11[%parallel_loop3A_208, %parallel_loop3A_209, %parallel_loop3A_210, %parallel_loop3A_211] {strides = array<i32>} : memref<1x50x1x128xf32, #tpu.memory_space<vmem>>, vector<16xf32>,
        %parallel_loop3A_213 = arith.mulf %parallel_loop3A_212, %parallel_loop3A_205 : vector<16xf32>
        tpu.vector_store_idx %arg14[%parallel_loop3A_199], %parallel_loop3A_213 {add = true} : memref<10000xf32, #tpu.memory_space<vmem>>[vector<16xi32>], vector<16xf32>,
        %parallel_loop3A_214 = arith.constant 0 : i32
        %parallel_loop3A_215 = arith.index_cast %parallel_loop3A_99 : i32 to index
        %parallel_loop3A_216 = arith.index_cast %parallel_loop3A_214 : i32 to index
        %parallel_loop3A_217 = arith.constant 96 : index
        %parallel_loop3A_218 = tpu.vector_load %arg10[%parallel_loop3A_215, %parallel_loop3A_216, %parallel_loop3A_217] {strides = array<i32>} : memref<50x1x128xi32, #tpu.memory_space<vmem>>, vector<16xi32>,
        %parallel_loop3A_219 = arith.constant 128 : i32
        %parallel_loop3A_220 = arith.muli %parallel_loop3A_99, %parallel_loop3A_219 : i32
        %parallel_loop3A_221 = arith.constant 96 : i32
        %parallel_loop3A_222 = arith.addi %parallel_loop3A_220, %parallel_loop3A_221 : i32
        %parallel_loop3A_223 = arith.index_cast %parallel_loop3A_222 : i32 to index
        %parallel_loop3A_224 = tpu.vector_load %arg12[%parallel_loop3A_223] {strides = array<i32>} : memref<6400xf32, #tpu.memory_space<vmem>>, vector<16xf32>,
        %parallel_loop3A_225 = arith.constant 0 : i32
        %parallel_loop3A_226 = arith.constant 0 : i32
        %parallel_loop3A_227 = arith.index_cast %parallel_loop3A_225 : i32 to index
        %parallel_loop3A_228 = arith.index_cast %parallel_loop3A_99 : i32 to index
        %parallel_loop3A_229 = arith.index_cast %parallel_loop3A_226 : i32 to index
        %parallel_loop3A_230 = arith.constant 96 : index
        %parallel_loop3A_231 = tpu.vector_load %arg11[%parallel_loop3A_227, %parallel_loop3A_228, %parallel_loop3A_229, %parallel_loop3A_230] {strides = array<i32>} : memref<1x50x1x128xf32, #tpu.memory_space<vmem>>, vector<16xf32>,
        %parallel_loop3A_232 = arith.mulf %parallel_loop3A_231, %parallel_loop3A_224 : vector<16xf32>
        tpu.vector_store_idx %arg14[%parallel_loop3A_218], %parallel_loop3A_232 {add = true} : memref<10000xf32, #tpu.memory_space<vmem>>[vector<16xi32>], vector<16xf32>,
        %parallel_loop3A_233 = arith.constant 0 : i32
        %parallel_loop3A_234 = arith.index_cast %parallel_loop3A_99 : i32 to index
        %parallel_loop3A_235 = arith.index_cast %parallel_loop3A_233 : i32 to index
        %parallel_loop3A_236 = arith.constant 112 : index
        %parallel_loop3A_237 = tpu.vector_load %arg10[%parallel_loop3A_234, %parallel_loop3A_235, %parallel_loop3A_236] {strides = array<i32>} : memref<50x1x128xi32, #tpu.memory_space<vmem>>, vector<16xi32>,
        %parallel_loop3A_238 = arith.constant 128 : i32
        %parallel_loop3A_239 = arith.muli %parallel_loop3A_99, %parallel_loop3A_238 : i32
        %parallel_loop3A_240 = arith.constant 112 : i32
        %parallel_loop3A_241 = arith.addi %parallel_loop3A_239, %parallel_loop3A_240 : i32
        %parallel_loop3A_242 = arith.index_cast %parallel_loop3A_241 : i32 to index
        %parallel_loop3A_243 = tpu.vector_load %arg12[%parallel_loop3A_242] {strides = array<i32>} : memref<6400xf32, #tpu.memory_space<vmem>>, vector<16xf32>,
        %parallel_loop3A_244 = arith.constant 0 : i32
        %parallel_loop3A_245 = arith.constant 0 : i32
        %parallel_loop3A_246 = arith.index_cast %parallel_loop3A_244 : i32 to index
        %parallel_loop3A_247 = arith.index_cast %parallel_loop3A_99 : i32 to index
        %parallel_loop3A_248 = arith.index_cast %parallel_loop3A_245 : i32 to index
        %parallel_loop3A_249 = arith.constant 112 : index
        %parallel_loop3A_250 = tpu.vector_load %arg11[%parallel_loop3A_246, %parallel_loop3A_247, %parallel_loop3A_248, %parallel_loop3A_249] {strides = array<i32>} : memref<1x50x1x128xf32, #tpu.memory_space<vmem>>, vector<16xf32>,
        %parallel_loop3A_251 = arith.mulf %parallel_loop3A_250, %parallel_loop3A_243 : vector<16xf32>
        tpu.vector_store_idx %arg14[%parallel_loop3A_237], %parallel_loop3A_251 {add = true} : memref<10000xf32, #tpu.memory_space<vmem>>[vector<16xi32>], vector<16xf32>,
      } {sc.loop_unroll_factor = 8 : i64, sc.parallel_access}
    }
    %scan3A_64 = arith.constant 25 : i32
    %run_scoped3A = arith.constant 0 : i32
    "tpu.region"() ({
      %run_scoped3A_84 = tpu.sem_alloc : memref<!tpu.dma_semaphore, #tpu.memory_space<semaphore_mem>>
      %dma_start3A = arith.constant 0 : i32
      %dma_start3A_85 = tpu.memref_slice %arg13[%dma_start3A] : memref<10000xf32, #tpu.memory_space<vmem>> -> memref<1000xf32, #tpu.memory_space<vmem>>
      %dma_start3A_86 = arith.constant 0 : i32
      %dma_start3A_87 = arith.constant 0 : i32
      %dma_start3A_88 = tpu.memref_slice %arg6[%run_scoped3A, %dma_start3A_86, %dma_start3A_87] : memref<10x32x1000xf32, #tpu.memory_space<hbm>> -> memref<1x32x1000xf32, #tpu.memory_space<hbm>>
      %dma_start3A_89 = tpu.memref_squeeze %dma_start3A_88 : memref<1x32x1000xf32, #tpu.memory_space<hbm>> -> memref<32x1000xf32, #tpu.memory_space<hbm>>
      %dma_start3A_90 = arith.constant 0 : i32
      %dma_start3A_91 = tpu.memref_slice %dma_start3A_89[%add3A, %dma_start3A_90] : memref<32x1000xf32, #tpu.memory_space<hbm>> -> memref<1x1000xf32, #tpu.memory_space<hbm>>
      %dma_start3A_92 = tpu.memref_squeeze %dma_start3A_91 : memref<1x1000xf32, #tpu.memory_space<hbm>> -> memref<1000xf32, #tpu.memory_space<hbm>>
      %dma_start3A_93 = arith.constant 0 : i32
      %dma_start3A_94 = arith.constant 0 : i32
      %dma_start3A_95 = tpu.memref_slice %arg6[%run_scoped3A, %dma_start3A_93, %dma_start3A_94] : memref<10x32x1000xf32, #tpu.memory_space<hbm>> -> memref<1x32x1000xf32, #tpu.memory_space<hbm>>
      %dma_start3A_96 = tpu.memref_squeeze %dma_start3A_95 : memref<1x32x1000xf32, #tpu.memory_space<hbm>> -> memref<32x1000xf32, #tpu.memory_space<hbm>>
      %dma_start3A_97 = arith.constant 0 : i32
      %dma_start3A_98 = tpu.memref_slice %dma_start3A_96[%add3A, %dma_start3A_97] : memref<32x1000xf32, #tpu.memory_space<hbm>> -> memref<1x1000xf32, #tpu.memory_space<hbm>>
      %dma_start3A_99 = tpu.memref_squeeze %dma_start3A_98 : memref<1x1000xf32, #tpu.memory_space<hbm>> -> memref<1000xf32, #tpu.memory_space<hbm>>
      %dma_start3A_100 = arith.constant 0 : i32
      %dma_start3A_101 = tpu.memref_slice %arg13[%dma_start3A_100] : memref<10000xf32, #tpu.memory_space<vmem>> -> memref<1000xf32, #tpu.memory_space<vmem>>
      tpu.enqueue_dma source(%dma_start3A_101 : memref<1000xf32, #tpu.memory_space<vmem>>) target(%dma_start3A_99 : memref<1000xf32, #tpu.memory_space<hbm>>) target_semaphore(%run_scoped3A_84 : memref<!tpu.dma_semaphore, #tpu.memory_space<semaphore_mem>>)
      %dma_wait3A = arith.constant 0 : i32
      %dma_wait3A_102 = tpu.memref_slice %arg13[%dma_wait3A] : memref<10000xf32, #tpu.memory_space<vmem>> -> memref<1000xf32, #tpu.memory_space<vmem>>
      %dma_wait3A_103 = arith.constant 0 : i32
      %dma_wait3A_104 = arith.constant 0 : i32
      %dma_wait3A_105 = tpu.memref_slice %arg6[%run_scoped3A, %dma_wait3A_103, %dma_wait3A_104] : memref<10x32x1000xf32, #tpu.memory_space<hbm>> -> memref<1x32x1000xf32, #tpu.memory_space<hbm>>
      %dma_wait3A_106 = tpu.memref_squeeze %dma_wait3A_105 : memref<1x32x1000xf32, #tpu.memory_space<hbm>> -> memref<32x1000xf32, #tpu.memory_space<hbm>>
      %dma_wait3A_107 = arith.constant 0 : i32
      %dma_wait3A_108 = tpu.memref_slice %dma_wait3A_106[%add3A, %dma_wait3A_107] : memref<32x1000xf32, #tpu.memory_space<hbm>> -> memref<1x1000xf32, #tpu.memory_space<hbm>>
      %dma_wait3A_109 = tpu.memref_squeeze %dma_wait3A_108 : memref<1x1000xf32, #tpu.memory_space<hbm>> -> memref<1000xf32, #tpu.memory_space<hbm>>
      %dma_wait3A_110 = arith.constant 0 : i32
      %dma_wait3A_111 = arith.constant 0 : i32
      %dma_wait3A_112 = tpu.memref_slice %arg6[%run_scoped3A, %dma_wait3A_110, %dma_wait3A_111] : memref<10x32x1000xf32, #tpu.memory_space<hbm>> -> memref<1x32x1000xf32, #tpu.memory_space<hbm>>
      %dma_wait3A_113 = tpu.memref_squeeze %dma_wait3A_112 : memref<1x32x1000xf32, #tpu.memory_space<hbm>> -> memref<32x1000xf32, #tpu.memory_space<hbm>>
      %dma_wait3A_114 = arith.constant 0 : i32
      %dma_wait3A_115 = tpu.memref_slice %dma_wait3A_113[%add3A, %dma_wait3A_114] : memref<32x1000xf32, #tpu.memory_space<hbm>> -> memref<1x1000xf32, #tpu.memory_space<hbm>>
      %dma_wait3A_116 = tpu.memref_squeeze %dma_wait3A_115 : memref<1x1000xf32, #tpu.memory_space<hbm>> -> memref<1000xf32, #tpu.memory_space<hbm>>
      %dma_wait3A_117 = arith.constant 0 : i32
      %dma_wait3A_118 = tpu.memref_slice %arg13[%dma_wait3A_117] : memref<10000xf32, #tpu.memory_space<vmem>> -> memref<1000xf32, #tpu.memory_space<vmem>>
      tpu.wait_dma2 semaphore(%run_scoped3A_84 : memref<!tpu.dma_semaphore, #tpu.memory_space<semaphore_mem>>) src(%dma_wait3A_118 : memref<1000xf32, #tpu.memory_space<vmem>>) dst(%dma_wait3A_116 : memref<1000xf32, #tpu.memory_space<hbm>>)
      tpu.yield
    }) : () -> ()
    %run_scoped3A_65 = arith.constant 0 : i32
    "tpu.region"() ({
      %run_scoped3A_84 = tpu.sem_alloc : memref<!tpu.dma_semaphore, #tpu.memory_space<semaphore_mem>>
      %dma_start3A = arith.constant 0 : i32
      %dma_start3A_85 = tpu.memref_slice %arg14[%dma_start3A] : memref<10000xf32, #tpu.memory_space<vmem>> -> memref<1000xf32, #tpu.memory_space<vmem>>
      %dma_start3A_86 = arith.constant 0 : i32
      %dma_start3A_87 = arith.constant 0 : i32
      %dma_start3A_88 = arith.constant 0 : i32
      %dma_start3A_89 = tpu.memref_slice %arg5[%run_scoped3A_65, %dma_start3A_86, %dma_start3A_87, %dma_start3A_88] : memref<10x2x16x1000xf32, #tpu.memory_space<hbm>> -> memref<1x2x16x1000xf32, #tpu.memory_space<hbm>>
      %dma_start3A_90 = tpu.memref_squeeze %dma_start3A_89 : memref<1x2x16x1000xf32, #tpu.memory_space<hbm>> -> memref<2x16x1000xf32, #tpu.memory_space<hbm>>
      %dma_start3A_91 = arith.constant 0 : i32
      %dma_start3A_92 = arith.constant 0 : i32
      %dma_start3A_93 = tpu.memref_slice %dma_start3A_90[%arg0, %dma_start3A_91, %dma_start3A_92] : memref<2x16x1000xf32, #tpu.memory_space<hbm>> -> memref<1x16x1000xf32, #tpu.memory_space<hbm>>
      %dma_start3A_94 = tpu.memref_squeeze %dma_start3A_93 : memref<1x16x1000xf32, #tpu.memory_space<hbm>> -> memref<16x1000xf32, #tpu.memory_space<hbm>>
      %dma_start3A_95 = arith.constant 0 : i32
      %dma_start3A_96 = tpu.memref_slice %dma_start3A_94[%arg1, %dma_start3A_95] : memref<16x1000xf32, #tpu.memory_space<hbm>> -> memref<1x1000xf32, #tpu.memory_space<hbm>>
      %dma_start3A_97 = tpu.memref_squeeze %dma_start3A_96 : memref<1x1000xf32, #tpu.memory_space<hbm>> -> memref<1000xf32, #tpu.memory_space<hbm>>
      %dma_start3A_98 = arith.constant 0 : i32
      %dma_start3A_99 = arith.constant 0 : i32
      %dma_start3A_100 = arith.constant 0 : i32
      %dma_start3A_101 = tpu.memref_slice %arg5[%run_scoped3A_65, %dma_start3A_98, %dma_start3A_99, %dma_start3A_100] : memref<10x2x16x1000xf32, #tpu.memory_space<hbm>> -> memref<1x2x16x1000xf32, #tpu.memory_space<hbm>>
      %dma_start3A_102 = tpu.memref_squeeze %dma_start3A_101 : memref<1x2x16x1000xf32, #tpu.memory_space<hbm>> -> memref<2x16x1000xf32, #tpu.memory_space<hbm>>
      %dma_start3A_103 = arith.constant 0 : i32
      %dma_start3A_104 = arith.constant 0 : i32
      %dma_start3A_105 = tpu.memref_slice %dma_start3A_102[%arg0, %dma_start3A_103, %dma_start3A_104] : memref<2x16x1000xf32, #tpu.memory_space<hbm>> -> memref<1x16x1000xf32, #tpu.memory_space<hbm>>
      %dma_start3A_106 = tpu.memref_squeeze %dma_start3A_105 : memref<1x16x1000xf32, #tpu.memory_space<hbm>> -> memref<16x1000xf32, #tpu.memory_space<hbm>>
      %dma_start3A_107 = arith.constant 0 : i32
      %dma_start3A_108 = tpu.memref_slice %dma_start3A_106[%arg1, %dma_start3A_107] : memref<16x1000xf32, #tpu.memory_space<hbm>> -> memref<1x1000xf32, #tpu.memory_space<hbm>>
      %dma_start3A_109 = tpu.memref_squeeze %dma_start3A_108 : memref<1x1000xf32, #tpu.memory_space<hbm>> -> memref<1000xf32, #tpu.memory_space<hbm>>
      %dma_start3A_110 = arith.constant 0 : i32
      %dma_start3A_111 = tpu.memref_slice %arg14[%dma_start3A_110] : memref<10000xf32, #tpu.memory_space<vmem>> -> memref<1000xf32, #tpu.memory_space<vmem>>
      tpu.enqueue_dma source(%dma_start3A_111 : memref<1000xf32, #tpu.memory_space<vmem>>) target(%dma_start3A_109 : memref<1000xf32, #tpu.memory_space<hbm>>) target_semaphore(%run_scoped3A_84 : memref<!tpu.dma_semaphore, #tpu.memory_space<semaphore_mem>>)
      %dma_wait3A = arith.constant 0 : i32
      %dma_wait3A_112 = tpu.memref_slice %arg14[%dma_wait3A] : memref<10000xf32, #tpu.memory_space<vmem>> -> memref<1000xf32, #tpu.memory_space<vmem>>
      %dma_wait3A_113 = arith.constant 0 : i32
      %dma_wait3A_114 = arith.constant 0 : i32
      %dma_wait3A_115 = arith.constant 0 : i32
      %dma_wait3A_116 = tpu.memref_slice %arg5[%run_scoped3A_65, %dma_wait3A_113, %dma_wait3A_114, %dma_wait3A_115] : memref<10x2x16x1000xf32, #tpu.memory_space<hbm>> -> memref<1x2x16x1000xf32, #tpu.memory_space<hbm>>
      %dma_wait3A_117 = tpu.memref_squeeze %dma_wait3A_116 : memref<1x2x16x1000xf32, #tpu.memory_space<hbm>> -> memref<2x16x1000xf32, #tpu.memory_space<hbm>>
      %dma_wait3A_118 = arith.constant 0 : i32
      %dma_wait3A_119 = arith.constant 0 : i32
      %dma_wait3A_120 = tpu.memref_slice %dma_wait3A_117[%arg0, %dma_wait3A_118, %dma_wait3A_119] : memref<2x16x1000xf32, #tpu.memory_space<hbm>> -> memref<1x16x1000xf32, #tpu.memory_space<hbm>>
      %dma_wait3A_121 = tpu.memref_squeeze %dma_wait3A_120 : memref<1x16x1000xf32, #tpu.memory_space<hbm>> -> memref<16x1000xf32, #tpu.memory_space<hbm>>
      %dma_wait3A_122 = arith.constant 0 : i32
      %dma_wait3A_123 = tpu.memref_slice %dma_wait3A_121[%arg1, %dma_wait3A_122] : memref<16x1000xf32, #tpu.memory_space<hbm>> -> memref<1x1000xf32, #tpu.memory_space<hbm>>
      %dma_wait3A_124 = tpu.memref_squeeze %dma_wait3A_123 : memref<1x1000xf32, #tpu.memory_space<hbm>> -> memref<1000xf32, #tpu.memory_space<hbm>>
      %dma_wait3A_125 = arith.constant 0 : i32
      %dma_wait3A_126 = arith.constant 0 : i32
      %dma_wait3A_127 = arith.constant 0 : i32
      %dma_wait3A_128 = tpu.memref_slice %arg5[%run_scoped3A_65, %dma_wait3A_125, %dma_wait3A_126, %dma_wait3A_127] : memref<10x2x16x1000xf32, #tpu.memory_space<hbm>> -> memref<1x2x16x1000xf32, #tpu.memory_space<hbm>>
      %dma_wait3A_129 = tpu.memref_squeeze %dma_wait3A_128 : memref<1x2x16x1000xf32, #tpu.memory_space<hbm>> -> memref<2x16x1000xf32, #tpu.memory_space<hbm>>
      %dma_wait3A_130 = arith.constant 0 : i32
      %dma_wait3A_131 = arith.constant 0 : i32
      %dma_wait3A_132 = tpu.memref_slice %dma_wait3A_129[%arg0, %dma_wait3A_130, %dma_wait3A_131] : memref<2x16x1000xf32, #tpu.memory_space<hbm>> -> memref<1x16x1000xf32, #tpu.memory_space<hbm>>
      %dma_wait3A_133 = tpu.memref_squeeze %dma_wait3A_132 : memref<1x16x1000xf32, #tpu.memory_space<hbm>> -> memref<16x1000xf32, #tpu.memory_space<hbm>>
      %dma_wait3A_134 = arith.constant 0 : i32
      %dma_wait3A_135 = tpu.memref_slice %dma_wait3A_133[%arg1, %dma_wait3A_134] : memref<16x1000xf32, #tpu.memory_space<hbm>> -> memref<1x1000xf32, #tpu.memory_space<hbm>>
      %dma_wait3A_136 = tpu.memref_squeeze %dma_wait3A_135 : memref<1x1000xf32, #tpu.memory_space<hbm>> -> memref<1000xf32, #tpu.memory_space<hbm>>
      %dma_wait3A_137 = arith.constant 0 : i32
      %dma_wait3A_138 = tpu.memref_slice %arg14[%dma_wait3A_137] : memref<10000xf32, #tpu.memory_space<vmem>> -> memref<1000xf32, #tpu.memory_space<vmem>>
      tpu.wait_dma2 semaphore(%run_scoped3A_84 : memref<!tpu.dma_semaphore, #tpu.memory_space<semaphore_mem>>) src(%dma_wait3A_138 : memref<1000xf32, #tpu.memory_space<vmem>>) dst(%dma_wait3A_136 : memref<1000xf32, #tpu.memory_space<hbm>>)
      tpu.yield
    }) : () -> ()
    %run_scoped3A_66 = arith.constant 1 : i32
    "tpu.region"() ({
      %run_scoped3A_84 = tpu.sem_alloc : memref<!tpu.dma_semaphore, #tpu.memory_space<semaphore_mem>>
      %dma_start3A = arith.constant 1000 : i32
      %dma_start3A_85 = tpu.memref_slice %arg13[%dma_start3A] : memref<10000xf32, #tpu.memory_space<vmem>> -> memref<1000xf32, #tpu.memory_space<vmem>>
      %dma_start3A_86 = arith.constant 0 : i32
      %dma_start3A_87 = arith.constant 0 : i32
      %dma_start3A_88 = tpu.memref_slice %arg6[%run_scoped3A_66, %dma_start3A_86, %dma_start3A_87] : memref<10x32x1000xf32, #tpu.memory_space<hbm>> -> memref<1x32x1000xf32, #tpu.memory_space<hbm>>
      %dma_start3A_89 = tpu.memref_squeeze %dma_start3A_88 : memref<1x32x1000xf32, #tpu.memory_space<hbm>> -> memref<32x1000xf32, #tpu.memory_space<hbm>>
      %dma_start3A_90 = arith.constant 0 : i32
      %dma_start3A_91 = tpu.memref_slice %dma_start3A_89[%add3A, %dma_start3A_90] : memref<32x1000xf32, #tpu.memory_space<hbm>> -> memref<1x1000xf32, #tpu.memory_space<hbm>>
      %dma_start3A_92 = tpu.memref_squeeze %dma_start3A_91 : memref<1x1000xf32, #tpu.memory_space<hbm>> -> memref<1000xf32, #tpu.memory_space<hbm>>
      %dma_start3A_93 = arith.constant 0 : i32
      %dma_start3A_94 = arith.constant 0 : i32
      %dma_start3A_95 = tpu.memref_slice %arg6[%run_scoped3A_66, %dma_start3A_93, %dma_start3A_94] : memref<10x32x1000xf32, #tpu.memory_space<hbm>> -> memref<1x32x1000xf32, #tpu.memory_space<hbm>>
      %dma_start3A_96 = tpu.memref_squeeze %dma_start3A_95 : memref<1x32x1000xf32, #tpu.memory_space<hbm>> -> memref<32x1000xf32, #tpu.memory_space<hbm>>
      %dma_start3A_97 = arith.constant 0 : i32
      %dma_start3A_98 = tpu.memref_slice %dma_start3A_96[%add3A, %dma_start3A_97] : memref<32x1000xf32, #tpu.memory_space<hbm>> -> memref<1x1000xf32, #tpu.memory_space<hbm>>
      %dma_start3A_99 = tpu.memref_squeeze %dma_start3A_98 : memref<1x1000xf32, #tpu.memory_space<hbm>> -> memref<1000xf32, #tpu.memory_space<hbm>>
      %dma_start3A_100 = arith.constant 1000 : i32
      %dma_start3A_101 = tpu.memref_slice %arg13[%dma_start3A_100] : memref<10000xf32, #tpu.memory_space<vmem>> -> memref<1000xf32, #tpu.memory_space<vmem>>
      tpu.enqueue_dma source(%dma_start3A_101 : memref<1000xf32, #tpu.memory_space<vmem>>) target(%dma_start3A_99 : memref<1000xf32, #tpu.memory_space<hbm>>) target_semaphore(%run_scoped3A_84 : memref<!tpu.dma_semaphore, #tpu.memory_space<semaphore_mem>>)
      %dma_wait3A = arith.constant 1000 : i32
      %dma_wait3A_102 = tpu.memref_slice %arg13[%dma_wait3A] : memref<10000xf32, #tpu.memory_space<vmem>> -> memref<1000xf32, #tpu.memory_space<vmem>>
      %dma_wait3A_103 = arith.constant 0 : i32
      %dma_wait3A_104 = arith.constant 0 : i32
      %dma_wait3A_105 = tpu.memref_slice %arg6[%run_scoped3A_66, %dma_wait3A_103, %dma_wait3A_104] : memref<10x32x1000xf32, #tpu.memory_space<hbm>> -> memref<1x32x1000xf32, #tpu.memory_space<hbm>>
      %dma_wait3A_106 = tpu.memref_squeeze %dma_wait3A_105 : memref<1x32x1000xf32, #tpu.memory_space<hbm>> -> memref<32x1000xf32, #tpu.memory_space<hbm>>
      %dma_wait3A_107 = arith.constant 0 : i32
      %dma_wait3A_108 = tpu.memref_slice %dma_wait3A_106[%add3A, %dma_wait3A_107] : memref<32x1000xf32, #tpu.memory_space<hbm>> -> memref<1x1000xf32, #tpu.memory_space<hbm>>
      %dma_wait3A_109 = tpu.memref_squeeze %dma_wait3A_108 : memref<1x1000xf32, #tpu.memory_space<hbm>> -> memref<1000xf32, #tpu.memory_space<hbm>>
      %dma_wait3A_110 = arith.constant 0 : i32
      %dma_wait3A_111 = arith.constant 0 : i32
      %dma_wait3A_112 = tpu.memref_slice %arg6[%run_scoped3A_66, %dma_wait3A_110, %dma_wait3A_111] : memref<10x32x1000xf32, #tpu.memory_space<hbm>> -> memref<1x32x1000xf32, #tpu.memory_space<hbm>>
      %dma_wait3A_113 = tpu.memref_squeeze %dma_wait3A_112 : memref<1x32x1000xf32, #tpu.memory_space<hbm>> -> memref<32x1000xf32, #tpu.memory_space<hbm>>
      %dma_wait3A_114 = arith.constant 0 : i32
      %dma_wait3A_115 = tpu.memref_slice %dma_wait3A_113[%add3A, %dma_wait3A_114] : memref<32x1000xf32, #tpu.memory_space<hbm>> -> memref<1x1000xf32, #tpu.memory_space<hbm>>
      %dma_wait3A_116 = tpu.memref_squeeze %dma_wait3A_115 : memref<1x1000xf32, #tpu.memory_space<hbm>> -> memref<1000xf32, #tpu.memory_space<hbm>>
      %dma_wait3A_117 = arith.constant 1000 : i32
      %dma_wait3A_118 = tpu.memref_slice %arg13[%dma_wait3A_117] : memref<10000xf32, #tpu.memory_space<vmem>> -> memref<1000xf32, #tpu.memory_space<vmem>>
      tpu.wait_dma2 semaphore(%run_scoped3A_84 : memref<!tpu.dma_semaphore, #tpu.memory_space<semaphore_mem>>) src(%dma_wait3A_118 : memref<1000xf32, #tpu.memory_space<vmem>>) dst(%dma_wait3A_116 : memref<1000xf32, #tpu.memory_space<hbm>>)
      tpu.yield
    }) : () -> ()
    %run_scoped3A_67 = arith.constant 1 : i32
    "tpu.region"() ({
      %run_scoped3A_84 = tpu.sem_alloc : memref<!tpu.dma_semaphore, #tpu.memory_space<semaphore_mem>>
      %dma_start3A = arith.constant 1000 : i32
      %dma_start3A_85 = tpu.memref_slice %arg14[%dma_start3A] : memref<10000xf32, #tpu.memory_space<vmem>> -> memref<1000xf32, #tpu.memory_space<vmem>>
      %dma_start3A_86 = arith.constant 0 : i32
      %dma_start3A_87 = arith.constant 0 : i32
      %dma_start3A_88 = arith.constant 0 : i32
      %dma_start3A_89 = tpu.memref_slice %arg5[%run_scoped3A_67, %dma_start3A_86, %dma_start3A_87, %dma_start3A_88] : memref<10x2x16x1000xf32, #tpu.memory_space<hbm>> -> memref<1x2x16x1000xf32, #tpu.memory_space<hbm>>
      %dma_start3A_90 = tpu.memref_squeeze %dma_start3A_89 : memref<1x2x16x1000xf32, #tpu.memory_space<hbm>> -> memref<2x16x1000xf32, #tpu.memory_space<hbm>>
      %dma_start3A_91 = arith.constant 0 : i32
      %dma_start3A_92 = arith.constant 0 : i32
      %dma_start3A_93 = tpu.memref_slice %dma_start3A_90[%arg0, %dma_start3A_91, %dma_start3A_92] : memref<2x16x1000xf32, #tpu.memory_space<hbm>> -> memref<1x16x1000xf32, #tpu.memory_space<hbm>>
      %dma_start3A_94 = tpu.memref_squeeze %dma_start3A_93 : memref<1x16x1000xf32, #tpu.memory_space<hbm>> -> memref<16x1000xf32, #tpu.memory_space<hbm>>
      %dma_start3A_95 = arith.constant 0 : i32
      %dma_start3A_96 = tpu.memref_slice %dma_start3A_94[%arg1, %dma_start3A_95] : memref<16x1000xf32, #tpu.memory_space<hbm>> -> memref<1x1000xf32, #tpu.memory_space<hbm>>
      %dma_start3A_97 = tpu.memref_squeeze %dma_start3A_96 : memref<1x1000xf32, #tpu.memory_space<hbm>> -> memref<1000xf32, #tpu.memory_space<hbm>>
      %dma_start3A_98 = arith.constant 0 : i32
      %dma_start3A_99 = arith.constant 0 : i32
      %dma_start3A_100 = arith.constant 0 : i32
      %dma_start3A_101 = tpu.memref_slice %arg5[%run_scoped3A_67, %dma_start3A_98, %dma_start3A_99, %dma_start3A_100] : memref<10x2x16x1000xf32, #tpu.memory_space<hbm>> -> memref<1x2x16x1000xf32, #tpu.memory_space<hbm>>
      %dma_start3A_102 = tpu.memref_squeeze %dma_start3A_101 : memref<1x2x16x1000xf32, #tpu.memory_space<hbm>> -> memref<2x16x1000xf32, #tpu.memory_space<hbm>>
      %dma_start3A_103 = arith.constant 0 : i32
      %dma_start3A_104 = arith.constant 0 : i32
      %dma_start3A_105 = tpu.memref_slice %dma_start3A_102[%arg0, %dma_start3A_103, %dma_start3A_104] : memref<2x16x1000xf32, #tpu.memory_space<hbm>> -> memref<1x16x1000xf32, #tpu.memory_space<hbm>>
      %dma_start3A_106 = tpu.memref_squeeze %dma_start3A_105 : memref<1x16x1000xf32, #tpu.memory_space<hbm>> -> memref<16x1000xf32, #tpu.memory_space<hbm>>
      %dma_start3A_107 = arith.constant 0 : i32
      %dma_start3A_108 = tpu.memref_slice %dma_start3A_106[%arg1, %dma_start3A_107] : memref<16x1000xf32, #tpu.memory_space<hbm>> -> memref<1x1000xf32, #tpu.memory_space<hbm>>
      %dma_start3A_109 = tpu.memref_squeeze %dma_start3A_108 : memref<1x1000xf32, #tpu.memory_space<hbm>> -> memref<1000xf32, #tpu.memory_space<hbm>>
      %dma_start3A_110 = arith.constant 1000 : i32
      %dma_start3A_111 = tpu.memref_slice %arg14[%dma_start3A_110] : memref<10000xf32, #tpu.memory_space<vmem>> -> memref<1000xf32, #tpu.memory_space<vmem>>
      tpu.enqueue_dma source(%dma_start3A_111 : memref<1000xf32, #tpu.memory_space<vmem>>) target(%dma_start3A_109 : memref<1000xf32, #tpu.memory_space<hbm>>) target_semaphore(%run_scoped3A_84 : memref<!tpu.dma_semaphore, #tpu.memory_space<semaphore_mem>>)
      %dma_wait3A = arith.constant 1000 : i32
      %dma_wait3A_112 = tpu.memref_slice %arg14[%dma_wait3A] : memref<10000xf32, #tpu.memory_space<vmem>> -> memref<1000xf32, #tpu.memory_space<vmem>>
      %dma_wait3A_113 = arith.constant 0 : i32
      %dma_wait3A_114 = arith.constant 0 : i32
      %dma_wait3A_115 = arith.constant 0 : i32
      %dma_wait3A_116 = tpu.memref_slice %arg5[%run_scoped3A_67, %dma_wait3A_113, %dma_wait3A_114, %dma_wait3A_115] : memref<10x2x16x1000xf32, #tpu.memory_space<hbm>> -> memref<1x2x16x1000xf32, #tpu.memory_space<hbm>>
      %dma_wait3A_117 = tpu.memref_squeeze %dma_wait3A_116 : memref<1x2x16x1000xf32, #tpu.memory_space<hbm>> -> memref<2x16x1000xf32, #tpu.memory_space<hbm>>
      %dma_wait3A_118 = arith.constant 0 : i32
      %dma_wait3A_119 = arith.constant 0 : i32
      %dma_wait3A_120 = tpu.memref_slice %dma_wait3A_117[%arg0, %dma_wait3A_118, %dma_wait3A_119] : memref<2x16x1000xf32, #tpu.memory_space<hbm>> -> memref<1x16x1000xf32, #tpu.memory_space<hbm>>
      %dma_wait3A_121 = tpu.memref_squeeze %dma_wait3A_120 : memref<1x16x1000xf32, #tpu.memory_space<hbm>> -> memref<16x1000xf32, #tpu.memory_space<hbm>>
      %dma_wait3A_122 = arith.constant 0 : i32
      %dma_wait3A_123 = tpu.memref_slice %dma_wait3A_121[%arg1, %dma_wait3A_122] : memref<16x1000xf32, #tpu.memory_space<hbm>> -> memref<1x1000xf32, #tpu.memory_space<hbm>>
      %dma_wait3A_124 = tpu.memref_squeeze %dma_wait3A_123 : memref<1x1000xf32, #tpu.memory_space<hbm>> -> memref<1000xf32, #tpu.memory_space<hbm>>
      %dma_wait3A_125 = arith.constant 0 : i32
      %dma_wait3A_126 = arith.constant 0 : i32
      %dma_wait3A_127 = arith.constant 0 : i32
      %dma_wait3A_128 = tpu.memref_slice %arg5[%run_scoped3A_67, %dma_wait3A_125, %dma_wait3A_126, %dma_wait3A_127] : memref<10x2x16x1000xf32, #tpu.memory_space<hbm>> -> memref<1x2x16x1000xf32, #tpu.memory_space<hbm>>
      %dma_wait3A_129 = tpu.memref_squeeze %dma_wait3A_128 : memref<1x2x16x1000xf32, #tpu.memory_space<hbm>> -> memref<2x16x1000xf32, #tpu.memory_space<hbm>>
      %dma_wait3A_130 = arith.constant 0 : i32
      %dma_wait3A_131 = arith.constant 0 : i32
      %dma_wait3A_132 = tpu.memref_slice %dma_wait3A_129[%arg0, %dma_wait3A_130, %dma_wait3A_131] : memref<2x16x1000xf32, #tpu.memory_space<hbm>> -> memref<1x16x1000xf32, #tpu.memory_space<hbm>>
      %dma_wait3A_133 = tpu.memref_squeeze %dma_wait3A_132 : memref<1x16x1000xf32, #tpu.memory_space<hbm>> -> memref<16x1000xf32, #tpu.memory_space<hbm>>
      %dma_wait3A_134 = arith.constant 0 : i32
      %dma_wait3A_135 = tpu.memref_slice %dma_wait3A_133[%arg1, %dma_wait3A_134] : memref<16x1000xf32, #tpu.memory_space<hbm>> -> memref<1x1000xf32, #tpu.memory_space<hbm>>
      %dma_wait3A_136 = tpu.memref_squeeze %dma_wait3A_135 : memref<1x1000xf32, #tpu.memory_space<hbm>> -> memref<1000xf32, #tpu.memory_space<hbm>>
      %dma_wait3A_137 = arith.constant 1000 : i32
      %dma_wait3A_138 = tpu.memref_slice %arg14[%dma_wait3A_137] : memref<10000xf32, #tpu.memory_space<vmem>> -> memref<1000xf32, #tpu.memory_space<vmem>>
      tpu.wait_dma2 semaphore(%run_scoped3A_84 : memref<!tpu.dma_semaphore, #tpu.memory_space<semaphore_mem>>) src(%dma_wait3A_138 : memref<1000xf32, #tpu.memory_space<vmem>>) dst(%dma_wait3A_136 : memref<1000xf32, #tpu.memory_space<hbm>>)
      tpu.yield
    }) : () -> ()
    %run_scoped3A_68 = arith.constant 2 : i32
    "tpu.region"() ({
      %run_scoped3A_84 = tpu.sem_alloc : memref<!tpu.dma_semaphore, #tpu.memory_space<semaphore_mem>>
      %dma_start3A = arith.constant 2000 : i32
      %dma_start3A_85 = tpu.memref_slice %arg13[%dma_start3A] : memref<10000xf32, #tpu.memory_space<vmem>> -> memref<1000xf32, #tpu.memory_space<vmem>>
      %dma_start3A_86 = arith.constant 0 : i32
      %dma_start3A_87 = arith.constant 0 : i32
      %dma_start3A_88 = tpu.memref_slice %arg6[%run_scoped3A_68, %dma_start3A_86, %dma_start3A_87] : memref<10x32x1000xf32, #tpu.memory_space<hbm>> -> memref<1x32x1000xf32, #tpu.memory_space<hbm>>
      %dma_start3A_89 = tpu.memref_squeeze %dma_start3A_88 : memref<1x32x1000xf32, #tpu.memory_space<hbm>> -> memref<32x1000xf32, #tpu.memory_space<hbm>>
      %dma_start3A_90 = arith.constant 0 : i32
      %dma_start3A_91 = tpu.memref_slice %dma_start3A_89[%add3A, %dma_start3A_90] : memref<32x1000xf32, #tpu.memory_space<hbm>> -> memref<1x1000xf32, #tpu.memory_space<hbm>>
      %dma_start3A_92 = tpu.memref_squeeze %dma_start3A_91 : memref<1x1000xf32, #tpu.memory_space<hbm>> -> memref<1000xf32, #tpu.memory_space<hbm>>
      %dma_start3A_93 = arith.constant 0 : i32
      %dma_start3A_94 = arith.constant 0 : i32
      %dma_start3A_95 = tpu.memref_slice %arg6[%run_scoped3A_68, %dma_start3A_93, %dma_start3A_94] : memref<10x32x1000xf32, #tpu.memory_space<hbm>> -> memref<1x32x1000xf32, #tpu.memory_space<hbm>>
      %dma_start3A_96 = tpu.memref_squeeze %dma_start3A_95 : memref<1x32x1000xf32, #tpu.memory_space<hbm>> -> memref<32x1000xf32, #tpu.memory_space<hbm>>
      %dma_start3A_97 = arith.constant 0 : i32
      %dma_start3A_98 = tpu.memref_slice %dma_start3A_96[%add3A, %dma_start3A_97] : memref<32x1000xf32, #tpu.memory_space<hbm>> -> memref<1x1000xf32, #tpu.memory_space<hbm>>
      %dma_start3A_99 = tpu.memref_squeeze %dma_start3A_98 : memref<1x1000xf32, #tpu.memory_space<hbm>> -> memref<1000xf32, #tpu.memory_space<hbm>>
      %dma_start3A_100 = arith.constant 2000 : i32
      %dma_start3A_101 = tpu.memref_slice %arg13[%dma_start3A_100] : memref<10000xf32, #tpu.memory_space<vmem>> -> memref<1000xf32, #tpu.memory_space<vmem>>
      tpu.enqueue_dma source(%dma_start3A_101 : memref<1000xf32, #tpu.memory_space<vmem>>) target(%dma_start3A_99 : memref<1000xf32, #tpu.memory_space<hbm>>) target_semaphore(%run_scoped3A_84 : memref<!tpu.dma_semaphore, #tpu.memory_space<semaphore_mem>>)
      %dma_wait3A = arith.constant 2000 : i32
      %dma_wait3A_102 = tpu.memref_slice %arg13[%dma_wait3A] : memref<10000xf32, #tpu.memory_space<vmem>> -> memref<1000xf32, #tpu.memory_space<vmem>>
      %dma_wait3A_103 = arith.constant 0 : i32
      %dma_wait3A_104 = arith.constant 0 : i32
      %dma_wait3A_105 = tpu.memref_slice %arg6[%run_scoped3A_68, %dma_wait3A_103, %dma_wait3A_104] : memref<10x32x1000xf32, #tpu.memory_space<hbm>> -> memref<1x32x1000xf32, #tpu.memory_space<hbm>>
      %dma_wait3A_106 = tpu.memref_squeeze %dma_wait3A_105 : memref<1x32x1000xf32, #tpu.memory_space<hbm>> -> memref<32x1000xf32, #tpu.memory_space<hbm>>
      %dma_wait3A_107 = arith.constant 0 : i32
      %dma_wait3A_108 = tpu.memref_slice %dma_wait3A_106[%add3A, %dma_wait3A_107] : memref<32x1000xf32, #tpu.memory_space<hbm>> -> memref<1x1000xf32, #tpu.memory_space<hbm>>
      %dma_wait3A_109 = tpu.memref_squeeze %dma_wait3A_108 : memref<1x1000xf32, #tpu.memory_space<hbm>> -> memref<1000xf32, #tpu.memory_space<hbm>>
      %dma_wait3A_110 = arith.constant 0 : i32
      %dma_wait3A_111 = arith.constant 0 : i32
      %dma_wait3A_112 = tpu.memref_slice %arg6[%run_scoped3A_68, %dma_wait3A_110, %dma_wait3A_111] : memref<10x32x1000xf32, #tpu.memory_space<hbm>> -> memref<1x32x1000xf32, #tpu.memory_space<hbm>>
      %dma_wait3A_113 = tpu.memref_squeeze %dma_wait3A_112 : memref<1x32x1000xf32, #tpu.memory_space<hbm>> -> memref<32x1000xf32, #tpu.memory_space<hbm>>
      %dma_wait3A_114 = arith.constant 0 : i32
      %dma_wait3A_115 = tpu.memref_slice %dma_wait3A_113[%add3A, %dma_wait3A_114] : memref<32x1000xf32, #tpu.memory_space<hbm>> -> memref<1x1000xf32, #tpu.memory_space<hbm>>
      %dma_wait3A_116 = tpu.memref_squeeze %dma_wait3A_115 : memref<1x1000xf32, #tpu.memory_space<hbm>> -> memref<1000xf32, #tpu.memory_space<hbm>>
      %dma_wait3A_117 = arith.constant 2000 : i32
      %dma_wait3A_118 = tpu.memref_slice %arg13[%dma_wait3A_117] : memref<10000xf32, #tpu.memory_space<vmem>> -> memref<1000xf32, #tpu.memory_space<vmem>>
      tpu.wait_dma2 semaphore(%run_scoped3A_84 : memref<!tpu.dma_semaphore, #tpu.memory_space<semaphore_mem>>) src(%dma_wait3A_118 : memref<1000xf32, #tpu.memory_space<vmem>>) dst(%dma_wait3A_116 : memref<1000xf32, #tpu.memory_space<hbm>>)
      tpu.yield
    }) : () -> ()
    %run_scoped3A_69 = arith.constant 2 : i32
    "tpu.region"() ({
      %run_scoped3A_84 = tpu.sem_alloc : memref<!tpu.dma_semaphore, #tpu.memory_space<semaphore_mem>>
      %dma_start3A = arith.constant 2000 : i32
      %dma_start3A_85 = tpu.memref_slice %arg14[%dma_start3A] : memref<10000xf32, #tpu.memory_space<vmem>> -> memref<1000xf32, #tpu.memory_space<vmem>>
      %dma_start3A_86 = arith.constant 0 : i32
      %dma_start3A_87 = arith.constant 0 : i32
      %dma_start3A_88 = arith.constant 0 : i32
      %dma_start3A_89 = tpu.memref_slice %arg5[%run_scoped3A_69, %dma_start3A_86, %dma_start3A_87, %dma_start3A_88] : memref<10x2x16x1000xf32, #tpu.memory_space<hbm>> -> memref<1x2x16x1000xf32, #tpu.memory_space<hbm>>
      %dma_start3A_90 = tpu.memref_squeeze %dma_start3A_89 : memref<1x2x16x1000xf32, #tpu.memory_space<hbm>> -> memref<2x16x1000xf32, #tpu.memory_space<hbm>>
      %dma_start3A_91 = arith.constant 0 : i32
      %dma_start3A_92 = arith.constant 0 : i32
      %dma_start3A_93 = tpu.memref_slice %dma_start3A_90[%arg0, %dma_start3A_91, %dma_start3A_92] : memref<2x16x1000xf32, #tpu.memory_space<hbm>> -> memref<1x16x1000xf32, #tpu.memory_space<hbm>>
      %dma_start3A_94 = tpu.memref_squeeze %dma_start3A_93 : memref<1x16x1000xf32, #tpu.memory_space<hbm>> -> memref<16x1000xf32, #tpu.memory_space<hbm>>
      %dma_start3A_95 = arith.constant 0 : i32
      %dma_start3A_96 = tpu.memref_slice %dma_start3A_94[%arg1, %dma_start3A_95] : memref<16x1000xf32, #tpu.memory_space<hbm>> -> memref<1x1000xf32, #tpu.memory_space<hbm>>
      %dma_start3A_97 = tpu.memref_squeeze %dma_start3A_96 : memref<1x1000xf32, #tpu.memory_space<hbm>> -> memref<1000xf32, #tpu.memory_space<hbm>>
      %dma_start3A_98 = arith.constant 0 : i32
      %dma_start3A_99 = arith.constant 0 : i32
      %dma_start3A_100 = arith.constant 0 : i32
      %dma_start3A_101 = tpu.memref_slice %arg5[%run_scoped3A_69, %dma_start3A_98, %dma_start3A_99, %dma_start3A_100] : memref<10x2x16x1000xf32, #tpu.memory_space<hbm>> -> memref<1x2x16x1000xf32, #tpu.memory_space<hbm>>
      %dma_start3A_102 = tpu.memref_squeeze %dma_start3A_101 : memref<1x2x16x1000xf32, #tpu.memory_space<hbm>> -> memref<2x16x1000xf32, #tpu.memory_space<hbm>>
      %dma_start3A_103 = arith.constant 0 : i32
      %dma_start3A_104 = arith.constant 0 : i32
      %dma_start3A_105 = tpu.memref_slice %dma_start3A_102[%arg0, %dma_start3A_103, %dma_start3A_104] : memref<2x16x1000xf32, #tpu.memory_space<hbm>> -> memref<1x16x1000xf32, #tpu.memory_space<hbm>>
      %dma_start3A_106 = tpu.memref_squeeze %dma_start3A_105 : memref<1x16x1000xf32, #tpu.memory_space<hbm>> -> memref<16x1000xf32, #tpu.memory_space<hbm>>
      %dma_start3A_107 = arith.constant 0 : i32
      %dma_start3A_108 = tpu.memref_slice %dma_start3A_106[%arg1, %dma_start3A_107] : memref<16x1000xf32, #tpu.memory_space<hbm>> -> memref<1x1000xf32, #tpu.memory_space<hbm>>
      %dma_start3A_109 = tpu.memref_squeeze %dma_start3A_108 : memref<1x1000xf32, #tpu.memory_space<hbm>> -> memref<1000xf32, #tpu.memory_space<hbm>>
      %dma_start3A_110 = arith.constant 2000 : i32
      %dma_start3A_111 = tpu.memref_slice %arg14[%dma_start3A_110] : memref<10000xf32, #tpu.memory_space<vmem>> -> memref<1000xf32, #tpu.memory_space<vmem>>
      tpu.enqueue_dma source(%dma_start3A_111 : memref<1000xf32, #tpu.memory_space<vmem>>) target(%dma_start3A_109 : memref<1000xf32, #tpu.memory_space<hbm>>) target_semaphore(%run_scoped3A_84 : memref<!tpu.dma_semaphore, #tpu.memory_space<semaphore_mem>>)
      %dma_wait3A = arith.constant 2000 : i32
      %dma_wait3A_112 = tpu.memref_slice %arg14[%dma_wait3A] : memref<10000xf32, #tpu.memory_space<vmem>> -> memref<1000xf32, #tpu.memory_space<vmem>>
      %dma_wait3A_113 = arith.constant 0 : i32
      %dma_wait3A_114 = arith.constant 0 : i32
      %dma_wait3A_115 = arith.constant 0 : i32
      %dma_wait3A_116 = tpu.memref_slice %arg5[%run_scoped3A_69, %dma_wait3A_113, %dma_wait3A_114, %dma_wait3A_115] : memref<10x2x16x1000xf32, #tpu.memory_space<hbm>> -> memref<1x2x16x1000xf32, #tpu.memory_space<hbm>>
      %dma_wait3A_117 = tpu.memref_squeeze %dma_wait3A_116 : memref<1x2x16x1000xf32, #tpu.memory_space<hbm>> -> memref<2x16x1000xf32, #tpu.memory_space<hbm>>
      %dma_wait3A_118 = arith.constant 0 : i32
      %dma_wait3A_119 = arith.constant 0 : i32
      %dma_wait3A_120 = tpu.memref_slice %dma_wait3A_117[%arg0, %dma_wait3A_118, %dma_wait3A_119] : memref<2x16x1000xf32, #tpu.memory_space<hbm>> -> memref<1x16x1000xf32, #tpu.memory_space<hbm>>
      %dma_wait3A_121 = tpu.memref_squeeze %dma_wait3A_120 : memref<1x16x1000xf32, #tpu.memory_space<hbm>> -> memref<16x1000xf32, #tpu.memory_space<hbm>>
      %dma_wait3A_122 = arith.constant 0 : i32
      %dma_wait3A_123 = tpu.memref_slice %dma_wait3A_121[%arg1, %dma_wait3A_122] : memref<16x1000xf32, #tpu.memory_space<hbm>> -> memref<1x1000xf32, #tpu.memory_space<hbm>>
      %dma_wait3A_124 = tpu.memref_squeeze %dma_wait3A_123 : memref<1x1000xf32, #tpu.memory_space<hbm>> -> memref<1000xf32, #tpu.memory_space<hbm>>
      %dma_wait3A_125 = arith.constant 0 : i32
      %dma_wait3A_126 = arith.constant 0 : i32
      %dma_wait3A_127 = arith.constant 0 : i32
      %dma_wait3A_128 = tpu.memref_slice %arg5[%run_scoped3A_69, %dma_wait3A_125, %dma_wait3A_126, %dma_wait3A_127] : memref<10x2x16x1000xf32, #tpu.memory_space<hbm>> -> memref<1x2x16x1000xf32, #tpu.memory_space<hbm>>
      %dma_wait3A_129 = tpu.memref_squeeze %dma_wait3A_128 : memref<1x2x16x1000xf32, #tpu.memory_space<hbm>> -> memref<2x16x1000xf32, #tpu.memory_space<hbm>>
      %dma_wait3A_130 = arith.constant 0 : i32
      %dma_wait3A_131 = arith.constant 0 : i32
      %dma_wait3A_132 = tpu.memref_slice %dma_wait3A_129[%arg0, %dma_wait3A_130, %dma_wait3A_131] : memref<2x16x1000xf32, #tpu.memory_space<hbm>> -> memref<1x16x1000xf32, #tpu.memory_space<hbm>>
      %dma_wait3A_133 = tpu.memref_squeeze %dma_wait3A_132 : memref<1x16x1000xf32, #tpu.memory_space<hbm>> -> memref<16x1000xf32, #tpu.memory_space<hbm>>
      %dma_wait3A_134 = arith.constant 0 : i32
      %dma_wait3A_135 = tpu.memref_slice %dma_wait3A_133[%arg1, %dma_wait3A_134] : memref<16x1000xf32, #tpu.memory_space<hbm>> -> memref<1x1000xf32, #tpu.memory_space<hbm>>
      %dma_wait3A_136 = tpu.memref_squeeze %dma_wait3A_135 : memref<1x1000xf32, #tpu.memory_space<hbm>> -> memref<1000xf32, #tpu.memory_space<hbm>>
      %dma_wait3A_137 = arith.constant 2000 : i32
      %dma_wait3A_138 = tpu.memref_slice %arg14[%dma_wait3A_137] : memref<10000xf32, #tpu.memory_space<vmem>> -> memref<1000xf32, #tpu.memory_space<vmem>>
      tpu.wait_dma2 semaphore(%run_scoped3A_84 : memref<!tpu.dma_semaphore, #tpu.memory_space<semaphore_mem>>) src(%dma_wait3A_138 : memref<1000xf32, #tpu.memory_space<vmem>>) dst(%dma_wait3A_136 : memref<1000xf32, #tpu.memory_space<hbm>>)
      tpu.yield
    }) : () -> ()
    %run_scoped3A_70 = arith.constant 3 : i32
    "tpu.region"() ({
      %run_scoped3A_84 = tpu.sem_alloc : memref<!tpu.dma_semaphore, #tpu.memory_space<semaphore_mem>>
      %dma_start3A = arith.constant 3000 : i32
      %dma_start3A_85 = tpu.memref_slice %arg13[%dma_start3A] : memref<10000xf32, #tpu.memory_space<vmem>> -> memref<1000xf32, #tpu.memory_space<vmem>>
      %dma_start3A_86 = arith.constant 0 : i32
      %dma_start3A_87 = arith.constant 0 : i32
      %dma_start3A_88 = tpu.memref_slice %arg6[%run_scoped3A_70, %dma_start3A_86, %dma_start3A_87] : memref<10x32x1000xf32, #tpu.memory_space<hbm>> -> memref<1x32x1000xf32, #tpu.memory_space<hbm>>
      %dma_start3A_89 = tpu.memref_squeeze %dma_start3A_88 : memref<1x32x1000xf32, #tpu.memory_space<hbm>> -> memref<32x1000xf32, #tpu.memory_space<hbm>>
      %dma_start3A_90 = arith.constant 0 : i32
      %dma_start3A_91 = tpu.memref_slice %dma_start3A_89[%add3A, %dma_start3A_90] : memref<32x1000xf32, #tpu.memory_space<hbm>> -> memref<1x1000xf32, #tpu.memory_space<hbm>>
      %dma_start3A_92 = tpu.memref_squeeze %dma_start3A_91 : memref<1x1000xf32, #tpu.memory_space<hbm>> -> memref<1000xf32, #tpu.memory_space<hbm>>
      %dma_start3A_93 = arith.constant 0 : i32
      %dma_start3A_94 = arith.constant 0 : i32
      %dma_start3A_95 = tpu.memref_slice %arg6[%run_scoped3A_70, %dma_start3A_93, %dma_start3A_94] : memref<10x32x1000xf32, #tpu.memory_space<hbm>> -> memref<1x32x1000xf32, #tpu.memory_space<hbm>>
      %dma_start3A_96 = tpu.memref_squeeze %dma_start3A_95 : memref<1x32x1000xf32, #tpu.memory_space<hbm>> -> memref<32x1000xf32, #tpu.memory_space<hbm>>
      %dma_start3A_97 = arith.constant 0 : i32
      %dma_start3A_98 = tpu.memref_slice %dma_start3A_96[%add3A, %dma_start3A_97] : memref<32x1000xf32, #tpu.memory_space<hbm>> -> memref<1x1000xf32, #tpu.memory_space<hbm>>
      %dma_start3A_99 = tpu.memref_squeeze %dma_start3A_98 : memref<1x1000xf32, #tpu.memory_space<hbm>> -> memref<1000xf32, #tpu.memory_space<hbm>>
      %dma_start3A_100 = arith.constant 3000 : i32
      %dma_start3A_101 = tpu.memref_slice %arg13[%dma_start3A_100] : memref<10000xf32, #tpu.memory_space<vmem>> -> memref<1000xf32, #tpu.memory_space<vmem>>
      tpu.enqueue_dma source(%dma_start3A_101 : memref<1000xf32, #tpu.memory_space<vmem>>) target(%dma_start3A_99 : memref<1000xf32, #tpu.memory_space<hbm>>) target_semaphore(%run_scoped3A_84 : memref<!tpu.dma_semaphore, #tpu.memory_space<semaphore_mem>>)
      %dma_wait3A = arith.constant 3000 : i32
      %dma_wait3A_102 = tpu.memref_slice %arg13[%dma_wait3A] : memref<10000xf32, #tpu.memory_space<vmem>> -> memref<1000xf32, #tpu.memory_space<vmem>>
      %dma_wait3A_103 = arith.constant 0 : i32
      %dma_wait3A_104 = arith.constant 0 : i32
      %dma_wait3A_105 = tpu.memref_slice %arg6[%run_scoped3A_70, %dma_wait3A_103, %dma_wait3A_104] : memref<10x32x1000xf32, #tpu.memory_space<hbm>> -> memref<1x32x1000xf32, #tpu.memory_space<hbm>>
      %dma_wait3A_106 = tpu.memref_squeeze %dma_wait3A_105 : memref<1x32x1000xf32, #tpu.memory_space<hbm>> -> memref<32x1000xf32, #tpu.memory_space<hbm>>
      %dma_wait3A_107 = arith.constant 0 : i32
      %dma_wait3A_108 = tpu.memref_slice %dma_wait3A_106[%add3A, %dma_wait3A_107] : memref<32x1000xf32, #tpu.memory_space<hbm>> -> memref<1x1000xf32, #tpu.memory_space<hbm>>
      %dma_wait3A_109 = tpu.memref_squeeze %dma_wait3A_108 : memref<1x1000xf32, #tpu.memory_space<hbm>> -> memref<1000xf32, #tpu.memory_space<hbm>>
      %dma_wait3A_110 = arith.constant 0 : i32
      %dma_wait3A_111 = arith.constant 0 : i32
      %dma_wait3A_112 = tpu.memref_slice %arg6[%run_scoped3A_70, %dma_wait3A_110, %dma_wait3A_111] : memref<10x32x1000xf32, #tpu.memory_space<hbm>> -> memref<1x32x1000xf32, #tpu.memory_space<hbm>>
      %dma_wait3A_113 = tpu.memref_squeeze %dma_wait3A_112 : memref<1x32x1000xf32, #tpu.memory_space<hbm>> -> memref<32x1000xf32, #tpu.memory_space<hbm>>
      %dma_wait3A_114 = arith.constant 0 : i32
      %dma_wait3A_115 = tpu.memref_slice %dma_wait3A_113[%add3A, %dma_wait3A_114] : memref<32x1000xf32, #tpu.memory_space<hbm>> -> memref<1x1000xf32, #tpu.memory_space<hbm>>
      %dma_wait3A_116 = tpu.memref_squeeze %dma_wait3A_115 : memref<1x1000xf32, #tpu.memory_space<hbm>> -> memref<1000xf32, #tpu.memory_space<hbm>>
      %dma_wait3A_117 = arith.constant 3000 : i32
      %dma_wait3A_118 = tpu.memref_slice %arg13[%dma_wait3A_117] : memref<10000xf32, #tpu.memory_space<vmem>> -> memref<1000xf32, #tpu.memory_space<vmem>>
      tpu.wait_dma2 semaphore(%run_scoped3A_84 : memref<!tpu.dma_semaphore, #tpu.memory_space<semaphore_mem>>) src(%dma_wait3A_118 : memref<1000xf32, #tpu.memory_space<vmem>>) dst(%dma_wait3A_116 : memref<1000xf32, #tpu.memory_space<hbm>>)
      tpu.yield
    }) : () -> ()
    %run_scoped3A_71 = arith.constant 3 : i32
    "tpu.region"() ({
      %run_scoped3A_84 = tpu.sem_alloc : memref<!tpu.dma_semaphore, #tpu.memory_space<semaphore_mem>>
      %dma_start3A = arith.constant 3000 : i32
      %dma_start3A_85 = tpu.memref_slice %arg14[%dma_start3A] : memref<10000xf32, #tpu.memory_space<vmem>> -> memref<1000xf32, #tpu.memory_space<vmem>>
      %dma_start3A_86 = arith.constant 0 : i32
      %dma_start3A_87 = arith.constant 0 : i32
      %dma_start3A_88 = arith.constant 0 : i32
      %dma_start3A_89 = tpu.memref_slice %arg5[%run_scoped3A_71, %dma_start3A_86, %dma_start3A_87, %dma_start3A_88] : memref<10x2x16x1000xf32, #tpu.memory_space<hbm>> -> memref<1x2x16x1000xf32, #tpu.memory_space<hbm>>
      %dma_start3A_90 = tpu.memref_squeeze %dma_start3A_89 : memref<1x2x16x1000xf32, #tpu.memory_space<hbm>> -> memref<2x16x1000xf32, #tpu.memory_space<hbm>>
      %dma_start3A_91 = arith.constant 0 : i32
      %dma_start3A_92 = arith.constant 0 : i32
      %dma_start3A_93 = tpu.memref_slice %dma_start3A_90[%arg0, %dma_start3A_91, %dma_start3A_92] : memref<2x16x1000xf32, #tpu.memory_space<hbm>> -> memref<1x16x1000xf32, #tpu.memory_space<hbm>>
      %dma_start3A_94 = tpu.memref_squeeze %dma_start3A_93 : memref<1x16x1000xf32, #tpu.memory_space<hbm>> -> memref<16x1000xf32, #tpu.memory_space<hbm>>
      %dma_start3A_95 = arith.constant 0 : i32
      %dma_start3A_96 = tpu.memref_slice %dma_start3A_94[%arg1, %dma_start3A_95] : memref<16x1000xf32, #tpu.memory_space<hbm>> -> memref<1x1000xf32, #tpu.memory_space<hbm>>
      %dma_start3A_97 = tpu.memref_squeeze %dma_start3A_96 : memref<1x1000xf32, #tpu.memory_space<hbm>> -> memref<1000xf32, #tpu.memory_space<hbm>>
      %dma_start3A_98 = arith.constant 0 : i32
      %dma_start3A_99 = arith.constant 0 : i32
      %dma_start3A_100 = arith.constant 0 : i32
      %dma_start3A_101 = tpu.memref_slice %arg5[%run_scoped3A_71, %dma_start3A_98, %dma_start3A_99, %dma_start3A_100] : memref<10x2x16x1000xf32, #tpu.memory_space<hbm>> -> memref<1x2x16x1000xf32, #tpu.memory_space<hbm>>
      %dma_start3A_102 = tpu.memref_squeeze %dma_start3A_101 : memref<1x2x16x1000xf32, #tpu.memory_space<hbm>> -> memref<2x16x1000xf32, #tpu.memory_space<hbm>>
      %dma_start3A_103 = arith.constant 0 : i32
      %dma_start3A_104 = arith.constant 0 : i32
      %dma_start3A_105 = tpu.memref_slice %dma_start3A_102[%arg0, %dma_start3A_103, %dma_start3A_104] : memref<2x16x1000xf32, #tpu.memory_space<hbm>> -> memref<1x16x1000xf32, #tpu.memory_space<hbm>>
      %dma_start3A_106 = tpu.memref_squeeze %dma_start3A_105 : memref<1x16x1000xf32, #tpu.memory_space<hbm>> -> memref<16x1000xf32, #tpu.memory_space<hbm>>
      %dma_start3A_107 = arith.constant 0 : i32
      %dma_start3A_108 = tpu.memref_slice %dma_start3A_106[%arg1, %dma_start3A_107] : memref<16x1000xf32, #tpu.memory_space<hbm>> -> memref<1x1000xf32, #tpu.memory_space<hbm>>
      %dma_start3A_109 = tpu.memref_squeeze %dma_start3A_108 : memref<1x1000xf32, #tpu.memory_space<hbm>> -> memref<1000xf32, #tpu.memory_space<hbm>>
      %dma_start3A_110 = arith.constant 3000 : i32
      %dma_start3A_111 = tpu.memref_slice %arg14[%dma_start3A_110] : memref<10000xf32, #tpu.memory_space<vmem>> -> memref<1000xf32, #tpu.memory_space<vmem>>
      tpu.enqueue_dma source(%dma_start3A_111 : memref<1000xf32, #tpu.memory_space<vmem>>) target(%dma_start3A_109 : memref<1000xf32, #tpu.memory_space<hbm>>) target_semaphore(%run_scoped3A_84 : memref<!tpu.dma_semaphore, #tpu.memory_space<semaphore_mem>>)
      %dma_wait3A = arith.constant 3000 : i32
      %dma_wait3A_112 = tpu.memref_slice %arg14[%dma_wait3A] : memref<10000xf32, #tpu.memory_space<vmem>> -> memref<1000xf32, #tpu.memory_space<vmem>>
      %dma_wait3A_113 = arith.constant 0 : i32
      %dma_wait3A_114 = arith.constant 0 : i32
      %dma_wait3A_115 = arith.constant 0 : i32
      %dma_wait3A_116 = tpu.memref_slice %arg5[%run_scoped3A_71, %dma_wait3A_113, %dma_wait3A_114, %dma_wait3A_115] : memref<10x2x16x1000xf32, #tpu.memory_space<hbm>> -> memref<1x2x16x1000xf32, #tpu.memory_space<hbm>>
      %dma_wait3A_117 = tpu.memref_squeeze %dma_wait3A_116 : memref<1x2x16x1000xf32, #tpu.memory_space<hbm>> -> memref<2x16x1000xf32, #tpu.memory_space<hbm>>
      %dma_wait3A_118 = arith.constant 0 : i32
      %dma_wait3A_119 = arith.constant 0 : i32
      %dma_wait3A_120 = tpu.memref_slice %dma_wait3A_117[%arg0, %dma_wait3A_118, %dma_wait3A_119] : memref<2x16x1000xf32, #tpu.memory_space<hbm>> -> memref<1x16x1000xf32, #tpu.memory_space<hbm>>
      %dma_wait3A_121 = tpu.memref_squeeze %dma_wait3A_120 : memref<1x16x1000xf32, #tpu.memory_space<hbm>> -> memref<16x1000xf32, #tpu.memory_space<hbm>>
      %dma_wait3A_122 = arith.constant 0 : i32
      %dma_wait3A_123 = tpu.memref_slice %dma_wait3A_121[%arg1, %dma_wait3A_122] : memref<16x1000xf32, #tpu.memory_space<hbm>> -> memref<1x1000xf32, #tpu.memory_space<hbm>>
      %dma_wait3A_124 = tpu.memref_squeeze %dma_wait3A_123 : memref<1x1000xf32, #tpu.memory_space<hbm>> -> memref<1000xf32, #tpu.memory_space<hbm>>
      %dma_wait3A_125 = arith.constant 0 : i32
      %dma_wait3A_126 = arith.constant 0 : i32
      %dma_wait3A_127 = arith.constant 0 : i32
      %dma_wait3A_128 = tpu.memref_slice %arg5[%run_scoped3A_71, %dma_wait3A_125, %dma_wait3A_126, %dma_wait3A_127] : memref<10x2x16x1000xf32, #tpu.memory_space<hbm>> -> memref<1x2x16x1000xf32, #tpu.memory_space<hbm>>
      %dma_wait3A_129 = tpu.memref_squeeze %dma_wait3A_128 : memref<1x2x16x1000xf32, #tpu.memory_space<hbm>> -> memref<2x16x1000xf32, #tpu.memory_space<hbm>>
      %dma_wait3A_130 = arith.constant 0 : i32
      %dma_wait3A_131 = arith.constant 0 : i32
      %dma_wait3A_132 = tpu.memref_slice %dma_wait3A_129[%arg0, %dma_wait3A_130, %dma_wait3A_131] : memref<2x16x1000xf32, #tpu.memory_space<hbm>> -> memref<1x16x1000xf32, #tpu.memory_space<hbm>>
      %dma_wait3A_133 = tpu.memref_squeeze %dma_wait3A_132 : memref<1x16x1000xf32, #tpu.memory_space<hbm>> -> memref<16x1000xf32, #tpu.memory_space<hbm>>
      %dma_wait3A_134 = arith.constant 0 : i32
      %dma_wait3A_135 = tpu.memref_slice %dma_wait3A_133[%arg1, %dma_wait3A_134] : memref<16x1000xf32, #tpu.memory_space<hbm>> -> memref<1x1000xf32, #tpu.memory_space<hbm>>
      %dma_wait3A_136 = tpu.memref_squeeze %dma_wait3A_135 : memref<1x1000xf32, #tpu.memory_space<hbm>> -> memref<1000xf32, #tpu.memory_space<hbm>>
      %dma_wait3A_137 = arith.constant 3000 : i32
      %dma_wait3A_138 = tpu.memref_slice %arg14[%dma_wait3A_137] : memref<10000xf32, #tpu.memory_space<vmem>> -> memref<1000xf32, #tpu.memory_space<vmem>>
      tpu.wait_dma2 semaphore(%run_scoped3A_84 : memref<!tpu.dma_semaphore, #tpu.memory_space<semaphore_mem>>) src(%dma_wait3A_138 : memref<1000xf32, #tpu.memory_space<vmem>>) dst(%dma_wait3A_136 : memref<1000xf32, #tpu.memory_space<hbm>>)
      tpu.yield
    }) : () -> ()
    %run_scoped3A_72 = arith.constant 4 : i32
    "tpu.region"() ({
      %run_scoped3A_84 = tpu.sem_alloc : memref<!tpu.dma_semaphore, #tpu.memory_space<semaphore_mem>>
      %dma_start3A = arith.constant 4000 : i32
      %dma_start3A_85 = tpu.memref_slice %arg13[%dma_start3A] : memref<10000xf32, #tpu.memory_space<vmem>> -> memref<1000xf32, #tpu.memory_space<vmem>>
      %dma_start3A_86 = arith.constant 0 : i32
      %dma_start3A_87 = arith.constant 0 : i32
      %dma_start3A_88 = tpu.memref_slice %arg6[%run_scoped3A_72, %dma_start3A_86, %dma_start3A_87] : memref<10x32x1000xf32, #tpu.memory_space<hbm>> -> memref<1x32x1000xf32, #tpu.memory_space<hbm>>
      %dma_start3A_89 = tpu.memref_squeeze %dma_start3A_88 : memref<1x32x1000xf32, #tpu.memory_space<hbm>> -> memref<32x1000xf32, #tpu.memory_space<hbm>>
      %dma_start3A_90 = arith.constant 0 : i32
      %dma_start3A_91 = tpu.memref_slice %dma_start3A_89[%add3A, %dma_start3A_90] : memref<32x1000xf32, #tpu.memory_space<hbm>> -> memref<1x1000xf32, #tpu.memory_space<hbm>>
      %dma_start3A_92 = tpu.memref_squeeze %dma_start3A_91 : memref<1x1000xf32, #tpu.memory_space<hbm>> -> memref<1000xf32, #tpu.memory_space<hbm>>
      %dma_start3A_93 = arith.constant 0 : i32
      %dma_start3A_94 = arith.constant 0 : i32
      %dma_start3A_95 = tpu.memref_slice %arg6[%run_scoped3A_72, %dma_start3A_93, %dma_start3A_94] : memref<10x32x1000xf32, #tpu.memory_space<hbm>> -> memref<1x32x1000xf32, #tpu.memory_space<hbm>>
      %dma_start3A_96 = tpu.memref_squeeze %dma_start3A_95 : memref<1x32x1000xf32, #tpu.memory_space<hbm>> -> memref<32x1000xf32, #tpu.memory_space<hbm>>
      %dma_start3A_97 = arith.constant 0 : i32
      %dma_start3A_98 = tpu.memref_slice %dma_start3A_96[%add3A, %dma_start3A_97] : memref<32x1000xf32, #tpu.memory_space<hbm>> -> memref<1x1000xf32, #tpu.memory_space<hbm>>
      %dma_start3A_99 = tpu.memref_squeeze %dma_start3A_98 : memref<1x1000xf32, #tpu.memory_space<hbm>> -> memref<1000xf32, #tpu.memory_space<hbm>>
      %dma_start3A_100 = arith.constant 4000 : i32
      %dma_start3A_101 = tpu.memref_slice %arg13[%dma_start3A_100] : memref<10000xf32, #tpu.memory_space<vmem>> -> memref<1000xf32, #tpu.memory_space<vmem>>
      tpu.enqueue_dma source(%dma_start3A_101 : memref<1000xf32, #tpu.memory_space<vmem>>) target(%dma_start3A_99 : memref<1000xf32, #tpu.memory_space<hbm>>) target_semaphore(%run_scoped3A_84 : memref<!tpu.dma_semaphore, #tpu.memory_space<semaphore_mem>>)
      %dma_wait3A = arith.constant 4000 : i32
      %dma_wait3A_102 = tpu.memref_slice %arg13[%dma_wait3A] : memref<10000xf32, #tpu.memory_space<vmem>> -> memref<1000xf32, #tpu.memory_space<vmem>>
      %dma_wait3A_103 = arith.constant 0 : i32
      %dma_wait3A_104 = arith.constant 0 : i32
      %dma_wait3A_105 = tpu.memref_slice %arg6[%run_scoped3A_72, %dma_wait3A_103, %dma_wait3A_104] : memref<10x32x1000xf32, #tpu.memory_space<hbm>> -> memref<1x32x1000xf32, #tpu.memory_space<hbm>>
      %dma_wait3A_106 = tpu.memref_squeeze %dma_wait3A_105 : memref<1x32x1000xf32, #tpu.memory_space<hbm>> -> memref<32x1000xf32, #tpu.memory_space<hbm>>
      %dma_wait3A_107 = arith.constant 0 : i32
      %dma_wait3A_108 = tpu.memref_slice %dma_wait3A_106[%add3A, %dma_wait3A_107] : memref<32x1000xf32, #tpu.memory_space<hbm>> -> memref<1x1000xf32, #tpu.memory_space<hbm>>
      %dma_wait3A_109 = tpu.memref_squeeze %dma_wait3A_108 : memref<1x1000xf32, #tpu.memory_space<hbm>> -> memref<1000xf32, #tpu.memory_space<hbm>>
      %dma_wait3A_110 = arith.constant 0 : i32
      %dma_wait3A_111 = arith.constant 0 : i32
      %dma_wait3A_112 = tpu.memref_slice %arg6[%run_scoped3A_72, %dma_wait3A_110, %dma_wait3A_111] : memref<10x32x1000xf32, #tpu.memory_space<hbm>> -> memref<1x32x1000xf32, #tpu.memory_space<hbm>>
      %dma_wait3A_113 = tpu.memref_squeeze %dma_wait3A_112 : memref<1x32x1000xf32, #tpu.memory_space<hbm>> -> memref<32x1000xf32, #tpu.memory_space<hbm>>
      %dma_wait3A_114 = arith.constant 0 : i32
      %dma_wait3A_115 = tpu.memref_slice %dma_wait3A_113[%add3A, %dma_wait3A_114] : memref<32x1000xf32, #tpu.memory_space<hbm>> -> memref<1x1000xf32, #tpu.memory_space<hbm>>
      %dma_wait3A_116 = tpu.memref_squeeze %dma_wait3A_115 : memref<1x1000xf32, #tpu.memory_space<hbm>> -> memref<1000xf32, #tpu.memory_space<hbm>>
      %dma_wait3A_117 = arith.constant 4000 : i32
      %dma_wait3A_118 = tpu.memref_slice %arg13[%dma_wait3A_117] : memref<10000xf32, #tpu.memory_space<vmem>> -> memref<1000xf32, #tpu.memory_space<vmem>>
      tpu.wait_dma2 semaphore(%run_scoped3A_84 : memref<!tpu.dma_semaphore, #tpu.memory_space<semaphore_mem>>) src(%dma_wait3A_118 : memref<1000xf32, #tpu.memory_space<vmem>>) dst(%dma_wait3A_116 : memref<1000xf32, #tpu.memory_space<hbm>>)
      tpu.yield
    }) : () -> ()
    %run_scoped3A_73 = arith.constant 4 : i32
    "tpu.region"() ({
      %run_scoped3A_84 = tpu.sem_alloc : memref<!tpu.dma_semaphore, #tpu.memory_space<semaphore_mem>>
      %dma_start3A = arith.constant 4000 : i32
      %dma_start3A_85 = tpu.memref_slice %arg14[%dma_start3A] : memref<10000xf32, #tpu.memory_space<vmem>> -> memref<1000xf32, #tpu.memory_space<vmem>>
      %dma_start3A_86 = arith.constant 0 : i32
      %dma_start3A_87 = arith.constant 0 : i32
      %dma_start3A_88 = arith.constant 0 : i32
      %dma_start3A_89 = tpu.memref_slice %arg5[%run_scoped3A_73, %dma_start3A_86, %dma_start3A_87, %dma_start3A_88] : memref<10x2x16x1000xf32, #tpu.memory_space<hbm>> -> memref<1x2x16x1000xf32, #tpu.memory_space<hbm>>
      %dma_start3A_90 = tpu.memref_squeeze %dma_start3A_89 : memref<1x2x16x1000xf32, #tpu.memory_space<hbm>> -> memref<2x16x1000xf32, #tpu.memory_space<hbm>>
      %dma_start3A_91 = arith.constant 0 : i32
      %dma_start3A_92 = arith.constant 0 : i32
      %dma_start3A_93 = tpu.memref_slice %dma_start3A_90[%arg0, %dma_start3A_91, %dma_start3A_92] : memref<2x16x1000xf32, #tpu.memory_space<hbm>> -> memref<1x16x1000xf32, #tpu.memory_space<hbm>>
      %dma_start3A_94 = tpu.memref_squeeze %dma_start3A_93 : memref<1x16x1000xf32, #tpu.memory_space<hbm>> -> memref<16x1000xf32, #tpu.memory_space<hbm>>
      %dma_start3A_95 = arith.constant 0 : i32
      %dma_start3A_96 = tpu.memref_slice %dma_start3A_94[%arg1, %dma_start3A_95] : memref<16x1000xf32, #tpu.memory_space<hbm>> -> memref<1x1000xf32, #tpu.memory_space<hbm>>
      %dma_start3A_97 = tpu.memref_squeeze %dma_start3A_96 : memref<1x1000xf32, #tpu.memory_space<hbm>> -> memref<1000xf32, #tpu.memory_space<hbm>>
      %dma_start3A_98 = arith.constant 0 : i32
      %dma_start3A_99 = arith.constant 0 : i32
      %dma_start3A_100 = arith.constant 0 : i32
      %dma_start3A_101 = tpu.memref_slice %arg5[%run_scoped3A_73, %dma_start3A_98, %dma_start3A_99, %dma_start3A_100] : memref<10x2x16x1000xf32, #tpu.memory_space<hbm>> -> memref<1x2x16x1000xf32, #tpu.memory_space<hbm>>
      %dma_start3A_102 = tpu.memref_squeeze %dma_start3A_101 : memref<1x2x16x1000xf32, #tpu.memory_space<hbm>> -> memref<2x16x1000xf32, #tpu.memory_space<hbm>>
      %dma_start3A_103 = arith.constant 0 : i32
      %dma_start3A_104 = arith.constant 0 : i32
      %dma_start3A_105 = tpu.memref_slice %dma_start3A_102[%arg0, %dma_start3A_103, %dma_start3A_104] : memref<2x16x1000xf32, #tpu.memory_space<hbm>> -> memref<1x16x1000xf32, #tpu.memory_space<hbm>>
      %dma_start3A_106 = tpu.memref_squeeze %dma_start3A_105 : memref<1x16x1000xf32, #tpu.memory_space<hbm>> -> memref<16x1000xf32, #tpu.memory_space<hbm>>
      %dma_start3A_107 = arith.constant 0 : i32
      %dma_start3A_108 = tpu.memref_slice %dma_start3A_106[%arg1, %dma_start3A_107] : memref<16x1000xf32, #tpu.memory_space<hbm>> -> memref<1x1000xf32, #tpu.memory_space<hbm>>
      %dma_start3A_109 = tpu.memref_squeeze %dma_start3A_108 : memref<1x1000xf32, #tpu.memory_space<hbm>> -> memref<1000xf32, #tpu.memory_space<hbm>>
      %dma_start3A_110 = arith.constant 4000 : i32
      %dma_start3A_111 = tpu.memref_slice %arg14[%dma_start3A_110] : memref<10000xf32, #tpu.memory_space<vmem>> -> memref<1000xf32, #tpu.memory_space<vmem>>
      tpu.enqueue_dma source(%dma_start3A_111 : memref<1000xf32, #tpu.memory_space<vmem>>) target(%dma_start3A_109 : memref<1000xf32, #tpu.memory_space<hbm>>) target_semaphore(%run_scoped3A_84 : memref<!tpu.dma_semaphore, #tpu.memory_space<semaphore_mem>>)
      %dma_wait3A = arith.constant 4000 : i32
      %dma_wait3A_112 = tpu.memref_slice %arg14[%dma_wait3A] : memref<10000xf32, #tpu.memory_space<vmem>> -> memref<1000xf32, #tpu.memory_space<vmem>>
      %dma_wait3A_113 = arith.constant 0 : i32
      %dma_wait3A_114 = arith.constant 0 : i32
      %dma_wait3A_115 = arith.constant 0 : i32
      %dma_wait3A_116 = tpu.memref_slice %arg5[%run_scoped3A_73, %dma_wait3A_113, %dma_wait3A_114, %dma_wait3A_115] : memref<10x2x16x1000xf32, #tpu.memory_space<hbm>> -> memref<1x2x16x1000xf32, #tpu.memory_space<hbm>>
      %dma_wait3A_117 = tpu.memref_squeeze %dma_wait3A_116 : memref<1x2x16x1000xf32, #tpu.memory_space<hbm>> -> memref<2x16x1000xf32, #tpu.memory_space<hbm>>
      %dma_wait3A_118 = arith.constant 0 : i32
      %dma_wait3A_119 = arith.constant 0 : i32
      %dma_wait3A_120 = tpu.memref_slice %dma_wait3A_117[%arg0, %dma_wait3A_118, %dma_wait3A_119] : memref<2x16x1000xf32, #tpu.memory_space<hbm>> -> memref<1x16x1000xf32, #tpu.memory_space<hbm>>
      %dma_wait3A_121 = tpu.memref_squeeze %dma_wait3A_120 : memref<1x16x1000xf32, #tpu.memory_space<hbm>> -> memref<16x1000xf32, #tpu.memory_space<hbm>>
      %dma_wait3A_122 = arith.constant 0 : i32
      %dma_wait3A_123 = tpu.memref_slice %dma_wait3A_121[%arg1, %dma_wait3A_122] : memref<16x1000xf32, #tpu.memory_space<hbm>> -> memref<1x1000xf32, #tpu.memory_space<hbm>>
      %dma_wait3A_124 = tpu.memref_squeeze %dma_wait3A_123 : memref<1x1000xf32, #tpu.memory_space<hbm>> -> memref<1000xf32, #tpu.memory_space<hbm>>
      %dma_wait3A_125 = arith.constant 0 : i32
      %dma_wait3A_126 = arith.constant 0 : i32
      %dma_wait3A_127 = arith.constant 0 : i32
      %dma_wait3A_128 = tpu.memref_slice %arg5[%run_scoped3A_73, %dma_wait3A_125, %dma_wait3A_126, %dma_wait3A_127] : memref<10x2x16x1000xf32, #tpu.memory_space<hbm>> -> memref<1x2x16x1000xf32, #tpu.memory_space<hbm>>
      %dma_wait3A_129 = tpu.memref_squeeze %dma_wait3A_128 : memref<1x2x16x1000xf32, #tpu.memory_space<hbm>> -> memref<2x16x1000xf32, #tpu.memory_space<hbm>>
      %dma_wait3A_130 = arith.constant 0 : i32
      %dma_wait3A_131 = arith.constant 0 : i32
      %dma_wait3A_132 = tpu.memref_slice %dma_wait3A_129[%arg0, %dma_wait3A_130, %dma_wait3A_131] : memref<2x16x1000xf32, #tpu.memory_space<hbm>> -> memref<1x16x1000xf32, #tpu.memory_space<hbm>>
      %dma_wait3A_133 = tpu.memref_squeeze %dma_wait3A_132 : memref<1x16x1000xf32, #tpu.memory_space<hbm>> -> memref<16x1000xf32, #tpu.memory_space<hbm>>
      %dma_wait3A_134 = arith.constant 0 : i32
      %dma_wait3A_135 = tpu.memref_slice %dma_wait3A_133[%arg1, %dma_wait3A_134] : memref<16x1000xf32, #tpu.memory_space<hbm>> -> memref<1x1000xf32, #tpu.memory_space<hbm>>
      %dma_wait3A_136 = tpu.memref_squeeze %dma_wait3A_135 : memref<1x1000xf32, #tpu.memory_space<hbm>> -> memref<1000xf32, #tpu.memory_space<hbm>>
      %dma_wait3A_137 = arith.constant 4000 : i32
      %dma_wait3A_138 = tpu.memref_slice %arg14[%dma_wait3A_137] : memref<10000xf32, #tpu.memory_space<vmem>> -> memref<1000xf32, #tpu.memory_space<vmem>>
      tpu.wait_dma2 semaphore(%run_scoped3A_84 : memref<!tpu.dma_semaphore, #tpu.memory_space<semaphore_mem>>) src(%dma_wait3A_138 : memref<1000xf32, #tpu.memory_space<vmem>>) dst(%dma_wait3A_136 : memref<1000xf32, #tpu.memory_space<hbm>>)
      tpu.yield
    }) : () -> ()
    %run_scoped3A_74 = arith.constant 5 : i32
    "tpu.region"() ({
      %run_scoped3A_84 = tpu.sem_alloc : memref<!tpu.dma_semaphore, #tpu.memory_space<semaphore_mem>>
      %dma_start3A = arith.constant 5000 : i32
      %dma_start3A_85 = tpu.memref_slice %arg13[%dma_start3A] : memref<10000xf32, #tpu.memory_space<vmem>> -> memref<1000xf32, #tpu.memory_space<vmem>>
      %dma_start3A_86 = arith.constant 0 : i32
      %dma_start3A_87 = arith.constant 0 : i32
      %dma_start3A_88 = tpu.memref_slice %arg6[%run_scoped3A_74, %dma_start3A_86, %dma_start3A_87] : memref<10x32x1000xf32, #tpu.memory_space<hbm>> -> memref<1x32x1000xf32, #tpu.memory_space<hbm>>
      %dma_start3A_89 = tpu.memref_squeeze %dma_start3A_88 : memref<1x32x1000xf32, #tpu.memory_space<hbm>> -> memref<32x1000xf32, #tpu.memory_space<hbm>>
      %dma_start3A_90 = arith.constant 0 : i32
      %dma_start3A_91 = tpu.memref_slice %dma_start3A_89[%add3A, %dma_start3A_90] : memref<32x1000xf32, #tpu.memory_space<hbm>> -> memref<1x1000xf32, #tpu.memory_space<hbm>>
      %dma_start3A_92 = tpu.memref_squeeze %dma_start3A_91 : memref<1x1000xf32, #tpu.memory_space<hbm>> -> memref<1000xf32, #tpu.memory_space<hbm>>
      %dma_start3A_93 = arith.constant 0 : i32
      %dma_start3A_94 = arith.constant 0 : i32
      %dma_start3A_95 = tpu.memref_slice %arg6[%run_scoped3A_74, %dma_start3A_93, %dma_start3A_94] : memref<10x32x1000xf32, #tpu.memory_space<hbm>> -> memref<1x32x1000xf32, #tpu.memory_space<hbm>>
      %dma_start3A_96 = tpu.memref_squeeze %dma_start3A_95 : memref<1x32x1000xf32, #tpu.memory_space<hbm>> -> memref<32x1000xf32, #tpu.memory_space<hbm>>
      %dma_start3A_97 = arith.constant 0 : i32
      %dma_start3A_98 = tpu.memref_slice %dma_start3A_96[%add3A, %dma_start3A_97] : memref<32x1000xf32, #tpu.memory_space<hbm>> -> memref<1x1000xf32, #tpu.memory_space<hbm>>
      %dma_start3A_99 = tpu.memref_squeeze %dma_start3A_98 : memref<1x1000xf32, #tpu.memory_space<hbm>> -> memref<1000xf32, #tpu.memory_space<hbm>>
      %dma_start3A_100 = arith.constant 5000 : i32
      %dma_start3A_101 = tpu.memref_slice %arg13[%dma_start3A_100] : memref<10000xf32, #tpu.memory_space<vmem>> -> memref<1000xf32, #tpu.memory_space<vmem>>
      tpu.enqueue_dma source(%dma_start3A_101 : memref<1000xf32, #tpu.memory_space<vmem>>) target(%dma_start3A_99 : memref<1000xf32, #tpu.memory_space<hbm>>) target_semaphore(%run_scoped3A_84 : memref<!tpu.dma_semaphore, #tpu.memory_space<semaphore_mem>>)
      %dma_wait3A = arith.constant 5000 : i32
      %dma_wait3A_102 = tpu.memref_slice %arg13[%dma_wait3A] : memref<10000xf32, #tpu.memory_space<vmem>> -> memref<1000xf32, #tpu.memory_space<vmem>>
      %dma_wait3A_103 = arith.constant 0 : i32
      %dma_wait3A_104 = arith.constant 0 : i32
      %dma_wait3A_105 = tpu.memref_slice %arg6[%run_scoped3A_74, %dma_wait3A_103, %dma_wait3A_104] : memref<10x32x1000xf32, #tpu.memory_space<hbm>> -> memref<1x32x1000xf32, #tpu.memory_space<hbm>>
      %dma_wait3A_106 = tpu.memref_squeeze %dma_wait3A_105 : memref<1x32x1000xf32, #tpu.memory_space<hbm>> -> memref<32x1000xf32, #tpu.memory_space<hbm>>
      %dma_wait3A_107 = arith.constant 0 : i32
      %dma_wait3A_108 = tpu.memref_slice %dma_wait3A_106[%add3A, %dma_wait3A_107] : memref<32x1000xf32, #tpu.memory_space<hbm>> -> memref<1x1000xf32, #tpu.memory_space<hbm>>
      %dma_wait3A_109 = tpu.memref_squeeze %dma_wait3A_108 : memref<1x1000xf32, #tpu.memory_space<hbm>> -> memref<1000xf32, #tpu.memory_space<hbm>>
      %dma_wait3A_110 = arith.constant 0 : i32
      %dma_wait3A_111 = arith.constant 0 : i32
      %dma_wait3A_112 = tpu.memref_slice %arg6[%run_scoped3A_74, %dma_wait3A_110, %dma_wait3A_111] : memref<10x32x1000xf32, #tpu.memory_space<hbm>> -> memref<1x32x1000xf32, #tpu.memory_space<hbm>>
      %dma_wait3A_113 = tpu.memref_squeeze %dma_wait3A_112 : memref<1x32x1000xf32, #tpu.memory_space<hbm>> -> memref<32x1000xf32, #tpu.memory_space<hbm>>
      %dma_wait3A_114 = arith.constant 0 : i32
      %dma_wait3A_115 = tpu.memref_slice %dma_wait3A_113[%add3A, %dma_wait3A_114] : memref<32x1000xf32, #tpu.memory_space<hbm>> -> memref<1x1000xf32, #tpu.memory_space<hbm>>
      %dma_wait3A_116 = tpu.memref_squeeze %dma_wait3A_115 : memref<1x1000xf32, #tpu.memory_space<hbm>> -> memref<1000xf32, #tpu.memory_space<hbm>>
      %dma_wait3A_117 = arith.constant 5000 : i32
      %dma_wait3A_118 = tpu.memref_slice %arg13[%dma_wait3A_117] : memref<10000xf32, #tpu.memory_space<vmem>> -> memref<1000xf32, #tpu.memory_space<vmem>>
      tpu.wait_dma2 semaphore(%run_scoped3A_84 : memref<!tpu.dma_semaphore, #tpu.memory_space<semaphore_mem>>) src(%dma_wait3A_118 : memref<1000xf32, #tpu.memory_space<vmem>>) dst(%dma_wait3A_116 : memref<1000xf32, #tpu.memory_space<hbm>>)
      tpu.yield
    }) : () -> ()
    %run_scoped3A_75 = arith.constant 5 : i32
    "tpu.region"() ({
      %run_scoped3A_84 = tpu.sem_alloc : memref<!tpu.dma_semaphore, #tpu.memory_space<semaphore_mem>>
      %dma_start3A = arith.constant 5000 : i32
      %dma_start3A_85 = tpu.memref_slice %arg14[%dma_start3A] : memref<10000xf32, #tpu.memory_space<vmem>> -> memref<1000xf32, #tpu.memory_space<vmem>>
      %dma_start3A_86 = arith.constant 0 : i32
      %dma_start3A_87 = arith.constant 0 : i32
      %dma_start3A_88 = arith.constant 0 : i32
      %dma_start3A_89 = tpu.memref_slice %arg5[%run_scoped3A_75, %dma_start3A_86, %dma_start3A_87, %dma_start3A_88] : memref<10x2x16x1000xf32, #tpu.memory_space<hbm>> -> memref<1x2x16x1000xf32, #tpu.memory_space<hbm>>
      %dma_start3A_90 = tpu.memref_squeeze %dma_start3A_89 : memref<1x2x16x1000xf32, #tpu.memory_space<hbm>> -> memref<2x16x1000xf32, #tpu.memory_space<hbm>>
      %dma_start3A_91 = arith.constant 0 : i32
      %dma_start3A_92 = arith.constant 0 : i32
      %dma_start3A_93 = tpu.memref_slice %dma_start3A_90[%arg0, %dma_start3A_91, %dma_start3A_92] : memref<2x16x1000xf32, #tpu.memory_space<hbm>> -> memref<1x16x1000xf32, #tpu.memory_space<hbm>>
      %dma_start3A_94 = tpu.memref_squeeze %dma_start3A_93 : memref<1x16x1000xf32, #tpu.memory_space<hbm>> -> memref<16x1000xf32, #tpu.memory_space<hbm>>
      %dma_start3A_95 = arith.constant 0 : i32
      %dma_start3A_96 = tpu.memref_slice %dma_start3A_94[%arg1, %dma_start3A_95] : memref<16x1000xf32, #tpu.memory_space<hbm>> -> memref<1x1000xf32, #tpu.memory_space<hbm>>
      %dma_start3A_97 = tpu.memref_squeeze %dma_start3A_96 : memref<1x1000xf32, #tpu.memory_space<hbm>> -> memref<1000xf32, #tpu.memory_space<hbm>>
      %dma_start3A_98 = arith.constant 0 : i32
      %dma_start3A_99 = arith.constant 0 : i32
      %dma_start3A_100 = arith.constant 0 : i32
      %dma_start3A_101 = tpu.memref_slice %arg5[%run_scoped3A_75, %dma_start3A_98, %dma_start3A_99, %dma_start3A_100] : memref<10x2x16x1000xf32, #tpu.memory_space<hbm>> -> memref<1x2x16x1000xf32, #tpu.memory_space<hbm>>
      %dma_start3A_102 = tpu.memref_squeeze %dma_start3A_101 : memref<1x2x16x1000xf32, #tpu.memory_space<hbm>> -> memref<2x16x1000xf32, #tpu.memory_space<hbm>>
      %dma_start3A_103 = arith.constant 0 : i32
      %dma_start3A_104 = arith.constant 0 : i32
      %dma_start3A_105 = tpu.memref_slice %dma_start3A_102[%arg0, %dma_start3A_103, %dma_start3A_104] : memref<2x16x1000xf32, #tpu.memory_space<hbm>> -> memref<1x16x1000xf32, #tpu.memory_space<hbm>>
      %dma_start3A_106 = tpu.memref_squeeze %dma_start3A_105 : memref<1x16x1000xf32, #tpu.memory_space<hbm>> -> memref<16x1000xf32, #tpu.memory_space<hbm>>
      %dma_start3A_107 = arith.constant 0 : i32
      %dma_start3A_108 = tpu.memref_slice %dma_start3A_106[%arg1, %dma_start3A_107] : memref<16x1000xf32, #tpu.memory_space<hbm>> -> memref<1x1000xf32, #tpu.memory_space<hbm>>
      %dma_start3A_109 = tpu.memref_squeeze %dma_start3A_108 : memref<1x1000xf32, #tpu.memory_space<hbm>> -> memref<1000xf32, #tpu.memory_space<hbm>>
      %dma_start3A_110 = arith.constant 5000 : i32
      %dma_start3A_111 = tpu.memref_slice %arg14[%dma_start3A_110] : memref<10000xf32, #tpu.memory_space<vmem>> -> memref<1000xf32, #tpu.memory_space<vmem>>
      tpu.enqueue_dma source(%dma_start3A_111 : memref<1000xf32, #tpu.memory_space<vmem>>) target(%dma_start3A_109 : memref<1000xf32, #tpu.memory_space<hbm>>) target_semaphore(%run_scoped3A_84 : memref<!tpu.dma_semaphore, #tpu.memory_space<semaphore_mem>>)
      %dma_wait3A = arith.constant 5000 : i32
      %dma_wait3A_112 = tpu.memref_slice %arg14[%dma_wait3A] : memref<10000xf32, #tpu.memory_space<vmem>> -> memref<1000xf32, #tpu.memory_space<vmem>>
      %dma_wait3A_113 = arith.constant 0 : i32
      %dma_wait3A_114 = arith.constant 0 : i32
      %dma_wait3A_115 = arith.constant 0 : i32
      %dma_wait3A_116 = tpu.memref_slice %arg5[%run_scoped3A_75, %dma_wait3A_113, %dma_wait3A_114, %dma_wait3A_115] : memref<10x2x16x1000xf32, #tpu.memory_space<hbm>> -> memref<1x2x16x1000xf32, #tpu.memory_space<hbm>>
      %dma_wait3A_117 = tpu.memref_squeeze %dma_wait3A_116 : memref<1x2x16x1000xf32, #tpu.memory_space<hbm>> -> memref<2x16x1000xf32, #tpu.memory_space<hbm>>
      %dma_wait3A_118 = arith.constant 0 : i32
      %dma_wait3A_119 = arith.constant 0 : i32
      %dma_wait3A_120 = tpu.memref_slice %dma_wait3A_117[%arg0, %dma_wait3A_118, %dma_wait3A_119] : memref<2x16x1000xf32, #tpu.memory_space<hbm>> -> memref<1x16x1000xf32, #tpu.memory_space<hbm>>
      %dma_wait3A_121 = tpu.memref_squeeze %dma_wait3A_120 : memref<1x16x1000xf32, #tpu.memory_space<hbm>> -> memref<16x1000xf32, #tpu.memory_space<hbm>>
      %dma_wait3A_122 = arith.constant 0 : i32
      %dma_wait3A_123 = tpu.memref_slice %dma_wait3A_121[%arg1, %dma_wait3A_122] : memref<16x1000xf32, #tpu.memory_space<hbm>> -> memref<1x1000xf32, #tpu.memory_space<hbm>>
      %dma_wait3A_124 = tpu.memref_squeeze %dma_wait3A_123 : memref<1x1000xf32, #tpu.memory_space<hbm>> -> memref<1000xf32, #tpu.memory_space<hbm>>
      %dma_wait3A_125 = arith.constant 0 : i32
      %dma_wait3A_126 = arith.constant 0 : i32
      %dma_wait3A_127 = arith.constant 0 : i32
      %dma_wait3A_128 = tpu.memref_slice %arg5[%run_scoped3A_75, %dma_wait3A_125, %dma_wait3A_126, %dma_wait3A_127] : memref<10x2x16x1000xf32, #tpu.memory_space<hbm>> -> memref<1x2x16x1000xf32, #tpu.memory_space<hbm>>
      %dma_wait3A_129 = tpu.memref_squeeze %dma_wait3A_128 : memref<1x2x16x1000xf32, #tpu.memory_space<hbm>> -> memref<2x16x1000xf32, #tpu.memory_space<hbm>>
      %dma_wait3A_130 = arith.constant 0 : i32
      %dma_wait3A_131 = arith.constant 0 : i32
      %dma_wait3A_132 = tpu.memref_slice %dma_wait3A_129[%arg0, %dma_wait3A_130, %dma_wait3A_131] : memref<2x16x1000xf32, #tpu.memory_space<hbm>> -> memref<1x16x1000xf32, #tpu.memory_space<hbm>>
      %dma_wait3A_133 = tpu.memref_squeeze %dma_wait3A_132 : memref<1x16x1000xf32, #tpu.memory_space<hbm>> -> memref<16x1000xf32, #tpu.memory_space<hbm>>
      %dma_wait3A_134 = arith.constant 0 : i32
      %dma_wait3A_135 = tpu.memref_slice %dma_wait3A_133[%arg1, %dma_wait3A_134] : memref<16x1000xf32, #tpu.memory_space<hbm>> -> memref<1x1000xf32, #tpu.memory_space<hbm>>
      %dma_wait3A_136 = tpu.memref_squeeze %dma_wait3A_135 : memref<1x1000xf32, #tpu.memory_space<hbm>> -> memref<1000xf32, #tpu.memory_space<hbm>>
      %dma_wait3A_137 = arith.constant 5000 : i32
      %dma_wait3A_138 = tpu.memref_slice %arg14[%dma_wait3A_137] : memref<10000xf32, #tpu.memory_space<vmem>> -> memref<1000xf32, #tpu.memory_space<vmem>>
      tpu.wait_dma2 semaphore(%run_scoped3A_84 : memref<!tpu.dma_semaphore, #tpu.memory_space<semaphore_mem>>) src(%dma_wait3A_138 : memref<1000xf32, #tpu.memory_space<vmem>>) dst(%dma_wait3A_136 : memref<1000xf32, #tpu.memory_space<hbm>>)
      tpu.yield
    }) : () -> ()
    %run_scoped3A_76 = arith.constant 6 : i32
    "tpu.region"() ({
      %run_scoped3A_84 = tpu.sem_alloc : memref<!tpu.dma_semaphore, #tpu.memory_space<semaphore_mem>>
      %dma_start3A = arith.constant 6000 : i32
      %dma_start3A_85 = tpu.memref_slice %arg13[%dma_start3A] : memref<10000xf32, #tpu.memory_space<vmem>> -> memref<1000xf32, #tpu.memory_space<vmem>>
      %dma_start3A_86 = arith.constant 0 : i32
      %dma_start3A_87 = arith.constant 0 : i32
      %dma_start3A_88 = tpu.memref_slice %arg6[%run_scoped3A_76, %dma_start3A_86, %dma_start3A_87] : memref<10x32x1000xf32, #tpu.memory_space<hbm>> -> memref<1x32x1000xf32, #tpu.memory_space<hbm>>
      %dma_start3A_89 = tpu.memref_squeeze %dma_start3A_88 : memref<1x32x1000xf32, #tpu.memory_space<hbm>> -> memref<32x1000xf32, #tpu.memory_space<hbm>>
      %dma_start3A_90 = arith.constant 0 : i32
      %dma_start3A_91 = tpu.memref_slice %dma_start3A_89[%add3A, %dma_start3A_90] : memref<32x1000xf32, #tpu.memory_space<hbm>> -> memref<1x1000xf32, #tpu.memory_space<hbm>>
      %dma_start3A_92 = tpu.memref_squeeze %dma_start3A_91 : memref<1x1000xf32, #tpu.memory_space<hbm>> -> memref<1000xf32, #tpu.memory_space<hbm>>
      %dma_start3A_93 = arith.constant 0 : i32
      %dma_start3A_94 = arith.constant 0 : i32
      %dma_start3A_95 = tpu.memref_slice %arg6[%run_scoped3A_76, %dma_start3A_93, %dma_start3A_94] : memref<10x32x1000xf32, #tpu.memory_space<hbm>> -> memref<1x32x1000xf32, #tpu.memory_space<hbm>>
      %dma_start3A_96 = tpu.memref_squeeze %dma_start3A_95 : memref<1x32x1000xf32, #tpu.memory_space<hbm>> -> memref<32x1000xf32, #tpu.memory_space<hbm>>
      %dma_start3A_97 = arith.constant 0 : i32
      %dma_start3A_98 = tpu.memref_slice %dma_start3A_96[%add3A, %dma_start3A_97] : memref<32x1000xf32, #tpu.memory_space<hbm>> -> memref<1x1000xf32, #tpu.memory_space<hbm>>
      %dma_start3A_99 = tpu.memref_squeeze %dma_start3A_98 : memref<1x1000xf32, #tpu.memory_space<hbm>> -> memref<1000xf32, #tpu.memory_space<hbm>>
      %dma_start3A_100 = arith.constant 6000 : i32
      %dma_start3A_101 = tpu.memref_slice %arg13[%dma_start3A_100] : memref<10000xf32, #tpu.memory_space<vmem>> -> memref<1000xf32, #tpu.memory_space<vmem>>
      tpu.enqueue_dma source(%dma_start3A_101 : memref<1000xf32, #tpu.memory_space<vmem>>) target(%dma_start3A_99 : memref<1000xf32, #tpu.memory_space<hbm>>) target_semaphore(%run_scoped3A_84 : memref<!tpu.dma_semaphore, #tpu.memory_space<semaphore_mem>>)
      %dma_wait3A = arith.constant 6000 : i32
      %dma_wait3A_102 = tpu.memref_slice %arg13[%dma_wait3A] : memref<10000xf32, #tpu.memory_space<vmem>> -> memref<1000xf32, #tpu.memory_space<vmem>>
      %dma_wait3A_103 = arith.constant 0 : i32
      %dma_wait3A_104 = arith.constant 0 : i32
      %dma_wait3A_105 = tpu.memref_slice %arg6[%run_scoped3A_76, %dma_wait3A_103, %dma_wait3A_104] : memref<10x32x1000xf32, #tpu.memory_space<hbm>> -> memref<1x32x1000xf32, #tpu.memory_space<hbm>>
      %dma_wait3A_106 = tpu.memref_squeeze %dma_wait3A_105 : memref<1x32x1000xf32, #tpu.memory_space<hbm>> -> memref<32x1000xf32, #tpu.memory_space<hbm>>
      %dma_wait3A_107 = arith.constant 0 : i32
      %dma_wait3A_108 = tpu.memref_slice %dma_wait3A_106[%add3A, %dma_wait3A_107] : memref<32x1000xf32, #tpu.memory_space<hbm>> -> memref<1x1000xf32, #tpu.memory_space<hbm>>
      %dma_wait3A_109 = tpu.memref_squeeze %dma_wait3A_108 : memref<1x1000xf32, #tpu.memory_space<hbm>> -> memref<1000xf32, #tpu.memory_space<hbm>>
      %dma_wait3A_110 = arith.constant 0 : i32
      %dma_wait3A_111 = arith.constant 0 : i32
      %dma_wait3A_112 = tpu.memref_slice %arg6[%run_scoped3A_76, %dma_wait3A_110, %dma_wait3A_111] : memref<10x32x1000xf32, #tpu.memory_space<hbm>> -> memref<1x32x1000xf32, #tpu.memory_space<hbm>>
      %dma_wait3A_113 = tpu.memref_squeeze %dma_wait3A_112 : memref<1x32x1000xf32, #tpu.memory_space<hbm>> -> memref<32x1000xf32, #tpu.memory_space<hbm>>
      %dma_wait3A_114 = arith.constant 0 : i32
      %dma_wait3A_115 = tpu.memref_slice %dma_wait3A_113[%add3A, %dma_wait3A_114] : memref<32x1000xf32, #tpu.memory_space<hbm>> -> memref<1x1000xf32, #tpu.memory_space<hbm>>
      %dma_wait3A_116 = tpu.memref_squeeze %dma_wait3A_115 : memref<1x1000xf32, #tpu.memory_space<hbm>> -> memref<1000xf32, #tpu.memory_space<hbm>>
      %dma_wait3A_117 = arith.constant 6000 : i32
      %dma_wait3A_118 = tpu.memref_slice %arg13[%dma_wait3A_117] : memref<10000xf32, #tpu.memory_space<vmem>> -> memref<1000xf32, #tpu.memory_space<vmem>>
      tpu.wait_dma2 semaphore(%run_scoped3A_84 : memref<!tpu.dma_semaphore, #tpu.memory_space<semaphore_mem>>) src(%dma_wait3A_118 : memref<1000xf32, #tpu.memory_space<vmem>>) dst(%dma_wait3A_116 : memref<1000xf32, #tpu.memory_space<hbm>>)
      tpu.yield
    }) : () -> ()
    %run_scoped3A_77 = arith.constant 6 : i32
    "tpu.region"() ({
      %run_scoped3A_84 = tpu.sem_alloc : memref<!tpu.dma_semaphore, #tpu.memory_space<semaphore_mem>>
      %dma_start3A = arith.constant 6000 : i32
      %dma_start3A_85 = tpu.memref_slice %arg14[%dma_start3A] : memref<10000xf32, #tpu.memory_space<vmem>> -> memref<1000xf32, #tpu.memory_space<vmem>>
      %dma_start3A_86 = arith.constant 0 : i32
      %dma_start3A_87 = arith.constant 0 : i32
      %dma_start3A_88 = arith.constant 0 : i32
      %dma_start3A_89 = tpu.memref_slice %arg5[%run_scoped3A_77, %dma_start3A_86, %dma_start3A_87, %dma_start3A_88] : memref<10x2x16x1000xf32, #tpu.memory_space<hbm>> -> memref<1x2x16x1000xf32, #tpu.memory_space<hbm>>
      %dma_start3A_90 = tpu.memref_squeeze %dma_start3A_89 : memref<1x2x16x1000xf32, #tpu.memory_space<hbm>> -> memref<2x16x1000xf32, #tpu.memory_space<hbm>>
      %dma_start3A_91 = arith.constant 0 : i32
      %dma_start3A_92 = arith.constant 0 : i32
      %dma_start3A_93 = tpu.memref_slice %dma_start3A_90[%arg0, %dma_start3A_91, %dma_start3A_92] : memref<2x16x1000xf32, #tpu.memory_space<hbm>> -> memref<1x16x1000xf32, #tpu.memory_space<hbm>>
      %dma_start3A_94 = tpu.memref_squeeze %dma_start3A_93 : memref<1x16x1000xf32, #tpu.memory_space<hbm>> -> memref<16x1000xf32, #tpu.memory_space<hbm>>
      %dma_start3A_95 = arith.constant 0 : i32
      %dma_start3A_96 = tpu.memref_slice %dma_start3A_94[%arg1, %dma_start3A_95] : memref<16x1000xf32, #tpu.memory_space<hbm>> -> memref<1x1000xf32, #tpu.memory_space<hbm>>
      %dma_start3A_97 = tpu.memref_squeeze %dma_start3A_96 : memref<1x1000xf32, #tpu.memory_space<hbm>> -> memref<1000xf32, #tpu.memory_space<hbm>>
      %dma_start3A_98 = arith.constant 0 : i32
      %dma_start3A_99 = arith.constant 0 : i32
      %dma_start3A_100 = arith.constant 0 : i32
      %dma_start3A_101 = tpu.memref_slice %arg5[%run_scoped3A_77, %dma_start3A_98, %dma_start3A_99, %dma_start3A_100] : memref<10x2x16x1000xf32, #tpu.memory_space<hbm>> -> memref<1x2x16x1000xf32, #tpu.memory_space<hbm>>
      %dma_start3A_102 = tpu.memref_squeeze %dma_start3A_101 : memref<1x2x16x1000xf32, #tpu.memory_space<hbm>> -> memref<2x16x1000xf32, #tpu.memory_space<hbm>>
      %dma_start3A_103 = arith.constant 0 : i32
      %dma_start3A_104 = arith.constant 0 : i32
      %dma_start3A_105 = tpu.memref_slice %dma_start3A_102[%arg0, %dma_start3A_103, %dma_start3A_104] : memref<2x16x1000xf32, #tpu.memory_space<hbm>> -> memref<1x16x1000xf32, #tpu.memory_space<hbm>>
      %dma_start3A_106 = tpu.memref_squeeze %dma_start3A_105 : memref<1x16x1000xf32, #tpu.memory_space<hbm>> -> memref<16x1000xf32, #tpu.memory_space<hbm>>
      %dma_start3A_107 = arith.constant 0 : i32
      %dma_start3A_108 = tpu.memref_slice %dma_start3A_106[%arg1, %dma_start3A_107] : memref<16x1000xf32, #tpu.memory_space<hbm>> -> memref<1x1000xf32, #tpu.memory_space<hbm>>
      %dma_start3A_109 = tpu.memref_squeeze %dma_start3A_108 : memref<1x1000xf32, #tpu.memory_space<hbm>> -> memref<1000xf32, #tpu.memory_space<hbm>>
      %dma_start3A_110 = arith.constant 6000 : i32
      %dma_start3A_111 = tpu.memref_slice %arg14[%dma_start3A_110] : memref<10000xf32, #tpu.memory_space<vmem>> -> memref<1000xf32, #tpu.memory_space<vmem>>
      tpu.enqueue_dma source(%dma_start3A_111 : memref<1000xf32, #tpu.memory_space<vmem>>) target(%dma_start3A_109 : memref<1000xf32, #tpu.memory_space<hbm>>) target_semaphore(%run_scoped3A_84 : memref<!tpu.dma_semaphore, #tpu.memory_space<semaphore_mem>>)
      %dma_wait3A = arith.constant 6000 : i32
      %dma_wait3A_112 = tpu.memref_slice %arg14[%dma_wait3A] : memref<10000xf32, #tpu.memory_space<vmem>> -> memref<1000xf32, #tpu.memory_space<vmem>>
      %dma_wait3A_113 = arith.constant 0 : i32
      %dma_wait3A_114 = arith.constant 0 : i32
      %dma_wait3A_115 = arith.constant 0 : i32
      %dma_wait3A_116 = tpu.memref_slice %arg5[%run_scoped3A_77, %dma_wait3A_113, %dma_wait3A_114, %dma_wait3A_115] : memref<10x2x16x1000xf32, #tpu.memory_space<hbm>> -> memref<1x2x16x1000xf32, #tpu.memory_space<hbm>>
      %dma_wait3A_117 = tpu.memref_squeeze %dma_wait3A_116 : memref<1x2x16x1000xf32, #tpu.memory_space<hbm>> -> memref<2x16x1000xf32, #tpu.memory_space<hbm>>
      %dma_wait3A_118 = arith.constant 0 : i32
      %dma_wait3A_119 = arith.constant 0 : i32
      %dma_wait3A_120 = tpu.memref_slice %dma_wait3A_117[%arg0, %dma_wait3A_118, %dma_wait3A_119] : memref<2x16x1000xf32, #tpu.memory_space<hbm>> -> memref<1x16x1000xf32, #tpu.memory_space<hbm>>
      %dma_wait3A_121 = tpu.memref_squeeze %dma_wait3A_120 : memref<1x16x1000xf32, #tpu.memory_space<hbm>> -> memref<16x1000xf32, #tpu.memory_space<hbm>>
      %dma_wait3A_122 = arith.constant 0 : i32
      %dma_wait3A_123 = tpu.memref_slice %dma_wait3A_121[%arg1, %dma_wait3A_122] : memref<16x1000xf32, #tpu.memory_space<hbm>> -> memref<1x1000xf32, #tpu.memory_space<hbm>>
      %dma_wait3A_124 = tpu.memref_squeeze %dma_wait3A_123 : memref<1x1000xf32, #tpu.memory_space<hbm>> -> memref<1000xf32, #tpu.memory_space<hbm>>
      %dma_wait3A_125 = arith.constant 0 : i32
      %dma_wait3A_126 = arith.constant 0 : i32
      %dma_wait3A_127 = arith.constant 0 : i32
      %dma_wait3A_128 = tpu.memref_slice %arg5[%run_scoped3A_77, %dma_wait3A_125, %dma_wait3A_126, %dma_wait3A_127] : memref<10x2x16x1000xf32, #tpu.memory_space<hbm>> -> memref<1x2x16x1000xf32, #tpu.memory_space<hbm>>
      %dma_wait3A_129 = tpu.memref_squeeze %dma_wait3A_128 : memref<1x2x16x1000xf32, #tpu.memory_space<hbm>> -> memref<2x16x1000xf32, #tpu.memory_space<hbm>>
      %dma_wait3A_130 = arith.constant 0 : i32
      %dma_wait3A_131 = arith.constant 0 : i32
      %dma_wait3A_132 = tpu.memref_slice %dma_wait3A_129[%arg0, %dma_wait3A_130, %dma_wait3A_131] : memref<2x16x1000xf32, #tpu.memory_space<hbm>> -> memref<1x16x1000xf32, #tpu.memory_space<hbm>>
      %dma_wait3A_133 = tpu.memref_squeeze %dma_wait3A_132 : memref<1x16x1000xf32, #tpu.memory_space<hbm>> -> memref<16x1000xf32, #tpu.memory_space<hbm>>
      %dma_wait3A_134 = arith.constant 0 : i32
      %dma_wait3A_135 = tpu.memref_slice %dma_wait3A_133[%arg1, %dma_wait3A_134] : memref<16x1000xf32, #tpu.memory_space<hbm>> -> memref<1x1000xf32, #tpu.memory_space<hbm>>
      %dma_wait3A_136 = tpu.memref_squeeze %dma_wait3A_135 : memref<1x1000xf32, #tpu.memory_space<hbm>> -> memref<1000xf32, #tpu.memory_space<hbm>>
      %dma_wait3A_137 = arith.constant 6000 : i32
      %dma_wait3A_138 = tpu.memref_slice %arg14[%dma_wait3A_137] : memref<10000xf32, #tpu.memory_space<vmem>> -> memref<1000xf32, #tpu.memory_space<vmem>>
      tpu.wait_dma2 semaphore(%run_scoped3A_84 : memref<!tpu.dma_semaphore, #tpu.memory_space<semaphore_mem>>) src(%dma_wait3A_138 : memref<1000xf32, #tpu.memory_space<vmem>>) dst(%dma_wait3A_136 : memref<1000xf32, #tpu.memory_space<hbm>>)
      tpu.yield
    }) : () -> ()
    %run_scoped3A_78 = arith.constant 7 : i32
    "tpu.region"() ({
      %run_scoped3A_84 = tpu.sem_alloc : memref<!tpu.dma_semaphore, #tpu.memory_space<semaphore_mem>>
      %dma_start3A = arith.constant 7000 : i32
      %dma_start3A_85 = tpu.memref_slice %arg13[%dma_start3A] : memref<10000xf32, #tpu.memory_space<vmem>> -> memref<1000xf32, #tpu.memory_space<vmem>>
      %dma_start3A_86 = arith.constant 0 : i32
      %dma_start3A_87 = arith.constant 0 : i32
      %dma_start3A_88 = tpu.memref_slice %arg6[%run_scoped3A_78, %dma_start3A_86, %dma_start3A_87] : memref<10x32x1000xf32, #tpu.memory_space<hbm>> -> memref<1x32x1000xf32, #tpu.memory_space<hbm>>
      %dma_start3A_89 = tpu.memref_squeeze %dma_start3A_88 : memref<1x32x1000xf32, #tpu.memory_space<hbm>> -> memref<32x1000xf32, #tpu.memory_space<hbm>>
      %dma_start3A_90 = arith.constant 0 : i32
      %dma_start3A_91 = tpu.memref_slice %dma_start3A_89[%add3A, %dma_start3A_90] : memref<32x1000xf32, #tpu.memory_space<hbm>> -> memref<1x1000xf32, #tpu.memory_space<hbm>>
      %dma_start3A_92 = tpu.memref_squeeze %dma_start3A_91 : memref<1x1000xf32, #tpu.memory_space<hbm>> -> memref<1000xf32, #tpu.memory_space<hbm>>
      %dma_start3A_93 = arith.constant 0 : i32
      %dma_start3A_94 = arith.constant 0 : i32
      %dma_start3A_95 = tpu.memref_slice %arg6[%run_scoped3A_78, %dma_start3A_93, %dma_start3A_94] : memref<10x32x1000xf32, #tpu.memory_space<hbm>> -> memref<1x32x1000xf32, #tpu.memory_space<hbm>>
      %dma_start3A_96 = tpu.memref_squeeze %dma_start3A_95 : memref<1x32x1000xf32, #tpu.memory_space<hbm>> -> memref<32x1000xf32, #tpu.memory_space<hbm>>
      %dma_start3A_97 = arith.constant 0 : i32
      %dma_start3A_98 = tpu.memref_slice %dma_start3A_96[%add3A, %dma_start3A_97] : memref<32x1000xf32, #tpu.memory_space<hbm>> -> memref<1x1000xf32, #tpu.memory_space<hbm>>
      %dma_start3A_99 = tpu.memref_squeeze %dma_start3A_98 : memref<1x1000xf32, #tpu.memory_space<hbm>> -> memref<1000xf32, #tpu.memory_space<hbm>>
      %dma_start3A_100 = arith.constant 7000 : i32
      %dma_start3A_101 = tpu.memref_slice %arg13[%dma_start3A_100] : memref<10000xf32, #tpu.memory_space<vmem>> -> memref<1000xf32, #tpu.memory_space<vmem>>
      tpu.enqueue_dma source(%dma_start3A_101 : memref<1000xf32, #tpu.memory_space<vmem>>) target(%dma_start3A_99 : memref<1000xf32, #tpu.memory_space<hbm>>) target_semaphore(%run_scoped3A_84 : memref<!tpu.dma_semaphore, #tpu.memory_space<semaphore_mem>>)
      %dma_wait3A = arith.constant 7000 : i32
      %dma_wait3A_102 = tpu.memref_slice %arg13[%dma_wait3A] : memref<10000xf32, #tpu.memory_space<vmem>> -> memref<1000xf32, #tpu.memory_space<vmem>>
      %dma_wait3A_103 = arith.constant 0 : i32
      %dma_wait3A_104 = arith.constant 0 : i32
      %dma_wait3A_105 = tpu.memref_slice %arg6[%run_scoped3A_78, %dma_wait3A_103, %dma_wait3A_104] : memref<10x32x1000xf32, #tpu.memory_space<hbm>> -> memref<1x32x1000xf32, #tpu.memory_space<hbm>>
      %dma_wait3A_106 = tpu.memref_squeeze %dma_wait3A_105 : memref<1x32x1000xf32, #tpu.memory_space<hbm>> -> memref<32x1000xf32, #tpu.memory_space<hbm>>
      %dma_wait3A_107 = arith.constant 0 : i32
      %dma_wait3A_108 = tpu.memref_slice %dma_wait3A_106[%add3A, %dma_wait3A_107] : memref<32x1000xf32, #tpu.memory_space<hbm>> -> memref<1x1000xf32, #tpu.memory_space<hbm>>
      %dma_wait3A_109 = tpu.memref_squeeze %dma_wait3A_108 : memref<1x1000xf32, #tpu.memory_space<hbm>> -> memref<1000xf32, #tpu.memory_space<hbm>>
      %dma_wait3A_110 = arith.constant 0 : i32
      %dma_wait3A_111 = arith.constant 0 : i32
      %dma_wait3A_112 = tpu.memref_slice %arg6[%run_scoped3A_78, %dma_wait3A_110, %dma_wait3A_111] : memref<10x32x1000xf32, #tpu.memory_space<hbm>> -> memref<1x32x1000xf32, #tpu.memory_space<hbm>>
      %dma_wait3A_113 = tpu.memref_squeeze %dma_wait3A_112 : memref<1x32x1000xf32, #tpu.memory_space<hbm>> -> memref<32x1000xf32, #tpu.memory_space<hbm>>
      %dma_wait3A_114 = arith.constant 0 : i32
      %dma_wait3A_115 = tpu.memref_slice %dma_wait3A_113[%add3A, %dma_wait3A_114] : memref<32x1000xf32, #tpu.memory_space<hbm>> -> memref<1x1000xf32, #tpu.memory_space<hbm>>
      %dma_wait3A_116 = tpu.memref_squeeze %dma_wait3A_115 : memref<1x1000xf32, #tpu.memory_space<hbm>> -> memref<1000xf32, #tpu.memory_space<hbm>>
      %dma_wait3A_117 = arith.constant 7000 : i32
      %dma_wait3A_118 = tpu.memref_slice %arg13[%dma_wait3A_117] : memref<10000xf32, #tpu.memory_space<vmem>> -> memref<1000xf32, #tpu.memory_space<vmem>>
      tpu.wait_dma2 semaphore(%run_scoped3A_84 : memref<!tpu.dma_semaphore, #tpu.memory_space<semaphore_mem>>) src(%dma_wait3A_118 : memref<1000xf32, #tpu.memory_space<vmem>>) dst(%dma_wait3A_116 : memref<1000xf32, #tpu.memory_space<hbm>>)
      tpu.yield
    }) : () -> ()
    %run_scoped3A_79 = arith.constant 7 : i32
    "tpu.region"() ({
      %run_scoped3A_84 = tpu.sem_alloc : memref<!tpu.dma_semaphore, #tpu.memory_space<semaphore_mem>>
      %dma_start3A = arith.constant 7000 : i32
      %dma_start3A_85 = tpu.memref_slice %arg14[%dma_start3A] : memref<10000xf32, #tpu.memory_space<vmem>> -> memref<1000xf32, #tpu.memory_space<vmem>>
      %dma_start3A_86 = arith.constant 0 : i32
      %dma_start3A_87 = arith.constant 0 : i32
      %dma_start3A_88 = arith.constant 0 : i32
      %dma_start3A_89 = tpu.memref_slice %arg5[%run_scoped3A_79, %dma_start3A_86, %dma_start3A_87, %dma_start3A_88] : memref<10x2x16x1000xf32, #tpu.memory_space<hbm>> -> memref<1x2x16x1000xf32, #tpu.memory_space<hbm>>
      %dma_start3A_90 = tpu.memref_squeeze %dma_start3A_89 : memref<1x2x16x1000xf32, #tpu.memory_space<hbm>> -> memref<2x16x1000xf32, #tpu.memory_space<hbm>>
      %dma_start3A_91 = arith.constant 0 : i32
      %dma_start3A_92 = arith.constant 0 : i32
      %dma_start3A_93 = tpu.memref_slice %dma_start3A_90[%arg0, %dma_start3A_91, %dma_start3A_92] : memref<2x16x1000xf32, #tpu.memory_space<hbm>> -> memref<1x16x1000xf32, #tpu.memory_space<hbm>>
      %dma_start3A_94 = tpu.memref_squeeze %dma_start3A_93 : memref<1x16x1000xf32, #tpu.memory_space<hbm>> -> memref<16x1000xf32, #tpu.memory_space<hbm>>
      %dma_start3A_95 = arith.constant 0 : i32
      %dma_start3A_96 = tpu.memref_slice %dma_start3A_94[%arg1, %dma_start3A_95] : memref<16x1000xf32, #tpu.memory_space<hbm>> -> memref<1x1000xf32, #tpu.memory_space<hbm>>
      %dma_start3A_97 = tpu.memref_squeeze %dma_start3A_96 : memref<1x1000xf32, #tpu.memory_space<hbm>> -> memref<1000xf32, #tpu.memory_space<hbm>>
      %dma_start3A_98 = arith.constant 0 : i32
      %dma_start3A_99 = arith.constant 0 : i32
      %dma_start3A_100 = arith.constant 0 : i32
      %dma_start3A_101 = tpu.memref_slice %arg5[%run_scoped3A_79, %dma_start3A_98, %dma_start3A_99, %dma_start3A_100] : memref<10x2x16x1000xf32, #tpu.memory_space<hbm>> -> memref<1x2x16x1000xf32, #tpu.memory_space<hbm>>
      %dma_start3A_102 = tpu.memref_squeeze %dma_start3A_101 : memref<1x2x16x1000xf32, #tpu.memory_space<hbm>> -> memref<2x16x1000xf32, #tpu.memory_space<hbm>>
      %dma_start3A_103 = arith.constant 0 : i32
      %dma_start3A_104 = arith.constant 0 : i32
      %dma_start3A_105 = tpu.memref_slice %dma_start3A_102[%arg0, %dma_start3A_103, %dma_start3A_104] : memref<2x16x1000xf32, #tpu.memory_space<hbm>> -> memref<1x16x1000xf32, #tpu.memory_space<hbm>>
      %dma_start3A_106 = tpu.memref_squeeze %dma_start3A_105 : memref<1x16x1000xf32, #tpu.memory_space<hbm>> -> memref<16x1000xf32, #tpu.memory_space<hbm>>
      %dma_start3A_107 = arith.constant 0 : i32
      %dma_start3A_108 = tpu.memref_slice %dma_start3A_106[%arg1, %dma_start3A_107] : memref<16x1000xf32, #tpu.memory_space<hbm>> -> memref<1x1000xf32, #tpu.memory_space<hbm>>
      %dma_start3A_109 = tpu.memref_squeeze %dma_start3A_108 : memref<1x1000xf32, #tpu.memory_space<hbm>> -> memref<1000xf32, #tpu.memory_space<hbm>>
      %dma_start3A_110 = arith.constant 7000 : i32
      %dma_start3A_111 = tpu.memref_slice %arg14[%dma_start3A_110] : memref<10000xf32, #tpu.memory_space<vmem>> -> memref<1000xf32, #tpu.memory_space<vmem>>
      tpu.enqueue_dma source(%dma_start3A_111 : memref<1000xf32, #tpu.memory_space<vmem>>) target(%dma_start3A_109 : memref<1000xf32, #tpu.memory_space<hbm>>) target_semaphore(%run_scoped3A_84 : memref<!tpu.dma_semaphore, #tpu.memory_space<semaphore_mem>>)
      %dma_wait3A = arith.constant 7000 : i32
      %dma_wait3A_112 = tpu.memref_slice %arg14[%dma_wait3A] : memref<10000xf32, #tpu.memory_space<vmem>> -> memref<1000xf32, #tpu.memory_space<vmem>>
      %dma_wait3A_113 = arith.constant 0 : i32
      %dma_wait3A_114 = arith.constant 0 : i32
      %dma_wait3A_115 = arith.constant 0 : i32
      %dma_wait3A_116 = tpu.memref_slice %arg5[%run_scoped3A_79, %dma_wait3A_113, %dma_wait3A_114, %dma_wait3A_115] : memref<10x2x16x1000xf32, #tpu.memory_space<hbm>> -> memref<1x2x16x1000xf32, #tpu.memory_space<hbm>>
      %dma_wait3A_117 = tpu.memref_squeeze %dma_wait3A_116 : memref<1x2x16x1000xf32, #tpu.memory_space<hbm>> -> memref<2x16x1000xf32, #tpu.memory_space<hbm>>
      %dma_wait3A_118 = arith.constant 0 : i32
      %dma_wait3A_119 = arith.constant 0 : i32
      %dma_wait3A_120 = tpu.memref_slice %dma_wait3A_117[%arg0, %dma_wait3A_118, %dma_wait3A_119] : memref<2x16x1000xf32, #tpu.memory_space<hbm>> -> memref<1x16x1000xf32, #tpu.memory_space<hbm>>
      %dma_wait3A_121 = tpu.memref_squeeze %dma_wait3A_120 : memref<1x16x1000xf32, #tpu.memory_space<hbm>> -> memref<16x1000xf32, #tpu.memory_space<hbm>>
      %dma_wait3A_122 = arith.constant 0 : i32
      %dma_wait3A_123 = tpu.memref_slice %dma_wait3A_121[%arg1, %dma_wait3A_122] : memref<16x1000xf32, #tpu.memory_space<hbm>> -> memref<1x1000xf32, #tpu.memory_space<hbm>>
      %dma_wait3A_124 = tpu.memref_squeeze %dma_wait3A_123 : memref<1x1000xf32, #tpu.memory_space<hbm>> -> memref<1000xf32, #tpu.memory_space<hbm>>
      %dma_wait3A_125 = arith.constant 0 : i32
      %dma_wait3A_126 = arith.constant 0 : i32
      %dma_wait3A_127 = arith.constant 0 : i32
      %dma_wait3A_128 = tpu.memref_slice %arg5[%run_scoped3A_79, %dma_wait3A_125, %dma_wait3A_126, %dma_wait3A_127] : memref<10x2x16x1000xf32, #tpu.memory_space<hbm>> -> memref<1x2x16x1000xf32, #tpu.memory_space<hbm>>
      %dma_wait3A_129 = tpu.memref_squeeze %dma_wait3A_128 : memref<1x2x16x1000xf32, #tpu.memory_space<hbm>> -> memref<2x16x1000xf32, #tpu.memory_space<hbm>>
      %dma_wait3A_130 = arith.constant 0 : i32
      %dma_wait3A_131 = arith.constant 0 : i32
      %dma_wait3A_132 = tpu.memref_slice %dma_wait3A_129[%arg0, %dma_wait3A_130, %dma_wait3A_131] : memref<2x16x1000xf32, #tpu.memory_space<hbm>> -> memref<1x16x1000xf32, #tpu.memory_space<hbm>>
      %dma_wait3A_133 = tpu.memref_squeeze %dma_wait3A_132 : memref<1x16x1000xf32, #tpu.memory_space<hbm>> -> memref<16x1000xf32, #tpu.memory_space<hbm>>
      %dma_wait3A_134 = arith.constant 0 : i32
      %dma_wait3A_135 = tpu.memref_slice %dma_wait3A_133[%arg1, %dma_wait3A_134] : memref<16x1000xf32, #tpu.memory_space<hbm>> -> memref<1x1000xf32, #tpu.memory_space<hbm>>
      %dma_wait3A_136 = tpu.memref_squeeze %dma_wait3A_135 : memref<1x1000xf32, #tpu.memory_space<hbm>> -> memref<1000xf32, #tpu.memory_space<hbm>>
      %dma_wait3A_137 = arith.constant 7000 : i32
      %dma_wait3A_138 = tpu.memref_slice %arg14[%dma_wait3A_137] : memref<10000xf32, #tpu.memory_space<vmem>> -> memref<1000xf32, #tpu.memory_space<vmem>>
      tpu.wait_dma2 semaphore(%run_scoped3A_84 : memref<!tpu.dma_semaphore, #tpu.memory_space<semaphore_mem>>) src(%dma_wait3A_138 : memref<1000xf32, #tpu.memory_space<vmem>>) dst(%dma_wait3A_136 : memref<1000xf32, #tpu.memory_space<hbm>>)
      tpu.yield
    }) : () -> ()
    %run_scoped3A_80 = arith.constant 8 : i32
    "tpu.region"() ({
      %run_scoped3A_84 = tpu.sem_alloc : memref<!tpu.dma_semaphore, #tpu.memory_space<semaphore_mem>>
      %dma_start3A = arith.constant 8000 : i32
      %dma_start3A_85 = tpu.memref_slice %arg13[%dma_start3A] : memref<10000xf32, #tpu.memory_space<vmem>> -> memref<1000xf32, #tpu.memory_space<vmem>>
      %dma_start3A_86 = arith.constant 0 : i32
      %dma_start3A_87 = arith.constant 0 : i32
      %dma_start3A_88 = tpu.memref_slice %arg6[%run_scoped3A_80, %dma_start3A_86, %dma_start3A_87] : memref<10x32x1000xf32, #tpu.memory_space<hbm>> -> memref<1x32x1000xf32, #tpu.memory_space<hbm>>
      %dma_start3A_89 = tpu.memref_squeeze %dma_start3A_88 : memref<1x32x1000xf32, #tpu.memory_space<hbm>> -> memref<32x1000xf32, #tpu.memory_space<hbm>>
      %dma_start3A_90 = arith.constant 0 : i32
      %dma_start3A_91 = tpu.memref_slice %dma_start3A_89[%add3A, %dma_start3A_90] : memref<32x1000xf32, #tpu.memory_space<hbm>> -> memref<1x1000xf32, #tpu.memory_space<hbm>>
      %dma_start3A_92 = tpu.memref_squeeze %dma_start3A_91 : memref<1x1000xf32, #tpu.memory_space<hbm>> -> memref<1000xf32, #tpu.memory_space<hbm>>
      %dma_start3A_93 = arith.constant 0 : i32
      %dma_start3A_94 = arith.constant 0 : i32
      %dma_start3A_95 = tpu.memref_slice %arg6[%run_scoped3A_80, %dma_start3A_93, %dma_start3A_94] : memref<10x32x1000xf32, #tpu.memory_space<hbm>> -> memref<1x32x1000xf32, #tpu.memory_space<hbm>>
      %dma_start3A_96 = tpu.memref_squeeze %dma_start3A_95 : memref<1x32x1000xf32, #tpu.memory_space<hbm>> -> memref<32x1000xf32, #tpu.memory_space<hbm>>
      %dma_start3A_97 = arith.constant 0 : i32
      %dma_start3A_98 = tpu.memref_slice %dma_start3A_96[%add3A, %dma_start3A_97] : memref<32x1000xf32, #tpu.memory_space<hbm>> -> memref<1x1000xf32, #tpu.memory_space<hbm>>
      %dma_start3A_99 = tpu.memref_squeeze %dma_start3A_98 : memref<1x1000xf32, #tpu.memory_space<hbm>> -> memref<1000xf32, #tpu.memory_space<hbm>>
      %dma_start3A_100 = arith.constant 8000 : i32
      %dma_start3A_101 = tpu.memref_slice %arg13[%dma_start3A_100] : memref<10000xf32, #tpu.memory_space<vmem>> -> memref<1000xf32, #tpu.memory_space<vmem>>
      tpu.enqueue_dma source(%dma_start3A_101 : memref<1000xf32, #tpu.memory_space<vmem>>) target(%dma_start3A_99 : memref<1000xf32, #tpu.memory_space<hbm>>) target_semaphore(%run_scoped3A_84 : memref<!tpu.dma_semaphore, #tpu.memory_space<semaphore_mem>>)
      %dma_wait3A = arith.constant 8000 : i32
      %dma_wait3A_102 = tpu.memref_slice %arg13[%dma_wait3A] : memref<10000xf32, #tpu.memory_space<vmem>> -> memref<1000xf32, #tpu.memory_space<vmem>>
      %dma_wait3A_103 = arith.constant 0 : i32
      %dma_wait3A_104 = arith.constant 0 : i32
      %dma_wait3A_105 = tpu.memref_slice %arg6[%run_scoped3A_80, %dma_wait3A_103, %dma_wait3A_104] : memref<10x32x1000xf32, #tpu.memory_space<hbm>> -> memref<1x32x1000xf32, #tpu.memory_space<hbm>>
      %dma_wait3A_106 = tpu.memref_squeeze %dma_wait3A_105 : memref<1x32x1000xf32, #tpu.memory_space<hbm>> -> memref<32x1000xf32, #tpu.memory_space<hbm>>
      %dma_wait3A_107 = arith.constant 0 : i32
      %dma_wait3A_108 = tpu.memref_slice %dma_wait3A_106[%add3A, %dma_wait3A_107] : memref<32x1000xf32, #tpu.memory_space<hbm>> -> memref<1x1000xf32, #tpu.memory_space<hbm>>
      %dma_wait3A_109 = tpu.memref_squeeze %dma_wait3A_108 : memref<1x1000xf32, #tpu.memory_space<hbm>> -> memref<1000xf32, #tpu.memory_space<hbm>>
      %dma_wait3A_110 = arith.constant 0 : i32
      %dma_wait3A_111 = arith.constant 0 : i32
      %dma_wait3A_112 = tpu.memref_slice %arg6[%run_scoped3A_80, %dma_wait3A_110, %dma_wait3A_111] : memref<10x32x1000xf32, #tpu.memory_space<hbm>> -> memref<1x32x1000xf32, #tpu.memory_space<hbm>>
      %dma_wait3A_113 = tpu.memref_squeeze %dma_wait3A_112 : memref<1x32x1000xf32, #tpu.memory_space<hbm>> -> memref<32x1000xf32, #tpu.memory_space<hbm>>
      %dma_wait3A_114 = arith.constant 0 : i32
      %dma_wait3A_115 = tpu.memref_slice %dma_wait3A_113[%add3A, %dma_wait3A_114] : memref<32x1000xf32, #tpu.memory_space<hbm>> -> memref<1x1000xf32, #tpu.memory_space<hbm>>
      %dma_wait3A_116 = tpu.memref_squeeze %dma_wait3A_115 : memref<1x1000xf32, #tpu.memory_space<hbm>> -> memref<1000xf32, #tpu.memory_space<hbm>>
      %dma_wait3A_117 = arith.constant 8000 : i32
      %dma_wait3A_118 = tpu.memref_slice %arg13[%dma_wait3A_117] : memref<10000xf32, #tpu.memory_space<vmem>> -> memref<1000xf32, #tpu.memory_space<vmem>>
      tpu.wait_dma2 semaphore(%run_scoped3A_84 : memref<!tpu.dma_semaphore, #tpu.memory_space<semaphore_mem>>) src(%dma_wait3A_118 : memref<1000xf32, #tpu.memory_space<vmem>>) dst(%dma_wait3A_116 : memref<1000xf32, #tpu.memory_space<hbm>>)
      tpu.yield
    }) : () -> ()
    %run_scoped3A_81 = arith.constant 8 : i32
    "tpu.region"() ({
      %run_scoped3A_84 = tpu.sem_alloc : memref<!tpu.dma_semaphore, #tpu.memory_space<semaphore_mem>>
      %dma_start3A = arith.constant 8000 : i32
      %dma_start3A_85 = tpu.memref_slice %arg14[%dma_start3A] : memref<10000xf32, #tpu.memory_space<vmem>> -> memref<1000xf32, #tpu.memory_space<vmem>>
      %dma_start3A_86 = arith.constant 0 : i32
      %dma_start3A_87 = arith.constant 0 : i32
      %dma_start3A_88 = arith.constant 0 : i32
      %dma_start3A_89 = tpu.memref_slice %arg5[%run_scoped3A_81, %dma_start3A_86, %dma_start3A_87, %dma_start3A_88] : memref<10x2x16x1000xf32, #tpu.memory_space<hbm>> -> memref<1x2x16x1000xf32, #tpu.memory_space<hbm>>
      %dma_start3A_90 = tpu.memref_squeeze %dma_start3A_89 : memref<1x2x16x1000xf32, #tpu.memory_space<hbm>> -> memref<2x16x1000xf32, #tpu.memory_space<hbm>>
      %dma_start3A_91 = arith.constant 0 : i32
      %dma_start3A_92 = arith.constant 0 : i32
      %dma_start3A_93 = tpu.memref_slice %dma_start3A_90[%arg0, %dma_start3A_91, %dma_start3A_92] : memref<2x16x1000xf32, #tpu.memory_space<hbm>> -> memref<1x16x1000xf32, #tpu.memory_space<hbm>>
      %dma_start3A_94 = tpu.memref_squeeze %dma_start3A_93 : memref<1x16x1000xf32, #tpu.memory_space<hbm>> -> memref<16x1000xf32, #tpu.memory_space<hbm>>
      %dma_start3A_95 = arith.constant 0 : i32
      %dma_start3A_96 = tpu.memref_slice %dma_start3A_94[%arg1, %dma_start3A_95] : memref<16x1000xf32, #tpu.memory_space<hbm>> -> memref<1x1000xf32, #tpu.memory_space<hbm>>
      %dma_start3A_97 = tpu.memref_squeeze %dma_start3A_96 : memref<1x1000xf32, #tpu.memory_space<hbm>> -> memref<1000xf32, #tpu.memory_space<hbm>>
      %dma_start3A_98 = arith.constant 0 : i32
      %dma_start3A_99 = arith.constant 0 : i32
      %dma_start3A_100 = arith.constant 0 : i32
      %dma_start3A_101 = tpu.memref_slice %arg5[%run_scoped3A_81, %dma_start3A_98, %dma_start3A_99, %dma_start3A_100] : memref<10x2x16x1000xf32, #tpu.memory_space<hbm>> -> memref<1x2x16x1000xf32, #tpu.memory_space<hbm>>
      %dma_start3A_102 = tpu.memref_squeeze %dma_start3A_101 : memref<1x2x16x1000xf32, #tpu.memory_space<hbm>> -> memref<2x16x1000xf32, #tpu.memory_space<hbm>>
      %dma_start3A_103 = arith.constant 0 : i32
      %dma_start3A_104 = arith.constant 0 : i32
      %dma_start3A_105 = tpu.memref_slice %dma_start3A_102[%arg0, %dma_start3A_103, %dma_start3A_104] : memref<2x16x1000xf32, #tpu.memory_space<hbm>> -> memref<1x16x1000xf32, #tpu.memory_space<hbm>>
      %dma_start3A_106 = tpu.memref_squeeze %dma_start3A_105 : memref<1x16x1000xf32, #tpu.memory_space<hbm>> -> memref<16x1000xf32, #tpu.memory_space<hbm>>
      %dma_start3A_107 = arith.constant 0 : i32
      %dma_start3A_108 = tpu.memref_slice %dma_start3A_106[%arg1, %dma_start3A_107] : memref<16x1000xf32, #tpu.memory_space<hbm>> -> memref<1x1000xf32, #tpu.memory_space<hbm>>
      %dma_start3A_109 = tpu.memref_squeeze %dma_start3A_108 : memref<1x1000xf32, #tpu.memory_space<hbm>> -> memref<1000xf32, #tpu.memory_space<hbm>>
      %dma_start3A_110 = arith.constant 8000 : i32
      %dma_start3A_111 = tpu.memref_slice %arg14[%dma_start3A_110] : memref<10000xf32, #tpu.memory_space<vmem>> -> memref<1000xf32, #tpu.memory_space<vmem>>
      tpu.enqueue_dma source(%dma_start3A_111 : memref<1000xf32, #tpu.memory_space<vmem>>) target(%dma_start3A_109 : memref<1000xf32, #tpu.memory_space<hbm>>) target_semaphore(%run_scoped3A_84 : memref<!tpu.dma_semaphore, #tpu.memory_space<semaphore_mem>>)
      %dma_wait3A = arith.constant 8000 : i32
      %dma_wait3A_112 = tpu.memref_slice %arg14[%dma_wait3A] : memref<10000xf32, #tpu.memory_space<vmem>> -> memref<1000xf32, #tpu.memory_space<vmem>>
      %dma_wait3A_113 = arith.constant 0 : i32
      %dma_wait3A_114 = arith.constant 0 : i32
      %dma_wait3A_115 = arith.constant 0 : i32
      %dma_wait3A_116 = tpu.memref_slice %arg5[%run_scoped3A_81, %dma_wait3A_113, %dma_wait3A_114, %dma_wait3A_115] : memref<10x2x16x1000xf32, #tpu.memory_space<hbm>> -> memref<1x2x16x1000xf32, #tpu.memory_space<hbm>>
      %dma_wait3A_117 = tpu.memref_squeeze %dma_wait3A_116 : memref<1x2x16x1000xf32, #tpu.memory_space<hbm>> -> memref<2x16x1000xf32, #tpu.memory_space<hbm>>
      %dma_wait3A_118 = arith.constant 0 : i32
      %dma_wait3A_119 = arith.constant 0 : i32
      %dma_wait3A_120 = tpu.memref_slice %dma_wait3A_117[%arg0, %dma_wait3A_118, %dma_wait3A_119] : memref<2x16x1000xf32, #tpu.memory_space<hbm>> -> memref<1x16x1000xf32, #tpu.memory_space<hbm>>
      %dma_wait3A_121 = tpu.memref_squeeze %dma_wait3A_120 : memref<1x16x1000xf32, #tpu.memory_space<hbm>> -> memref<16x1000xf32, #tpu.memory_space<hbm>>
      %dma_wait3A_122 = arith.constant 0 : i32
      %dma_wait3A_123 = tpu.memref_slice %dma_wait3A_121[%arg1, %dma_wait3A_122] : memref<16x1000xf32, #tpu.memory_space<hbm>> -> memref<1x1000xf32, #tpu.memory_space<hbm>>
      %dma_wait3A_124 = tpu.memref_squeeze %dma_wait3A_123 : memref<1x1000xf32, #tpu.memory_space<hbm>> -> memref<1000xf32, #tpu.memory_space<hbm>>
      %dma_wait3A_125 = arith.constant 0 : i32
      %dma_wait3A_126 = arith.constant 0 : i32
      %dma_wait3A_127 = arith.constant 0 : i32
      %dma_wait3A_128 = tpu.memref_slice %arg5[%run_scoped3A_81, %dma_wait3A_125, %dma_wait3A_126, %dma_wait3A_127] : memref<10x2x16x1000xf32, #tpu.memory_space<hbm>> -> memref<1x2x16x1000xf32, #tpu.memory_space<hbm>>
      %dma_wait3A_129 = tpu.memref_squeeze %dma_wait3A_128 : memref<1x2x16x1000xf32, #tpu.memory_space<hbm>> -> memref<2x16x1000xf32, #tpu.memory_space<hbm>>
      %dma_wait3A_130 = arith.constant 0 : i32
      %dma_wait3A_131 = arith.constant 0 : i32
      %dma_wait3A_132 = tpu.memref_slice %dma_wait3A_129[%arg0, %dma_wait3A_130, %dma_wait3A_131] : memref<2x16x1000xf32, #tpu.memory_space<hbm>> -> memref<1x16x1000xf32, #tpu.memory_space<hbm>>
      %dma_wait3A_133 = tpu.memref_squeeze %dma_wait3A_132 : memref<1x16x1000xf32, #tpu.memory_space<hbm>> -> memref<16x1000xf32, #tpu.memory_space<hbm>>
      %dma_wait3A_134 = arith.constant 0 : i32
      %dma_wait3A_135 = tpu.memref_slice %dma_wait3A_133[%arg1, %dma_wait3A_134] : memref<16x1000xf32, #tpu.memory_space<hbm>> -> memref<1x1000xf32, #tpu.memory_space<hbm>>
      %dma_wait3A_136 = tpu.memref_squeeze %dma_wait3A_135 : memref<1x1000xf32, #tpu.memory_space<hbm>> -> memref<1000xf32, #tpu.memory_space<hbm>>
      %dma_wait3A_137 = arith.constant 8000 : i32
      %dma_wait3A_138 = tpu.memref_slice %arg14[%dma_wait3A_137] : memref<10000xf32, #tpu.memory_space<vmem>> -> memref<1000xf32, #tpu.memory_space<vmem>>
      tpu.wait_dma2 semaphore(%run_scoped3A_84 : memref<!tpu.dma_semaphore, #tpu.memory_space<semaphore_mem>>) src(%dma_wait3A_138 : memref<1000xf32, #tpu.memory_space<vmem>>) dst(%dma_wait3A_136 : memref<1000xf32, #tpu.memory_space<hbm>>)
      tpu.yield
    }) : () -> ()
    %run_scoped3A_82 = arith.constant 9 : i32
    "tpu.region"() ({
      %run_scoped3A_84 = tpu.sem_alloc : memref<!tpu.dma_semaphore, #tpu.memory_space<semaphore_mem>>
      %dma_start3A = arith.constant 9000 : i32
      %dma_start3A_85 = tpu.memref_slice %arg13[%dma_start3A] : memref<10000xf32, #tpu.memory_space<vmem>> -> memref<1000xf32, #tpu.memory_space<vmem>>
      %dma_start3A_86 = arith.constant 0 : i32
      %dma_start3A_87 = arith.constant 0 : i32
      %dma_start3A_88 = tpu.memref_slice %arg6[%run_scoped3A_82, %dma_start3A_86, %dma_start3A_87] : memref<10x32x1000xf32, #tpu.memory_space<hbm>> -> memref<1x32x1000xf32, #tpu.memory_space<hbm>>
      %dma_start3A_89 = tpu.memref_squeeze %dma_start3A_88 : memref<1x32x1000xf32, #tpu.memory_space<hbm>> -> memref<32x1000xf32, #tpu.memory_space<hbm>>
      %dma_start3A_90 = arith.constant 0 : i32
      %dma_start3A_91 = tpu.memref_slice %dma_start3A_89[%add3A, %dma_start3A_90] : memref<32x1000xf32, #tpu.memory_space<hbm>> -> memref<1x1000xf32, #tpu.memory_space<hbm>>
      %dma_start3A_92 = tpu.memref_squeeze %dma_start3A_91 : memref<1x1000xf32, #tpu.memory_space<hbm>> -> memref<1000xf32, #tpu.memory_space<hbm>>
      %dma_start3A_93 = arith.constant 0 : i32
      %dma_start3A_94 = arith.constant 0 : i32
      %dma_start3A_95 = tpu.memref_slice %arg6[%run_scoped3A_82, %dma_start3A_93, %dma_start3A_94] : memref<10x32x1000xf32, #tpu.memory_space<hbm>> -> memref<1x32x1000xf32, #tpu.memory_space<hbm>>
      %dma_start3A_96 = tpu.memref_squeeze %dma_start3A_95 : memref<1x32x1000xf32, #tpu.memory_space<hbm>> -> memref<32x1000xf32, #tpu.memory_space<hbm>>
      %dma_start3A_97 = arith.constant 0 : i32
      %dma_start3A_98 = tpu.memref_slice %dma_start3A_96[%add3A, %dma_start3A_97] : memref<32x1000xf32, #tpu.memory_space<hbm>> -> memref<1x1000xf32, #tpu.memory_space<hbm>>
      %dma_start3A_99 = tpu.memref_squeeze %dma_start3A_98 : memref<1x1000xf32, #tpu.memory_space<hbm>> -> memref<1000xf32, #tpu.memory_space<hbm>>
      %dma_start3A_100 = arith.constant 9000 : i32
      %dma_start3A_101 = tpu.memref_slice %arg13[%dma_start3A_100] : memref<10000xf32, #tpu.memory_space<vmem>> -> memref<1000xf32, #tpu.memory_space<vmem>>
      tpu.enqueue_dma source(%dma_start3A_101 : memref<1000xf32, #tpu.memory_space<vmem>>) target(%dma_start3A_99 : memref<1000xf32, #tpu.memory_space<hbm>>) target_semaphore(%run_scoped3A_84 : memref<!tpu.dma_semaphore, #tpu.memory_space<semaphore_mem>>)
      %dma_wait3A = arith.constant 9000 : i32
      %dma_wait3A_102 = tpu.memref_slice %arg13[%dma_wait3A] : memref<10000xf32, #tpu.memory_space<vmem>> -> memref<1000xf32, #tpu.memory_space<vmem>>
      %dma_wait3A_103 = arith.constant 0 : i32
      %dma_wait3A_104 = arith.constant 0 : i32
      %dma_wait3A_105 = tpu.memref_slice %arg6[%run_scoped3A_82, %dma_wait3A_103, %dma_wait3A_104] : memref<10x32x1000xf32, #tpu.memory_space<hbm>> -> memref<1x32x1000xf32, #tpu.memory_space<hbm>>
      %dma_wait3A_106 = tpu.memref_squeeze %dma_wait3A_105 : memref<1x32x1000xf32, #tpu.memory_space<hbm>> -> memref<32x1000xf32, #tpu.memory_space<hbm>>
      %dma_wait3A_107 = arith.constant 0 : i32
      %dma_wait3A_108 = tpu.memref_slice %dma_wait3A_106[%add3A, %dma_wait3A_107] : memref<32x1000xf32, #tpu.memory_space<hbm>> -> memref<1x1000xf32, #tpu.memory_space<hbm>>
      %dma_wait3A_109 = tpu.memref_squeeze %dma_wait3A_108 : memref<1x1000xf32, #tpu.memory_space<hbm>> -> memref<1000xf32, #tpu.memory_space<hbm>>
      %dma_wait3A_110 = arith.constant 0 : i32
      %dma_wait3A_111 = arith.constant 0 : i32
      %dma_wait3A_112 = tpu.memref_slice %arg6[%run_scoped3A_82, %dma_wait3A_110, %dma_wait3A_111] : memref<10x32x1000xf32, #tpu.memory_space<hbm>> -> memref<1x32x1000xf32, #tpu.memory_space<hbm>>
      %dma_wait3A_113 = tpu.memref_squeeze %dma_wait3A_112 : memref<1x32x1000xf32, #tpu.memory_space<hbm>> -> memref<32x1000xf32, #tpu.memory_space<hbm>>
      %dma_wait3A_114 = arith.constant 0 : i32
      %dma_wait3A_115 = tpu.memref_slice %dma_wait3A_113[%add3A, %dma_wait3A_114] : memref<32x1000xf32, #tpu.memory_space<hbm>> -> memref<1x1000xf32, #tpu.memory_space<hbm>>
      %dma_wait3A_116 = tpu.memref_squeeze %dma_wait3A_115 : memref<1x1000xf32, #tpu.memory_space<hbm>> -> memref<1000xf32, #tpu.memory_space<hbm>>
      %dma_wait3A_117 = arith.constant 9000 : i32
      %dma_wait3A_118 = tpu.memref_slice %arg13[%dma_wait3A_117] : memref<10000xf32, #tpu.memory_space<vmem>> -> memref<1000xf32, #tpu.memory_space<vmem>>
      tpu.wait_dma2 semaphore(%run_scoped3A_84 : memref<!tpu.dma_semaphore, #tpu.memory_space<semaphore_mem>>) src(%dma_wait3A_118 : memref<1000xf32, #tpu.memory_space<vmem>>) dst(%dma_wait3A_116 : memref<1000xf32, #tpu.memory_space<hbm>>)
      tpu.yield
    }) : () -> ()
    %run_scoped3A_83 = arith.constant 9 : i32
    "tpu.region"() ({
      %run_scoped3A_84 = tpu.sem_alloc : memref<!tpu.dma_semaphore, #tpu.memory_space<semaphore_mem>>
      %dma_start3A = arith.constant 9000 : i32
      %dma_start3A_85 = tpu.memref_slice %arg14[%dma_start3A] : memref<10000xf32, #tpu.memory_space<vmem>> -> memref<1000xf32, #tpu.memory_space<vmem>>
      %dma_start3A_86 = arith.constant 0 : i32
      %dma_start3A_87 = arith.constant 0 : i32
      %dma_start3A_88 = arith.constant 0 : i32
      %dma_start3A_89 = tpu.memref_slice %arg5[%run_scoped3A_83, %dma_start3A_86, %dma_start3A_87, %dma_start3A_88] : memref<10x2x16x1000xf32, #tpu.memory_space<hbm>> -> memref<1x2x16x1000xf32, #tpu.memory_space<hbm>>
      %dma_start3A_90 = tpu.memref_squeeze %dma_start3A_89 : memref<1x2x16x1000xf32, #tpu.memory_space<hbm>> -> memref<2x16x1000xf32, #tpu.memory_space<hbm>>
      %dma_start3A_91 = arith.constant 0 : i32
      %dma_start3A_92 = arith.constant 0 : i32
      %dma_start3A_93 = tpu.memref_slice %dma_start3A_90[%arg0, %dma_start3A_91, %dma_start3A_92] : memref<2x16x1000xf32, #tpu.memory_space<hbm>> -> memref<1x16x1000xf32, #tpu.memory_space<hbm>>
      %dma_start3A_94 = tpu.memref_squeeze %dma_start3A_93 : memref<1x16x1000xf32, #tpu.memory_space<hbm>> -> memref<16x1000xf32, #tpu.memory_space<hbm>>
      %dma_start3A_95 = arith.constant 0 : i32
      %dma_start3A_96 = tpu.memref_slice %dma_start3A_94[%arg1, %dma_start3A_95] : memref<16x1000xf32, #tpu.memory_space<hbm>> -> memref<1x1000xf32, #tpu.memory_space<hbm>>
      %dma_start3A_97 = tpu.memref_squeeze %dma_start3A_96 : memref<1x1000xf32, #tpu.memory_space<hbm>> -> memref<1000xf32, #tpu.memory_space<hbm>>
      %dma_start3A_98 = arith.constant 0 : i32
      %dma_start3A_99 = arith.constant 0 : i32
      %dma_start3A_100 = arith.constant 0 : i32
      %dma_start3A_101 = tpu.memref_slice %arg5[%run_scoped3A_83, %dma_start3A_98, %dma_start3A_99, %dma_start3A_100] : memref<10x2x16x1000xf32, #tpu.memory_space<hbm>> -> memref<1x2x16x1000xf32, #tpu.memory_space<hbm>>
      %dma_start3A_102 = tpu.memref_squeeze %dma_start3A_101 : memref<1x2x16x1000xf32, #tpu.memory_space<hbm>> -> memref<2x16x1000xf32, #tpu.memory_space<hbm>>
      %dma_start3A_103 = arith.constant 0 : i32
      %dma_start3A_104 = arith.constant 0 : i32
      %dma_start3A_105 = tpu.memref_slice %dma_start3A_102[%arg0, %dma_start3A_103, %dma_start3A_104] : memref<2x16x1000xf32, #tpu.memory_space<hbm>> -> memref<1x16x1000xf32, #tpu.memory_space<hbm>>
      %dma_start3A_106 = tpu.memref_squeeze %dma_start3A_105 : memref<1x16x1000xf32, #tpu.memory_space<hbm>> -> memref<16x1000xf32, #tpu.memory_space<hbm>>
      %dma_start3A_107 = arith.constant 0 : i32
      %dma_start3A_108 = tpu.memref_slice %dma_start3A_106[%arg1, %dma_start3A_107] : memref<16x1000xf32, #tpu.memory_space<hbm>> -> memref<1x1000xf32, #tpu.memory_space<hbm>>
      %dma_start3A_109 = tpu.memref_squeeze %dma_start3A_108 : memref<1x1000xf32, #tpu.memory_space<hbm>> -> memref<1000xf32, #tpu.memory_space<hbm>>
      %dma_start3A_110 = arith.constant 9000 : i32
      %dma_start3A_111 = tpu.memref_slice %arg14[%dma_start3A_110] : memref<10000xf32, #tpu.memory_space<vmem>> -> memref<1000xf32, #tpu.memory_space<vmem>>
      tpu.enqueue_dma source(%dma_start3A_111 : memref<1000xf32, #tpu.memory_space<vmem>>) target(%dma_start3A_109 : memref<1000xf32, #tpu.memory_space<hbm>>) target_semaphore(%run_scoped3A_84 : memref<!tpu.dma_semaphore, #tpu.memory_space<semaphore_mem>>)
      %dma_wait3A = arith.constant 9000 : i32
      %dma_wait3A_112 = tpu.memref_slice %arg14[%dma_wait3A] : memref<10000xf32, #tpu.memory_space<vmem>> -> memref<1000xf32, #tpu.memory_space<vmem>>
      %dma_wait3A_113 = arith.constant 0 : i32
      %dma_wait3A_114 = arith.constant 0 : i32
      %dma_wait3A_115 = arith.constant 0 : i32
      %dma_wait3A_116 = tpu.memref_slice %arg5[%run_scoped3A_83, %dma_wait3A_113, %dma_wait3A_114, %dma_wait3A_115] : memref<10x2x16x1000xf32, #tpu.memory_space<hbm>> -> memref<1x2x16x1000xf32, #tpu.memory_space<hbm>>
      %dma_wait3A_117 = tpu.memref_squeeze %dma_wait3A_116 : memref<1x2x16x1000xf32, #tpu.memory_space<hbm>> -> memref<2x16x1000xf32, #tpu.memory_space<hbm>>
      %dma_wait3A_118 = arith.constant 0 : i32
      %dma_wait3A_119 = arith.constant 0 : i32
      %dma_wait3A_120 = tpu.memref_slice %dma_wait3A_117[%arg0, %dma_wait3A_118, %dma_wait3A_119] : memref<2x16x1000xf32, #tpu.memory_space<hbm>> -> memref<1x16x1000xf32, #tpu.memory_space<hbm>>
      %dma_wait3A_121 = tpu.memref_squeeze %dma_wait3A_120 : memref<1x16x1000xf32, #tpu.memory_space<hbm>> -> memref<16x1000xf32, #tpu.memory_space<hbm>>
      %dma_wait3A_122 = arith.constant 0 : i32
      %dma_wait3A_123 = tpu.memref_slice %dma_wait3A_121[%arg1, %dma_wait3A_122] : memref<16x1000xf32, #tpu.memory_space<hbm>> -> memref<1x1000xf32, #tpu.memory_space<hbm>>
      %dma_wait3A_124 = tpu.memref_squeeze %dma_wait3A_123 : memref<1x1000xf32, #tpu.memory_space<hbm>> -> memref<1000xf32, #tpu.memory_space<hbm>>
      %dma_wait3A_125 = arith.constant 0 : i32
      %dma_wait3A_126 = arith.constant 0 : i32
      %dma_wait3A_127 = arith.constant 0 : i32
      %dma_wait3A_128 = tpu.memref_slice %arg5[%run_scoped3A_83, %dma_wait3A_125, %dma_wait3A_126, %dma_wait3A_127] : memref<10x2x16x1000xf32, #tpu.memory_space<hbm>> -> memref<1x2x16x1000xf32, #tpu.memory_space<hbm>>
      %dma_wait3A_129 = tpu.memref_squeeze %dma_wait3A_128 : memref<1x2x16x1000xf32, #tpu.memory_space<hbm>> -> memref<2x16x1000xf32, #tpu.memory_space<hbm>>
      %dma_wait3A_130 = arith.constant 0 : i32
      %dma_wait3A_131 = arith.constant 0 : i32
      %dma_wait3A_132 = tpu.memref_slice %dma_wait3A_129[%arg0, %dma_wait3A_130, %dma_wait3A_131] : memref<2x16x1000xf32, #tpu.memory_space<hbm>> -> memref<1x16x1000xf32, #tpu.memory_space<hbm>>
      %dma_wait3A_133 = tpu.memref_squeeze %dma_wait3A_132 : memref<1x16x1000xf32, #tpu.memory_space<hbm>> -> memref<16x1000xf32, #tpu.memory_space<hbm>>
      %dma_wait3A_134 = arith.constant 0 : i32
      %dma_wait3A_135 = tpu.memref_slice %dma_wait3A_133[%arg1, %dma_wait3A_134] : memref<16x1000xf32, #tpu.memory_space<hbm>> -> memref<1x1000xf32, #tpu.memory_space<hbm>>
      %dma_wait3A_136 = tpu.memref_squeeze %dma_wait3A_135 : memref<1x1000xf32, #tpu.memory_space<hbm>> -> memref<1000xf32, #tpu.memory_space<hbm>>
      %dma_wait3A_137 = arith.constant 9000 : i32
      %dma_wait3A_138 = tpu.memref_slice %arg14[%dma_wait3A_137] : memref<10000xf32, #tpu.memory_space<vmem>> -> memref<1000xf32, #tpu.memory_space<vmem>>
      tpu.wait_dma2 semaphore(%run_scoped3A_84 : memref<!tpu.dma_semaphore, #tpu.memory_space<semaphore_mem>>) src(%dma_wait3A_138 : memref<1000xf32, #tpu.memory_space<vmem>>) dst(%dma_wait3A_136 : memref<1000xf32, #tpu.memory_space<hbm>>)
      tpu.yield
    }) : () -> ()
    return
  }
}

module attributes {stable_mosaic.version = 14 : i64} {
  func.func @_tc_body(%arg0: i32, %arg1: memref<1x2x16x1000xf32, #tpu.memory_space<vmem>>, %arg2: memref<1x32x1000xf32, #tpu.memory_space<vmem>>, %arg3: memref<1000x128xf32, #tpu.memory_space<vmem>>, %arg4: memref<16x128xf32, #tpu.memory_space<vmem>>, %arg5: memref<1x128xf32, #tpu.memory_space<vmem>>, %arg6: memref<128x384xf32, #tpu.memory_space<vmem>>, %arg7: memref<128x384xf32, #tpu.memory_space<vmem>>, %arg8: memref<1x384xf32, #tpu.memory_space<vmem>>, %arg9: memref<1x384xf32, #tpu.memory_space<vmem>>, %arg10: memref<1000x128xf32, #tpu.memory_space<vmem>>) attributes {dimension_semantics = [#tpu.dimension_semantics<arbitrary>], iteration_bounds = array<i64: 10>, scalar_prefetch = 0 : i64, scratch_operands = 0 : i64, tpu.core_type = #tpu.core_type<tc>, window_params = [{transform_indices = @transform_0, window_bounds = array<i64: 1, 2, 16, 1000>}, {transform_indices = @transform_1, window_bounds = array<i64: 1, 32, 1000>}, {transform_indices = @transform_2, window_bounds = array<i64: 1000, 128>}, {pipeline_mode = #tpu.pipeline_mode<synchronous>, transform_indices = @transform_3, window_bounds = array<i64: 16, 128>}, {pipeline_mode = #tpu.pipeline_mode<synchronous>, transform_indices = @transform_4, window_bounds = array<i64: 1, 128>}, {pipeline_mode = #tpu.pipeline_mode<synchronous>, transform_indices = @transform_5, window_bounds = array<i64: 128, 384>}, {pipeline_mode = #tpu.pipeline_mode<synchronous>, transform_indices = @transform_6, window_bounds = array<i64: 128, 384>}, {pipeline_mode = #tpu.pipeline_mode<synchronous>, transform_indices = @transform_7, window_bounds = array<i64: 1, 384>}, {pipeline_mode = #tpu.pipeline_mode<synchronous>, transform_indices = @transform_8, window_bounds = array<i64: 1, 384>}, {transform_indices = @transform_9, window_bounds = array<i64: 1000, 128>}]} {
    %get3A = arith.constant 0 : index
    %get3A_0 = arith.constant 0 : index
    %get3A_1 = arith.constant 0 : index
    %get3A_2 = arith.constant 0 : index
    %get3A_3 = vector.load %arg1[%get3A, %get3A_0, %get3A_1, %get3A_2] : memref<1x2x16x1000xf32, #tpu.memory_space<vmem>>, vector<1x1x16x1000xf32>
    %get3A_4 = vector.shape_cast %get3A_3 : vector<1x1x16x1000xf32> to vector<16x1000xf32>
    %get3A_5 = arith.constant 0 : index
    %get3A_6 = arith.constant 1 : index
    %get3A_7 = arith.constant 0 : index
    %get3A_8 = arith.constant 0 : index
    %get3A_9 = vector.load %arg1[%get3A_5, %get3A_6, %get3A_7, %get3A_8] : memref<1x2x16x1000xf32, #tpu.memory_space<vmem>>, vector<1x1x16x1000xf32>
    %get3A_10 = vector.shape_cast %get3A_9 : vector<1x1x16x1000xf32> to vector<16x1000xf32>
    %add3A = arith.addf %get3A_4, %get3A_10 : vector<16x1000xf32>
    %broadcast_in_dim3A = arith.constant 1.000000e+00 : f32
    %broadcast_in_dim3A_11 = vector.broadcast %broadcast_in_dim3A : f32 to vector<32x1xf32>
    %get3A_12 = arith.constant 0 : index
    %get3A_13 = arith.constant 0 : index
    %get3A_14 = arith.constant 0 : index
    %get3A_15 = vector.load %arg2[%get3A_12, %get3A_13, %get3A_14] : memref<1x32x1000xf32, #tpu.memory_space<vmem>>, vector<1x32x1000xf32>
    %get3A_16 = vector.shape_cast %get3A_15 : vector<1x32x1000xf32> to vector<32x1000xf32>
    %dot_general3A = arith.constant dense<0.000000e+00> : vector<1000x1xf32>
    %dot_general3A_17 = tpu.matmul %get3A_16, %broadcast_in_dim3A_11, %dot_general3A {dimension_numbers = #tpu.dot_dimension_numbers<[0], [0], [1], [1], [0, 1, 1, 1], [], []>, transpose_lhs_hint = false} : vector<32x1000xf32>, vector<32x1xf32>, vector<1000x1xf32> -> vector<1000x1xf32>
    %gt3A = arith.constant 0.000000e+00 : f32
    %gt3A_18 = vector.broadcast %gt3A : f32 to vector<1000x1xf32>
    %gt3A_19 = arith.cmpf ogt, %dot_general3A_17, %gt3A_18 : vector<1000x1xf32>
    %jit3A = arith.constant 1.000000e+00 : f32
    %broadcast_in_dim3A_20 = vector.broadcast %jit3A : f32 to vector<1000x1xf32>
    %select_n3A = arith.select %gt3A_19, %dot_general3A_17, %broadcast_in_dim3A_20 : vector<1000x1xi1>, vector<1000x1xf32>
    %get3A_21 = arith.constant 0 : index
    %get3A_22 = arith.constant 0 : index
    %get3A_23 = vector.load %arg4[%get3A_21, %get3A_22] : memref<16x128xf32, #tpu.memory_space<vmem>>, vector<16x128xf32>
    %dot_general3A_24 = arith.constant dense<0.000000e+00> : vector<1000x128xf32>
    %dot_general3A_25 = tpu.matmul %add3A, %get3A_23, %dot_general3A_24 {dimension_numbers = #tpu.dot_dimension_numbers<[0], [0], [1], [1], [0, 1, 1, 1], [], []>, transpose_lhs_hint = false} : vector<16x1000xf32>, vector<16x128xf32>, vector<1000x128xf32> -> vector<1000x128xf32>
    %div3A = vector.broadcast %select_n3A : vector<1000x1xf32> to vector<1000x128xf32>
    %div3A_26 = arith.divf %dot_general3A_25, %div3A : vector<1000x128xf32>
    %jit3A_27 = arith.constant 1.000000e+00 : f32
    %jit3A_28 = arith.constant 0.000000e+00 : f32
    %broadcast_in_dim3A_29 = vector.broadcast %jit3A_27 : f32 to vector<1000x1xf32>
    %broadcast_in_dim3A_30 = vector.broadcast %jit3A_28 : f32 to vector<1000x1xf32>
    %select_n3A_31 = arith.select %gt3A_19, %broadcast_in_dim3A_29, %broadcast_in_dim3A_30 : vector<1000x1xi1>, vector<1000x1xf32>
    %get3A_32 = arith.constant 0 : index
    %get3A_33 = arith.constant 0 : index
    %get3A_34 = vector.load %arg5[%get3A_32, %get3A_33] : memref<1x128xf32, #tpu.memory_space<vmem>>, vector<1x128xf32>
    %mul3A = vector.broadcast %select_n3A_31 : vector<1000x1xf32> to vector<1000x128xf32>
    %mul3A_35 = vector.broadcast %get3A_34 : vector<1x128xf32> to vector<1000x128xf32>
    %mul3A_36 = arith.mulf %mul3A, %mul3A_35 : vector<1000x128xf32>
    %add3A_37 = arith.addf %div3A_26, %mul3A_36 : vector<1000x128xf32>
    %gt3A_38 = arith.constant 0.000000e+00 : f32
    %gt3A_39 = vector.broadcast %gt3A_38 : f32 to vector<1000x128xf32>
    %gt3A_40 = arith.cmpf ogt, %add3A_37, %gt3A_39 : vector<1000x128xf32>
    %min3A = arith.constant 0.000000e+00 : f32
    %min3A_41 = vector.broadcast %min3A : f32 to vector<1000x128xf32>
    %min3A_42 = arith.minimumf %add3A_37, %min3A_41 : vector<1000x128xf32>
    %exp3A = math.exp %min3A_42 : vector<1000x128xf32>
    %sub3A = arith.constant 1.000000e+00 : f32
    %sub3A_43 = vector.broadcast %sub3A : f32 to vector<1000x128xf32>
    %sub3A_44 = arith.subf %exp3A, %sub3A_43 : vector<1000x128xf32>
    %select_n3A_45 = arith.select %gt3A_40, %add3A_37, %sub3A_44 : vector<1000x128xi1>, vector<1000x128xf32>
    %get3A_46 = arith.constant 0 : index
    %get3A_47 = arith.constant 0 : index
    %get3A_48 = vector.load %arg6[%get3A_46, %get3A_47] : memref<128x384xf32, #tpu.memory_space<vmem>>, vector<128x384xf32>
    %dot_general3A_49 = arith.constant dense<0.000000e+00> : vector<1000x384xf32>
    %dot_general3A_50 = tpu.matmul %select_n3A_45, %get3A_48, %dot_general3A_49 {dimension_numbers = #tpu.dot_dimension_numbers<[1], [0], [0], [1], [0, 0, 1, 1], [], []>, transpose_lhs_hint = false} : vector<1000x128xf32>, vector<128x384xf32>, vector<1000x384xf32> -> vector<1000x384xf32>
    %get3A_51 = arith.constant 0 : index
    %get3A_52 = arith.constant 0 : index
    %get3A_53 = vector.load %arg8[%get3A_51, %get3A_52] : memref<1x384xf32, #tpu.memory_space<vmem>>, vector<1x384xf32>
    %add3A_54 = vector.broadcast %get3A_53 : vector<1x384xf32> to vector<1000x384xf32>
    %add3A_55 = arith.addf %dot_general3A_50, %add3A_54 : vector<1000x384xf32>
    %get3A_56 = arith.constant 0 : index
    %get3A_57 = arith.constant 0 : index
    %get3A_58 = vector.load %arg3[%get3A_56, %get3A_57] : memref<1000x128xf32, #tpu.memory_space<vmem>>, vector<1000x128xf32>
    %get3A_59 = arith.constant 0 : index
    %get3A_60 = arith.constant 0 : index
    %get3A_61 = vector.load %arg7[%get3A_59, %get3A_60] : memref<128x384xf32, #tpu.memory_space<vmem>>, vector<128x384xf32>
    %dot_general3A_62 = arith.constant dense<0.000000e+00> : vector<1000x384xf32>
    %dot_general3A_63 = tpu.matmul %get3A_58, %get3A_61, %dot_general3A_62 {dimension_numbers = #tpu.dot_dimension_numbers<[1], [0], [0], [1], [0, 0, 1, 1], [], []>, transpose_lhs_hint = false} : vector<1000x128xf32>, vector<128x384xf32>, vector<1000x384xf32> -> vector<1000x384xf32>
    %get3A_64 = arith.constant 0 : index
    %get3A_65 = arith.constant 0 : index
    %get3A_66 = vector.load %arg9[%get3A_64, %get3A_65] : memref<1x384xf32, #tpu.memory_space<vmem>>, vector<1x384xf32>
    %add3A_67 = vector.broadcast %get3A_66 : vector<1x384xf32> to vector<1000x384xf32>
    %add3A_68 = arith.addf %dot_general3A_63, %add3A_67 : vector<1000x384xf32>
    %slice3A = vector.extract_strided_slice %add3A_55 {offsets = [0, 0], sizes = [1000, 128], strides = [1, 1]} : vector<1000x384xf32> to vector<1000x128xf32>
    %slice3A_69 = vector.extract_strided_slice %add3A_68 {offsets = [0, 0], sizes = [1000, 128], strides = [1, 1]} : vector<1000x384xf32> to vector<1000x128xf32>
    %add3A_70 = arith.addf %slice3A, %slice3A_69 : vector<1000x128xf32>
    %logistic3A = arith.negf %add3A_70 : vector<1000x128xf32>
    %logistic3A_71 = math.exp %logistic3A : vector<1000x128xf32>
    %logistic3A_72 = arith.constant 1.000000e+00 : f32
    %logistic3A_73 = vector.broadcast %logistic3A_72 : f32 to vector<1000x128xf32>
    %logistic3A_74 = arith.addf %logistic3A_73, %logistic3A_71 : vector<1000x128xf32>
    %logistic3A_75 = arith.divf %logistic3A_73, %logistic3A_74 : vector<1000x128xf32>
    %slice3A_76 = vector.extract_strided_slice %add3A_55 {offsets = [0, 128], sizes = [1000, 128], strides = [1, 1]} : vector<1000x384xf32> to vector<1000x128xf32>
    %slice3A_77 = vector.extract_strided_slice %add3A_68 {offsets = [0, 128], sizes = [1000, 128], strides = [1, 1]} : vector<1000x384xf32> to vector<1000x128xf32>
    %add3A_78 = arith.addf %slice3A_76, %slice3A_77 : vector<1000x128xf32>
    %logistic3A_79 = arith.negf %add3A_78 : vector<1000x128xf32>
    %logistic3A_80 = math.exp %logistic3A_79 : vector<1000x128xf32>
    %logistic3A_81 = arith.constant 1.000000e+00 : f32
    %logistic3A_82 = vector.broadcast %logistic3A_81 : f32 to vector<1000x128xf32>
    %logistic3A_83 = arith.addf %logistic3A_82, %logistic3A_80 : vector<1000x128xf32>
    %logistic3A_84 = arith.divf %logistic3A_82, %logistic3A_83 : vector<1000x128xf32>
    %slice3A_85 = vector.extract_strided_slice %add3A_55 {offsets = [0, 256], sizes = [1000, 128], strides = [1, 1]} : vector<1000x384xf32> to vector<1000x128xf32>
    %slice3A_86 = vector.extract_strided_slice %add3A_68 {offsets = [0, 256], sizes = [1000, 128], strides = [1, 1]} : vector<1000x384xf32> to vector<1000x128xf32>
    %mul3A_87 = arith.mulf %logistic3A_75, %slice3A_86 : vector<1000x128xf32>
    %add3A_88 = arith.addf %slice3A_85, %mul3A_87 : vector<1000x128xf32>
    %tanh3A = math.tanh %add3A_88 : vector<1000x128xf32>
    %sub3A_89 = arith.constant 1.000000e+00 : f32
    %sub3A_90 = vector.broadcast %sub3A_89 : f32 to vector<1000x128xf32>
    %sub3A_91 = arith.subf %sub3A_90, %logistic3A_84 : vector<1000x128xf32>
    %mul3A_92 = arith.mulf %sub3A_91, %tanh3A : vector<1000x128xf32>
    %mul3A_93 = arith.mulf %logistic3A_84, %get3A_58 : vector<1000x128xf32>
    %add3A_94 = arith.addf %mul3A_92, %mul3A_93 : vector<1000x128xf32>
    %max3A = arith.constant 0.000000e+00 : f32
    %max3A_95 = vector.broadcast %max3A : f32 to vector<1000x128xf32>
    %max3A_96 = arith.maximumf %add3A_94, %max3A_95 : vector<1000x128xf32>
    %swap3A = arith.constant 0 : index
    %swap3A_97 = arith.constant 0 : index
    %swap3A_98 = vector.load %arg10[%swap3A, %swap3A_97] : memref<1000x128xf32, #tpu.memory_space<vmem>>, vector<1000x128xf32>
    tpu.vector_store %arg10[%swap3A, %swap3A_97], %max3A_96 {strides = array<i32>} : memref<1000x128xf32, #tpu.memory_space<vmem>>, vector<1000x128xf32>,
    return
  }
  func.func @transform_0(%arg0: i32) -> (i32, i32, i32, i32) {
    %c0_i32 = arith.constant 0 : i32
    %c0_i32_0 = arith.constant 0 : i32
    %c0_i32_1 = arith.constant 0 : i32
    %c0_i32_2 = arith.constant 0 : i32
    return %arg0, %c0_i32, %c0_i32_0, %c0_i32_1 : i32, i32, i32, i32
  }
  func.func @transform_1(%arg0: i32) -> (i32, i32, i32) {
    %c0_i32 = arith.constant 0 : i32
    %c0_i32_0 = arith.constant 0 : i32
    %c0_i32_1 = arith.constant 0 : i32
    return %arg0, %c0_i32, %c0_i32_0 : i32, i32, i32
  }
  func.func @transform_2(%arg0: i32) -> (i32, i32) {
    %c0_i32 = arith.constant 0 : i32
    %c0_i32_0 = arith.constant 0 : i32
    return %arg0, %c0_i32 : i32, i32
  }
  func.func @transform_3(%arg0: i32) -> (i32, i32) {
    %c0_i32 = arith.constant 0 : i32
    %c0_i32_0 = arith.constant 0 : i32
    %c0_i32_1 = arith.constant 0 : i32
    return %c0_i32, %c0_i32_0 : i32, i32
  }
  func.func @transform_4(%arg0: i32) -> (i32, i32) {
    %c0_i32 = arith.constant 0 : i32
    %c0_i32_0 = arith.constant 0 : i32
    %c0_i32_1 = arith.constant 0 : i32
    return %c0_i32, %c0_i32_0 : i32, i32
  }
  func.func @transform_5(%arg0: i32) -> (i32, i32) {
    %c0_i32 = arith.constant 0 : i32
    %c0_i32_0 = arith.constant 0 : i32
    %c0_i32_1 = arith.constant 0 : i32
    return %c0_i32, %c0_i32_0 : i32, i32
  }
  func.func @transform_6(%arg0: i32) -> (i32, i32) {
    %c0_i32 = arith.constant 0 : i32
    %c0_i32_0 = arith.constant 0 : i32
    %c0_i32_1 = arith.constant 0 : i32
    return %c0_i32, %c0_i32_0 : i32, i32
  }
  func.func @transform_7(%arg0: i32) -> (i32, i32) {
    %c0_i32 = arith.constant 0 : i32
    %c0_i32_0 = arith.constant 0 : i32
    %c0_i32_1 = arith.constant 0 : i32
    return %c0_i32, %c0_i32_0 : i32, i32
  }
  func.func @transform_8(%arg0: i32) -> (i32, i32) {
    %c0_i32 = arith.constant 0 : i32
    %c0_i32_0 = arith.constant 0 : i32
    %c0_i32_1 = arith.constant 0 : i32
    return %c0_i32, %c0_i32_0 : i32, i32
  }
  func.func @transform_9(%arg0: i32) -> (i32, i32) {
    %c0_i32 = arith.constant 0 : i32
    %c0_i32_0 = arith.constant 0 : i32
    return %arg0, %c0_i32 : i32, i32
  }
}

</mosaic_0001>

<sc_bundles>
// kernel: kernel.4.cloned.1.call-start
scs
__scs_entry_jumppad:
0x0: {  	(pc) =	sbr.rel $0x88, $3  }
0x1: {  	(tag) =	ssettag $0x0;
	lr =	simm.s32 $0x1  }
0x2: {  	[smem:$0x3F97] =	sst lr;
	_ =	strace $0xD0000000  }
0x3: {  	_ = 	snop  }
0x4: {  	_ = 	snop  }
0x5: {  	_ = 	snop  }
0x6: {  	_ = 	snop  }
0x7: {  	_ = 	snop  }
__scs_overlays_trampoline_lowered:
0x8: {  	[smem:$0x3FA6] =	sst s0  }
0x9: {  	[smem:$0x3FA7] =	sst s1  }
0xa: {  	[smem:$0x3FA8] =	sst s2  }
0xb: {  	[smem:$0x3FA9] =	sst s3  }
0xc: {  	[smem:$0x3FAA] =	sst s4  }
0xd: {  	[smem:$0x3FAB] =	sst s5  }
0xe: {  	[smem:$0x3FAC] =	sst s6  }
0xf: {  	[smem:$0x3FAD] =	sst s7  }
0x10: {  	[smem:$0x3FAE] =	sst s8  }
0x11: {  	[smem:$0x3FAF] =	sst s9;
	s0 =	simm.s32 @!p0 $0x0  }
0x12: {  	s1 =	sld [smem:$0x3F95];
	s0 =	simm.s32 @p0 $0x1  }
0x13: {  	[smem:$0x3FB0] =	sst s0;
	s0 =	simm.s32 @!p1 $0x0  }
0x14: {  	s2 =	sld [smem:$0x3F94];
	s0 =	simm.s32 @p1 $0x1  }
0x15: {  	[smem:$0x3FB1] =	sst s0;
	s0 =	simm.s32 @!p2 $0x0  }
0x16: {  	s3 =	sld [smem:$0x3FDB];
	s0 =	simm.s32 @p2 $0x1  }
0x17: {  	s4 =	simm.s32 $0x1BF5;
	[smem:$0x3FB3] =	sst s0  }
0x18: {  	s0 =	sld [smem:$0x3F96];
	_ =	swait.ge [sflag:s4], $0x0  }
0x19: {  	s7 =	sld [smem:$0x3F97]  }
0x1a: {  	s8 =	sadd.s32 $0xFFFFE003, lr  }
0x1b: {  	s9 =	sadd.s32 $0xFFFFFEF7, lr;
	s5 =	simm.s32 $0xFFFFFFFF;
	p2 =	slt.u32 s8, $0xFFFFF086  }
0x1c: {  	p1 =	slt.u32 s9, $0xF7A;
	s5 =	simm.s32 @!p2 $0x0  }
0x1d: {  	s5 =	simm.s32 @p1 $0x1;
	p0 =	seq.s32 s7, s2  }
0x1e: {  	s7 =	smul.u32 @!p0 $0xF7A, s2;
	p2 =	seq.s32 @!p0 s5, $0x0  }
0x1f: {  	s9 =	smul.u32 $0xF7A, s1;
	s8 =	simm.s32 @!p0 $0x1BF5;
	p2 =	por !p2, p0  }
0x20: {  	[sflag:s8] =	ssyncset.s32 @!p0 $0xFFFFF086;
	s6 =	sadd.s32 @!p0 s3, s7;
	s7 =	simm.s32 @!p0 $0x108  }
0x21: {  	s3 =	sadd.s32 s3, s9;
	s6 =	sadd.s32 @!p0 $0x88, s6;
	s7 =	simm.s32 @p2 $0x1082  }
0x22: {  	[simem:s7], [sflag:s8] =	dma.local @!p0 [hbm:s6], $0xF7A  }
0x23: {  	s9 =	sor.u32 $0xD0000000, s2;
	s6 =	simm.s32 $0x108;
	_ =	swait.ge @!p0 [sflag:s8], $0x0  }
0x24: {  	s3 =	sadd.s32 $0x88, s3;
	s6 =	simm.s32 @!p1 $0x1082;
	[sflag:s4] =	ssyncset.s32 $0xFFFFF086  }
0x25: {  	[simem:s6], [sflag:s4] =	dma.local [hbm:s3], $0xF7A  }
0x26: {  	[smem:$0x3F97] =	sst s1;
	(tag) =	ssettag s2;
	_ =	strace s9  }
0x27: {  	s1 =	sld [smem:$0x3FA7]  }
0x28: {  	s2 =	sld [smem:$0x3FA8]  }
0x29: {  	s4 =	sld [smem:$0x3FAA]  }
0x2a: {  	p0 =	seq.s32 s5, $0x0;
	s5 =	sld [smem:$0x3FAB]  }
0x2b: {  	s6 =	sld [smem:$0x3FAC]  }
0x2c: {  	s7 =	sld [smem:$0x3FAD]  }
0x2d: {  	s3 =	simm.s32 $0x108;
	s8 =	sld [smem:$0x3FAE]  }
0x2e: {  	s3 =	simm.s32 @!p0 $0x1082;
	s9 =	sld [smem:$0x3FAF]  }
0x2f: {  	lr =	sadd.s32 s0, s3;
	s0 =	sld [smem:$0x3FA6]  }
0x30: {  	s3 =	sld [smem:$0x3FA9]  }
0x31: {  	[smem:$0x3FB2] =	sst s10  }
0x32: {  	s10 =	sld [smem:$0x3FB0];
	_ =	sdelay $0x3  }
0x33: {  	p0 =	seq.s32 s10, $0x1;
	s10 =	sld [smem:$0x3FB2];
	_ =	sdelay $0x3  }
0x34: {  	[smem:$0x3FB2] =	sst s10  }
0x35: {  	s10 =	sld [smem:$0x3FB1];
	_ =	sdelay $0x3  }
0x36: {  	p1 =	seq.s32 s10, $0x1;
	s10 =	sld [smem:$0x3FB2];
	_ =	sdelay $0x3  }
0x37: {  	[smem:$0x3FB2] =	sst s10  }
0x38: {  	s10 =	sld [smem:$0x3FB3]  }
0x39: {  	_ = 	snop;
	(pc) =	sbr.ind lr, $3  }
0x3a: {  	_ = 	snop  }
0x3b: {  	_ = 	snop  }
0x3c: {  	p2 =	seq.s32 s10, $0x1;
	s10 =	sld [smem:$0x3FB2]  }
0x3d: {  	_ =	shalt  }
0x3e: {  	_ =	shalt  }
0x3f: {  	_ =	shalt  }
0x40: {  	_ =	shalt  }
0x41: {  	_ =	shalt  }
0x42: {  	_ =	shalt  }
0x43: {  	_ =	shalt  }
0x44: {  	_ =	shalt  }
0x45: {  	_ =	shalt  }
0x46: {  	_ =	shalt  }
0x47: {  	_ =	shalt  }
0x48: {  	_ =	shalt  }
0x49: {  	_ =	shalt  }
0x4a: {  	_ =	shalt  }
0x4b: {  	_ =	shalt  }
0x4c: {  	_ =	shalt  }
0x4d: {  	_ =	shalt  }
0x4e: {  	_ =	shalt  }
0x4f: {  	_ =	shalt  }
0x50: {  	_ =	shalt  }
0x51: {  	_ =	shalt  }
0x52: {  	_ =	shalt  }
0x53: {  	_ =	shalt  }
0x54: {  	_ =	shalt  }
0x55: {  	_ =	shalt  }
0x56: {  	_ =	shalt  }
0x57: {  	_ =	shalt  }
0x58: {  	_ =	shalt  }
0x59: {  	_ =	shalt  }
0x5a: {  	_ =	shalt  }
0x5b: {  	_ =	shalt  }
0x5c: {  	_ =	shalt  }
0x5d: {  	_ =	shalt  }
0x5e: {  	_ =	shalt  }
0x5f: {  	_ =	shalt  }
0x60: {  	_ =	shalt  }
0x61: {  	_ =	shalt  }
0x62: {  	_ =	shalt  }
0x63: {  	_ =	shalt  }
0x64: {  	_ =	shalt  }
0x65: {  	_ =	shalt  }
0x66: {  	_ =	shalt  }
0x67: {  	_ =	shalt  }
0x68: {  	_ =	shalt  }
0x69: {  	_ =	shalt  }
0x6a: {  	_ =	shalt  }
0x6b: {  	_ =	shalt  }
0x6c: {  	_ =	shalt  }
0x6d: {  	_ =	shalt  }
0x6e: {  	_ =	shalt  }
0x6f: {  	_ =	shalt  }
0x70: {  	_ =	shalt  }
0x71: {  	_ =	shalt  }
0x72: {  	_ =	shalt  }
0x73: {  	_ =	shalt  }
0x74: {  	_ =	shalt  }
0x75: {  	_ =	shalt  }
0x76: {  	_ =	shalt  }
0x77: {  	_ =	shalt  }
0x78: {  	_ =	shalt  }
0x79: {  	_ =	shalt  }
0x7a: {  	_ =	shalt  }
0x7b: {  	_ =	shalt  }
0x7c: {  	_ =	shalt  }
0x7d: {  	_ =	shalt  }
0x7e: {  	_ =	shalt  }
0x7f: {  	_ =	shalt  }
0x80: {  	_ =	shalt  }
0x81: {  	_ =	shalt  }
0x82: {  	_ =	shalt  }
0x83: {  	_ =	shalt  }
0x84: {  	_ =	shalt  }
0x85: {  	_ =	shalt  }
0x86: {  	_ =	shalt  }
0x87: {  	_ =	shalt  }
.Lfunc_end0:
.L_simem_size_0:
called_computation_lowered:
.L_overlay_start_0:
0x88: {  	s2 =	sld [smem:$0x3FD9]  }
0x89: {  	s3 =	sld [smem:$0x3FFE];
	_ =	sdelay $0x1  }
0x8a: {  	s1 =	srdreg.scid  }
0x8b: {  	s0 =	sand.u32 $0x1, s1  }
0x8c: {  	s17 =	sshll.u32 s0, $0xA;
	s2 =	sadd.s32 s3, s2  }
0x8d: {  	s2 =	sadd.s32 s2, s17  }
0x8e: {  	[smem:$0x3FBE] =	sst s2  }
0x8f: {  	_ = 	snop  }
0x90: {  	s2 =	sld [smem:$0x3FC8]  }
0x91: {  	s18 =	sld [smem:$0x3FC6]  }
0x92: {  	s4 =	sld [smem:$0x3FD0];
	(tm) =	ssettm $0x1  }
0x93: {  	s5 =	sld [smem:$0x3FFB];
	_ =	sdelay $0x3  }
0x94: {  	_ =	strace s5  }
0x95: {  	s5 =	sld [smem:$0x3FFC];
	_ =	sdelay $0x3  }
0x96: {  	_ =	strace s5  }
0x97: {  	s5 =	sld [smem:$0x3FFD];
	_ =	sdelay $0x3  }
0x98: {  	_ =	strace s5  }
0x99: {  	_ =	strace $0x8FFFFFFF  }
0x9a: {  	s19 =	sld [smem:$0x3FDB];
	_ =	sdelay $0x1  }
0x9b: {  	s6 =	simm.s32 $_scs_section_size  }
0x9c: {  	s7 =	simm.s32 $_size__tile_overlayer_lowered;
	s8 =	simm.s32 $_tile_overlayer_lowered  }
0x9d: {  	s22 =	simm.s32 $0x1BFF;
	s21 =	sshll.u32 s8, $0x1;
	s5 =	sadd.s32 s6, s19  }
0x9e: {  	s9 =	simm.s32 $0x0;
	s20 =	sshll.u32 s7, $0x1;
	s7 =	sadd.s32 s21, s5  }
0x9f: {  	[timem:s9], [sflag:s22] =	dma.local [hbm:s7], s20  }
0xa0: {  	_ =	swait.ge [sflag:s22], s20  }
0xa1: {  	s6 =	ssub.s32 $0x0, s20;
	[sflag:s22] =	ssyncset.done $0x0  }
0xa2: {  	[sflag:s22] =	ssyncadd.s32 s6;
	_ =	sdelay $0x1  }
0xa3: {  	s23 =	simm.s32 $0x1B8B  }
0xa4: {  	_ =	swait.ge [sflag:s23], $0x1  }
0xa5: {  	[sflag:s23] =	ssyncset.done $0x0  }
0xa6: {  	s25 =	simm.s32 $0x1B8E;
	s24 =	sld [smem:$0x3FFE];
	[sflag:s23] =	ssyncadd.s32 $0xFFFFFFFF  }
0xa7: {  	s26 =	simm.s32 $execute0_lowered;
	[smem:$0x3FD2] =	sst s25  }
0xa8: {  	s7 =	sshll.u32 s26, $0x1;
	_ =	strace $0x80000046;
	[dreg:$0x1] =	wrdreg $0xFFFFFFFF  }
0xa9: {  	s28 =	simm.s32 $_size_execute0_lowered;
	s5 =	sadd.s32 s5, s7;
	[dreg:$0x0] =	wrdreg $0x0  }
0xaa: {  	s7 =	sshll.u32 s28, $0x1;
	[dreg:$0x2] =	wrdreg s5  }
0xab: {  	[dreg:$0x3] =	wrdreg s7  }
0xac: {  	[dreg:$0x4] =	wrdreg $0xC0  }
0xad: {  	_ =	task [dreg:s9], $0x5FFFF  }
0xae: {  	[dreg:$0x1] =	wrdreg $0xFFFFFFFF  }
0xaf: {  	[dreg:$0x0] =	wrdreg $0x60  }
0xb0: {  	[dreg:$0x2] =	wrdreg s18  }
0xb1: {  	[dreg:$0x3] =	wrdreg s4  }
0xb2: {  	[dreg:$0x4] =	wrdreg s2  }
0xb3: {  	[dreg:$0x5] =	wrdreg s24  }
0xb4: {  	[dreg:$0x6] =	wrdreg $0xCB200  }
0xb5: {  	[dreg:$0x7] =	wrdreg $0xF2300  }
0xb6: {  	[dreg:$0x8] =	wrdreg $0x9  }
0xb7: {  	_ =	task.clear_ibuf [dreg:s9], $0x9FFFF;
	_ =	strace $0x90000046  }
0xb8: {  	s29 =	simm.s32 $0x9;
	_ =	strace $0x80000048  }
0xb9: {  	_ =	swait.ge [sflag:s29], $0x1  }
0xba: {  	[sflag:s29] =	ssyncadd.s32 $0xFFFFFFFF  }
0xbb: {  	_ =	strace $0x90000048  }
0xbc: {  	_ =	sfence  }
0xbd: {  	s30 =	sld [smem:$0x0];
	_ =	sdelay $0x2  }
0xbe: {  	s31 =	sshll.u32 s1, $0xD;
	s1 =	sshrl.u32 s1, $0x2  }
0xbf: {  	s3 =	sand.u32 $0x4000, s31;
	s1 =	sadd.s32 s1, s30  }
0xc0: {  	s0 =	sor.u32 s3, s0;
	s1 =	sshll.u32 s1, $0x11  }
0xc1: {  	s0 =	sor.u32 s1, s0  }
0xc2: {  	s0 =	sadd.s32 $0x8F2B, s0  }
0xc3: {  	[sflag:s0] =	ssyncadd.remote.s32 $0x1  }
0xc4: {  	_ =	sfence.sel $0xFFFF  }
0xc5: {  	[dreg:$0x0] =	wrdreg $0xFFFFFFFF;
	(pc) =	sbr.abs _section_cstart, $3  }
0xc6: {  	[dreg:$0x1] =	wrdreg $0xFFFFFFFF  }
0xc7: {  	_ =	task.clear_ibuf [dreg:s9], $0x2FFFF;
	_ =	strace $0x9FFFFFFF  }
0xc8: {  	(tm) =	ssettm $0x7FFFFFFF  }
0xc9: {  	_ =	shalt  }
tec
execute0_lowered:
.L_overlay_start_1:
0x0: {  	(tag) =	ssettag $0x1  }
0x1: {  	s0 =	srdreg.scid;
	s3 =	rddreg [dreg:$0x3]  }
0x2: {  	s1 =	simm.s32 $0x0;
	s25 =	stileid.u32;
	s0 =	sand.u32 $0x1, s0  }
0x3: {  	[smem:$0x7FF] =	sst s1;
	s8 =	sshrl.u32 s25, $0x3;
	s10 =	sshll.u32 s25, $0x7  }
0x4: {  	s13 =	sadd.s32 $0x48E0, s3;
	s15 =	sadd.s32 $0x5880, s3;
	s17 =	sadd.s32 $0x6820, s3  }
0x5: {  	s19 =	sadd.s32 $0x77C0, s3;
	s21 =	sadd.s32 $0x8760, s3;
	s23 =	sadd.s32 $0x9700, s3  }
0x6: {  	s24 =	sadd.s32 $0xA6A0, s3;
	s2 =	sshll.u32 s0, $0x4;
	s6 =	ssub.s32 $0x2, s0  }
0x7: {  	s9 =	smul.u32 $0x271000, s8;
	s8 =	sshll.u32 s8, $0xA;
	s2 =	sor.u32 s25, s2  }
0x8: {  	s26 =	sshrl.u32 s6, $0x1;
	s8 =	ssub.s32 s10, s8;
	s7 =	smul.u32 $0x7D, s2  }
0x9: {  	s10 =	sadd.s32 $0x29A0, s3;
	s6 =	ssub.s32 s6, s26;
	s2 =	sadd.s32 s9, s8  }
0xa: {  	s26 =	sadd.s32 $0x3940, s3;
	s11 =	sadd.s32 s7, s3;
	s8 =	sadd.s32 s7, s10  }
0xb: {  	s10 =	sadd.s32 s7, s26;
	s13 =	sadd.s32 s7, s13;
	s15 =	sadd.s32 s7, s15  }
0xc: {  	s17 =	sadd.s32 s7, s17;
	s19 =	sadd.s32 s7, s19;
	s21 =	sadd.s32 s7, s21  }
0xd: {  	s26 =	sadd.s32 s7, s23;
	s7 =	sadd.s32 s7, s24;
	s24 =	rddreg [dreg:$0x5]  }
0xe: {  	s28 =	simm.s32 $0xE80;
	[dreg:$0x7] =	wrdreg s8  }
0xf: {  	s31 =	simm.s32 $0xF80;
	s12 =	sadd.s32 $0xD740, s3;
	[dreg:$0x8] =	wrdreg s10  }
0x10: {  	s14 =	sadd.s32 $0xE6E0, s3;
	s16 =	sadd.s32 $0xF680, s3;
	[dreg:$0x9] =	wrdreg s13  }
0x11: {  	s18 =	sadd.s32 $0x10620, s3;
	s20 =	sadd.s32 $0x115C0, s3;
	[dreg:$0xa] =	wrdreg s15  }
0x12: {  	s22 =	sadd.s32 $0x12560, s3;
	s4 =	smul.u32 $0x7D0, s0;
	[dreg:$0xb] =	wrdreg s17  }
0x13: {  	s30 =	smul.u32 $0x4E2, s0;
	s0 =	simm.s32 $0x1180;
	[dreg:$0xc] =	wrdreg s19  }
0x14: {  	s5 =	sadd.s32 s4, s3;
	s9 =	sadd.s32 $0xC7A0, s3;
	[dreg:$0xd] =	wrdreg s21  }
0x15: {  	s20 =	sadd.s32 s4, s20;
	s5 =	sadd.s32 $0xB800, s5;
	[dreg:$0xe] =	wrdreg s26  }
0x16: {  	s23 =	smul.u32 $0x7D, s25;
	[dreg:$0xf] =	wrdreg s7;
	s8 =	sadd.s32 $0x13500, s3  }
0x17: {  	s3 =	sadd.s32 $0x144A0, s3;
	s10 =	sadd.s32 s4, s9;
	s13 =	sadd.s32 s4, s12  }
0x18: {  	s15 =	sadd.s32 s4, s14;
	s17 =	sadd.s32 s4, s16;
	s19 =	sadd.s32 s4, s18  }
0x19: {  	s26 =	sadd.s32 s4, s22;
	s21 =	rddreg [dreg:$0x4];
	s12 =	simm.s32 $0x1280  }
0x1a: {  	s14 =	simm.s32 $0x1380;
	s16 =	simm.s32 $0xA410;
	s5 =	sadd.s32 s23, s5  }
0x1b: {  	s7 =	sadd.s32 s4, s8;
	s8 =	sadd.s32 s23, s10;
	[dreg:$0x10] =	wrdreg s5  }
0x1c: {  	s3 =	sadd.s32 s4, s3;
	s9 =	sadd.s32 s23, s13;
	[dreg:$0x11] =	wrdreg s8  }
0x1d: {  	s10 =	sadd.s32 s23, s15;
	s17 =	sadd.s32 s23, s17;
	[dreg:$0x12] =	wrdreg s9  }
0x1e: {  	s18 =	sadd.s32 s23, s19;
	s19 =	sadd.s32 s23, s20;
	[dreg:$0x13] =	wrdreg s10  }
0x1f: {  	s20 =	sadd.s32 s23, s26;
	s26 =	smax.u32 s6, $0x1;
	[dreg:$0x14] =	wrdreg s17  }
0x20: {  	s4 =	simm.s32 $0x1580;
	s6 =	simm.s32 $0x1680;
	[dreg:$0x15] =	wrdreg s18  }
0x21: {  	s13 =	simm.s32 $0x6400;
	s15 =	simm.s32 $0x3200;
	[dreg:$0x16] =	wrdreg s19  }
0x22: {  	[dreg:$0x17] =	wrdreg s20;
	s22 =	sadd.s32 s23, s7;
	s3 =	sadd.s32 s23, s3  }
0x23: {  	s23 =	ssub.s32 $0x31, s25;
	s25 =	sadd.s32 $0x1A00, s11;
	s5 =	simm.s32 $0x7D00  }
0x24: {  	s7 =	simm.s32 $0x80;
	s20 =	simm.s32 $0x1080;
	s17 =	simm.s32 $0x1480  }
0x25: {  	s8 =	simm.s32 $0x1780;
	s9 =	simm.s32 $0x1880;
	[dreg:$0x18] =	wrdreg s22  }
0x26: {  	s10 =	simm.s32 $0x400;
	s11 =	simm.s32 $0x4B00;
	[dreg:$0x19] =	wrdreg s3  }
0x27: {  	s19 =	simm.s32 $0x0;
	_ =	strace $0x80000047;
	[dreg:$0x1a] =	wrdreg s25  }
0x28: {  	v0 =	vimm.f32 $0.0e+00;
	s29 =	sshrl.u32 s23, $0x4;
	s3 =	simm.s32 $0x1;
	[dreg:$0x1b] =	wrdreg s26  }
.LBB2_1:
0x29: {  	[dreg:$0x1c] =	wrdreg s19;
	s18 =	simm.s32 $0x7D40  }
0x2a: {  	[tilespmem:s18+$0x30] =	vst v0  }
0x2b: {  	[tilespmem:s18+$0xFFFFFFF0] =	vst v0  }
0x2c: {  	[tilespmem:s18+$0xFFFFFFC0] =	vst v0  }
0x2d: {  	[tilespmem:s18+$0xFFFFFFE0] =	vst v0  }
0x2e: {  	[tilespmem:s18+$0x10] =	vst v0  }
0x2f: {  	[tilespmem:s18+$0x20] =	vst v0  }
0x30: {  	[tilespmem:s18+$0x0] =	vst v0  }
0x31: {  	s19 =	simm.s32 $0xA450;
	[tilespmem:s18+$0xFFFFFFD0] =	vst v0  }
0x32: {  	[tilespmem:s19+$0xFFFFFFC0] =	vst v0  }
0x33: {  	[tilespmem:s19+$0x30] =	vst v0  }
0x34: {  	[tilespmem:s19+$0x20] =	vst v0  }
0x35: {  	[tilespmem:s19+$0x10] =	vst v0  }
0x36: {  	[tilespmem:s19+$0xFFFFFFE0] =	vst v0  }
0x37: {  	[tilespmem:s19+$0x0] =	vst v0  }
0x38: {  	s22 =	simm.s32 $0x0;
	[tilespmem:s19+$0xFFFFFFF0] =	vst v0  }
.LBB2_2:
0x39: {  	s22 =	sadd.s32 $0x8, s22;
	[tilespmem:s19+$0xFFFFFFD0] =	vst v0;
	s18 =	sadd.s32 $0x80, s18;
	s19 =	sadd.s32 $0x80, s19  }
0x3a: {  	[tilespmem:s18+$0x30] =	vst v0;
	p0 =	slt.u32 s22, $0x268  }
0x3b: {  	[tilespmem:s18+$0xFFFFFFF0] =	vst v0  }
0x3c: {  	[tilespmem:s18+$0xFFFFFFC0] =	vst v0  }
0x3d: {  	[tilespmem:s19+$0xFFFFFFC0] =	vst v0  }
0x3e: {  	[tilespmem:s19+$0x30] =	vst v0  }
0x3f: {  	[tilespmem:s18+$0xFFFFFFE0] =	vst v0  }
0x40: {  	[tilespmem:s18+$0x10] =	vst v0  }
0x41: {  	[tilespmem:s18+$0x20] =	vst v0  }
0x42: {  	[tilespmem:s19+$0x20] =	vst v0  }
0x43: {  	[tilespmem:s19+$0x10] =	vst v0  }
.Ltmp0:
0x44: {  	[tilespmem:s19+$0xFFFFFFE0] =	vst v0;
	(pc) =	sbr.rel @p0 .LBB2_2-.Ltmp0, $4  }
0x45: {  	[tilespmem:s18+$0x0] =	vst v0  }
0x46: {  	[tilespmem:s19+$0x0] =	vst v0  }
0x47: {  	[tilespmem:s19+$0xFFFFFFF0] =	vst v0  }
0x48: {  	[tilespmem:s18+$0xFFFFFFD0] =	vst v0  }
0x49: {  	[tilespmem:s19+$0xFFFFFFD0] =	vst v0  }
0x4a: {  	[tilespmem:$0xA400] =	vst v0  }
0x4b: {  	s18 =	simm.s32 $0x0;
	[tilespmem:$0xCB10] =	vst v0  }
.LBB2_4:
0x4c: {  	s19 =	sshll.u32 s18, $0x4;
	s22 =	stileid.u32  }
0x4d: {  	s19 =	sor.u32 s22, s19  }
0x4e: {  	s22 =	smul.u32 $0x19, s19;
	_ =	sdelay $0x1  }
0x4f: {  	s22 =	sadd.s32 s30, s22  }
0x50: {  	s25 =	rddreg [dreg:$0x0];
	s23 =	sshll.u32 s22, $0x5  }
0x51: {  	s23 =	sadd.s32 s25, s23  }
0x52: {  	[tilespmem:s1], [sflag:$0x1] =	stream.linear.gather [hbm4b:s23+s1], $0x1900, $0x38;
	[tilespmem:$0x11940] =	vst v63  }
0x53: {  	_ =	swait.ge [sflag:s3], $0x1900  }
0x54: {  	[sflag:s3] =	ssyncset.done $0x0  }
0x55: {  	[sflag:s3] =	ssyncadd.s32 $0xFFFFE700  }
0x56: {  	s22 =	sshll.u32 s22, $0x4;
	s26 =	rddreg [dreg:$0x1]  }
0x57: {  	s25 =	simm.s32 $0x1900;
	s22 =	sadd.s32 s26, s22  }
0x58: {  	[tilespmem:s25], [sflag:$0x1] =	stream.linear.gather [hbm4b:s22+s1], $0xC80, $0x38;
	[tilespmem:$0x11940] =	vst v63  }
0x59: {  	_ =	swait.ge [sflag:s3], $0xC80  }
0x5a: {  	[sflag:s3] =	ssyncset.done $0x0  }
0x5b: {  	s26 =	simm.s32 $0x1B00;
	[sflag:s3] =	ssyncadd.s32 $0xFFFFF380  }
0x5c: {  	v1 =	vld [tilespmem:s26+$0x180];
	_ =	sdelay $0x1  }
0x5d: {  	v2 =	vld [tilespmem:s26+$0xFFFFFE00]  }
0x5e: {  	v3 =	vld [tilespmem:s26+$0xFFFFFE80];
	_ =	sdelay $0x1  }
0x5f: {  	v1 =	vmul.f32 $1.442695020e+00, v1  }
0x60: {  	v4 =	vld [tilespmem:s26+$0xFFFFFF00]  }
0x61: {  	v2 =	vmul.f32 $1.442695020e+00, v2;
	(erf) = vpow2.f32 v1  }
0x62: {  	v5 =	vld [tilespmem:s26+$0xFFFFFF80];
	v3 =	vmul.f32 $1.442695020e+00, v3  }
0x63: {  	s22 =	simm.s32 $0x480;
	v1 =	vld [tilespmem:s26+$0x0];
	(erf) = vpow2.f32 v2  }
0x64: {  	(erf) = vpow2.f32 v3;
	v3 =	vld [tilespmem:s22+$0x300]  }
0x65: {  	v6 =	vld [tilespmem:s26+$0x80];
	v2 =	vmul.f32 $1.442695020e+00, v4  }
0x66: {  	v7 =	vld [tilespmem:s22+$0xFFFFFE00]  }
0x67: {  	v4 =	vld [tilespmem:s26+$0x100];
	(erf) = vpow2.f32 v2  }
0x68: {  	v5 =	vmul.f32 $1.442695020e+00, v5;
	v2 =	vld [tilespmem:s22+$0xFFFFFD00]  }
0x69: {  	v8 =	vld [tilespmem:s22+$0x0];
	v1 =	vmul.f32 $1.442695020e+00, v1  }
0x6a: {  	s23 =	simm.s32 $0x2780;
	v9 =	vld [tilespmem:s22+$0x100];
	(erf) = vpow2.f32 v5;
	v10 =	vpop (erf)  }
0x6b: {  	(erf) = vpow2.f32 v1;
	v1 =	vld [tilespmem:s22+$0xFFFFFC00];
	[tilespmem:s23+$0x180] =	vst v10  }
0x6c: {  	v6 =	vmul.f32 $1.442695020e+00, v6;
	[tilespmem:v3+s5+$0x0] =	vst.idx.add.f32.msk $0xffff, v10;
	v3 =	vmul.f32 $1.442695020e+00, v4  }
0x6d: {  	v5 =	vld [tilespmem:s22+$0xFFFFFF00];
	v11 =	vpop (erf)  }
0x6e: {  	v45 =	vld [tilespmem:s22+$0x200];
	(erf) = vpow2.f32 v6;
	v4 =	vpop (erf);
	[tilespmem:s23+$0xFFFFFE00] =	vst v11  }
0x6f: {  	v6 =	vld [tilespmem:s26+$0x190];
	[tilespmem:s23+$0xFFFFFE80] =	vst v4  }
0x70: {  	(erf) = vpow2.f32 v3;
	[tilespmem:v2+s5+$0x0] =	vst.idx.add.f32.msk $0xffff, v4;
	v3 =	vpop (erf)  }
0x71: {  	v2 =	vld [tilespmem:s26+$0xFFFFFE90];
	[tilespmem:s23+$0xFFFFFF00] =	vst v3  }
0x72: {  	[tilespmem:v7+s5+$0x0] =	vst.idx.add.f32.msk $0xffff, v3  }
0x73: {  	v4 =	vpop (erf);
	[tilespmem:v1+s5+$0x0] =	vst.idx.add.f32.msk $0xffff, v11  }
0x74: {  	[tilespmem:s23+$0xFFFFFF80] =	vst v4;
	v3 =	vld [tilespmem:s26+$0xFFFFFF10]  }
0x75: {  	v1 =	vpop (erf);
	[tilespmem:v5+s5+$0x0] =	vst.idx.add.f32.msk $0xffff, v4  }
0x76: {  	v6 =	vmul.f32 $1.442695020e+00, v6;
	v4 =	vld [tilespmem:s26+$0xFFFFFE10];
	[tilespmem:s23+$0x0] =	vst v1  }
0x77: {  	v5 =	vpop (erf);
	[tilespmem:v8+s5+$0x0] =	vst.idx.add.f32.msk $0xffff, v1  }
0x78: {  	(erf) = vpow2.f32 v6;
	[tilespmem:s23+$0x80] =	vst v5  }
0x79: {  	[tilespmem:v9+s5+$0x0] =	vst.idx.add.f32.msk $0xffff, v5  }
0x7a: {  	v2 =	vmul.f32 $1.442695020e+00, v2;
	v5 =	vld [tilespmem:s26+$0xFFFFFF90]  }
0x7b: {  	v1 =	vld [tilespmem:s22+$0x310];
	v3 =	vmul.f32 $1.442695020e+00, v3  }
0x7c: {  	v7 =	vld [tilespmem:s22+$0xFFFFFC10];
	(erf) = vpow2.f32 v2;
	v2 =	vmul.f32 $1.442695020e+00, v4  }
0x7d: {  	v6 =	vpop (erf);
	v4 =	vld [tilespmem:s26+$0x90];
	(erf) = vpow2.f32 v3  }
0x7e: {  	[tilespmem:s23+$0x100] =	vst v6;
	v3 =	vld [tilespmem:s26+$0x10];
	(erf) = vpow2.f32 v2  }
0x7f: {  	[tilespmem:v45+s5+$0x0] =	vst.idx.add.f32.msk $0xffff, v6;
	v5 =	vmul.f32 $1.442695020e+00, v5  }
0x80: {  	v2 =	vld [tilespmem:s26+$0x110]  }
0x81: {  	v6 =	vpop (erf);
	(erf) = vpow2.f32 v5;
	v5 =	vld [tilespmem:s22+$0xFFFFFD10]  }
0x82: {  	v47 =	vld [tilespmem:s22+$0x10];
	[tilespmem:s23+$0x190] =	vst v6  }
0x83: {  	[tilespmem:v1+s5+$0x0] =	vst.idx.add.f32.msk $0xffff, v6;
	v3 =	vmul.f32 $1.442695020e+00, v3  }
0x84: {  	v1 =	vld [tilespmem:s26+$0x1A0]  }
0x85: {  	v4 =	vmul.f32 $1.442695020e+00, v4;
	v6 =	vld [tilespmem:s22+$0xFFFFFE10];
	v8 =	vpop (erf);
	(erf) = vpow2.f32 v3  }
0x86: {  	v2 =	vmul.f32 $1.442695020e+00, v2;
	v3 =	vld [tilespmem:s22+$0xFFFFFF10];
	v46 =	vpop (erf)  }
0x87: {  	[tilespmem:s23+$0xFFFFFE90] =	vst v8;
	(erf) = vpow2.f32 v4;
	v4 =	vld [tilespmem:s22+$0x110];
	v48 =	vpop (erf)  }
0x88: {  	(erf) = vpow2.f32 v2;
	v2 =	vld [tilespmem:s22+$0x210];
	[tilespmem:s23+$0xFFFFFE10] =	vst v48  }
0x89: {  	v1 =	vmul.f32 $1.442695020e+00, v1;
	[tilespmem:v5+s5+$0x0] =	vst.idx.add.f32.msk $0xffff, v8  }
0x8a: {  	[tilespmem:v7+s5+$0x0] =	vst.idx.add.f32.msk $0xffff, v48  }
0x8b: {  	[tilespmem:s23+$0xFFFFFF10] =	vst v46;
	v5 =	vpop (erf);
	v7 =	vld [tilespmem:s22+$0x320];
	(erf) = vpow2.f32 v1  }
0x8c: {  	v1 =	vld [tilespmem:s26+$0xFFFFFE20];
	[tilespmem:s23+$0xFFFFFF90] =	vst v5  }
0x8d: {  	[tilespmem:v6+s5+$0x0] =	vst.idx.add.f32.msk $0xffff, v46  }
0x8e: {  	[tilespmem:v3+s5+$0x0] =	vst.idx.add.f32.msk $0xffff, v5;
	v6 =	vpop (erf)  }
0x8f: {  	v8 =	vld [tilespmem:s26+$0xFFFFFF20];
	[tilespmem:s23+$0x10] =	vst v6  }
0x90: {  	v5 =	vpop (erf);
	[tilespmem:v47+s5+$0x0] =	vst.idx.add.f32.msk $0xffff, v6  }
0x91: {  	v3 =	vld [tilespmem:s26+$0xFFFFFEA0];
	[tilespmem:s23+$0x90] =	vst v5  }
0x92: {  	v6 =	vpop (erf);
	[tilespmem:v4+s5+$0x0] =	vst.idx.add.f32.msk $0xffff, v5  }
0x93: {  	v1 =	vmul.f32 $1.442695020e+00, v1;
	v5 =	vld [tilespmem:s26+$0xFFFFFFA0];
	[tilespmem:s23+$0x110] =	vst v6  }
0x94: {  	[tilespmem:v2+s5+$0x0] =	vst.idx.add.f32.msk $0xffff, v6;
	v4 =	vpop (erf)  }
0x95: {  	(erf) = vpow2.f32 v1;
	v1 =	vld [tilespmem:s26+$0x20];
	[tilespmem:s23+$0x1A0] =	vst v4  }
0x96: {  	v3 =	vmul.f32 $1.442695020e+00, v3;
	[tilespmem:v7+s5+$0x0] =	vst.idx.add.f32.msk $0xffff, v4  }
0x97: {  	v2 =	vmul.f32 $1.442695020e+00, v8;
	v4 =	vld [tilespmem:s26+$0x1B0]  }
0x98: {  	v8 =	vld [tilespmem:s22+$0x20];
	(erf) = vpow2.f32 v3  }
0x99: {  	(erf) = vpow2.f32 v2;
	v2 =	vld [tilespmem:s22+$0xFFFFFC20];
	v5 =	vmul.f32 $1.442695020e+00, v5  }
0x9a: {  	v3 =	vld [tilespmem:s26+$0xA0]  }
0x9b: {  	(erf) = vpow2.f32 v5;
	v5 =	vld [tilespmem:s22+$0xFFFFFD20]  }
0x9c: {  	v6 =	vld [tilespmem:s26+$0x120];
	v4 =	vmul.f32 $1.442695020e+00, v4  }
0x9d: {  	v7 =	vld [tilespmem:s22+$0xFFFFFE20];
	v1 =	vmul.f32 $1.442695020e+00, v1  }
0x9e: {  	v51 =	vld [tilespmem:s22+$0x120];
	(erf) = vpow2.f32 v4  }
0x9f: {  	v49 =	vpop (erf);
	v4 =	vld [tilespmem:s22+$0xFFFFFF20]  }
0xa0: {  	v50 =	vld [tilespmem:s22+$0x330];
	v3 =	vmul.f32 $1.442695020e+00, v3;
	[tilespmem:s23+$0xFFFFFE20] =	vst v49;
	(erf) = vpow2.f32 v1  }
0xa1: {  	[tilespmem:v2+s5+$0x0] =	vst.idx.add.f32.msk $0xffff, v49;
	v1 =	vpop (erf)  }
0xa2: {  	v12 =	vld [tilespmem:s22+$0x220];
	v6 =	vmul.f32 $1.442695020e+00, v6;
	[tilespmem:s23+$0xFFFFFEA0] =	vst v1;
	(erf) = vpow2.f32 v3  }
0xa3: {  	v2 =	vpop (erf);
	[tilespmem:v5+s5+$0x0] =	vst.idx.add.f32.msk $0xffff, v1  }
0xa4: {  	v3 =	vld [tilespmem:s26+$0xFFFFFE30];
	(erf) = vpow2.f32 v6;
	[tilespmem:s23+$0xFFFFFF20] =	vst v2  }
0xa5: {  	v1 =	vpop (erf);
	[tilespmem:v7+s5+$0x0] =	vst.idx.add.f32.msk $0xffff, v2  }
0xa6: {  	v5 =	vld [tilespmem:s26+$0xFFFFFEB0];
	[tilespmem:s23+$0xFFFFFFA0] =	vst v1  }
0xa7: {  	[tilespmem:v4+s5+$0x0] =	vst.idx.add.f32.msk $0xffff, v1;
	v2 =	vpop (erf)  }
0xa8: {  	v1 =	vld [tilespmem:s26+$0xFFFFFF30];
	[tilespmem:s23+$0x1B0] =	vst v2  }
0xa9: {  	v6 =	vpop (erf);
	[tilespmem:v50+s5+$0x0] =	vst.idx.add.f32.msk $0xffff, v2  }
0xaa: {  	[tilespmem:s23+$0x20] =	vst v6;
	v2 =	vld [tilespmem:s26+$0x1C0]  }
0xab: {  	v3 =	vmul.f32 $1.442695020e+00, v3;
	v4 =	vpop (erf);
	[tilespmem:v8+s5+$0x0] =	vst.idx.add.f32.msk $0xffff, v6  }
0xac: {  	v5 =	vmul.f32 $1.442695020e+00, v5;
	v6 =	vld [tilespmem:s26+$0xFFFFFFB0];
	[tilespmem:s23+$0xA0] =	vst v4  }
0xad: {  	(erf) = vpow2.f32 v3;
	v7 =	vpop (erf);
	[tilespmem:v51+s5+$0x0] =	vst.idx.add.f32.msk $0xffff, v4  }
0xae: {  	(erf) = vpow2.f32 v5;
	v3 =	vld [tilespmem:s26+$0x30];
	[tilespmem:s23+$0x120] =	vst v7  }
0xaf: {  	[tilespmem:v12+s5+$0x0] =	vst.idx.add.f32.msk $0xffff, v7;
	v2 =	vmul.f32 $1.442695020e+00, v2  }
0xb0: {  	v1 =	vmul.f32 $1.442695020e+00, v1;
	v7 =	vld [tilespmem:s22+$0xFFFFFD30]  }
0xb1: {  	v5 =	vmul.f32 $1.442695020e+00, v6;
	v6 =	vld [tilespmem:s22+$0xFFFFFC30];
	(erf) = vpow2.f32 v2  }
0xb2: {  	v2 =	vld [tilespmem:s26+$0xB0]  }
0xb3: {  	v3 =	vmul.f32 $1.442695020e+00, v3;
	(erf) = vpow2.f32 v1  }
0xb4: {  	v1 =	vld [tilespmem:s22+$0x340]  }
0xb5: {  	v4 =	vld [tilespmem:s26+$0x130];
	(erf) = vpow2.f32 v5  }
0xb6: {  	v8 =	vpop (erf);
	v5 =	vld [tilespmem:s22+$0xFFFFFE30]  }
0xb7: {  	v52 =	vld [tilespmem:s22+$0xFFFFFF30];
	[tilespmem:s23+$0xFFFFFE30] =	vst v8;
	(erf) = vpow2.f32 v3;
	v3 =	vpop (erf);
	v2 =	vmul.f32 $1.442695020e+00, v2  }
0xb8: {  	v53 =	vld [tilespmem:s22+$0x30];
	[tilespmem:s23+$0xFFFFFEB0] =	vst v3  }
0xb9: {  	[tilespmem:v7+s5+$0x0] =	vst.idx.add.f32.msk $0xffff, v3;
	(erf) = vpow2.f32 v2  }
0xba: {  	v4 =	vmul.f32 $1.442695020e+00, v4;
	[tilespmem:v6+s5+$0x0] =	vst.idx.add.f32.msk $0xffff, v8;
	v54 =	vpop (erf)  }
0xbb: {  	v11 =	vld [tilespmem:s22+$0x130];
	[tilespmem:s23+$0x1C0] =	vst v54  }
0xbc: {  	[tilespmem:v1+s5+$0x0] =	vst.idx.add.f32.msk $0xffff, v54;
	v1 =	vpop (erf);
	(erf) = vpow2.f32 v4  }
0xbd: {  	[tilespmem:s23+$0xFFFFFF30] =	vst v1;
	v4 =	vld [tilespmem:s26+$0x1D0]  }
0xbe: {  	v3 =	vpop (erf);
	[tilespmem:v5+s5+$0x0] =	vst.idx.add.f32.msk $0xffff, v1  }
0xbf: {  	v2 =	vld [tilespmem:s22+$0x230];
	[tilespmem:s23+$0xFFFFFFB0] =	vst v3  }
0xc0: {  	v5 =	vpop (erf);
	[tilespmem:v52+s5+$0x0] =	vst.idx.add.f32.msk $0xffff, v3  }
0xc1: {  	v1 =	vld [tilespmem:s26+$0xFFFFFE40];
	[tilespmem:s23+$0x30] =	vst v5  }
0xc2: {  	[tilespmem:v53+s5+$0x0] =	vst.idx.add.f32.msk $0xffff, v5;
	v6 =	vpop (erf)  }
0xc3: {  	v3 =	vmul.f32 $1.442695020e+00, v4;
	v4 =	vld [tilespmem:s26+$0xFFFFFEC0];
	[tilespmem:s23+$0xB0] =	vst v6  }
0xc4: {  	[tilespmem:v11+s5+$0x0] =	vst.idx.add.f32.msk $0xffff, v6  }
0xc5: {  	(erf) = vpow2.f32 v3;
	v3 =	vld [tilespmem:s26+$0xFFFFFF40];
	v5 =	vpop (erf)  }
0xc6: {  	v6 =	vld [tilespmem:s22+$0x350];
	v1 =	vmul.f32 $1.442695020e+00, v1;
	[tilespmem:s23+$0x130] =	vst v5  }
0xc7: {  	[tilespmem:v2+s5+$0x0] =	vst.idx.add.f32.msk $0xffff, v5  }
0xc8: {  	(erf) = vpow2.f32 v1;
	v2 =	vmul.f32 $1.442695020e+00, v4;
	v4 =	vld [tilespmem:s26+$0xFFFFFFC0]  }
0xc9: {  	v7 =	vld [tilespmem:s22+$0xFFFFFC40]  }
0xca: {  	v1 =	vld [tilespmem:s26+$0x40];
	(erf) = vpow2.f32 v2;
	v3 =	vmul.f32 $1.442695020e+00, v3  }
0xcb: {  	v5 =	vld [tilespmem:s26+$0x140]  }
0xcc: {  	v2 =	vld [tilespmem:s26+$0xC0];
	(erf) = vpow2.f32 v3  }
0xcd: {  	v3 =	vld [tilespmem:s22+$0xFFFFFD40];
	v4 =	vmul.f32 $1.442695020e+00, v4  }
0xce: {  	v55 =	vld [tilespmem:s22+$0x40];
	v8 =	vpop (erf)  }
0xcf: {  	v1 =	vmul.f32 $1.442695020e+00, v1;
	[tilespmem:s23+$0x1D0] =	vst v8;
	(erf) = vpow2.f32 v4;
	v4 =	vld [tilespmem:s22+$0xFFFFFE40]  }
0xd0: {  	v5 =	vmul.f32 $1.442695020e+00, v5;
	[tilespmem:v6+s5+$0x0] =	vst.idx.add.f32.msk $0xffff, v8  }
0xd1: {  	v2 =	vmul.f32 $1.442695020e+00, v2;
	v8 =	vpop (erf);
	(erf) = vpow2.f32 v1;
	v6 =	vld [tilespmem:s26+$0x1E0]  }
0xd2: {  	v1 =	vld [tilespmem:s22+$0xFFFFFF40];
	[tilespmem:s23+$0xFFFFFE40] =	vst v8  }
0xd3: {  	(erf) = vpow2.f32 v2;
	[tilespmem:v7+s5+$0x0] =	vst.idx.add.f32.msk $0xffff, v8;
	v56 =	vpop (erf)  }
0xd4: {  	v2 =	vld [tilespmem:s22+$0x140];
	[tilespmem:s23+$0xFFFFFEC0] =	vst v56  }
0xd5: {  	(erf) = vpow2.f32 v5;
	v5 =	vpop (erf);
	[tilespmem:v3+s5+$0x0] =	vst.idx.add.f32.msk $0xffff, v56  }
0xd6: {  	v3 =	vld [tilespmem:s26+$0xFFFFFE50];
	v6 =	vmul.f32 $1.442695020e+00, v6;
	[tilespmem:s23+$0xFFFFFF40] =	vst v5  }
0xd7: {  	[tilespmem:v4+s5+$0x0] =	vst.idx.add.f32.msk $0xffff, v5  }
0xd8: {  	v5 =	vld [tilespmem:s22+$0x360];
	(erf) = vpow2.f32 v6;
	v4 =	vpop (erf)  }
0xd9: {  	v6 =	vld [tilespmem:s22+$0x240];
	[tilespmem:s23+$0xFFFFFFC0] =	vst v4  }
0xda: {  	[tilespmem:v1+s5+$0x0] =	vst.idx.add.f32.msk $0xffff, v4;
	v1 =	vpop (erf)  }
0xdb: {  	v4 =	vld [tilespmem:s26+$0xFFFFFED0];
	[tilespmem:s23+$0x40] =	vst v1  }
0xdc: {  	v7 =	vpop (erf);
	[tilespmem:v55+s5+$0x0] =	vst.idx.add.f32.msk $0xffff, v1  }
0xdd: {  	v1 =	vld [tilespmem:s26+$0xFFFFFF50];
	[tilespmem:s23+$0xC0] =	vst v7  }
0xde: {  	v3 =	vmul.f32 $1.442695020e+00, v3;
	[tilespmem:v2+s5+$0x0] =	vst.idx.add.f32.msk $0xffff, v7  }
0xdf: {  	v8 =	vpop (erf);
	v2 =	vld [tilespmem:s26+$0xFFFFFFD0]  }
0xe0: {  	(erf) = vpow2.f32 v3;
	v3 =	vld [tilespmem:s26+$0x50];
	[tilespmem:s23+$0x140] =	vst v8  }
0xe1: {  	v4 =	vmul.f32 $1.442695020e+00, v4;
	[tilespmem:v6+s5+$0x0] =	vst.idx.add.f32.msk $0xffff, v8;
	v7 =	vpop (erf)  }
0xe2: {  	v6 =	vld [tilespmem:s26+$0xD0];
	v1 =	vmul.f32 $1.442695020e+00, v1;
	[tilespmem:s23+$0x1E0] =	vst v7  }
0xe3: {  	(erf) = vpow2.f32 v4;
	[tilespmem:v5+s5+$0x0] =	vst.idx.add.f32.msk $0xffff, v7  }
0xe4: {  	(erf) = vpow2.f32 v1;
	v1 =	vld [tilespmem:s22+$0xFFFFFC50]  }
0xe5: {  	v4 =	vld [tilespmem:s26+$0x1F0]  }
0xe6: {  	v2 =	vmul.f32 $1.442695020e+00, v2;
	v5 =	vld [tilespmem:s22+$0xFFFFFD50]  }
0xe7: {  	v57 =	vld [tilespmem:s22+$0xFFFFFF50]  }
0xe8: {  	v8 =	vld [tilespmem:s26+$0x150]  }
0xe9: {  	v3 =	vmul.f32 $1.442695020e+00, v3;
	v7 =	vld [tilespmem:s22+$0xFFFFFE50];
	(erf) = vpow2.f32 v2  }
0xea: {  	v58 =	vld [tilespmem:s22+$0x50];
	v2 =	vpop (erf);
	v4 =	vmul.f32 $1.442695020e+00, v4  }
0xeb: {  	(erf) = vpow2.f32 v3;
	v3 =	vmul.f32 $1.442695020e+00, v6;
	v6 =	vld [tilespmem:s22+$0x150];
	[tilespmem:s23+$0xFFFFFE50] =	vst v2  }
0xec: {  	v59 =	vpop (erf);
	(erf) = vpow2.f32 v4;
	[tilespmem:v1+s5+$0x0] =	vst.idx.add.f32.msk $0xffff, v2  }
0xed: {  	[tilespmem:s23+$0xFFFFFED0] =	vst v59;
	v1 =	vmul.f32 $1.442695020e+00, v8;
	v4 =	vld [tilespmem:s22+$0x250];
	(erf) = vpow2.f32 v3  }
0xee: {  	[tilespmem:v5+s5+$0x0] =	vst.idx.add.f32.msk $0xffff, v59  }
0xef: {  	v2 =	vpop (erf);
	(erf) = vpow2.f32 v1;
	v1 =	vld [tilespmem:s26+$0xFFFFFEE0]  }
0xf0: {  	v3 =	vld [tilespmem:s26+$0xFFFFFE60];
	[tilespmem:s23+$0xFFFFFF50] =	vst v2  }
0xf1: {  	[tilespmem:v7+s5+$0x0] =	vst.idx.add.f32.msk $0xffff, v2  }
0xf2: {  	v5 =	vpop (erf);
	v2 =	vld [tilespmem:s26+$0xFFFFFF60]  }
0xf3: {  	[tilespmem:s23+$0xFFFFFFD0] =	vst v5  }
0xf4: {  	v8 =	vpop (erf);
	[tilespmem:v57+s5+$0x0] =	vst.idx.add.f32.msk $0xffff, v5;
	v1 =	vmul.f32 $1.442695020e+00, v1  }
0xf5: {  	[tilespmem:s23+$0x50] =	vst v8;
	v9 =	vld [tilespmem:s26+$0xFFFFFFE0];
	v3 =	vmul.f32 $1.442695020e+00, v3;
	v5 =	vpop (erf)  }
0xf6: {  	[tilespmem:v58+s5+$0x0] =	vst.idx.add.f32.msk $0xffff, v8;
	v60 =	vpop (erf)  }
0xf7: {  	v2 =	vmul.f32 $1.442695020e+00, v2;
	(erf) = vpow2.f32 v3;
	v3 =	vld [tilespmem:s26+$0x60];
	[tilespmem:s23+$0xD0] =	vst v60  }
0xf8: {  	(erf) = vpow2.f32 v1;
	v1 =	vpop (erf);
	[tilespmem:v6+s5+$0x0] =	vst.idx.add.f32.msk $0xffff, v60  }
0xf9: {  	(erf) = vpow2.f32 v2;
	[tilespmem:s23+$0x150] =	vst v1;
	v2 =	vld [tilespmem:s26+$0xE0]  }
0xfa: {  	[tilespmem:v4+s5+$0x0] =	vst.idx.add.f32.msk $0xffff, v1  }
0xfb: {  	v1 =	vld [tilespmem:s22+$0xFFFFFC60]  }
0xfc: {  	v6 =	vmul.f32 $1.442695020e+00, v9;
	_ =	sdelay $0x1  }
0xfd: {  	v4 =	vld [tilespmem:s22+$0xFFFFFD60];
	(erf) = vpow2.f32 v6  }
0xfe: {  	v6 =	vld [tilespmem:s22+$0xFFFFFE60];
	v3 =	vmul.f32 $1.442695020e+00, v3;
	v2 =	vmul.f32 $1.442695020e+00, v2  }
0xff: {  	v7 =	vld [tilespmem:s22+$0x370]  }
0x100: {  	(erf) = vpow2.f32 v3;
	v3 =	vld [tilespmem:s22+$0xFFFFFF60];
	v61 =	vpop (erf)  }
0x101: {  	v10 =	vld [tilespmem:s22+$0x60];
	[tilespmem:s23+$0xFFFFFE60] =	vst v61;
	(erf) = vpow2.f32 v2  }
0x102: {  	[tilespmem:v1+s5+$0x0] =	vst.idx.add.f32.msk $0xffff, v61;
	v2 =	vpop (erf)  }
0x103: {  	v8 =	vld [tilespmem:s26+$0x160];
	[tilespmem:s23+$0xFFFFFEE0] =	vst v2;
	v62 =	vpop (erf)  }
0x104: {  	v11 =	vld [tilespmem:s22+$0x160];
	[tilespmem:s23+$0xFFFFFF60] =	vst v62  }
0x105: {  	[tilespmem:v4+s5+$0x0] =	vst.idx.add.f32.msk $0xffff, v2  }
0x106: {  	v1 =	vpop (erf);
	[tilespmem:v6+s5+$0x0] =	vst.idx.add.f32.msk $0xffff, v62  }
0x107: {  	v2 =	vld [tilespmem:s26+$0xFFFFFE70];
	[tilespmem:s23+$0xFFFFFFE0] =	vst v1  }
0x108: {  	[tilespmem:v3+s5+$0x0] =	vst.idx.add.f32.msk $0xffff, v1;
	v1 =	vmul.f32 $1.442695020e+00, v8  }
0x109: {  	v4 =	vpop (erf);
	v3 =	vld [tilespmem:s26+$0xFFFFFEF0]  }
0x10a: {  	v13 =	vld [tilespmem:s22+$0x260];
	[tilespmem:s23+$0x60] =	vst v4;
	v6 =	vpop (erf);
	(erf) = vpow2.f32 v1  }
0x10b: {  	[tilespmem:v10+s5+$0x0] =	vst.idx.add.f32.msk $0xffff, v4  }
0x10c: {  	v1 =	vld [tilespmem:s26+$0xFFFFFF70]  }
0x10d: {  	v4 =	vld [tilespmem:s26+$0xFFFFFFF0];
	v2 =	vmul.f32 $1.442695020e+00, v2;
	[tilespmem:s23+$0xE0] =	vst v6  }
0x10e: {  	[tilespmem:v11+s5+$0x0] =	vst.idx.add.f32.msk $0xffff, v6;
	v3 =	vmul.f32 $1.442695020e+00, v3  }
0x10f: {  	(erf) = vpow2.f32 v2;
	v6 =	vld [tilespmem:s26+$0xF0]  }
0x110: {  	v2 =	vld [tilespmem:s26+$0x70];
	(erf) = vpow2.f32 v3  }
0x111: {  	[tilespmem:s23+$0x1F0] =	vst v5;
	v1 =	vmul.f32 $1.442695020e+00, v1  }
0x112: {  	[tilespmem:v7+s5+$0x0] =	vst.idx.add.f32.msk $0xffff, v5;
	v4 =	vmul.f32 $1.442695020e+00, v4  }
0x113: {  	(erf) = vpow2.f32 v1;
	v1 =	vld [tilespmem:s22+$0xFFFFFD70];
	v5 =	vpop (erf)  }
0x114: {  	(erf) = vpow2.f32 v4;
	v4 =	vmul.f32 $1.442695020e+00, v6;
	[tilespmem:s23+$0x160] =	vst v5  }
0x115: {  	v2 =	vmul.f32 $1.442695020e+00, v2;
	[tilespmem:v13+s5+$0x0] =	vst.idx.add.f32.msk $0xffff, v5  }
0x116: {  	v5 =	vld [tilespmem:s26+$0x170]  }
0x117: {  	(erf) = vpow2.f32 v2  }
0x118: {  	v3 =	vld [tilespmem:s22+$0xFFFFFC70];
	(erf) = vpow2.f32 v4;
	v4 =	vpop (erf)  }
0x119: {  	v7 =	vpop (erf)  }
0x11a: {  	v6 =	vld [tilespmem:s22+$0xFFFFFE70];
	[tilespmem:s23+$0xFFFFFEF0] =	vst v7  }
0x11b: {  	[tilespmem:v1+s5+$0x0] =	vst.idx.add.f32.msk $0xffff, v7;
	v7 =	vmul.f32 $1.442695020e+00, v5  }
0x11c: {  	v8 =	vpop (erf)  }
0x11d: {  	v2 =	vld [tilespmem:s22+$0xFFFFFF70];
	v63 =	vpop (erf);
	(erf) = vpow2.f32 v7;
	_ =	sdelay $0x1  }
0x11e: {  	[tilespmem:s23+$0xFFFFFE70] =	vst v4  }
0x11f: {  	[tilespmem:v3+s5+$0x0] =	vst.idx.add.f32.msk $0xffff, v4  }
0x120: {  	v3 =	vld [tilespmem:s22+$0x70]  }
0x121: {  	v4 =	vld [tilespmem:s22+$0x170];
	[tilespmem:s23+$0xFFFFFF70] =	vst v8  }
0x122: {  	[tilespmem:v6+s5+$0x0] =	vst.idx.add.f32.msk $0xffff, v8  }
0x123: {  	v1 =	vld [tilespmem:s22+$0x270];
	[tilespmem:s23+$0xFFFFFFF0] =	vst v63;
	v5 =	vpop (erf)  }
0x124: {  	s25 =	simm.s32 $0x0;
	s26 =	simm.s32 $0x1F00;
	[tilespmem:v2+s5+$0x0] =	vst.idx.add.f32.msk $0xffff, v63;
	v6 =	vpop (erf)  }
.LBB2_5:
0x125: {  	v7 =	vld [tilespmem:s26+$0x180];
	[tilespmem:s23+$0x70] =	vst v5;
	v2 =	vpop (erf)  }
0x126: {  	v8 =	vld [tilespmem:s26+$0xFFFFFE00];
	[tilespmem:s23+$0xF0] =	vst v6  }
0x127: {  	v9 =	vld [tilespmem:s26+$0xFFFFFE80];
	[tilespmem:s23+$0x170] =	vst v2  }
0x128: {  	v10 =	vld [tilespmem:s26+$0xFFFFFF00]  }
0x129: {  	v11 =	vld [tilespmem:s26+$0xFFFFFF80]  }
0x12a: {  	v12 =	vld [tilespmem:s26+$0x0];
	v7 =	vmul.f32 $1.442695020e+00, v7  }
0x12b: {  	v8 =	vmul.f32 $1.442695020e+00, v8;
	v13 =	vld [tilespmem:s26+$0x80]  }
0x12c: {  	v9 =	vmul.f32 $1.442695020e+00, v9;
	v14 =	vld [tilespmem:s26+$0x100];
	(erf) = vpow2.f32 v7  }
0x12d: {  	s25 =	sadd.s32 $0x8, s25;
	v7 =	vmul.f32 $1.442695020e+00, v10;
	(erf) = vpow2.f32 v8;
	[tilespmem:v3+s5+$0x0] =	vst.idx.add.f32.msk $0xffff, v5  }
0x12e: {  	s22 =	sadd.s32 $0x800, s22;
	p0 =	slt.u32 s25, $0x10;
	v3 =	vmul.f32 $1.442695020e+00, v11;
	(erf) = vpow2.f32 v9;
	[tilespmem:v4+s5+$0x0] =	vst.idx.add.f32.msk $0xffff, v6  }
0x12f: {  	v4 =	vmul.f32 $1.442695020e+00, v12;
	v5 =	vld [tilespmem:s22+$0x300];
	(erf) = vpow2.f32 v7  }
0x130: {  	v6 =	vld [tilespmem:s22+$0xFFFFFD00];
	v7 =	vmul.f32 $1.442695020e+00, v13;
	(erf) = vpow2.f32 v3  }
0x131: {  	v3 =	vld [tilespmem:s22+$0xFFFFFE00];
	v8 =	vmul.f32 $1.442695020e+00, v14;
	(erf) = vpow2.f32 v4  }
0x132: {  	v4 =	vld [tilespmem:s22+$0xFFFFFF00];
	(erf) = vpow2.f32 v7  }
0x133: {  	v7 =	vld [tilespmem:s22+$0x0];
	(erf) = vpow2.f32 v8  }
0x134: {  	v8 =	vld [tilespmem:s22+$0x100]  }
0x135: {  	s23 =	sadd.s32 $0x400, s23;
	v9 =	vld [tilespmem:s22+$0x200];
	v10 =	vpop (erf)  }
0x136: {  	v11 =	vld [tilespmem:s22+$0xFFFFFC00];
	[tilespmem:s23+$0x180] =	vst v10;
	v12 =	vpop (erf)  }
0x137: {  	[tilespmem:v5+s5+$0x0] =	vst.idx.add.f32.msk $0xffff, v10;
	v5 =	vpop (erf)  }
0x138: {  	[tilespmem:s23+$0xFFFFFE00] =	vst v12;
	v10 =	vld [tilespmem:s26+$0x190];
	v13 =	vpop (erf)  }
0x139: {  	[tilespmem:s23+$0xFFFFFE80] =	vst v5;
	v14 =	vpop (erf)  }
0x13a: {  	[tilespmem:v6+s5+$0x0] =	vst.idx.add.f32.msk $0xffff, v5;
	v5 =	vpop (erf)  }
0x13b: {  	v6 =	vld [tilespmem:s26+$0xFFFFFE90];
	[tilespmem:s23+$0xFFFFFF00] =	vst v13;
	v15 =	vpop (erf)  }
0x13c: {  	[tilespmem:v3+s5+$0x0] =	vst.idx.add.f32.msk $0xffff, v13;
	v3 =	vpop (erf)  }
0x13d: {  	v13 =	vld [tilespmem:s26+$0xFFFFFF10];
	[tilespmem:s23+$0xFFFFFF80] =	vst v14;
	v10 =	vmul.f32 $1.442695020e+00, v10  }
0x13e: {  	[tilespmem:v11+s5+$0x0] =	vst.idx.add.f32.msk $0xffff, v12  }
0x13f: {  	[tilespmem:v4+s5+$0x0] =	vst.idx.add.f32.msk $0xffff, v14;
	(erf) = vpow2.f32 v10  }
0x140: {  	v4 =	vld [tilespmem:s26+$0xFFFFFE10];
	v6 =	vmul.f32 $1.442695020e+00, v6;
	[tilespmem:s23+$0x0] =	vst v5  }
0x141: {  	[tilespmem:v7+s5+$0x0] =	vst.idx.add.f32.msk $0xffff, v5  }
0x142: {  	v5 =	vmul.f32 $1.442695020e+00, v13;
	[tilespmem:s23+$0x80] =	vst v15;
	v7 =	vld [tilespmem:s22+$0x310];
	(erf) = vpow2.f32 v6  }
0x143: {  	[tilespmem:v8+s5+$0x0] =	vst.idx.add.f32.msk $0xffff, v15  }
0x144: {  	v6 =	vld [tilespmem:s26+$0xFFFFFF90];
	[tilespmem:s23+$0x100] =	vst v3;
	(erf) = vpow2.f32 v5  }
0x145: {  	v4 =	vmul.f32 $1.442695020e+00, v4;
	[tilespmem:v9+s5+$0x0] =	vst.idx.add.f32.msk $0xffff, v3  }
0x146: {  	v3 =	vld [tilespmem:s26+$0x10]  }
0x147: {  	v5 =	vld [tilespmem:s26+$0x90];
	(erf) = vpow2.f32 v4  }
0x148: {  	v4 =	vld [tilespmem:s26+$0x110];
	v8 =	vpop (erf)  }
0x149: {  	v9 =	vld [tilespmem:s22+$0xFFFFFC10];
	v6 =	vmul.f32 $1.442695020e+00, v6;
	[tilespmem:s23+$0x190] =	vst v8  }
0x14a: {  	[tilespmem:v7+s5+$0x0] =	vst.idx.add.f32.msk $0xffff, v8  }
0x14b: {  	v3 =	vmul.f32 $1.442695020e+00, v3;
	v7 =	vld [tilespmem:s26+$0x1A0];
	v8 =	vpop (erf);
	(erf) = vpow2.f32 v6  }
0x14c: {  	v6 =	vld [tilespmem:s22+$0xFFFFFD10];
	[tilespmem:s23+$0xFFFFFE90] =	vst v8;
	v5 =	vmul.f32 $1.442695020e+00, v5  }
0x14d: {  	v10 =	vld [tilespmem:s22+$0xFFFFFE10];
	v4 =	vmul.f32 $1.442695020e+00, v4;
	v11 =	vpop (erf);
	(erf) = vpow2.f32 v3  }
0x14e: {  	[tilespmem:s23+$0xFFFFFF10] =	vst v11;
	v3 =	vld [tilespmem:s22+$0xFFFFFF10];
	(erf) = vpow2.f32 v5  }
0x14f: {  	v5 =	vld [tilespmem:s22+$0x10];
	(erf) = vpow2.f32 v4  }
0x150: {  	v4 =	vld [tilespmem:s22+$0x110];
	v7 =	vmul.f32 $1.442695020e+00, v7;
	v12 =	vpop (erf)  }
0x151: {  	[tilespmem:s23+$0xFFFFFE10] =	vst v12;
	v13 =	vld [tilespmem:s22+$0x210]  }
0x152: {  	[tilespmem:v9+s5+$0x0] =	vst.idx.add.f32.msk $0xffff, v12;
	(erf) = vpow2.f32 v7  }
0x153: {  	v7 =	vld [tilespmem:s26+$0xFFFFFE20]  }
0x154: {  	[tilespmem:v6+s5+$0x0] =	vst.idx.add.f32.msk $0xffff, v8;
	v6 =	vpop (erf)  }
0x155: {  	[tilespmem:s23+$0xFFFFFF90] =	vst v6;
	v8 =	vld [tilespmem:s22+$0x320]  }
0x156: {  	[tilespmem:v10+s5+$0x0] =	vst.idx.add.f32.msk $0xffff, v11;
	v9 =	vpop (erf)  }
0x157: {  	[tilespmem:v3+s5+$0x0] =	vst.idx.add.f32.msk $0xffff, v6;
	v3 =	vpop (erf)  }
0x158: {  	v6 =	vmul.f32 $1.442695020e+00, v7;
	v7 =	vld [tilespmem:s26+$0xFFFFFEA0];
	[tilespmem:s23+$0x10] =	vst v9;
	v10 =	vpop (erf)  }
0x159: {  	[tilespmem:v5+s5+$0x0] =	vst.idx.add.f32.msk $0xffff, v9  }
0x15a: {  	v5 =	vld [tilespmem:s26+$0xFFFFFF20];
	[tilespmem:s23+$0x90] =	vst v3;
	(erf) = vpow2.f32 v6  }
0x15b: {  	[tilespmem:v4+s5+$0x0] =	vst.idx.add.f32.msk $0xffff, v3;
	v3 =	vpop (erf)  }
0x15c: {  	v4 =	vld [tilespmem:s26+$0xFFFFFFA0];
	[tilespmem:s23+$0x1A0] =	vst v3  }
0x15d: {  	v6 =	vmul.f32 $1.442695020e+00, v7;
	[tilespmem:v8+s5+$0x0] =	vst.idx.add.f32.msk $0xffff, v3  }
0x15e: {  	[tilespmem:s23+$0x110] =	vst v10;
	v3 =	vld [tilespmem:s26+$0x1B0]  }
0x15f: {  	v5 =	vmul.f32 $1.442695020e+00, v5;
	[tilespmem:v13+s5+$0x0] =	vst.idx.add.f32.msk $0xffff, v10;
	(erf) = vpow2.f32 v6  }
0x160: {  	v6 =	vld [tilespmem:s26+$0x20]  }
0x161: {  	v4 =	vmul.f32 $1.442695020e+00, v4;
	v7 =	vld [tilespmem:s26+$0xA0];
	(erf) = vpow2.f32 v5  }
0x162: {  	v5 =	vld [tilespmem:s26+$0x120]  }
0x163: {  	v8 =	vld [tilespmem:s22+$0xFFFFFC20];
	v3 =	vmul.f32 $1.442695020e+00, v3;
	v9 =	vpop (erf);
	(erf) = vpow2.f32 v4  }
0x164: {  	[tilespmem:s23+$0xFFFFFE20] =	vst v9;
	v4 =	vld [tilespmem:s22+$0xFFFFFD20]  }
0x165: {  	v10 =	vld [tilespmem:s22+$0xFFFFFE20];
	v6 =	vmul.f32 $1.442695020e+00, v6;
	(erf) = vpow2.f32 v3  }
0x166: {  	v3 =	vld [tilespmem:s22+$0xFFFFFF20];
	v7 =	vmul.f32 $1.442695020e+00, v7  }
0x167: {  	v11 =	vld [tilespmem:s22+$0x20];
	v5 =	vmul.f32 $1.442695020e+00, v5;
	(erf) = vpow2.f32 v6  }
0x168: {  	v6 =	vld [tilespmem:s22+$0x330];
	v12 =	vpop (erf);
	(erf) = vpow2.f32 v7  }
0x169: {  	[tilespmem:s23+$0xFFFFFEA0] =	vst v12;
	v7 =	vld [tilespmem:s22+$0x120];
	(erf) = vpow2.f32 v5  }
0x16a: {  	v5 =	vld [tilespmem:s22+$0x220];
	v13 =	vpop (erf)  }
0x16b: {  	[tilespmem:v8+s5+$0x0] =	vst.idx.add.f32.msk $0xffff, v9  }
0x16c: {  	[tilespmem:v4+s5+$0x0] =	vst.idx.add.f32.msk $0xffff, v12;
	v4 =	vpop (erf)  }
0x16d: {  	v8 =	vld [tilespmem:s26+$0xFFFFFE30];
	[tilespmem:s23+$0xFFFFFF20] =	vst v13  }
0x16e: {  	[tilespmem:v10+s5+$0x0] =	vst.idx.add.f32.msk $0xffff, v13;
	v9 =	vpop (erf)  }
0x16f: {  	v10 =	vld [tilespmem:s26+$0xFFFFFEB0];
	[tilespmem:s23+$0x1B0] =	vst v9  }
0x170: {  	[tilespmem:v6+s5+$0x0] =	vst.idx.add.f32.msk $0xffff, v9;
	v6 =	vpop (erf)  }
0x171: {  	[tilespmem:s23+$0xFFFFFFA0] =	vst v4;
	v9 =	vld [tilespmem:s26+$0x1C0];
	v12 =	vpop (erf)  }
0x172: {  	v8 =	vmul.f32 $1.442695020e+00, v8;
	[tilespmem:v3+s5+$0x0] =	vst.idx.add.f32.msk $0xffff, v4;
	v3 =	vpop (erf)  }
0x173: {  	v4 =	vld [tilespmem:s26+$0xFFFFFF30];
	[tilespmem:s23+$0x20] =	vst v6  }
0x174: {  	v10 =	vmul.f32 $1.442695020e+00, v10;
	[tilespmem:v11+s5+$0x0] =	vst.idx.add.f32.msk $0xffff, v6;
	(erf) = vpow2.f32 v8  }
0x175: {  	v6 =	vld [tilespmem:s26+$0xFFFFFFB0];
	[tilespmem:s23+$0xA0] =	vst v12  }
0x176: {  	[tilespmem:v7+s5+$0x0] =	vst.idx.add.f32.msk $0xffff, v12;
	v7 =	vmul.f32 $1.442695020e+00, v9;
	(erf) = vpow2.f32 v10  }
0x177: {  	v8 =	vld [tilespmem:s26+$0x30];
	[tilespmem:s23+$0x120] =	vst v3  }
0x178: {  	v4 =	vmul.f32 $1.442695020e+00, v4;
	[tilespmem:v5+s5+$0x0] =	vst.idx.add.f32.msk $0xffff, v3;
	(erf) = vpow2.f32 v7  }
0x179: {  	v3 =	vld [tilespmem:s26+$0xB0]  }
0x17a: {  	v5 =	vmul.f32 $1.442695020e+00, v6;
	v6 =	vld [tilespmem:s26+$0x130];
	(erf) = vpow2.f32 v4  }
0x17b: {  	v4 =	vld [tilespmem:s22+$0x340]  }
0x17c: {  	v7 =	vld [tilespmem:s22+$0xFFFFFC30];
	v8 =	vmul.f32 $1.442695020e+00, v8;
	(erf) = vpow2.f32 v5  }
0x17d: {  	v5 =	vld [tilespmem:s22+$0xFFFFFD30];
	v9 =	vpop (erf)  }
0x17e: {  	[tilespmem:s23+$0xFFFFFE30] =	vst v9;
	v10 =	vld [tilespmem:s22+$0xFFFFFE30];
	v3 =	vmul.f32 $1.442695020e+00, v3;
	(erf) = vpow2.f32 v8  }
0x17f: {  	v8 =	vld [tilespmem:s22+$0xFFFFFF30];
	v13 =	vmul.f32 $1.442695020e+00, v6;
	v11 =	vpop (erf)  }
0x180: {  	[tilespmem:s23+$0xFFFFFEB0] =	vst v11;
	v12 =	vld [tilespmem:s22+$0x30];
	(erf) = vpow2.f32 v3  }
0x181: {  	v3 =	vld [tilespmem:s22+$0x130];
	(erf) = vpow2.f32 v13;
	v6 =	vpop (erf)  }
0x182: {  	v13 =	vld [tilespmem:s22+$0x230];
	[tilespmem:s23+$0x1C0] =	vst v6  }
0x183: {  	[tilespmem:v4+s5+$0x0] =	vst.idx.add.f32.msk $0xffff, v6;
	v4 =	vpop (erf)  }
0x184: {  	[tilespmem:s23+$0xFFFFFF30] =	vst v4;
	v6 =	vld [tilespmem:s26+$0x1D0]  }
0x185: {  	[tilespmem:v7+s5+$0x0] =	vst.idx.add.f32.msk $0xffff, v9;
	v7 =	vpop (erf)  }
0x186: {  	[tilespmem:v5+s5+$0x0] =	vst.idx.add.f32.msk $0xffff, v11  }
0x187: {  	[tilespmem:v10+s5+$0x0] =	vst.idx.add.f32.msk $0xffff, v4;
	v4 =	vpop (erf)  }
0x188: {  	v5 =	vld [tilespmem:s26+$0xFFFFFE40];
	[tilespmem:s23+$0xFFFFFFB0] =	vst v7  }
0x189: {  	[tilespmem:v8+s5+$0x0] =	vst.idx.add.f32.msk $0xffff, v7;
	v6 =	vmul.f32 $1.442695020e+00, v6;
	v7 =	vpop (erf)  }
0x18a: {  	v8 =	vld [tilespmem:s26+$0xFFFFFEC0];
	[tilespmem:s23+$0x30] =	vst v4;
	v9 =	vpop (erf)  }
0x18b: {  	[tilespmem:v12+s5+$0x0] =	vst.idx.add.f32.msk $0xffff, v4;
	(erf) = vpow2.f32 v6  }
0x18c: {  	v4 =	vld [tilespmem:s26+$0xFFFFFF40];
	[tilespmem:s23+$0xB0] =	vst v7  }
0x18d: {  	v5 =	vmul.f32 $1.442695020e+00, v5;
	[tilespmem:v3+s5+$0x0] =	vst.idx.add.f32.msk $0xffff, v7  }
0x18e: {  	[tilespmem:s23+$0x130] =	vst v9;
	v3 =	vld [tilespmem:s22+$0x350]  }
0x18f: {  	v6 =	vmul.f32 $1.442695020e+00, v8;
	[tilespmem:v13+s5+$0x0] =	vst.idx.add.f32.msk $0xffff, v9;
	(erf) = vpow2.f32 v5  }
0x190: {  	v5 =	vld [tilespmem:s26+$0xFFFFFFC0]  }
0x191: {  	v4 =	vmul.f32 $1.442695020e+00, v4;
	v7 =	vld [tilespmem:s26+$0x40];
	(erf) = vpow2.f32 v6  }
0x192: {  	v6 =	vld [tilespmem:s26+$0xC0]  }
0x193: {  	v8 =	vld [tilespmem:s26+$0x140];
	(erf) = vpow2.f32 v4  }
0x194: {  	v4 =	vld [tilespmem:s22+$0xFFFFFC40];
	v9 =	vpop (erf)  }
0x195: {  	v10 =	vld [tilespmem:s22+$0xFFFFFD40];
	v5 =	vmul.f32 $1.442695020e+00, v5;
	[tilespmem:s23+$0x1D0] =	vst v9  }
0x196: {  	v7 =	vmul.f32 $1.442695020e+00, v7;
	[tilespmem:v3+s5+$0x0] =	vst.idx.add.f32.msk $0xffff, v9  }
0x197: {  	v3 =	vmul.f32 $1.442695020e+00, v6;
	v6 =	vld [tilespmem:s26+$0x1E0];
	(erf) = vpow2.f32 v5  }
0x198: {  	v5 =	vld [tilespmem:s22+$0xFFFFFE40];
	v8 =	vmul.f32 $1.442695020e+00, v8;
	v9 =	vpop (erf);
	(erf) = vpow2.f32 v7  }
0x199: {  	[tilespmem:s23+$0xFFFFFE40] =	vst v9;
	v7 =	vld [tilespmem:s22+$0xFFFFFF40];
	(erf) = vpow2.f32 v3  }
0x19a: {  	v3 =	vld [tilespmem:s22+$0x40];
	v11 =	vpop (erf);
	(erf) = vpow2.f32 v8  }
0x19b: {  	[tilespmem:s23+$0xFFFFFEC0] =	vst v11;
	v8 =	vld [tilespmem:s22+$0x140]  }
0x19c: {  	v12 =	vld [tilespmem:s22+$0x240];
	v6 =	vmul.f32 $1.442695020e+00, v6;
	v13 =	vpop (erf)  }
0x19d: {  	[tilespmem:v4+s5+$0x0] =	vst.idx.add.f32.msk $0xffff, v9  }
0x19e: {  	[tilespmem:v10+s5+$0x0] =	vst.idx.add.f32.msk $0xffff, v11;
	(erf) = vpow2.f32 v6  }
0x19f: {  	v4 =	vld [tilespmem:s26+$0xFFFFFE50];
	[tilespmem:s23+$0xFFFFFF40] =	vst v13  }
0x1a0: {  	[tilespmem:v5+s5+$0x0] =	vst.idx.add.f32.msk $0xffff, v13;
	v5 =	vpop (erf)  }
0x1a1: {  	[tilespmem:s23+$0xFFFFFFC0] =	vst v5;
	v6 =	vld [tilespmem:s22+$0x360];
	v9 =	vpop (erf)  }
0x1a2: {  	[tilespmem:v7+s5+$0x0] =	vst.idx.add.f32.msk $0xffff, v5;
	v5 =	vpop (erf)  }
0x1a3: {  	v7 =	vld [tilespmem:s26+$0xFFFFFED0];
	[tilespmem:s23+$0x40] =	vst v9;
	v10 =	vpop (erf)  }
0x1a4: {  	v4 =	vmul.f32 $1.442695020e+00, v4;
	[tilespmem:v3+s5+$0x0] =	vst.idx.add.f32.msk $0xffff, v9  }
0x1a5: {  	v3 =	vld [tilespmem:s26+$0xFFFFFF50];
	[tilespmem:s23+$0xC0] =	vst v5  }
0x1a6: {  	[tilespmem:v8+s5+$0x0] =	vst.idx.add.f32.msk $0xffff, v5;
	(erf) = vpow2.f32 v4  }
0x1a7: {  	v4 =	vld [tilespmem:s26+$0xFFFFFFD0];
	[tilespmem:s23+$0x140] =	vst v10;
	v5 =	vpop (erf)  }
0x1a8: {  	v7 =	vmul.f32 $1.442695020e+00, v7;
	v8 =	vld [tilespmem:s26+$0x50];
	[tilespmem:s23+$0x1E0] =	vst v5  }
0x1a9: {  	[tilespmem:v6+s5+$0x0] =	vst.idx.add.f32.msk $0xffff, v5  }
0x1aa: {  	v3 =	vmul.f32 $1.442695020e+00, v3;
	v5 =	vld [tilespmem:s26+$0x1F0];
	(erf) = vpow2.f32 v7  }
0x1ab: {  	[tilespmem:v12+s5+$0x0] =	vst.idx.add.f32.msk $0xffff, v10  }
0x1ac: {  	v4 =	vmul.f32 $1.442695020e+00, v4;
	v6 =	vld [tilespmem:s26+$0xD0];
	(erf) = vpow2.f32 v3  }
0x1ad: {  	v3 =	vmul.f32 $1.442695020e+00, v8;
	v7 =	vld [tilespmem:s26+$0x150]  }
0x1ae: {  	v8 =	vld [tilespmem:s22+$0xFFFFFC50];
	(erf) = vpow2.f32 v4  }
0x1af: {  	v4 =	vld [tilespmem:s22+$0xFFFFFD50];
	v5 =	vmul.f32 $1.442695020e+00, v5;
	v9 =	vpop (erf);
	(erf) = vpow2.f32 v3  }
0x1b0: {  	[tilespmem:s23+$0xFFFFFE50] =	vst v9;
	v3 =	vld [tilespmem:s22+$0xFFFFFE50]  }
0x1b1: {  	v10 =	vld [tilespmem:s22+$0xFFFFFF50];
	v6 =	vmul.f32 $1.442695020e+00, v6;
	(erf) = vpow2.f32 v5  }
0x1b2: {  	v5 =	vld [tilespmem:s22+$0x50];
	v7 =	vmul.f32 $1.442695020e+00, v7  }
0x1b3: {  	v11 =	vld [tilespmem:s22+$0x150];
	v12 =	vpop (erf);
	(erf) = vpow2.f32 v6  }
0x1b4: {  	[tilespmem:s23+$0xFFFFFED0] =	vst v12;
	v6 =	vld [tilespmem:s22+$0x370];
	(erf) = vpow2.f32 v7  }
0x1b5: {  	v7 =	vld [tilespmem:s22+$0x250];
	v13 =	vpop (erf)  }
0x1b6: {  	[tilespmem:v8+s5+$0x0] =	vst.idx.add.f32.msk $0xffff, v9  }
0x1b7: {  	[tilespmem:v4+s5+$0x0] =	vst.idx.add.f32.msk $0xffff, v12;
	v4 =	vpop (erf)  }
0x1b8: {  	v8 =	vld [tilespmem:s26+$0xFFFFFE60];
	[tilespmem:s23+$0xFFFFFF50] =	vst v13;
	v9 =	vpop (erf)  }
0x1b9: {  	[tilespmem:v3+s5+$0x0] =	vst.idx.add.f32.msk $0xffff, v13  }
0x1ba: {  	v3 =	vld [tilespmem:s26+$0xFFFFFEE0];
	[tilespmem:s23+$0xFFFFFFD0] =	vst v4;
	v12 =	vpop (erf)  }
0x1bb: {  	v13 =	vld [tilespmem:s26+$0xFFFFFF60];
	[tilespmem:s23+$0x1F0] =	vst v12  }
0x1bc: {  	[tilespmem:v6+s5+$0x0] =	vst.idx.add.f32.msk $0xffff, v12;
	v6 =	vpop (erf)  }
0x1bd: {  	v8 =	vmul.f32 $1.442695020e+00, v8;
	[tilespmem:v10+s5+$0x0] =	vst.idx.add.f32.msk $0xffff, v4;
	v4 =	vpop (erf)  }
0x1be: {  	v10 =	vld [tilespmem:s26+$0xFFFFFFE0];
	[tilespmem:s23+$0x50] =	vst v9  }
0x1bf: {  	v3 =	vmul.f32 $1.442695020e+00, v3;
	[tilespmem:v5+s5+$0x0] =	vst.idx.add.f32.msk $0xffff, v9;
	(erf) = vpow2.f32 v8  }
0x1c0: {  	v5 =	vmul.f32 $1.442695020e+00, v13;
	v8 =	vld [tilespmem:s26+$0x60];
	[tilespmem:s23+$0xD0] =	vst v6  }
0x1c1: {  	[tilespmem:v11+s5+$0x0] =	vst.idx.add.f32.msk $0xffff, v6;
	(erf) = vpow2.f32 v3  }
0x1c2: {  	v3 =	vld [tilespmem:s26+$0xE0];
	[tilespmem:s23+$0x150] =	vst v4;
	(erf) = vpow2.f32 v5  }
0x1c3: {  	v5 =	vmul.f32 $1.442695020e+00, v10;
	[tilespmem:v7+s5+$0x0] =	vst.idx.add.f32.msk $0xffff, v4  }
0x1c4: {  	v4 =	vld [tilespmem:s26+$0x160]  }
0x1c5: {  	v6 =	vld [tilespmem:s22+$0xFFFFFC60];
	v7 =	vmul.f32 $1.442695020e+00, v8;
	(erf) = vpow2.f32 v5  }
0x1c6: {  	v5 =	vld [tilespmem:s22+$0xFFFFFD60]  }
0x1c7: {  	v8 =	vld [tilespmem:s22+$0xFFFFFE60];
	v3 =	vmul.f32 $1.442695020e+00, v3;
	(erf) = vpow2.f32 v7  }
0x1c8: {  	v7 =	vld [tilespmem:s22+$0xFFFFFF60];
	v9 =	vpop (erf)  }
0x1c9: {  	[tilespmem:s23+$0xFFFFFE60] =	vst v9;
	v10 =	vld [tilespmem:s22+$0x60];
	v4 =	vmul.f32 $1.442695020e+00, v4;
	(erf) = vpow2.f32 v3  }
0x1ca: {  	v3 =	vld [tilespmem:s22+$0x160];
	v11 =	vpop (erf)  }
0x1cb: {  	[tilespmem:s23+$0xFFFFFEE0] =	vst v11;
	v12 =	vld [tilespmem:s22+$0x260];
	v13 =	vpop (erf);
	(erf) = vpow2.f32 v4  }
0x1cc: {  	[tilespmem:s23+$0xFFFFFF60] =	vst v13  }
0x1cd: {  	[tilespmem:v6+s5+$0x0] =	vst.idx.add.f32.msk $0xffff, v9  }
0x1ce: {  	[tilespmem:v5+s5+$0x0] =	vst.idx.add.f32.msk $0xffff, v11;
	v4 =	vpop (erf)  }
0x1cf: {  	[tilespmem:v8+s5+$0x0] =	vst.idx.add.f32.msk $0xffff, v13  }
0x1d0: {  	v5 =	vld [tilespmem:s26+$0xFFFFFE70];
	[tilespmem:s23+$0xFFFFFFE0] =	vst v4;
	v6 =	vpop (erf)  }
0x1d1: {  	[tilespmem:v7+s5+$0x0] =	vst.idx.add.f32.msk $0xffff, v4  }
0x1d2: {  	v4 =	vld [tilespmem:s26+$0xFFFFFEF0];
	[tilespmem:s23+$0x60] =	vst v6;
	v7 =	vpop (erf)  }
0x1d3: {  	[tilespmem:v10+s5+$0x0] =	vst.idx.add.f32.msk $0xffff, v6  }
0x1d4: {  	v6 =	vld [tilespmem:s26+$0xFFFFFF70];
	[tilespmem:s23+$0xE0] =	vst v7;
	v8 =	vpop (erf)  }
0x1d5: {  	v5 =	vmul.f32 $1.442695020e+00, v5;
	[tilespmem:v3+s5+$0x0] =	vst.idx.add.f32.msk $0xffff, v7  }
0x1d6: {  	v3 =	vld [tilespmem:s26+$0xFFFFFFF0];
	[tilespmem:s23+$0x160] =	vst v8  }
0x1d7: {  	v4 =	vmul.f32 $1.442695020e+00, v4;
	[tilespmem:v12+s5+$0x0] =	vst.idx.add.f32.msk $0xffff, v8;
	(erf) = vpow2.f32 v5  }
0x1d8: {  	v5 =	vld [tilespmem:s26+$0x70]  }
0x1d9: {  	v6 =	vmul.f32 $1.442695020e+00, v6;
	v7 =	vld [tilespmem:s26+$0xF0];
	(erf) = vpow2.f32 v4  }
0x1da: {  	v4 =	vld [tilespmem:s26+$0x170]  }
0x1db: {  	v8 =	vld [tilespmem:s22+$0xFFFFFC70];
	v3 =	vmul.f32 $1.442695020e+00, v3;
	(erf) = vpow2.f32 v6  }
0x1dc: {  	v6 =	vld [tilespmem:s22+$0xFFFFFD70]  }
0x1dd: {  	v9 =	vld [tilespmem:s22+$0xFFFFFE70];
	v12 =	vmul.f32 $1.442695020e+00, v5;
	(erf) = vpow2.f32 v3  }
0x1de: {  	v10 =	vld [tilespmem:s22+$0xFFFFFF70];
	v7 =	vmul.f32 $1.442695020e+00, v7  }
0x1df: {  	v3 =	vld [tilespmem:s22+$0x70];
	v13 =	vmul.f32 $1.442695020e+00, v4;
	(erf) = vpow2.f32 v12  }
0x1e0: {  	v4 =	vld [tilespmem:s22+$0x170];
	v5 =	vpop (erf);
	(erf) = vpow2.f32 v7  }
0x1e1: {  	[tilespmem:s23+$0xFFFFFE70] =	vst v5;
	v7 =	vld [tilespmem:s22+$0x270];
	(erf) = vpow2.f32 v13  }
0x1e2: {  	v11 =	vpop (erf);
	[tilespmem:v1+s5+$0x0] =	vst.idx.add.f32.msk $0xffff, v2  }
0x1e3: {  	[tilespmem:v8+s5+$0x0] =	vst.idx.add.f32.msk $0xffff, v5  }
0x1e4: {  	[tilespmem:s23+$0xFFFFFEF0] =	vst v11;
	v2 =	vpop (erf)  }
.Ltmp1:
0x1e5: {  	[tilespmem:v6+s5+$0x0] =	vst.idx.add.f32.msk $0xffff, v11;
	(pc) =	sbr.rel @p0 .LBB2_5-.Ltmp1, $4  }
0x1e6: {  	[tilespmem:s23+$0xFFFFFF70] =	vst v2;
	v6 =	vpop (erf);
	v1 =	vmov v7  }
0x1e7: {  	[tilespmem:v9+s5+$0x0] =	vst.idx.add.f32.msk $0xffff, v2  }
0x1e8: {  	[tilespmem:s23+$0xFFFFFFF0] =	vst v6;
	v5 =	vpop (erf)  }
0x1e9: {  	s26 =	sadd.s32 $0x400, s26;
	[tilespmem:v10+s5+$0x0] =	vst.idx.add.f32.msk $0xffff, v6;
	v6 =	vpop (erf)  }
0x1ea: {  	_ = 	snop  }
0x1eb: {  	[tilespmem:s23+$0x70] =	vst v5  }
0x1ec: {  	v2 =	vpop (erf);
	[tilespmem:s23+$0xF0] =	vst v6  }
0x1ed: {  	[tilespmem:s23+$0x170] =	vst v2  }
0x1ee: {  	[tilespmem:v3+s5+$0x0] =	vst.idx.add.f32.msk $0xffff, v5  }
0x1ef: {  	[tilespmem:v4+s5+$0x0] =	vst.idx.add.f32.msk $0xffff, v6  }
0x1f0: {  	[tilespmem:v1+s5+$0x0] =	vst.idx.add.f32.msk $0xffff, v2  }
0x1f1: {  	v1 =	vld [tilespmem:$0x2500];
	_ =	sdelay $0x4  }
0x1f2: {  	v1 =	vmul.f32 $1.442695020e+00, v1;
	_ =	sdelay $0x1  }
0x1f3: {  	(erf) = vpow2.f32 v1;
	_ =	sdelay $0x2  }
0x1f4: {  	v1 =	vld [tilespmem:$0x1880];
	_ =	sdelay $0x5  }
0x1f5: {  	v2 =	vpop (erf)  }
0x1f6: {  	[tilespmem:$0x3180] =	vst v2  }
0x1f7: {  	[tilespmem:v1+s5+$0x0] =	vst.idx.add.f32.msk $0xffff, v2  }
0x1f8: {  	v1 =	vld [tilespmem:$0x2510];
	_ =	sdelay $0x4  }
0x1f9: {  	v1 =	vmul.f32 $1.442695020e+00, v1;
	_ =	sdelay $0x1  }
0x1fa: {  	(erf) = vpow2.f32 v1;
	_ =	sdelay $0x2  }
0x1fb: {  	v1 =	vld [tilespmem:$0x1890];
	_ =	sdelay $0x5  }
0x1fc: {  	v2 =	vpop (erf)  }
0x1fd: {  	[tilespmem:$0x3190] =	vst v2  }
0x1fe: {  	[tilespmem:v1+s5+$0x0] =	vst.idx.add.f32.msk $0xffff, v2  }
0x1ff: {  	v1 =	vld [tilespmem:$0x2520];
	_ =	sdelay $0x4  }
0x200: {  	v1 =	vmul.f32 $1.442695020e+00, v1;
	_ =	sdelay $0x1  }
0x201: {  	(erf) = vpow2.f32 v1;
	_ =	sdelay $0x2  }
0x202: {  	v1 =	vld [tilespmem:$0x18A0];
	_ =	sdelay $0x5  }
0x203: {  	v2 =	vpop (erf)  }
0x204: {  	[tilespmem:$0x31A0] =	vst v2  }
0x205: {  	[tilespmem:v1+s5+$0x0] =	vst.idx.add.f32.msk $0xffff, v2  }
0x206: {  	v1 =	vld [tilespmem:$0x2530];
	_ =	sdelay $0x4  }
0x207: {  	v1 =	vmul.f32 $1.442695020e+00, v1;
	_ =	sdelay $0x1  }
0x208: {  	(erf) = vpow2.f32 v1;
	_ =	sdelay $0x2  }
0x209: {  	v1 =	vld [tilespmem:$0x18B0];
	_ =	sdelay $0x5  }
0x20a: {  	v2 =	vpop (erf)  }
0x20b: {  	[tilespmem:$0x31B0] =	vst v2  }
0x20c: {  	[tilespmem:v1+s5+$0x0] =	vst.idx.add.f32.msk $0xffff, v2  }
0x20d: {  	v1 =	vld [tilespmem:$0x2540];
	_ =	sdelay $0x4  }
0x20e: {  	v1 =	vmul.f32 $1.442695020e+00, v1;
	_ =	sdelay $0x1  }
0x20f: {  	(erf) = vpow2.f32 v1;
	_ =	sdelay $0x2  }
0x210: {  	v1 =	vld [tilespmem:$0x18C0];
	_ =	sdelay $0x5  }
0x211: {  	v2 =	vpop (erf)  }
0x212: {  	[tilespmem:$0x31C0] =	vst v2  }
0x213: {  	[tilespmem:v1+s5+$0x0] =	vst.idx.add.f32.msk $0xffff, v2  }
0x214: {  	v1 =	vld [tilespmem:$0x2550];
	_ =	sdelay $0x4  }
0x215: {  	v1 =	vmul.f32 $1.442695020e+00, v1;
	_ =	sdelay $0x1  }
0x216: {  	(erf) = vpow2.f32 v1;
	_ =	sdelay $0x2  }
0x217: {  	v1 =	vld [tilespmem:$0x18D0];
	_ =	sdelay $0x5  }
0x218: {  	v2 =	vpop (erf)  }
0x219: {  	[tilespmem:$0x31D0] =	vst v2  }
0x21a: {  	[tilespmem:v1+s5+$0x0] =	vst.idx.add.f32.msk $0xffff, v2  }
0x21b: {  	v1 =	vld [tilespmem:$0x2560];
	_ =	sdelay $0x4  }
0x21c: {  	v1 =	vmul.f32 $1.442695020e+00, v1;
	_ =	sdelay $0x1  }
0x21d: {  	(erf) = vpow2.f32 v1;
	_ =	sdelay $0x2  }
0x21e: {  	v1 =	vld [tilespmem:$0x18E0];
	_ =	sdelay $0x5  }
0x21f: {  	v2 =	vpop (erf)  }
0x220: {  	[tilespmem:$0x31E0] =	vst v2  }
0x221: {  	[tilespmem:v1+s5+$0x0] =	vst.idx.add.f32.msk $0xffff, v2  }
0x222: {  	v1 =	vld [tilespmem:$0x2570];
	_ =	sdelay $0x4  }
0x223: {  	v1 =	vmul.f32 $1.442695020e+00, v1;
	_ =	sdelay $0x1  }
0x224: {  	(erf) = vpow2.f32 v1;
	_ =	sdelay $0x2  }
0x225: {  	v1 =	vld [tilespmem:$0x18F0];
	_ =	sdelay $0x4  }
0x226: {  	s19 =	smul.u32 $0x3200, s19  }
0x227: {  	v2 =	vpop (erf)  }
0x228: {  	s19 =	sshra.s32 s19, $0x2;
	[tilespmem:$0x31F0] =	vst v2  }
0x229: {  	s26 =	simm.s32 $0x2580;
	s22 =	sadd.s32 s19, s21;
	[tilespmem:v1+s5+$0x0] =	vst.idx.add.f32.msk $0xffff, v2  }
0x22a: {  	[spmem:s22] =	stream.linear.scatter [tilespmem:s26], [sflag:$0x1], $0xC80, $0x38;
	[tilespmem:$0x11940] =	vst v63  }
0x22b: {  	_ =	swait.ge [sflag:s3], $0xC80  }
0x22c: {  	[sflag:s3] =	ssyncset.done $0x0  }
0x22d: {  	s19 =	sadd.s32 s19, s24;
	[sflag:s3] =	ssyncadd.s32 $0xFFFFF380  }
0x22e: {  	[spmem:s19] =	stream.linear.scatter [tilespmem:s7], [sflag:$0x1], $0x80, $0x38;
	[tilespmem:$0x11940] =	vst v63  }
0x22f: {  	s25 =	sadd.s32 $0x80, s19;
	s26 =	simm.s32 $0x180  }
0x230: {  	[spmem:s25] =	stream.linear.scatter [tilespmem:s26], [sflag:$0x1], $0x80, $0x38;
	[tilespmem:$0x11940] =	vst v63  }
0x231: {  	s25 =	sadd.s32 $0x100, s19;
	s26 =	simm.s32 $0x280  }
0x232: {  	[spmem:s25] =	stream.linear.scatter [tilespmem:s26], [sflag:$0x1], $0x80, $0x38;
	[tilespmem:$0x11940] =	vst v63  }
0x233: {  	s25 =	sadd.s32 $0x180, s19;
	s26 =	simm.s32 $0x380  }
0x234: {  	[spmem:s25] =	stream.linear.scatter [tilespmem:s26], [sflag:$0x1], $0x80, $0x38;
	[tilespmem:$0x11940] =	vst v63  }
0x235: {  	s25 =	sadd.s32 $0x200, s19;
	s26 =	simm.s32 $0x480  }
0x236: {  	[spmem:s25] =	stream.linear.scatter [tilespmem:s26], [sflag:$0x1], $0x80, $0x38;
	[tilespmem:$0x11940] =	vst v63  }
0x237: {  	s25 =	sadd.s32 $0x280, s19;
	s26 =	simm.s32 $0x580  }
0x238: {  	[spmem:s25] =	stream.linear.scatter [tilespmem:s26], [sflag:$0x1], $0x80, $0x38;
	[tilespmem:$0x11940] =	vst v63  }
0x239: {  	s25 =	sadd.s32 $0x300, s19;
	s26 =	simm.s32 $0x680  }
0x23a: {  	[spmem:s25] =	stream.linear.scatter [tilespmem:s26], [sflag:$0x1], $0x80, $0x38;
	[tilespmem:$0x11940] =	vst v63  }
0x23b: {  	s25 =	sadd.s32 $0x380, s19;
	s26 =	simm.s32 $0x780  }
0x23c: {  	[spmem:s25] =	stream.linear.scatter [tilespmem:s26], [sflag:$0x1], $0x80, $0x38;
	[tilespmem:$0x11940] =	vst v63  }
0x23d: {  	s25 =	sadd.s32 $0x400, s19;
	s26 =	simm.s32 $0x880  }
0x23e: {  	[spmem:s25] =	stream.linear.scatter [tilespmem:s26], [sflag:$0x1], $0x80, $0x38;
	[tilespmem:$0x11940] =	vst v63  }
0x23f: {  	s25 =	sadd.s32 $0x480, s19;
	s26 =	simm.s32 $0x980  }
0x240: {  	[spmem:s25] =	stream.linear.scatter [tilespmem:s26], [sflag:$0x1], $0x80, $0x38;
	[tilespmem:$0x11940] =	vst v63  }
0x241: {  	s25 =	sadd.s32 $0x500, s19;
	s26 =	simm.s32 $0xA80  }
0x242: {  	[spmem:s25] =	stream.linear.scatter [tilespmem:s26], [sflag:$0x1], $0x80, $0x38;
	[tilespmem:$0x11940] =	vst v63  }
0x243: {  	s25 =	sadd.s32 $0x580, s19;
	s26 =	simm.s32 $0xB80  }
0x244: {  	[spmem:s25] =	stream.linear.scatter [tilespmem:s26], [sflag:$0x1], $0x80, $0x38;
	[tilespmem:$0x11940] =	vst v63  }
0x245: {  	s25 =	sadd.s32 $0x600, s19;
	s26 =	simm.s32 $0xC80  }
0x246: {  	[spmem:s25] =	stream.linear.scatter [tilespmem:s26], [sflag:$0x1], $0x80, $0x38;
	[tilespmem:$0x11940] =	vst v63  }
0x247: {  	s23 =	sadd.s32 $0x680, s19;
	s25 =	simm.s32 $0xD80  }
0x248: {  	[spmem:s23] =	stream.linear.scatter [tilespmem:s25], [sflag:$0x1], $0x80, $0x38;
	[tilespmem:$0x11940] =	vst v63  }
0x249: {  	s26 =	sadd.s32 $0x700, s19  }
0x24a: {  	[spmem:s26] =	stream.linear.scatter [tilespmem:s28], [sflag:$0x1], $0x80, $0x38;
	[tilespmem:$0x11940] =	vst v63  }
0x24b: {  	s23 =	sadd.s32 $0x780, s19  }
0x24c: {  	[spmem:s23] =	stream.linear.scatter [tilespmem:s31], [sflag:$0x1], $0x80, $0x38;
	[tilespmem:$0x11940] =	vst v63  }
0x24d: {  	s25 =	sadd.s32 $0x800, s19  }
0x24e: {  	[spmem:s25] =	stream.linear.scatter [tilespmem:s20], [sflag:$0x1], $0x80, $0x38;
	[tilespmem:$0x11940] =	vst v63  }
0x24f: {  	s26 =	sadd.s32 $0x880, s19  }
0x250: {  	[spmem:s26] =	stream.linear.scatter [tilespmem:s0], [sflag:$0x1], $0x80, $0x38;
	[tilespmem:$0x11940] =	vst v63  }
0x251: {  	s23 =	sadd.s32 $0x900, s19  }
0x252: {  	[spmem:s23] =	stream.linear.scatter [tilespmem:s12], [sflag:$0x1], $0x80, $0x38;
	[tilespmem:$0x11940] =	vst v63  }
0x253: {  	s25 =	sadd.s32 $0x980, s19  }
0x254: {  	[spmem:s25] =	stream.linear.scatter [tilespmem:s14], [sflag:$0x1], $0x80, $0x38;
	[tilespmem:$0x11940] =	vst v63  }
0x255: {  	s26 =	sadd.s32 $0xA00, s19  }
0x256: {  	[spmem:s26] =	stream.linear.scatter [tilespmem:s17], [sflag:$0x1], $0x80, $0x38;
	[tilespmem:$0x11940] =	vst v63  }
0x257: {  	s23 =	sadd.s32 $0xA80, s19  }
0x258: {  	[spmem:s23] =	stream.linear.scatter [tilespmem:s4], [sflag:$0x1], $0x80, $0x38;
	[tilespmem:$0x11940] =	vst v63  }
0x259: {  	s25 =	sadd.s32 $0xB00, s19  }
0x25a: {  	[spmem:s25] =	stream.linear.scatter [tilespmem:s6], [sflag:$0x1], $0x80, $0x38;
	[tilespmem:$0x11940] =	vst v63  }
0x25b: {  	p0 =	sne.s32 s18, s29;
	s26 =	sadd.s32 $0xB80, s19  }
0x25c: {  	[spmem:s26] =	stream.linear.scatter [tilespmem:s8], [sflag:$0x1], $0x80, $0x38;
	[tilespmem:$0x11940] =	vst v63  }
.Ltmp2:
0x25d: {  	s19 =	sadd.s32 $0xC00, s19;
	(pc) =	sbr.rel @p0 .LBB2_4-.Ltmp2, $4  }
0x25e: {  	[spmem:s19] =	stream.linear.scatter [tilespmem:s9], [sflag:$0x1], $0x80, $0x38;
	[tilespmem:$0x11940] =	vst v63  }
0x25f: {  	_ =	swait.ge [sflag:s3], $0xC80  }
0x260: {  	[sflag:s3] =	ssyncset.done $0x0  }
0x261: {  	s18 =	sadd.s32 $0x1, s18;
	[sflag:s3] =	ssyncadd.s32 $0xFFFFF380  }
0x262: {  	[bflag:$0x0] =	sbarrier.arrive $0xFFFF;
	s18 =	simm.s32 $0x0  }
.LBB2_8:
0x263: {  	s19 =	smul.u32 $0x32, s18;
	_ =	sdelay $0x1  }
0x264: {  	s19 =	sadd.s32 s30, s19  }
0x265: {  	s19 =	sshll.u32 s19, $0xA  }
0x266: {  	s19 =	sadd.s32 s19, s2  }
0x267: {  	s22 =	rddreg [dreg:$0x2];
	s19 =	sshrl.u32 s19, $0x3  }
0x268: {  	s25 =	smul.u32 $0x6400, s18;
	s19 =	sadd.s32 s22, s19  }
0x269: {  	[tilespmem:s11], [sflag:$0x1] =	stream.strided.gather [hbm4b:s19+s7], $0x1900, s10, s7, $0x38;
	[tilespmem:$0x11940] =	vst v63  }
0x26a: {  	_ =	swait.ge [sflag:s3], $0x1900  }
0x26b: {  	s19 =	sshra.s32 s25, $0x2;
	[sflag:s3] =	ssyncset.done $0x0  }
0x26c: {  	s26 =	sadd.s32 s19, s21;
	[sflag:s3] =	ssyncadd.s32 $0xFFFFE700  }
0x26d: {  	[tilespmem:s13], [sflag:$0x1] =	stream.linear.gather [spmem:s26], $0x1900, $0x38;
	[tilespmem:$0x11940] =	vst v63  }
0x26e: {  	_ =	swait.ge [sflag:s3], $0x1900  }
0x26f: {  	[sflag:s3] =	ssyncset.done $0x0  }
0x270: {  	s19 =	sadd.s32 s19, s24;
	[sflag:s3] =	ssyncadd.s32 $0xFFFFE700  }
0x271: {  	[tilespmem:s15], [sflag:$0x1] =	stream.linear.gather [spmem:s19], $0x1900, $0x38;
	[tilespmem:$0x11940] =	vst v63  }
0x272: {  	_ =	swait.ge [sflag:s3], $0x1900  }
0x273: {  	[sflag:s3] =	ssyncset.done $0x0  }
0x274: {  	s23 =	simm.s32 $0x6600;
	[sflag:s3] =	ssyncadd.s32 $0xFFFFE700  }
0x275: {  	s19 =	simm.s32 $0x3400;
	v1 =	vld [tilespmem:s23+$0x180]  }
0x276: {  	s22 =	simm.s32 $0x4D00;
	v2 =	vld [tilespmem:s19+$0x180]  }
0x277: {  	v3 =	vld [tilespmem:s22+$0x180]  }
0x278: {  	v4 =	vld [tilespmem:s23+$0xFFFFFE00]  }
0x279: {  	v5 =	vld [tilespmem:s22+$0xFFFFFE00]  }
0x27a: {  	v7 =	vld [tilespmem:s22+$0xFFFFFE80]  }
0x27b: {  	v8 =	vld [tilespmem:s23+$0xFFFFFF00]  }
0x27c: {  	v9 =	vld [tilespmem:s22+$0xFFFFFF00]  }
0x27d: {  	v10 =	vld [tilespmem:s23+$0xFFFFFF80]  }
0x27e: {  	v11 =	vld [tilespmem:s22+$0xFFFFFF80];
	v1 =	vmul.f32 v3, v1  }
0x27f: {  	v13 =	vld [tilespmem:s22+$0x0]  }
0x280: {  	[tilespmem:v2+s16+$0x0] =	vst.idx.add.f32.msk $0xffff, v1  }
0x281: {  	v1 =	vld [tilespmem:s23+$0x190]  }
0x282: {  	v2 =	vld [tilespmem:s19+$0x190]  }
0x283: {  	v6 =	vld [tilespmem:s22+$0x190]  }
0x284: {  	v14 =	vld [tilespmem:s23+$0x80]  }
0x285: {  	v15 =	vld [tilespmem:s22+$0x80]  }
0x286: {  	v16 =	vld [tilespmem:s23+$0x100]  }
0x287: {  	v17 =	vld [tilespmem:s19+$0xFFFFFE80]  }
0x288: {  	v19 =	vld [tilespmem:s19+$0xFFFFFF80];
	v1 =	vmul.f32 v6, v1  }
0x289: {  	v51 =	vld [tilespmem:s19+$0xFFFFFE00]  }
0x28a: {  	[tilespmem:v2+s16+$0x0] =	vst.idx.add.f32.msk $0xffff, v1  }
0x28b: {  	v1 =	vld [tilespmem:s23+$0x1A0]  }
0x28c: {  	v2 =	vld [tilespmem:s19+$0x1A0]  }
0x28d: {  	v12 =	vld [tilespmem:s22+$0x1A0]  }
0x28e: {  	v50 =	vld [tilespmem:s19+$0x80]  }
0x28f: {  	v3 =	vld [tilespmem:s23+$0xFFFFFE80];
	v10 =	vmul.f32 v11, v10  }
0x290: {  	v11 =	vld [tilespmem:s19+$0x100];
	v4 =	vmul.f32 v5, v4  }
0x291: {  	[tilespmem:v19+s16+$0x0] =	vst.idx.add.f32.msk $0xffff, v10  }
0x292: {  	[tilespmem:v51+s16+$0x0] =	vst.idx.add.f32.msk $0xffff, v4;
	v1 =	vmul.f32 v12, v1  }
0x293: {  	v10 =	vld [tilespmem:s23+$0xFFFFFF90]  }
0x294: {  	[tilespmem:v2+s16+$0x0] =	vst.idx.add.f32.msk $0xffff, v1  }
0x295: {  	v1 =	vld [tilespmem:s23+$0x1B0]  }
0x296: {  	v2 =	vld [tilespmem:s19+$0x1B0]  }
0x297: {  	v18 =	vld [tilespmem:s22+$0x1B0]  }
0x298: {  	v53 =	vld [tilespmem:s19+$0xFFFFFE10];
	v3 =	vmul.f32 v7, v3  }
0x299: {  	v7 =	vld [tilespmem:s19+$0xFFFFFF00]  }
0x29a: {  	[tilespmem:v17+s16+$0x0] =	vst.idx.add.f32.msk $0xffff, v3  }
0x29b: {  	v3 =	vld [tilespmem:s19+$0x0]  }
0x29c: {  	v54 =	vld [tilespmem:s19+$0xFFFFFE90];
	v1 =	vmul.f32 v18, v1  }
0x29d: {  	v6 =	vld [tilespmem:s23+$0x0]  }
0x29e: {  	[tilespmem:v2+s16+$0x0] =	vst.idx.add.f32.msk $0xffff, v1  }
0x29f: {  	v1 =	vld [tilespmem:s23+$0x1C0]  }
0x2a0: {  	v8 =	vmul.f32 v9, v8;
	v2 =	vld [tilespmem:s19+$0x1C0]  }
0x2a1: {  	v9 =	vld [tilespmem:s22+$0x1C0]  }
0x2a2: {  	[tilespmem:v7+s16+$0x0] =	vst.idx.add.f32.msk $0xffff, v8  }
0x2a3: {  	v7 =	vld [tilespmem:s22+$0xFFFFFE90];
	v5 =	vmul.f32 v13, v6  }
0x2a4: {  	v6 =	vmul.f32 v15, v14;
	v55 =	vld [tilespmem:s19+$0xFFFFFF10]  }
0x2a5: {  	[tilespmem:v3+s16+$0x0] =	vst.idx.add.f32.msk $0xffff, v5  }
0x2a6: {  	[tilespmem:v50+s16+$0x0] =	vst.idx.add.f32.msk $0xffff, v6;
	v1 =	vmul.f32 v9, v1  }
0x2a7: {  	v6 =	vld [tilespmem:s23+$0xFFFFFE90]  }
0x2a8: {  	[tilespmem:v2+s16+$0x0] =	vst.idx.add.f32.msk $0xffff, v1  }
0x2a9: {  	v1 =	vld [tilespmem:s23+$0x1D0]  }
0x2aa: {  	v3 =	vld [tilespmem:s19+$0x1D0]  }
0x2ab: {  	v4 =	vld [tilespmem:s22+$0x1D0]  }
0x2ac: {  	v5 =	vld [tilespmem:s22+$0xFFFFFE10]  }
0x2ad: {  	v13 =	vld [tilespmem:s22+$0x10]  }
0x2ae: {  	v15 =	vld [tilespmem:s22+$0x90];
	v6 =	vmul.f32 v7, v6  }
0x2af: {  	v12 =	vld [tilespmem:s22+$0x100]  }
0x2b0: {  	[tilespmem:v54+s16+$0x0] =	vst.idx.add.f32.msk $0xffff, v6;
	v1 =	vmul.f32 v4, v1  }
0x2b1: {  	v9 =	vld [tilespmem:s22+$0xFFFFFF10]  }
0x2b2: {  	[tilespmem:v3+s16+$0x0] =	vst.idx.add.f32.msk $0xffff, v1  }
0x2b3: {  	v1 =	vld [tilespmem:s23+$0x1E0]  }
0x2b4: {  	v3 =	vld [tilespmem:s19+$0x1E0]  }
0x2b5: {  	v2 =	vmul.f32 v12, v16;
	v8 =	vld [tilespmem:s22+$0x1E0]  }
0x2b6: {  	v12 =	vld [tilespmem:s23+$0x10]  }
0x2b7: {  	[tilespmem:v11+s16+$0x0] =	vst.idx.add.f32.msk $0xffff, v2  }
0x2b8: {  	v2 =	vld [tilespmem:s23+$0xFFFFFE10]  }
0x2b9: {  	v11 =	vld [tilespmem:s22+$0xFFFFFF90]  }
0x2ba: {  	v52 =	vld [tilespmem:s23+$0x110];
	v1 =	vmul.f32 v8, v1  }
0x2bb: {  	v4 =	vld [tilespmem:s23+$0xFFFFFF10]  }
0x2bc: {  	[tilespmem:v3+s16+$0x0] =	vst.idx.add.f32.msk $0xffff, v1  }
0x2bd: {  	v1 =	vld [tilespmem:s23+$0x1F0]  }
0x2be: {  	v14 =	vld [tilespmem:s22+$0x1F0]  }
0x2bf: {  	v3 =	vld [tilespmem:s19+$0x1F0]  }
0x2c0: {  	v7 =	vld [tilespmem:s19+$0x110];
	v2 =	vmul.f32 v5, v2  }
0x2c1: {  	v5 =	vld [tilespmem:s22+$0x110]  }
0x2c2: {  	[tilespmem:v53+s16+$0x0] =	vst.idx.add.f32.msk $0xffff, v2;
	v4 =	vmul.f32 v9, v4  }
0x2c3: {  	v1 =	vmul.f32 v14, v1;
	v14 =	vld [tilespmem:s19+$0xFFFFFF90]  }
0x2c4: {  	[tilespmem:v55+s16+$0x0] =	vst.idx.add.f32.msk $0xffff, v4  }
0x2c5: {  	v8 =	vld [tilespmem:s23+$0x90]  }
0x2c6: {  	v56 =	vld [tilespmem:s19+$0xFFFFFF20]  }
0x2c7: {  	[tilespmem:v3+s16+$0x0] =	vst.idx.add.f32.msk $0xffff, v1  }
0x2c8: {  	v1 =	vld [tilespmem:s19+$0x10]  }
0x2c9: {  	v2 =	vmul.f32 v11, v10;
	v3 =	vld [tilespmem:s19+$0x90]  }
0x2ca: {  	v4 =	vmul.f32 v15, v8;
	v15 =	vld [tilespmem:s19+$0xFFFFFEA0]  }
0x2cb: {  	[tilespmem:v14+s16+$0x0] =	vst.idx.add.f32.msk $0xffff, v2  }
0x2cc: {  	v2 =	vld [tilespmem:s23+$0xFFFFFE20]  }
0x2cd: {  	v14 =	vld [tilespmem:s19+$0xFFFFFE20]  }
0x2ce: {  	v6 =	vmul.f32 v13, v12;
	v8 =	vld [tilespmem:s22+$0xFFFFFFA0]  }
0x2cf: {  	v57 =	vld [tilespmem:s19+$0xFFFFFFA0]  }
0x2d0: {  	[tilespmem:v1+s16+$0x0] =	vst.idx.add.f32.msk $0xffff, v6  }
0x2d1: {  	[tilespmem:v3+s16+$0x0] =	vst.idx.add.f32.msk $0xffff, v4  }
0x2d2: {  	v3 =	vld [tilespmem:s23+$0xFFFFFEA0]  }
0x2d3: {  	v4 =	vld [tilespmem:s22+$0xFFFFFEA0]  }
0x2d4: {  	v1 =	vmul.f32 v5, v52;
	v5 =	vld [tilespmem:s23+$0xFFFFFF20]  }
0x2d5: {  	v6 =	vld [tilespmem:s22+$0xFFFFFF20]  }
0x2d6: {  	v9 =	vld [tilespmem:s23+$0x20]  }
0x2d7: {  	v10 =	vld [tilespmem:s22+$0x20]  }
0x2d8: {  	v11 =	vld [tilespmem:s23+$0xA0]  }
0x2d9: {  	v12 =	vld [tilespmem:s22+$0xA0]  }
0x2da: {  	v58 =	vld [tilespmem:s19+$0x20]  }
0x2db: {  	[tilespmem:v7+s16+$0x0] =	vst.idx.add.f32.msk $0xffff, v1  }
0x2dc: {  	v1 =	vld [tilespmem:s22+$0xFFFFFE20]  }
0x2dd: {  	v59 =	vld [tilespmem:s19+$0xA0]  }
0x2de: {  	v7 =	vld [tilespmem:s23+$0xFFFFFFA0]  }
0x2df: {  	v13 =	vld [tilespmem:s23+$0x120]  }
0x2e0: {  	v3 =	vmul.f32 v4, v3;
	v4 =	vld [tilespmem:s22+$0x120]  }
0x2e1: {  	v5 =	vmul.f32 v6, v5;
	v1 =	vmul.f32 v1, v2;
	v2 =	vld [tilespmem:s19+$0x120]  }
0x2e2: {  	[tilespmem:v15+s16+$0x0] =	vst.idx.add.f32.msk $0xffff, v3  }
0x2e3: {  	[tilespmem:v56+s16+$0x0] =	vst.idx.add.f32.msk $0xffff, v5  }
0x2e4: {  	v6 =	vld [tilespmem:s22+$0xFFFFFF30]  }
0x2e5: {  	v15 =	vld [tilespmem:s19+$0xFFFFFEB0]  }
0x2e6: {  	v3 =	vmul.f32 v10, v9;
	v16 =	vld [tilespmem:s19+$0xFFFFFF30]  }
0x2e7: {  	v5 =	vmul.f32 v12, v11;
	[tilespmem:v14+s16+$0x0] =	vst.idx.add.f32.msk $0xffff, v1  }
0x2e8: {  	[tilespmem:v58+s16+$0x0] =	vst.idx.add.f32.msk $0xffff, v3  }
0x2e9: {  	[tilespmem:v59+s16+$0x0] =	vst.idx.add.f32.msk $0xffff, v5  }
0x2ea: {  	v3 =	vld [tilespmem:s23+$0xFFFFFEB0]  }
0x2eb: {  	v5 =	vld [tilespmem:s23+$0xFFFFFF30]  }
0x2ec: {  	v9 =	vld [tilespmem:s23+$0x30]  }
0x2ed: {  	v10 =	vld [tilespmem:s22+$0x30]  }
0x2ee: {  	v11 =	vld [tilespmem:s23+$0xB0]  }
0x2ef: {  	v12 =	vld [tilespmem:s22+$0xB0]  }
0x2f0: {  	v14 =	vld [tilespmem:s19+$0xFFFFFE30]  }
0x2f1: {  	v1 =	vmul.f32 v8, v7;
	v18 =	vld [tilespmem:s19+$0x30]  }
0x2f2: {  	v19 =	vld [tilespmem:s19+$0xB0]  }
0x2f3: {  	[tilespmem:v57+s16+$0x0] =	vst.idx.add.f32.msk $0xffff, v1  }
0x2f4: {  	v1 =	vmul.f32 v4, v13;
	v4 =	vld [tilespmem:s22+$0xFFFFFEB0]  }
0x2f5: {  	v7 =	vld [tilespmem:s23+$0xFFFFFFB0]  }
0x2f6: {  	v8 =	vld [tilespmem:s22+$0xFFFFFFB0]  }
0x2f7: {  	v17 =	vld [tilespmem:s19+$0xFFFFFFB0]  }
0x2f8: {  	[tilespmem:v2+s16+$0x0] =	vst.idx.add.f32.msk $0xffff, v1  }
0x2f9: {  	v1 =	vld [tilespmem:s23+$0xFFFFFE30]  }
0x2fa: {  	v2 =	vld [tilespmem:s22+$0xFFFFFE30]  }
0x2fb: {  	v5 =	vmul.f32 v6, v5;
	v13 =	vld [tilespmem:s23+$0x130]  }
0x2fc: {  	v3 =	vmul.f32 v4, v3;
	v4 =	vld [tilespmem:s22+$0x130]  }
0x2fd: {  	[tilespmem:v16+s16+$0x0] =	vst.idx.add.f32.msk $0xffff, v5  }
0x2fe: {  	v6 =	vld [tilespmem:s22+$0xFFFFFF40]  }
0x2ff: {  	v5 =	vmul.f32 v12, v11;
	v16 =	vld [tilespmem:s19+$0xFFFFFF40]  }
0x300: {  	[tilespmem:v15+s16+$0x0] =	vst.idx.add.f32.msk $0xffff, v3  }
0x301: {  	[tilespmem:v19+s16+$0x0] =	vst.idx.add.f32.msk $0xffff, v5  }
0x302: {  	v5 =	vld [tilespmem:s23+$0xFFFFFF40]  }
0x303: {  	v11 =	vld [tilespmem:s23+$0xC0]  }
0x304: {  	v12 =	vld [tilespmem:s22+$0xC0]  }
0x305: {  	v15 =	vld [tilespmem:s19+$0xFFFFFEC0]  }
0x306: {  	v3 =	vmul.f32 v10, v9;
	v19 =	vld [tilespmem:s19+$0xC0]  }
0x307: {  	v1 =	vmul.f32 v2, v1;
	v2 =	vld [tilespmem:s19+$0x130]  }
0x308: {  	[tilespmem:v18+s16+$0x0] =	vst.idx.add.f32.msk $0xffff, v3  }
0x309: {  	v3 =	vld [tilespmem:s23+$0xFFFFFEC0]  }
0x30a: {  	v9 =	vld [tilespmem:s23+$0x40]  }
0x30b: {  	v10 =	vld [tilespmem:s22+$0x40]  }
0x30c: {  	v18 =	vld [tilespmem:s19+$0x40]  }
0x30d: {  	[tilespmem:v14+s16+$0x0] =	vst.idx.add.f32.msk $0xffff, v1;
	v1 =	vmul.f32 v8, v7  }
0x30e: {  	v14 =	vld [tilespmem:s19+$0xFFFFFE40]  }
0x30f: {  	[tilespmem:v17+s16+$0x0] =	vst.idx.add.f32.msk $0xffff, v1  }
0x310: {  	v1 =	vmul.f32 v4, v13;
	v4 =	vld [tilespmem:s22+$0xFFFFFEC0]  }
0x311: {  	v7 =	vld [tilespmem:s23+$0xFFFFFFC0]  }
0x312: {  	v5 =	vmul.f32 v6, v5;
	v8 =	vld [tilespmem:s22+$0xFFFFFFC0]  }
0x313: {  	v17 =	vld [tilespmem:s19+$0xFFFFFFC0]  }
0x314: {  	[tilespmem:v16+s16+$0x0] =	vst.idx.add.f32.msk $0xffff, v5  }
0x315: {  	v5 =	vmul.f32 v12, v11;
	v6 =	vld [tilespmem:s22+$0xFFFFFF50]  }
0x316: {  	v16 =	vld [tilespmem:s19+$0xFFFFFF50]  }
0x317: {  	[tilespmem:v19+s16+$0x0] =	vst.idx.add.f32.msk $0xffff, v5  }
0x318: {  	v5 =	vld [tilespmem:s23+$0xFFFFFF50]  }
0x319: {  	[tilespmem:v2+s16+$0x0] =	vst.idx.add.f32.msk $0xffff, v1  }
0x31a: {  	v1 =	vld [tilespmem:s23+$0xFFFFFE40]  }
0x31b: {  	v2 =	vld [tilespmem:s22+$0xFFFFFE40]  }
0x31c: {  	v11 =	vld [tilespmem:s23+$0xD0]  }
0x31d: {  	v12 =	vld [tilespmem:s22+$0xD0]  }
0x31e: {  	v19 =	vld [tilespmem:s19+$0xD0]  }
0x31f: {  	v13 =	vld [tilespmem:s23+$0x140];
	v3 =	vmul.f32 v4, v3  }
0x320: {  	v4 =	vld [tilespmem:s22+$0x140]  }
0x321: {  	[tilespmem:v15+s16+$0x0] =	vst.idx.add.f32.msk $0xffff, v3  }
0x322: {  	v3 =	vmul.f32 v10, v9;
	v15 =	vld [tilespmem:s19+$0xFFFFFED0]  }
0x323: {  	v1 =	vmul.f32 v2, v1;
	v2 =	vld [tilespmem:s19+$0x140]  }
0x324: {  	[tilespmem:v18+s16+$0x0] =	vst.idx.add.f32.msk $0xffff, v3  }
0x325: {  	v3 =	vld [tilespmem:s23+$0xFFFFFED0]  }
0x326: {  	v9 =	vld [tilespmem:s23+$0x50]  }
0x327: {  	v5 =	vmul.f32 v6, v5;
	v10 =	vld [tilespmem:s22+$0x50]  }
0x328: {  	v18 =	vld [tilespmem:s19+$0x50]  }
0x329: {  	[tilespmem:v16+s16+$0x0] =	vst.idx.add.f32.msk $0xffff, v5  }
0x32a: {  	[tilespmem:v14+s16+$0x0] =	vst.idx.add.f32.msk $0xffff, v1  }
0x32b: {  	v6 =	vld [tilespmem:s22+$0xFFFFFF60]  }
0x32c: {  	v5 =	vmul.f32 v12, v11;
	v16 =	vld [tilespmem:s19+$0xFFFFFF60]  }
0x32d: {  	v14 =	vld [tilespmem:s19+$0xFFFFFE50]  }
0x32e: {  	v1 =	vmul.f32 v8, v7;
	[tilespmem:v19+s16+$0x0] =	vst.idx.add.f32.msk $0xffff, v5  }
0x32f: {  	v5 =	vld [tilespmem:s23+$0xFFFFFF60]  }
0x330: {  	[tilespmem:v17+s16+$0x0] =	vst.idx.add.f32.msk $0xffff, v1  }
0x331: {  	v1 =	vmul.f32 v4, v13;
	v4 =	vld [tilespmem:s22+$0xFFFFFED0]  }
0x332: {  	v11 =	vld [tilespmem:s23+$0xE0]  }
0x333: {  	v12 =	vld [tilespmem:s22+$0xE0]  }
0x334: {  	v19 =	vld [tilespmem:s19+$0xE0]  }
0x335: {  	v7 =	vld [tilespmem:s23+$0xFFFFFFD0]  }
0x336: {  	v8 =	vld [tilespmem:s22+$0xFFFFFFD0]  }
0x337: {  	v17 =	vld [tilespmem:s19+$0xFFFFFFD0]  }
0x338: {  	[tilespmem:v2+s16+$0x0] =	vst.idx.add.f32.msk $0xffff, v1  }
0x339: {  	v1 =	vld [tilespmem:s23+$0xFFFFFE50]  }
0x33a: {  	v2 =	vld [tilespmem:s22+$0xFFFFFE50]  }
0x33b: {  	v5 =	vmul.f32 v6, v5;
	v13 =	vld [tilespmem:s23+$0x150]  }
0x33c: {  	v3 =	vmul.f32 v4, v3;
	v4 =	vld [tilespmem:s22+$0x150]  }
0x33d: {  	[tilespmem:v16+s16+$0x0] =	vst.idx.add.f32.msk $0xffff, v5  }
0x33e: {  	v5 =	vmul.f32 v12, v11;
	[tilespmem:v15+s16+$0x0] =	vst.idx.add.f32.msk $0xffff, v3  }
0x33f: {  	v15 =	vld [tilespmem:s19+$0xFFFFFEE0]  }
0x340: {  	[tilespmem:v19+s16+$0x0] =	vst.idx.add.f32.msk $0xffff, v5  }
0x341: {  	v3 =	vmul.f32 v10, v9;
	v5 =	vld [tilespmem:s23+$0xFFFFFF70]  }
0x342: {  	v1 =	vmul.f32 v2, v1;
	v2 =	vld [tilespmem:s19+$0x150]  }
0x343: {  	[tilespmem:v18+s16+$0x0] =	vst.idx.add.f32.msk $0xffff, v3  }
0x344: {  	v3 =	vld [tilespmem:s23+$0xFFFFFEE0]  }
0x345: {  	v61 =	vld [tilespmem:s23+$0xF0]  }
0x346: {  	v62 =	vld [tilespmem:s22+$0xF0]  }
0x347: {  	v9 =	vld [tilespmem:s23+$0x60]  }
0x348: {  	v10 =	vld [tilespmem:s22+$0x60]  }
0x349: {  	v18 =	vld [tilespmem:s19+$0x60]  }
0x34a: {  	[tilespmem:v14+s16+$0x0] =	vst.idx.add.f32.msk $0xffff, v1;
	v1 =	vmul.f32 v8, v7  }
0x34b: {  	v14 =	vld [tilespmem:s19+$0xFFFFFE60]  }
0x34c: {  	[tilespmem:v17+s16+$0x0] =	vst.idx.add.f32.msk $0xffff, v1  }
0x34d: {  	v1 =	vmul.f32 v4, v13;
	v4 =	vld [tilespmem:s22+$0xFFFFFEE0]  }
0x34e: {  	v7 =	vld [tilespmem:s23+$0xFFFFFFE0]  }
0x34f: {  	v8 =	vld [tilespmem:s22+$0xFFFFFFE0]  }
0x350: {  	v17 =	vld [tilespmem:s19+$0xFFFFFFE0]  }
0x351: {  	[tilespmem:v2+s16+$0x0] =	vst.idx.add.f32.msk $0xffff, v1  }
0x352: {  	v1 =	vld [tilespmem:s23+$0xFFFFFE60]  }
0x353: {  	v2 =	vld [tilespmem:s22+$0xFFFFFE60]  }
0x354: {  	v13 =	vld [tilespmem:s23+$0x160];
	v3 =	vmul.f32 v4, v3  }
0x355: {  	v4 =	vld [tilespmem:s22+$0x160]  }
0x356: {  	[tilespmem:v15+s16+$0x0] =	vst.idx.add.f32.msk $0xffff, v3  }
0x357: {  	v3 =	vmul.f32 v10, v9;
	v10 =	vld [tilespmem:s19+$0xFFFFFF70]  }
0x358: {  	v12 =	vld [tilespmem:s19+$0xFFFFFEF0]  }
0x359: {  	v1 =	vmul.f32 v2, v1;
	v2 =	vld [tilespmem:s19+$0x160]  }
0x35a: {  	[tilespmem:v18+s16+$0x0] =	vst.idx.add.f32.msk $0xffff, v3  }
0x35b: {  	v3 =	vld [tilespmem:s23+$0xFFFFFEF0]  }
0x35c: {  	v15 =	vld [tilespmem:s23+$0x70]  }
0x35d: {  	v60 =	vld [tilespmem:s22+$0x70]  }
0x35e: {  	[tilespmem:v14+s16+$0x0] =	vst.idx.add.f32.msk $0xffff, v1  }
0x35f: {  	v1 =	vmul.f32 v8, v7;
	v7 =	vld [tilespmem:s22+$0xFFFFFF70]  }
0x360: {  	v20 =	vld [tilespmem:s19+$0xFFFFFE70]  }
0x361: {  	[tilespmem:v17+s16+$0x0] =	vst.idx.add.f32.msk $0xffff, v1  }
0x362: {  	v1 =	vmul.f32 v4, v13;
	v4 =	vld [tilespmem:s22+$0xFFFFFEF0]  }
0x363: {  	v13 =	vld [tilespmem:s23+$0xFFFFFFF0]  }
0x364: {  	v14 =	vld [tilespmem:s22+$0xFFFFFFF0]  }
0x365: {  	[tilespmem:v2+s16+$0x0] =	vst.idx.add.f32.msk $0xffff, v1  }
0x366: {  	v1 =	vld [tilespmem:s23+$0xFFFFFE70]  }
0x367: {  	v2 =	vld [tilespmem:s22+$0xFFFFFE70]  }
0x368: {  	v63 =	vld [tilespmem:s23+$0x170]  }
0x369: {  	v21 =	vld [tilespmem:s22+$0x170]  }
0x36a: {  	v6 =	vld [tilespmem:s19+$0x70]  }
0x36b: {  	v8 =	vld [tilespmem:s19+$0xFFFFFFF0];
	v9 =	vmul.f32 v7, v5  }
0x36c: {  	v7 =	vmul.f32 v14, v13;
	v13 =	vld [tilespmem:s19+$0x170];
	v2 =	vmul.f32 v2, v1  }
0x36d: {  	v5 =	vmul.f32 v60, v15;
	v11 =	vmul.f32 v4, v3;
	v4 =	vld [tilespmem:s19+$0xF0]  }
0x36e: {  	s25 =	simm.s32 $0x6A00;
	s23 =	simm.s32 $0x0;
	v3 =	vmul.f32 v62, v61;
	v1 =	vmul.f32 v21, v63;
	[tilespmem:v20+s16+$0x0] =	vst.idx.add.f32.msk $0xffff, v2  }
.LBB2_9:
0x36f: {  	v14 =	vld [tilespmem:s25+$0x180];
	s19 =	sadd.s32 $0x400, s19  }
0x370: {  	s22 =	sadd.s32 $0x400, s22;
	v15 =	vld [tilespmem:s19+$0x180]  }
0x371: {  	v16 =	vld [tilespmem:s22+$0x180];
	v2 =	vmov v13  }
0x372: {  	v13 =	vld [tilespmem:s25+$0xFFFFFE00]  }
0x373: {  	v17 =	vld [tilespmem:s22+$0xFFFFFE00]  }
0x374: {  	v18 =	vld [tilespmem:s25+$0xFFFFFE80]  }
0x375: {  	v19 =	vld [tilespmem:s22+$0xFFFFFE80]  }
0x376: {  	v20 =	vld [tilespmem:s25+$0xFFFFFF00];
	v14 =	vmul.f32 v16, v14  }
0x377: {  	s23 =	sadd.s32 $0x8, s23;
	v16 =	vld [tilespmem:s22+$0xFFFFFF00]  }
0x378: {  	p0 =	slt.u32 s23, $0x28;
	v13 =	vmul.f32 v17, v13;
	[tilespmem:v15+s16+$0x0] =	vst.idx.add.f32.msk $0xffff, v14  }
0x379: {  	v14 =	vld [tilespmem:s25+$0x190]  }
0x37a: {  	v15 =	vmul.f32 v19, v18;
	v17 =	vld [tilespmem:s19+$0x190]  }
0x37b: {  	v18 =	vld [tilespmem:s22+$0x190]  }
0x37c: {  	v16 =	vmul.f32 v16, v20;
	v19 =	vld [tilespmem:s25+$0xFFFFFF80]  }
0x37d: {  	v20 =	vld [tilespmem:s22+$0xFFFFFF80]  }
0x37e: {  	v21 =	vld [tilespmem:s25+$0x0]  }
0x37f: {  	v22 =	vld [tilespmem:s22+$0x0]  }
0x380: {  	v23 =	vld [tilespmem:s25+$0x80];
	v14 =	vmul.f32 v18, v14  }
0x381: {  	v18 =	vld [tilespmem:s22+$0x80]  }
0x382: {  	v19 =	vmul.f32 v20, v19;
	[tilespmem:v17+s16+$0x0] =	vst.idx.add.f32.msk $0xffff, v14  }
0x383: {  	v14 =	vld [tilespmem:s25+$0x1A0]  }
0x384: {  	v17 =	vmul.f32 v22, v21;
	v20 =	vld [tilespmem:s19+$0x1A0]  }
0x385: {  	v21 =	vld [tilespmem:s22+$0x1A0]  }
0x386: {  	v18 =	vmul.f32 v18, v23;
	v22 =	vld [tilespmem:s25+$0x100]  }
0x387: {  	v23 =	vld [tilespmem:s22+$0x100]  }
0x388: {  	v24 =	vld [tilespmem:s19+$0xFFFFFE80]  }
0x389: {  	v25 =	vld [tilespmem:s19+$0xFFFFFF00]  }
0x38a: {  	v26 =	vld [tilespmem:s19+$0xFFFFFF80];
	v14 =	vmul.f32 v21, v14  }
0x38b: {  	v21 =	vld [tilespmem:s19+$0x0]  }
0x38c: {  	v22 =	vmul.f32 v23, v22;
	[tilespmem:v20+s16+$0x0] =	vst.idx.add.f32.msk $0xffff, v14  }
0x38d: {  	v14 =	vld [tilespmem:s25+$0x1B0]  }
0x38e: {  	v20 =	vld [tilespmem:s19+$0x1B0]  }
0x38f: {  	v23 =	vld [tilespmem:s22+$0x1B0]  }
0x390: {  	v27 =	vld [tilespmem:s19+$0x80]  }
0x391: {  	v28 =	vld [tilespmem:s19+$0x100]  }
0x392: {  	v29 =	vld [tilespmem:s19+$0xFFFFFE00]  }
0x393: {  	[tilespmem:v24+s16+$0x0] =	vst.idx.add.f32.msk $0xffff, v15  }
0x394: {  	[tilespmem:v25+s16+$0x0] =	vst.idx.add.f32.msk $0xffff, v16;
	v14 =	vmul.f32 v23, v14  }
0x395: {  	[tilespmem:v26+s16+$0x0] =	vst.idx.add.f32.msk $0xffff, v19  }
0x396: {  	[tilespmem:v20+s16+$0x0] =	vst.idx.add.f32.msk $0xffff, v14  }
0x397: {  	v14 =	vld [tilespmem:s25+$0x1C0]  }
0x398: {  	v15 =	vld [tilespmem:s19+$0x1C0]  }
0x399: {  	v16 =	vld [tilespmem:s22+$0x1C0]  }
0x39a: {  	[tilespmem:v29+s16+$0x0] =	vst.idx.add.f32.msk $0xffff, v13  }
0x39b: {  	[tilespmem:v21+s16+$0x0] =	vst.idx.add.f32.msk $0xffff, v17  }
0x39c: {  	[tilespmem:v27+s16+$0x0] =	vst.idx.add.f32.msk $0xffff, v18  }
0x39d: {  	[tilespmem:v28+s16+$0x0] =	vst.idx.add.f32.msk $0xffff, v22  }
0x39e: {  	v13 =	vld [tilespmem:s25+$0xFFFFFE10];
	v14 =	vmul.f32 v16, v14  }
0x39f: {  	v16 =	vld [tilespmem:s22+$0xFFFFFE10]  }
0x3a0: {  	[tilespmem:v15+s16+$0x0] =	vst.idx.add.f32.msk $0xffff, v14  }
0x3a1: {  	v14 =	vld [tilespmem:s25+$0x1D0]  }
0x3a2: {  	v15 =	vld [tilespmem:s19+$0x1D0]  }
0x3a3: {  	v17 =	vld [tilespmem:s22+$0x1D0]  }
0x3a4: {  	v13 =	vmul.f32 v16, v13;
	v16 =	vld [tilespmem:s25+$0xFFFFFE90]  }
0x3a5: {  	v18 =	vld [tilespmem:s22+$0xFFFFFE90]  }
0x3a6: {  	v19 =	vld [tilespmem:s25+$0xFFFFFF10]  }
0x3a7: {  	v20 =	vld [tilespmem:s22+$0xFFFFFF10]  }
0x3a8: {  	v21 =	vld [tilespmem:s25+$0xFFFFFF90];
	v14 =	vmul.f32 v17, v14  }
0x3a9: {  	v17 =	vld [tilespmem:s22+$0xFFFFFF90]  }
0x3aa: {  	v16 =	vmul.f32 v18, v16;
	[tilespmem:v15+s16+$0x0] =	vst.idx.add.f32.msk $0xffff, v14  }
0x3ab: {  	v14 =	vld [tilespmem:s25+$0x1E0]  }
0x3ac: {  	v15 =	vmul.f32 v20, v19;
	v18 =	vld [tilespmem:s19+$0x1E0]  }
0x3ad: {  	v19 =	vld [tilespmem:s22+$0x1E0]  }
0x3ae: {  	v17 =	vmul.f32 v17, v21;
	v20 =	vld [tilespmem:s25+$0x10]  }
0x3af: {  	v21 =	vld [tilespmem:s22+$0x10]  }
0x3b0: {  	v22 =	vld [tilespmem:s25+$0x90]  }
0x3b1: {  	v23 =	vld [tilespmem:s22+$0x90]  }
0x3b2: {  	v24 =	vld [tilespmem:s25+$0x110];
	v14 =	vmul.f32 v19, v14  }
0x3b3: {  	v19 =	vld [tilespmem:s22+$0x110]  }
0x3b4: {  	v20 =	vmul.f32 v21, v20;
	[tilespmem:v18+s16+$0x0] =	vst.idx.add.f32.msk $0xffff, v14  }
0x3b5: {  	v14 =	vld [tilespmem:s25+$0x1F0]  }
0x3b6: {  	v18 =	vmul.f32 v23, v22;
	v21 =	vld [tilespmem:s19+$0x1F0]  }
0x3b7: {  	v22 =	vld [tilespmem:s22+$0x1F0]  }
0x3b8: {  	v23 =	vld [tilespmem:s19+$0xFFFFFE10];
	v19 =	vmul.f32 v19, v24  }
0x3b9: {  	v24 =	vld [tilespmem:s19+$0xFFFFFE90]  }
0x3ba: {  	v25 =	vld [tilespmem:s19+$0xFFFFFF10]  }
0x3bb: {  	v26 =	vld [tilespmem:s19+$0xFFFFFF90]  }
0x3bc: {  	v27 =	vld [tilespmem:s19+$0x10];
	v14 =	vmul.f32 v22, v14  }
0x3bd: {  	v22 =	vld [tilespmem:s19+$0x90]  }
0x3be: {  	s26 =	simm.s32 $0x0;
	[tilespmem:v21+s16+$0x0] =	vst.idx.add.f32.msk $0xffff, v14  }
0x3bf: {  	v14 =	vld [tilespmem:s19+$0x110]  }
0x3c0: {  	[tilespmem:v23+s16+$0x0] =	vst.idx.add.f32.msk $0xffff, v13  }
0x3c1: {  	[tilespmem:v24+s16+$0x0] =	vst.idx.add.f32.msk $0xffff, v16  }
0x3c2: {  	[tilespmem:v25+s16+$0x0] =	vst.idx.add.f32.msk $0xffff, v15  }
0x3c3: {  	[tilespmem:v26+s16+$0x0] =	vst.idx.add.f32.msk $0xffff, v17  }
0x3c4: {  	[tilespmem:v27+s16+$0x0] =	vst.idx.add.f32.msk $0xffff, v20  }
0x3c5: {  	[tilespmem:v22+s16+$0x0] =	vst.idx.add.f32.msk $0xffff, v18  }
0x3c6: {  	v13 =	vld [tilespmem:s25+$0xFFFFFE20]  }
0x3c7: {  	[tilespmem:v14+s16+$0x0] =	vst.idx.add.f32.msk $0xffff, v19  }
0x3c8: {  	v14 =	vld [tilespmem:s22+$0xFFFFFE20]  }
0x3c9: {  	v15 =	vld [tilespmem:s25+$0xFFFFFEA0]  }
0x3ca: {  	v16 =	vld [tilespmem:s22+$0xFFFFFEA0]  }
0x3cb: {  	v17 =	vld [tilespmem:s25+$0xFFFFFF20]  }
0x3cc: {  	v18 =	vld [tilespmem:s22+$0xFFFFFF20]  }
0x3cd: {  	v13 =	vmul.f32 v14, v13;
	v14 =	vld [tilespmem:s25+$0xFFFFFFA0]  }
0x3ce: {  	v19 =	vld [tilespmem:s22+$0xFFFFFFA0]  }
0x3cf: {  	v15 =	vmul.f32 v16, v15;
	v16 =	vld [tilespmem:s25+$0x20]  }
0x3d0: {  	v20 =	vld [tilespmem:s22+$0x20]  }
0x3d1: {  	v17 =	vmul.f32 v18, v17;
	v18 =	vld [tilespmem:s25+$0xA0]  }
0x3d2: {  	v21 =	vld [tilespmem:s22+$0xA0]  }
0x3d3: {  	v14 =	vmul.f32 v19, v14;
	v19 =	vld [tilespmem:s25+$0x120]  }
0x3d4: {  	v22 =	vld [tilespmem:s22+$0x120]  }
0x3d5: {  	v23 =	vld [tilespmem:s19+$0xFFFFFE20];
	v16 =	vmul.f32 v20, v16  }
0x3d6: {  	v20 =	vld [tilespmem:s19+$0xFFFFFEA0]  }
0x3d7: {  	v24 =	vld [tilespmem:s19+$0xFFFFFF20];
	v18 =	vmul.f32 v21, v18  }
0x3d8: {  	v21 =	vld [tilespmem:s19+$0xFFFFFFA0]  }
0x3d9: {  	v25 =	vld [tilespmem:s19+$0x20];
	v19 =	vmul.f32 v22, v19  }
0x3da: {  	v22 =	vld [tilespmem:s19+$0xA0]  }
0x3db: {  	v26 =	vld [tilespmem:s19+$0x120]  }
0x3dc: {  	[tilespmem:v12+s16+$0x0] =	vst.idx.add.f32.msk $0xffff, v11  }
0x3dd: {  	[tilespmem:v23+s16+$0x0] =	vst.idx.add.f32.msk $0xffff, v13  }
0x3de: {  	[tilespmem:v20+s16+$0x0] =	vst.idx.add.f32.msk $0xffff, v15  }
0x3df: {  	[tilespmem:v24+s16+$0x0] =	vst.idx.add.f32.msk $0xffff, v17  }
0x3e0: {  	[tilespmem:v21+s16+$0x0] =	vst.idx.add.f32.msk $0xffff, v14  }
0x3e1: {  	[tilespmem:v25+s16+$0x0] =	vst.idx.add.f32.msk $0xffff, v16  }
0x3e2: {  	[tilespmem:v22+s16+$0x0] =	vst.idx.add.f32.msk $0xffff, v18  }
0x3e3: {  	[tilespmem:v26+s16+$0x0] =	vst.idx.add.f32.msk $0xffff, v19  }
0x3e4: {  	v11 =	vld [tilespmem:s25+$0xFFFFFE30]  }
0x3e5: {  	v12 =	vld [tilespmem:s22+$0xFFFFFE30]  }
0x3e6: {  	v13 =	vld [tilespmem:s25+$0xFFFFFEB0]  }
0x3e7: {  	v14 =	vld [tilespmem:s22+$0xFFFFFEB0]  }
0x3e8: {  	v15 =	vld [tilespmem:s25+$0xFFFFFF30]  }
0x3e9: {  	v16 =	vld [tilespmem:s22+$0xFFFFFF30]  }
0x3ea: {  	v11 =	vmul.f32 v12, v11;
	v12 =	vld [tilespmem:s25+$0xFFFFFFB0]  }
0x3eb: {  	v17 =	vld [tilespmem:s22+$0xFFFFFFB0]  }
0x3ec: {  	v13 =	vmul.f32 v14, v13;
	v14 =	vld [tilespmem:s25+$0x30]  }
0x3ed: {  	v18 =	vld [tilespmem:s22+$0x30]  }
0x3ee: {  	v15 =	vmul.f32 v16, v15;
	v16 =	vld [tilespmem:s25+$0xB0]  }
0x3ef: {  	v19 =	vld [tilespmem:s22+$0xB0]  }
0x3f0: {  	v12 =	vmul.f32 v17, v12;
	v17 =	vld [tilespmem:s25+$0x130]  }
0x3f1: {  	v20 =	vld [tilespmem:s22+$0x130]  }
0x3f2: {  	v21 =	vld [tilespmem:s19+$0xFFFFFE30];
	v14 =	vmul.f32 v18, v14  }
0x3f3: {  	v18 =	vld [tilespmem:s19+$0xFFFFFEB0]  }
0x3f4: {  	v22 =	vld [tilespmem:s19+$0xFFFFFF30];
	v16 =	vmul.f32 v19, v16  }
0x3f5: {  	v19 =	vld [tilespmem:s19+$0xFFFFFFB0]  }
0x3f6: {  	v23 =	vld [tilespmem:s19+$0x30];
	v17 =	vmul.f32 v20, v17  }
0x3f7: {  	v20 =	vld [tilespmem:s19+$0xB0]  }
0x3f8: {  	v24 =	vld [tilespmem:s19+$0x130]  }
0x3f9: {  	[tilespmem:v10+s16+$0x0] =	vst.idx.add.f32.msk $0xffff, v9  }
0x3fa: {  	[tilespmem:v21+s16+$0x0] =	vst.idx.add.f32.msk $0xffff, v11  }
0x3fb: {  	[tilespmem:v18+s16+$0x0] =	vst.idx.add.f32.msk $0xffff, v13  }
0x3fc: {  	[tilespmem:v22+s16+$0x0] =	vst.idx.add.f32.msk $0xffff, v15  }
0x3fd: {  	[tilespmem:v19+s16+$0x0] =	vst.idx.add.f32.msk $0xffff, v12  }
0x3fe: {  	[tilespmem:v23+s16+$0x0] =	vst.idx.add.f32.msk $0xffff, v14  }
0x3ff: {  	[tilespmem:v20+s16+$0x0] =	vst.idx.add.f32.msk $0xffff, v16  }
0x400: {  	[tilespmem:v24+s16+$0x0] =	vst.idx.add.f32.msk $0xffff, v17  }
0x401: {  	v9 =	vld [tilespmem:s25+$0xFFFFFE40]  }
0x402: {  	v10 =	vld [tilespmem:s22+$0xFFFFFE40]  }
0x403: {  	v11 =	vld [tilespmem:s25+$0xFFFFFEC0]  }
0x404: {  	v12 =	vld [tilespmem:s22+$0xFFFFFEC0]  }
0x405: {  	v13 =	vld [tilespmem:s25+$0xFFFFFF40]  }
0x406: {  	v14 =	vld [tilespmem:s22+$0xFFFFFF40]  }
0x407: {  	v9 =	vmul.f32 v10, v9;
	v10 =	vld [tilespmem:s25+$0xFFFFFFC0]  }
0x408: {  	v15 =	vld [tilespmem:s22+$0xFFFFFFC0]  }
0x409: {  	v11 =	vmul.f32 v12, v11;
	v12 =	vld [tilespmem:s25+$0x40]  }
0x40a: {  	v16 =	vld [tilespmem:s22+$0x40]  }
0x40b: {  	v13 =	vmul.f32 v14, v13;
	v14 =	vld [tilespmem:s25+$0xC0]  }
0x40c: {  	v17 =	vld [tilespmem:s22+$0xC0]  }
0x40d: {  	v10 =	vmul.f32 v15, v10;
	v15 =	vld [tilespmem:s25+$0x140]  }
0x40e: {  	v18 =	vld [tilespmem:s22+$0x140]  }
0x40f: {  	v19 =	vld [tilespmem:s19+$0xFFFFFE40];
	v12 =	vmul.f32 v16, v12  }
0x410: {  	v16 =	vld [tilespmem:s19+$0xFFFFFEC0]  }
0x411: {  	v20 =	vld [tilespmem:s19+$0xFFFFFF40];
	v14 =	vmul.f32 v17, v14  }
0x412: {  	v17 =	vld [tilespmem:s19+$0xFFFFFFC0]  }
0x413: {  	v21 =	vld [tilespmem:s19+$0x40];
	v15 =	vmul.f32 v18, v15  }
0x414: {  	v18 =	vld [tilespmem:s19+$0xC0]  }
0x415: {  	v22 =	vld [tilespmem:s19+$0x140]  }
0x416: {  	[tilespmem:v8+s16+$0x0] =	vst.idx.add.f32.msk $0xffff, v7  }
0x417: {  	[tilespmem:v19+s16+$0x0] =	vst.idx.add.f32.msk $0xffff, v9  }
0x418: {  	[tilespmem:v16+s16+$0x0] =	vst.idx.add.f32.msk $0xffff, v11  }
0x419: {  	[tilespmem:v20+s16+$0x0] =	vst.idx.add.f32.msk $0xffff, v13  }
0x41a: {  	[tilespmem:v17+s16+$0x0] =	vst.idx.add.f32.msk $0xffff, v10  }
0x41b: {  	[tilespmem:v21+s16+$0x0] =	vst.idx.add.f32.msk $0xffff, v12  }
0x41c: {  	[tilespmem:v18+s16+$0x0] =	vst.idx.add.f32.msk $0xffff, v14  }
0x41d: {  	[tilespmem:v22+s16+$0x0] =	vst.idx.add.f32.msk $0xffff, v15  }
0x41e: {  	v7 =	vld [tilespmem:s25+$0xFFFFFE50]  }
0x41f: {  	v8 =	vld [tilespmem:s22+$0xFFFFFE50]  }
0x420: {  	v9 =	vld [tilespmem:s25+$0xFFFFFED0]  }
0x421: {  	v10 =	vld [tilespmem:s22+$0xFFFFFED0]  }
0x422: {  	v11 =	vld [tilespmem:s25+$0xFFFFFF50]  }
0x423: {  	v12 =	vld [tilespmem:s22+$0xFFFFFF50]  }
0x424: {  	v7 =	vmul.f32 v8, v7;
	v8 =	vld [tilespmem:s25+$0xFFFFFFD0]  }
0x425: {  	v13 =	vld [tilespmem:s22+$0xFFFFFFD0]  }
0x426: {  	v9 =	vmul.f32 v10, v9;
	v10 =	vld [tilespmem:s25+$0x50]  }
0x427: {  	v14 =	vld [tilespmem:s22+$0x50]  }
0x428: {  	v11 =	vmul.f32 v12, v11;
	v12 =	vld [tilespmem:s25+$0xD0]  }
0x429: {  	v15 =	vld [tilespmem:s22+$0xD0]  }
0x42a: {  	v8 =	vmul.f32 v13, v8;
	v13 =	vld [tilespmem:s25+$0x150]  }
0x42b: {  	v16 =	vld [tilespmem:s22+$0x150]  }
0x42c: {  	v17 =	vld [tilespmem:s19+$0xFFFFFE50];
	v10 =	vmul.f32 v14, v10  }
0x42d: {  	v14 =	vld [tilespmem:s19+$0xFFFFFED0]  }
0x42e: {  	v18 =	vld [tilespmem:s19+$0xFFFFFF50];
	v12 =	vmul.f32 v15, v12  }
0x42f: {  	v15 =	vld [tilespmem:s19+$0xFFFFFFD0]  }
0x430: {  	v19 =	vld [tilespmem:s19+$0x50];
	v13 =	vmul.f32 v16, v13  }
0x431: {  	v16 =	vld [tilespmem:s19+$0xD0]  }
0x432: {  	v20 =	vld [tilespmem:s19+$0x150]  }
0x433: {  	[tilespmem:v6+s16+$0x0] =	vst.idx.add.f32.msk $0xffff, v5  }
0x434: {  	[tilespmem:v17+s16+$0x0] =	vst.idx.add.f32.msk $0xffff, v7  }
0x435: {  	[tilespmem:v14+s16+$0x0] =	vst.idx.add.f32.msk $0xffff, v9  }
0x436: {  	[tilespmem:v18+s16+$0x0] =	vst.idx.add.f32.msk $0xffff, v11  }
0x437: {  	[tilespmem:v15+s16+$0x0] =	vst.idx.add.f32.msk $0xffff, v8  }
0x438: {  	[tilespmem:v19+s16+$0x0] =	vst.idx.add.f32.msk $0xffff, v10  }
0x439: {  	[tilespmem:v16+s16+$0x0] =	vst.idx.add.f32.msk $0xffff, v12  }
0x43a: {  	[tilespmem:v20+s16+$0x0] =	vst.idx.add.f32.msk $0xffff, v13  }
0x43b: {  	v5 =	vld [tilespmem:s25+$0xFFFFFE60]  }
0x43c: {  	v6 =	vld [tilespmem:s22+$0xFFFFFE60]  }
0x43d: {  	v7 =	vld [tilespmem:s25+$0xFFFFFEE0]  }
0x43e: {  	v8 =	vld [tilespmem:s22+$0xFFFFFEE0]  }
0x43f: {  	v9 =	vld [tilespmem:s25+$0xFFFFFF60]  }
0x440: {  	v10 =	vld [tilespmem:s22+$0xFFFFFF60]  }
0x441: {  	v5 =	vmul.f32 v6, v5;
	v6 =	vld [tilespmem:s25+$0xFFFFFFE0]  }
0x442: {  	v11 =	vld [tilespmem:s22+$0xFFFFFFE0]  }
0x443: {  	v7 =	vmul.f32 v8, v7;
	v8 =	vld [tilespmem:s25+$0x60]  }
0x444: {  	v12 =	vld [tilespmem:s22+$0x60]  }
0x445: {  	v9 =	vmul.f32 v10, v9;
	v10 =	vld [tilespmem:s25+$0xE0]  }
0x446: {  	v13 =	vld [tilespmem:s22+$0xE0]  }
0x447: {  	v6 =	vmul.f32 v11, v6;
	v11 =	vld [tilespmem:s25+$0x160]  }
0x448: {  	v14 =	vld [tilespmem:s22+$0x160]  }
0x449: {  	v15 =	vld [tilespmem:s19+$0xFFFFFE60];
	v8 =	vmul.f32 v12, v8  }
0x44a: {  	v12 =	vld [tilespmem:s19+$0xFFFFFEE0]  }
0x44b: {  	v16 =	vld [tilespmem:s19+$0xFFFFFF60];
	v10 =	vmul.f32 v13, v10  }
0x44c: {  	v13 =	vld [tilespmem:s19+$0xFFFFFFE0]  }
0x44d: {  	v17 =	vld [tilespmem:s19+$0x60];
	v11 =	vmul.f32 v14, v11  }
0x44e: {  	v14 =	vld [tilespmem:s19+$0xE0]  }
0x44f: {  	v18 =	vld [tilespmem:s19+$0x160]  }
0x450: {  	[tilespmem:v4+s16+$0x0] =	vst.idx.add.f32.msk $0xffff, v3  }
0x451: {  	[tilespmem:v15+s16+$0x0] =	vst.idx.add.f32.msk $0xffff, v5  }
0x452: {  	[tilespmem:v12+s16+$0x0] =	vst.idx.add.f32.msk $0xffff, v7  }
0x453: {  	[tilespmem:v16+s16+$0x0] =	vst.idx.add.f32.msk $0xffff, v9  }
0x454: {  	[tilespmem:v13+s16+$0x0] =	vst.idx.add.f32.msk $0xffff, v6  }
0x455: {  	[tilespmem:v17+s16+$0x0] =	vst.idx.add.f32.msk $0xffff, v8  }
0x456: {  	[tilespmem:v14+s16+$0x0] =	vst.idx.add.f32.msk $0xffff, v10  }
0x457: {  	[tilespmem:v18+s16+$0x0] =	vst.idx.add.f32.msk $0xffff, v11  }
0x458: {  	v3 =	vld [tilespmem:s25+$0xFFFFFE70]  }
0x459: {  	v4 =	vld [tilespmem:s22+$0xFFFFFE70]  }
0x45a: {  	v5 =	vld [tilespmem:s25+$0xFFFFFEF0]  }
0x45b: {  	v6 =	vld [tilespmem:s22+$0xFFFFFEF0]  }
0x45c: {  	v7 =	vld [tilespmem:s25+$0xFFFFFF70]  }
0x45d: {  	v8 =	vld [tilespmem:s22+$0xFFFFFF70]  }
0x45e: {  	v14 =	vmul.f32 v4, v3;
	v3 =	vld [tilespmem:s25+$0xFFFFFFF0]  }
0x45f: {  	v4 =	vld [tilespmem:s22+$0xFFFFFFF0]  }
0x460: {  	v11 =	vmul.f32 v6, v5;
	v5 =	vld [tilespmem:s25+$0x70]  }
0x461: {  	v6 =	vld [tilespmem:s22+$0x70]  }
0x462: {  	v9 =	vmul.f32 v8, v7;
	v8 =	vld [tilespmem:s25+$0xF0]  }
0x463: {  	v13 =	vld [tilespmem:s22+$0xF0]  }
0x464: {  	v7 =	vmul.f32 v4, v3;
	v4 =	vld [tilespmem:s25+$0x170]  }
0x465: {  	v15 =	vld [tilespmem:s22+$0x170]  }
0x466: {  	v16 =	vld [tilespmem:s19+$0xFFFFFE70];
	v5 =	vmul.f32 v6, v5  }
0x467: {  	v12 =	vld [tilespmem:s19+$0xFFFFFEF0]  }
0x468: {  	v10 =	vld [tilespmem:s19+$0xFFFFFF70];
	v3 =	vmul.f32 v13, v8  }
0x469: {  	v8 =	vld [tilespmem:s19+$0xFFFFFFF0]  }
.Ltmp3:
0x46a: {  	v6 =	vld [tilespmem:s19+$0x70];
	v15 =	vmul.f32 v15, v4;
	(pc) =	sbr.rel @p0 .LBB2_9-.Ltmp3, $4  }
0x46b: {  	v4 =	vld [tilespmem:s19+$0xF0]  }
0x46c: {  	v13 =	vld [tilespmem:s19+$0x170]  }
0x46d: {  	[tilespmem:v2+s16+$0x0] =	vst.idx.add.f32.msk $0xffff, v1;
	v1 =	vmov v15  }
0x46e: {  	s25 =	sadd.s32 $0x400, s25;
	[tilespmem:v16+s16+$0x0] =	vst.idx.add.f32.msk $0xffff, v14  }
0x46f: {  	_ =	sdelay $0x3  }
0x470: {  	[tilespmem:v12+s16+$0x0] =	vst.idx.add.f32.msk $0xffff, v11  }
0x471: {  	[tilespmem:v10+s16+$0x0] =	vst.idx.add.f32.msk $0xffff, v9  }
0x472: {  	[tilespmem:v8+s16+$0x0] =	vst.idx.add.f32.msk $0xffff, v7  }
0x473: {  	[tilespmem:v6+s16+$0x0] =	vst.idx.add.f32.msk $0xffff, v5  }
0x474: {  	[tilespmem:v4+s16+$0x0] =	vst.idx.add.f32.msk $0xffff, v3  }
0x475: {  	[tilespmem:v13+s16+$0x0] =	vst.idx.add.f32.msk $0xffff, v1  }
.LBB2_11:
0x476: {  	s19 =	sshra.s32 s26, $0x2  }
0x477: {  	v1 =	vld [tilespmem:s19+$0x4A00]  }
0x478: {  	v2 =	vld [tilespmem:s19+$0x7C00]  }
0x479: {  	v3 =	vld [tilespmem:s19+$0x6300];
	_ =	sdelay $0x4  }
0x47a: {  	v2 =	vmul.f32 v3, v2;
	_ =	sdelay $0x1  }
0x47b: {  	[tilespmem:v1+s16+$0x0] =	vst.idx.add.f32.msk $0xffff, v2  }
0x47c: {  	v1 =	vld [tilespmem:s19+$0x4A10]  }
0x47d: {  	v2 =	vld [tilespmem:s19+$0x7C10]  }
0x47e: {  	v3 =	vld [tilespmem:s19+$0x6310];
	_ =	sdelay $0x4  }
0x47f: {  	v2 =	vmul.f32 v3, v2;
	_ =	sdelay $0x1  }
0x480: {  	[tilespmem:v1+s16+$0x0] =	vst.idx.add.f32.msk $0xffff, v2  }
0x481: {  	v1 =	vld [tilespmem:s19+$0x4A20]  }
0x482: {  	v2 =	vld [tilespmem:s19+$0x7C20]  }
0x483: {  	v3 =	vld [tilespmem:s19+$0x6320];
	_ =	sdelay $0x4  }
0x484: {  	v2 =	vmul.f32 v3, v2;
	_ =	sdelay $0x1  }
0x485: {  	[tilespmem:v1+s16+$0x0] =	vst.idx.add.f32.msk $0xffff, v2  }
0x486: {  	v1 =	vld [tilespmem:s19+$0x4A30]  }
0x487: {  	v2 =	vld [tilespmem:s19+$0x7C30]  }
0x488: {  	v3 =	vld [tilespmem:s19+$0x6330];
	_ =	sdelay $0x4  }
0x489: {  	v2 =	vmul.f32 v3, v2;
	_ =	sdelay $0x1  }
0x48a: {  	[tilespmem:v1+s16+$0x0] =	vst.idx.add.f32.msk $0xffff, v2  }
0x48b: {  	v1 =	vld [tilespmem:s19+$0x4A40]  }
0x48c: {  	v2 =	vld [tilespmem:s19+$0x7C40]  }
0x48d: {  	v3 =	vld [tilespmem:s19+$0x6340];
	_ =	sdelay $0x4  }
0x48e: {  	v2 =	vmul.f32 v3, v2;
	_ =	sdelay $0x1  }
0x48f: {  	[tilespmem:v1+s16+$0x0] =	vst.idx.add.f32.msk $0xffff, v2  }
0x490: {  	v1 =	vld [tilespmem:s19+$0x4A50]  }
0x491: {  	v2 =	vld [tilespmem:s19+$0x7C50]  }
0x492: {  	v3 =	vld [tilespmem:s19+$0x6350];
	_ =	sdelay $0x4  }
0x493: {  	v2 =	vmul.f32 v3, v2;
	_ =	sdelay $0x1  }
0x494: {  	[tilespmem:v1+s16+$0x0] =	vst.idx.add.f32.msk $0xffff, v2  }
0x495: {  	v1 =	vld [tilespmem:s19+$0x4A60]  }
0x496: {  	v2 =	vld [tilespmem:s19+$0x7C60]  }
0x497: {  	v3 =	vld [tilespmem:s19+$0x6360];
	_ =	sdelay $0x4  }
0x498: {  	v2 =	vmul.f32 v3, v2;
	_ =	sdelay $0x1  }
0x499: {  	[tilespmem:v1+s16+$0x0] =	vst.idx.add.f32.msk $0xffff, v2  }
0x49a: {  	v1 =	vld [tilespmem:s19+$0x4A70]  }
0x49b: {  	v2 =	vld [tilespmem:s19+$0x7C70]  }
0x49c: {  	v3 =	vld [tilespmem:s19+$0x6370];
	_ =	sdelay $0x1  }
0x49d: {  	p0 =	sne.s32 s26, $0x200  }
.Ltmp4:
0x49e: {  	_ = 	snop;
	(pc) =	sbr.rel @p0 .LBB2_11-.Ltmp4, $3  }
0x49f: {  	_ = 	snop  }
0x4a0: {  	v2 =	vmul.f32 v3, v2;
	_ =	sdelay $0x1  }
0x4a1: {  	s26 =	sadd.s32 $0x200, s26;
	[tilespmem:v1+s16+$0x0] =	vst.idx.add.f32.msk $0xffff, v2  }
0x4a2: {  	s18 =	sadd.s32 $0x1, s18  }
0x4a3: {  	p0 =	sne.s32 s18, $0x19  }
.Ltmp5:
0x4a4: {  	_ = 	snop;
	(pc) =	sbr.rel @p0 .LBB2_8-.Ltmp5, $1  }
0x4a5: {  	_ =	sdelay $0x3  }
0x4a6: {  	s18 =	rddreg [dreg:$0x1a]  }
0x4a7: {  	[hbm4b:s18+s1] =	stream.linear.scatter [tilespmem:s5], [sflag:$0x1], $0x3E8, $0x38;
	[tilespmem:$0x11940] =	vst v63  }
0x4a8: {  	_ =	swait.ge [sflag:s3], $0x3E8  }
0x4a9: {  	[sflag:s3] =	ssyncset.done $0x0  }
0x4aa: {  	s25 =	rddreg [dreg:$0x10];
	[sflag:s3] =	ssyncadd.s32 $0xFFFFFC18  }
0x4ab: {  	[hbm4b:s25+s1] =	stream.linear.scatter [tilespmem:s16], [sflag:$0x1], $0x3E8, $0x38;
	[tilespmem:$0x11940] =	vst v63  }
0x4ac: {  	_ =	swait.ge [sflag:s3], $0x3E8  }
0x4ad: {  	[sflag:s3] =	ssyncset.done $0x0  }
0x4ae: {  	s19 =	simm.s32 $0x80E8;
	s26 =	rddreg [dreg:$0x7];
	[sflag:s3] =	ssyncadd.s32 $0xFFFFFC18  }
0x4af: {  	[hbm4b:s26+s1] =	stream.linear.scatter [tilespmem:s19], [sflag:$0x1], $0x3E8, $0x38;
	[tilespmem:$0x11940] =	vst v63  }
0x4b0: {  	_ =	swait.ge [sflag:s3], $0x3E8  }
0x4b1: {  	[sflag:s3] =	ssyncset.done $0x0  }
0x4b2: {  	s23 =	simm.s32 $0xA7F8;
	s22 =	rddreg [dreg:$0x11];
	[sflag:s3] =	ssyncadd.s32 $0xFFFFFC18  }
0x4b3: {  	[hbm4b:s22+s1] =	stream.linear.scatter [tilespmem:s23], [sflag:$0x1], $0x3E8, $0x38;
	[tilespmem:$0x11940] =	vst v63  }
0x4b4: {  	_ =	swait.ge [sflag:s3], $0x3E8  }
0x4b5: {  	[sflag:s3] =	ssyncset.done $0x0  }
0x4b6: {  	s26 =	simm.s32 $0x84D0;
	s25 =	rddreg [dreg:$0x8];
	[sflag:s3] =	ssyncadd.s32 $0xFFFFFC18  }
0x4b7: {  	[hbm4b:s25+s1] =	stream.linear.scatter [tilespmem:s26], [sflag:$0x1], $0x3E8, $0x38;
	[tilespmem:$0x11940] =	vst v63  }
0x4b8: {  	_ =	swait.ge [sflag:s3], $0x3E8  }
0x4b9: {  	[sflag:s3] =	ssyncset.done $0x0  }
0x4ba: {  	s23 =	simm.s32 $0xABE0;
	s22 =	rddreg [dreg:$0x12];
	[sflag:s3] =	ssyncadd.s32 $0xFFFFFC18  }
0x4bb: {  	[hbm4b:s22+s1] =	stream.linear.scatter [tilespmem:s23], [sflag:$0x1], $0x3E8, $0x38;
	[tilespmem:$0x11940] =	vst v63  }
0x4bc: {  	_ =	swait.ge [sflag:s3], $0x3E8  }
0x4bd: {  	[sflag:s3] =	ssyncset.done $0x0  }
0x4be: {  	s26 =	simm.s32 $0x88B8;
	s25 =	rddreg [dreg:$0x9];
	[sflag:s3] =	ssyncadd.s32 $0xFFFFFC18  }
0x4bf: {  	[hbm4b:s25+s1] =	stream.linear.scatter [tilespmem:s26], [sflag:$0x1], $0x3E8, $0x38;
	[tilespmem:$0x11940] =	vst v63  }
0x4c0: {  	_ =	swait.ge [sflag:s3], $0x3E8  }
0x4c1: {  	[sflag:s3] =	ssyncset.done $0x0  }
0x4c2: {  	s23 =	simm.s32 $0xAFC8;
	s22 =	rddreg [dreg:$0x13];
	[sflag:s3] =	ssyncadd.s32 $0xFFFFFC18  }
0x4c3: {  	[hbm4b:s22+s1] =	stream.linear.scatter [tilespmem:s23], [sflag:$0x1], $0x3E8, $0x38;
	[tilespmem:$0x11940] =	vst v63  }
0x4c4: {  	_ =	swait.ge [sflag:s3], $0x3E8  }
0x4c5: {  	[sflag:s3] =	ssyncset.done $0x0  }
0x4c6: {  	s26 =	simm.s32 $0x8CA0;
	s25 =	rddreg [dreg:$0xa];
	[sflag:s3] =	ssyncadd.s32 $0xFFFFFC18  }
0x4c7: {  	[hbm4b:s25+s1] =	stream.linear.scatter [tilespmem:s26], [sflag:$0x1], $0x3E8, $0x38;
	[tilespmem:$0x11940] =	vst v63  }
0x4c8: {  	_ =	swait.ge [sflag:s3], $0x3E8  }
0x4c9: {  	[sflag:s3] =	ssyncset.done $0x0  }
0x4ca: {  	s23 =	simm.s32 $0xB3B0;
	s22 =	rddreg [dreg:$0x14];
	[sflag:s3] =	ssyncadd.s32 $0xFFFFFC18  }
0x4cb: {  	[hbm4b:s22+s1] =	stream.linear.scatter [tilespmem:s23], [sflag:$0x1], $0x3E8, $0x38;
	[tilespmem:$0x11940] =	vst v63  }
0x4cc: {  	_ =	swait.ge [sflag:s3], $0x3E8  }
0x4cd: {  	[sflag:s3] =	ssyncset.done $0x0  }
0x4ce: {  	s26 =	simm.s32 $0x9088;
	s25 =	rddreg [dreg:$0xb];
	[sflag:s3] =	ssyncadd.s32 $0xFFFFFC18  }
0x4cf: {  	[hbm4b:s25+s1] =	stream.linear.scatter [tilespmem:s26], [sflag:$0x1], $0x3E8, $0x38;
	[tilespmem:$0x11940] =	vst v63  }
0x4d0: {  	_ =	swait.ge [sflag:s3], $0x3E8  }
0x4d1: {  	[sflag:s3] =	ssyncset.done $0x0  }
0x4d2: {  	s23 =	simm.s32 $0xB798;
	s22 =	rddreg [dreg:$0x15];
	[sflag:s3] =	ssyncadd.s32 $0xFFFFFC18  }
0x4d3: {  	[hbm4b:s22+s1] =	stream.linear.scatter [tilespmem:s23], [sflag:$0x1], $0x3E8, $0x38;
	[tilespmem:$0x11940] =	vst v63  }
0x4d4: {  	_ =	swait.ge [sflag:s3], $0x3E8  }
0x4d5: {  	[sflag:s3] =	ssyncset.done $0x0  }
0x4d6: {  	s26 =	simm.s32 $0x9470;
	s25 =	rddreg [dreg:$0xc];
	[sflag:s3] =	ssyncadd.s32 $0xFFFFFC18  }
0x4d7: {  	[hbm4b:s25+s1] =	stream.linear.scatter [tilespmem:s26], [sflag:$0x1], $0x3E8, $0x38;
	[tilespmem:$0x11940] =	vst v63  }
0x4d8: {  	_ =	swait.ge [sflag:s3], $0x3E8  }
0x4d9: {  	[sflag:s3] =	ssyncset.done $0x0  }
0x4da: {  	s23 =	simm.s32 $0xBB80;
	s22 =	rddreg [dreg:$0x16];
	[sflag:s3] =	ssyncadd.s32 $0xFFFFFC18  }
0x4db: {  	[hbm4b:s22+s1] =	stream.linear.scatter [tilespmem:s23], [sflag:$0x1], $0x3E8, $0x38;
	[tilespmem:$0x11940] =	vst v63  }
0x4dc: {  	_ =	swait.ge [sflag:s3], $0x3E8  }
0x4dd: {  	[sflag:s3] =	ssyncset.done $0x0  }
0x4de: {  	s26 =	simm.s32 $0x9858;
	s25 =	rddreg [dreg:$0xd];
	[sflag:s3] =	ssyncadd.s32 $0xFFFFFC18  }
0x4df: {  	[hbm4b:s25+s1] =	stream.linear.scatter [tilespmem:s26], [sflag:$0x1], $0x3E8, $0x38;
	[tilespmem:$0x11940] =	vst v63  }
0x4e0: {  	_ =	swait.ge [sflag:s3], $0x3E8  }
0x4e1: {  	[sflag:s3] =	ssyncset.done $0x0  }
0x4e2: {  	s23 =	simm.s32 $0xBF68;
	s22 =	rddreg [dreg:$0x17];
	[sflag:s3] =	ssyncadd.s32 $0xFFFFFC18  }
0x4e3: {  	[hbm4b:s22+s1] =	stream.linear.scatter [tilespmem:s23], [sflag:$0x1], $0x3E8, $0x38;
	[tilespmem:$0x11940] =	vst v63  }
0x4e4: {  	_ =	swait.ge [sflag:s3], $0x3E8  }
0x4e5: {  	[sflag:s3] =	ssyncset.done $0x0  }
0x4e6: {  	s26 =	simm.s32 $0x9C40;
	s25 =	rddreg [dreg:$0xe];
	[sflag:s3] =	ssyncadd.s32 $0xFFFFFC18  }
0x4e7: {  	[hbm4b:s25+s1] =	stream.linear.scatter [tilespmem:s26], [sflag:$0x1], $0x3E8, $0x38;
	[tilespmem:$0x11940] =	vst v63  }
0x4e8: {  	_ =	swait.ge [sflag:s3], $0x3E8  }
0x4e9: {  	[sflag:s3] =	ssyncset.done $0x0  }
0x4ea: {  	s23 =	simm.s32 $0xC350;
	s22 =	rddreg [dreg:$0x18];
	[sflag:s3] =	ssyncadd.s32 $0xFFFFFC18  }
0x4eb: {  	[hbm4b:s22+s1] =	stream.linear.scatter [tilespmem:s23], [sflag:$0x1], $0x3E8, $0x38;
	[tilespmem:$0x11940] =	vst v63  }
0x4ec: {  	_ =	swait.ge [sflag:s3], $0x3E8  }
0x4ed: {  	[sflag:s3] =	ssyncset.done $0x0  }
0x4ee: {  	s26 =	simm.s32 $0xA028;
	s25 =	rddreg [dreg:$0xf];
	[sflag:s3] =	ssyncadd.s32 $0xFFFFFC18  }
0x4ef: {  	[hbm4b:s25+s1] =	stream.linear.scatter [tilespmem:s26], [sflag:$0x1], $0x3E8, $0x38;
	[tilespmem:$0x11940] =	vst v63  }
0x4f0: {  	_ =	swait.ge [sflag:s3], $0x3E8  }
0x4f1: {  	[sflag:s3] =	ssyncset.done $0x0  }
0x4f2: {  	s23 =	simm.s32 $0xC738;
	s22 =	rddreg [dreg:$0x19];
	[sflag:s3] =	ssyncadd.s32 $0xFFFFFC18  }
0x4f3: {  	[hbm4b:s22+s1] =	stream.linear.scatter [tilespmem:s23], [sflag:$0x1], $0x3E8, $0x38;
	[tilespmem:$0x11940] =	vst v63  }
0x4f4: {  	_ =	swait.ge [sflag:s3], $0x3E8  }
0x4f5: {  	s25 =	rddreg [dreg:$0x1c]  }
0x4f6: {  	s26 =	rddreg [dreg:$0x1b];
	s19 =	sadd.s32 $0x1, s25  }
0x4f7: {  	p0 =	sne.s32 s19, s26  }
.Ltmp6:
0x4f8: {  	_ = 	snop;
	(pc) =	sbr.rel @p0 .LBB2_1-.Ltmp6, $3  }
0x4f9: {  	_ =	sdelay $0x1  }
0x4fa: {  	[sflag:s3] =	ssyncset.done $0x0  }
0x4fb: {  	[sflag:s3] =	ssyncadd.s32 $0xFFFFFC18  }
0x4fc: {  	_ =	sfence.sel $0x180000  }
0x4fd: {  	[bflag:$0x0] =	sbarrier.arrive $0xFFFF  }
0x4fe: {  	_ =	strace $0x90000047  }
0x4ff: {  	s0 =	stileid.u32;
	[bflag:$0x2] =	sbarrier.arrive $0xFFFF  }
0x500: {  	p0 =	sne.s32 s0, $0x0;
	s0 =	rddreg [dreg:$0x6]  }
0x501: {  	s0 =	sadd.s32 @!p0 $0x100000, s0  }
0x502: {  	[sflag:s0] =	ssyncadd.tile.s32 @!p0 $0x1;
	_ =	shalt  }
.Lfunc_end2:
_tile_overlayer_lowered:
.L_overlay_start_2:
0x503: {  	(tag) =	ssettag $0x2  }
0x504: {  	s0 =	rddreg [dreg:$0x0];
	s2 =	stileid.u32  }
0x505: {  	s1 =	rddreg [dreg:$0x1];
	p0 =	sne.s32 s2, $0x0  }
0x506: {  	s3 =	rddreg [dreg:$0x2];
	[bflag:$0x3] =	sbarrier.arrive $0xFFFF;
	s2 =	simm.s32 @!p0 $0x1C01  }
0x507: {  	[timem:s3], [sflag:s2] =	dma.local @!p0 [hbm:s0], s1  }
0x508: {  	s0 =	simm.s32 @!p0 $0x1  }
0x509: {  	_ =	swait.ge @!p0 [sflag:s0], s1  }
0x50a: {  	s1 =	ssub.s32 @!p0 $0x0, s1;
	[sflag:s0] =	ssyncset.done @!p0 $0x0  }
0x50b: {  	[sflag:s0] =	ssyncadd.s32 @!p0 s1  }
0x50c: {  	[bflag:$0x3] =	sbarrier.arrive $0xFFFF  }
0x50d: {  	_ =	shalt  }

</sc_bundles>
